<compile_context>
chip_gen: v7x
topology: tpu7x:2x2x1
jax: 0.10.2.dev20260603
libtpu: 0.0.44.dev20260713+nightly
codegen_flags: <defaults>
</compile_context>

<pallas_src>
import functools

import jax
import jax.numpy as jnp
import numpy as np
from jax import lax
from jax.experimental import pallas as pl
from jax.experimental.pallas import tpu as pltpu
from jax.experimental.pallas import tpu_sc as plsc

C = 256
H = 8
P = 4
L = 4
NQ = 10000
SS = [[64, 64], [32, 32], [16, 16], [8, 8]]
NV = sum(h * w for h, w in SS)
LP = L * P
D = C // H

NW = 32
TQ = NQ // 4
TB = 50
TCHUNK = TQ // TB

_LVL_BASE = [0]
for _h, _w in SS[:-1]:
    _LVL_BASE.append(_LVL_BASE[-1] + _h * _w)

_CPERM = np.zeros((C,), np.int32)
for _hh in range(H):
    for _s in range(16):
        _CPERM[_hh * 32 + _s] = _hh * 32 + 2 * _s
        _CPERM[_hh * 32 + 16 + _s] = _hh * 32 + 2 * _s + 1


def _lane_tables():
    wl = np.zeros((128,), np.float32)
    hh = np.zeros((128,), np.float32)
    bs = np.zeros((128,), np.float32)
    for lane in range(128):
        l = (lane // 4) % 4
        wl[lane] = SS[l][1]
        hh[lane] = SS[l][0]
        bs[lane] = _LVL_BASE[l]
    return jnp.asarray(wl), jnp.asarray(hh), jnp.asarray(bs)



def _vproj_body(v_ref, w_ref, b_ref, o_ref):
    o_ref[...] = (
        jnp.dot(v_ref[...], w_ref[...], preferred_element_type=jnp.float32)
        + b_ref[...]
    ).astype(jnp.bfloat16)


def _value_proj(value, W_value, b_value):
    nv = value.shape[0]
    nb = 4
    return pl.pallas_call(
        _vproj_body,
        out_shape=jax.ShapeDtypeStruct((nv, C), jnp.bfloat16),
        grid=(nb,),
        in_specs=[
            pl.BlockSpec((nv // nb, C), lambda i: (i, 0)),
            pl.BlockSpec((C, C), lambda i: (0, 0)),
            pl.BlockSpec((C,), lambda i: (0,)),
        ],
        out_specs=pl.BlockSpec((nv // nb, C), lambda i: (i, 0)),
    )(value, W_value, b_value)



def _index_body(q_ref, qp_ref, rp8_ref, wcat_ref, bcat_ref,
                wl_ref, hh_ref, bs_ref, seg_ref, pk_ref):
    qv = q_ref[...] + qp_ref[...]
    bq = qv.shape[0]
    lin = (
        jnp.dot(qv, wcat_ref[...], preferred_element_type=jnp.float32)
        + bcat_ref[...]
    )
    rp8 = rp8_ref[...]
    rpx16 = jnp.concatenate(
        [jnp.broadcast_to(rp8[:, 2 * l:2 * l + 1], (bq, P)) for l in range(L)],
        axis=1)
    rpy16 = jnp.concatenate(
        [jnp.broadcast_to(rp8[:, 2 * l + 1:2 * l + 2], (bq, P)) for l in range(L)],
        axis=1)
    rpx = jnp.concatenate([rpx16] * H, axis=1)
    rpy = jnp.concatenate([rpy16] * H, axis=1)
    x = lin[:, 0:128] + rpx
    y = lin[:, 128:256] + rpy
    e = jnp.exp(lin[:, 256:384])
    s = jnp.dot(e, seg_ref[...], preferred_element_type=jnp.float32)
    lw = e / s

    wl = wl_ref[...]
    hh = hh_ref[...]
    bs = bs_ref[...]
    x0 = jnp.floor(x)
    y0 = jnp.floor(y)
    fx = x - x0
    fy = y - y0
    for dy in (0, 1):
        yy = y0 + dy
        vy = (yy >= 0.0) & (yy < hh)
        yi = jnp.clip(yy, 0.0, hh - 1.0)
        wy = fy if dy else 1.0 - fy
        rowy = bs + yi * wl
        for dx in (0, 1):
            xx = x0 + dx
            vx = (xx >= 0.0) & (xx < wl)
            xi = jnp.clip(xx, 0.0, wl - 1.0)
            wx = fx if dx else 1.0 - fx
            wgt = jnp.where(vy & vx, wy * wx * lw, 0.0)
            rowi = (rowy + xi).astype(jnp.int32)
            wbits = (lax.bitcast_convert_type(wgt, jnp.int32)
                     + jnp.int32(0x8000)) & jnp.int32(-65536)
            c = dy * 2 + dx
            pk_ref[:, c * 128:(c + 1) * 128] = wbits | rowi


def _index_stage(q, qp, rp8, wcat, bcat, tables, seg):
    nb = 10
    bq = NQ // nb
    wl, hh, bs = tables
    return pl.pallas_call(
        _index_body,
        out_shape=jax.ShapeDtypeStruct((NQ, 512), jnp.int32),
        grid=(nb,),
        in_specs=[
            pl.BlockSpec((bq, C), lambda i: (i, 0)),
            pl.BlockSpec((bq, C), lambda i: (i, 0)),
            pl.BlockSpec((bq, 8), lambda i: (i, 0)),
            pl.BlockSpec((C, 384), lambda i: (0, 0)),
            pl.BlockSpec((384,), lambda i: (0,)),
            pl.BlockSpec((128,), lambda i: (0,)),
            pl.BlockSpec((128,), lambda i: (0,)),
            pl.BlockSpec((128,), lambda i: (0,)),
            pl.BlockSpec((128, 128), lambda i: (0, 0)),
        ],
        out_specs=pl.BlockSpec((bq, 512), lambda i: (i, 0)),
    )(q, qp, rp8, wcat, bcat, wl, hh, bs, seg)



def _sc_body(vtabh, pkh, outh,
             tab_v, i0, i1, o0, o1,
             sI0, sI1, sO0, sO1):
    wid = lax.axis_index("s") * 2 + lax.axis_index("c")
    head = wid % H
    base_q = (wid // H) * TQ
    last = TCHUNK - 1

    pltpu.sync_copy(vtabh.at[pl.ds(0, NV), pl.ds(head * D, D)], tab_v)

    def ix_start(ci, iv, sem):
        qs = base_q + ci * TB
        for c in range(4):
            off = c * 128 + head * LP
            pltpu.make_async_copy(
                pkh.at[pl.ds(qs, TB), pl.ds(off, LP)], iv.at[c], sem).start()

    def ix_wait(ci, iv, sem):
        qs = base_q + ci * TB
        for c in range(4):
            off = c * 128 + head * LP
            pltpu.make_async_copy(
                pkh.at[pl.ds(qs, TB), pl.ds(off, LP)], iv.at[c], sem).wait()

    def o_start(ci, ov, sem):
        qs = base_q + ci * TB
        pltpu.make_async_copy(
            ov, outh.at[pl.ds(qs, TB), pl.ds(head * D, D)], sem).start()

    def o_wait(ci, ov, sem):
        qs = base_q + ci * TB
        pltpu.make_async_copy(
            ov, outh.at[pl.ds(qs, TB), pl.ds(head * D, D)], sem).wait()

    def compute(iv, ov):
        @plsc.parallel_loop(0, TB, 1, unroll=2)
        def unit(qi):
            acc0 = jnp.zeros((16,), jnp.float32)
            acc1 = jnp.zeros((16,), jnp.float32)
            for c in range(4):
                pk = iv[c, qi, :]
                jvec = pk & jnp.int32(0xFFFF)
                wvec = plsc.bitcast(pk & jnp.int32(-65536), jnp.float32)
                for t in range(LP):
                    jj = jvec[t]
                    w_s = wvec[t]
                    bits = plsc.bitcast(tab_v[jj, :], jnp.int32)
                    lo = plsc.bitcast(bits << 16, jnp.float32)
                    hi = plsc.bitcast(bits & jnp.int32(-65536), jnp.float32)
                    acc0 = acc0 + w_s * lo
                    acc1 = acc1 + w_s * hi
            ov[qi, 0:16] = acc0
            ov[qi, 16:32] = acc1

    ix_start(jnp.int32(0), i0, sI0)
    ix_wait(jnp.int32(0), i0, sI0)
    ix_start(jnp.int32(1), i1, sI1)

    def body(k, carry):
        ci = 2 * k
        @pl.when(k > 0)
        def _():
            o_wait(ci - 2, o0, sO0)
        compute(i0, o0)
        o_start(ci, o0, sO0)
        ix_start(jnp.minimum(ci + 2, last), i0, sI0)
        ix_wait(jnp.minimum(ci + 1, last), i1, sI1)
        @pl.when(k > 0)
        def _():
            o_wait(ci - 1, o1, sO1)
        compute(i1, o1)
        o_start(ci + 1, o1, sO1)
        ix_start(jnp.minimum(ci + 3, last), i1, sI1)
        ix_wait(jnp.minimum(ci + 2, last), i0, sI0)
        return carry

    lax.fori_loop(0, TCHUNK // 2, body, 0, unroll=False)
    o_wait(jnp.int32(last - 1), o0, sO0)
    o_wait(jnp.int32(last), o1, sO1)
    ix_wait(jnp.int32(last), i1, sI1)


def _sc_sample(vtab, pk):
    mesh = plsc.VectorSubcoreMesh(core_axis_name="c", subcore_axis_name="s")
    f = functools.partial(
        pl.kernel,
        out_type=jax.ShapeDtypeStruct((NQ, C), jnp.float32),
        mesh=mesh,
        compiler_params=pltpu.CompilerParams(
            use_tc_tiling_on_sc=False, needs_layout_passes=False),
        scratch_types=[
            pltpu.VMEM((NV, D), jnp.bfloat16),
            pltpu.VMEM((4, TB, LP), jnp.int32),
            pltpu.VMEM((4, TB, LP), jnp.int32),
            pltpu.VMEM((TB, D), jnp.float32),
            pltpu.VMEM((TB, D), jnp.float32),
            pltpu.SemaphoreType.DMA,
            pltpu.SemaphoreType.DMA,
            pltpu.SemaphoreType.DMA,
            pltpu.SemaphoreType.DMA,
        ],
    )(_sc_body)
    return f(vtab, pk)



def _outproj_body(x_ref, w_ref, b_ref, idn_ref, o_ref):
    o_ref[...] = (
        jnp.dot(x_ref[...], w_ref[...], preferred_element_type=jnp.float32)
        + b_ref[...]
        + idn_ref[...]
    )


def _out_proj(samp, W_out, b_out, identity):
    nb = 10
    return pl.pallas_call(
        _outproj_body,
        out_shape=jax.ShapeDtypeStruct((NQ, C), jnp.float32),
        grid=(nb,),
        in_specs=[
            pl.BlockSpec((NQ // nb, C), lambda i: (i, 0)),
            pl.BlockSpec((C, C), lambda i: (0, 0)),
            pl.BlockSpec((C,), lambda i: (0,)),
            pl.BlockSpec((NQ // nb, C), lambda i: (i, 0)),
        ],
        out_specs=pl.BlockSpec((NQ // nb, C), lambda i: (i, 0)),
    )(samp, W_out, b_out, identity)



def kernel(query, query_pos, value, reference_points, spatial_shapes,
           W_value, b_value, W_off, b_off, W_attn, b_attn, W_out, b_out):
    del spatial_shapes

    wh = jnp.asarray(np.array([[w, h] for h, w in SS], np.float32))
    rp8 = (reference_points[0] * wh[None]).reshape(NQ, 8)

    woff = W_off.reshape(C, H, L, P, 2)
    boff = b_off.reshape(H, L, P, 2)
    wcat = jnp.concatenate([woff[..., 0].reshape(C, 128),
                            woff[..., 1].reshape(C, 128), W_attn], axis=1)
    bcat = jnp.concatenate(
        [boff[..., 0].reshape(128) - 0.5,
         boff[..., 1].reshape(128) - 0.5, b_attn])
    seg = np.zeros((128, 128), np.float32)
    for i in range(128):
        for j in range(128):
            if i // LP == j // LP:
                seg[i, j] = 1.0
    seg = jnp.asarray(seg)

    tables = _lane_tables()

    vtab = _value_proj(value[0], W_value, b_value)
    pk = _index_stage(query[0], query_pos[0], rp8, wcat, bcat, tables, seg)
    samp = _sc_sample(vtab, pk)
    out = _out_proj(samp, W_out[jnp.asarray(_CPERM)], b_out, query[0])
    return out[None]

# --- scband reference (transcript-rebuilt; emitter-appended) ---
"""Pipeline reference for scband-defor-attn-10892037062988 (READ-ONLY COPY).

The authoritative reference and input builder live on the scoring server;
editing this copy changes nothing except your own understanding.
"""

import jax, jax.numpy as jnp
import numpy as np

C = 256
H = 8
P = 4
L = 4
NQ = 10000
SS = [[64, 64], [32, 32], [16, 16], [8, 8]]


def setup_inputs(seed: int = 0):
    key = jax.random.key(seed)
    ks = jax.random.split(key, 8)
    nv = sum(h * w for h, w in SS)
    query = jax.random.normal(ks[0], (1, NQ, C), dtype=jnp.float32)
    query_pos = jax.random.normal(ks[1], (1, NQ, C), dtype=jnp.float32)
    value = jax.random.normal(ks[2], (1, nv, C), dtype=jnp.float32)
    reference_points = jax.random.uniform(ks[3], (1, NQ, L, 2), dtype=jnp.float32)
    spatial_shapes = jnp.array(SS, dtype=jnp.int32)
    bound = float(np.sqrt(6.0 / (C + C)))
    W_value = jax.random.uniform(ks[4], (C, C), jnp.float32, -bound, bound)
    b_value = jnp.zeros((C,), jnp.float32)
    W_out = jax.random.uniform(ks[5], (C, C), jnp.float32, -bound, bound)
    b_out = jnp.zeros((C,), jnp.float32)
    W_off = 0.02 * jax.random.normal(ks[6], (C, L * H * P * 2), dtype=jnp.float32)
    thetas = np.arange(H, dtype=np.float32) * (2.0 * np.pi / H)
    grid = np.stack([np.cos(thetas), np.sin(thetas)], -1)
    grid = grid / np.abs(grid).max(-1, keepdims=True)
    grid = np.tile(grid.reshape(H, 1, 1, 2), (1, 1, P, 1)).copy()
    for i in range(P):
        grid[:, :, i, :] *= (i + 1)
    grid = np.tile(grid, (1, L, 1, 1))
    b_off = jnp.asarray(grid.reshape(-1), dtype=jnp.float32)
    W_attn = 0.02 * jax.random.normal(ks[7], (C, L * H * P), dtype=jnp.float32)
    b_attn = jnp.zeros((L * H * P,), jnp.float32)
    return {"query": query, "query_pos": query_pos, "value": value,
            "reference_points": reference_points, "spatial_shapes": spatial_shapes,
            "W_value": W_value, "b_value": b_value, "W_off": W_off, "b_off": b_off,
            "W_attn": W_attn, "b_attn": b_attn, "W_out": W_out, "b_out": b_out}


def _ms_deform(v_all, ss, loc, attn):
    # v_all: [1, Nv, H, d]; loc: [1, Nq, H, L, P, 2] in [0,1]; attn: [1, Nq, H, L, P]
    nq = loc.shape[1]
    d = v_all.shape[-1]
    hidx = jnp.broadcast_to(jnp.arange(H)[None, :, None], (nq, H, P))
    out = jnp.zeros((nq, H, d), jnp.float32)
    start = 0
    for lvl, (h, w) in enumerate(ss):
        v = v_all[0, start:start + h * w].reshape(h, w, H, d)
        # grid_sample, bilinear, align_corners=False, zero padding
        x = loc[0, :, :, lvl, :, 0] * w - 0.5
        y = loc[0, :, :, lvl, :, 1] * h - 0.5
        x0 = jnp.floor(x)
        y0 = jnp.floor(y)
        lw = attn[0, :, :, lvl, :]
        for dy in (0, 1):
            for dx in (0, 1):
                xx = x0 + dx
                yy = y0 + dy
                wgt = (1.0 - jnp.abs(x - xx)) * (1.0 - jnp.abs(y - yy))
                valid = ((xx >= 0) & (xx < w) & (yy >= 0) & (yy < h)).astype(jnp.float32)
                xi = jnp.clip(xx, 0, w - 1).astype(jnp.int32)
                yi = jnp.clip(yy, 0, h - 1).astype(jnp.int32)
                vals = v[yi, xi, hidx]  # gather -> [nq, H, P, d]
                out = out + (vals * (wgt * valid * lw)[..., None]).sum(axis=2)
        start += h * w
    return out.reshape(1, nq, H * d)


def reference(query, query_pos, value, reference_points, spatial_shapes,
              W_value, b_value, W_off, b_off, W_attn, b_attn, W_out, b_out):
    identity = query
    q = query + query_pos
    nv = value.shape[1]
    nq = q.shape[1]
    v = (value @ W_value + b_value).reshape(1, nv, H, C // H)
    off = (q @ W_off + b_off).reshape(1, nq, H, L, P, 2)
    attn = (q @ W_attn + b_attn).reshape(1, nq, H, L * P)
    attn = jax.nn.softmax(attn, axis=-1).reshape(1, nq, H, L, P)
    ssf = spatial_shapes.astype(jnp.float32)
    norm = jnp.stack([ssf[:, 1], ssf[:, 0]], -1)
    loc = reference_points[:, :, None, :, None, :] + off / norm[None, None, None, :, None, :]
    ss = SS
    out = _ms_deform(v, ss, loc, attn)
    out = out @ W_out + b_out
    return out + identity  # dropout is identity in eval mode

if __name__ == "__main__":
    import jax
    _d = setup_inputs()
    print(jax.jit(kernel)(*tuple(_d.values())))

</pallas_src>

<mosaic_0001>
#map = affine_map<(d0, d1) -> (0, 0)>
module attributes {stable_mosaic.version = 14 : i64} {
  func.func @_sc_body(%arg0: i32, %arg1: i32, %arg2: memref<5440x256xbf16, #tpu.memory_space<hbm>>, %arg3: memref<10000x512xi32, #tpu.memory_space<hbm>>, %arg4: memref<10000x256xf32, #tpu.memory_space<hbm>>, %arg5: memref<5440x32xbf16, #tpu.memory_space<vmem>>, %arg6: memref<4x50x16xi32, #tpu.memory_space<vmem>>, %arg7: memref<4x50x16xi32, #tpu.memory_space<vmem>>, %arg8: memref<50x32xf32, #tpu.memory_space<vmem>>, %arg9: memref<50x32xf32, #tpu.memory_space<vmem>>, %arg10: memref<!tpu.dma_semaphore, #tpu.memory_space<semaphore_mem>>, %arg11: memref<!tpu.dma_semaphore, #tpu.memory_space<semaphore_mem>>, %arg12: memref<!tpu.dma_semaphore, #tpu.memory_space<semaphore_mem>>, %arg13: memref<!tpu.dma_semaphore, #tpu.memory_space<semaphore_mem>>) attributes {dimension_semantics = [#tpu.dimension_semantics<core_parallel>, #tpu.dimension_semantics<subcore_parallel>], iteration_bounds = array<i64: 2, 16>, scalar_prefetch = 0 : i64, scratch_operands = 9 : i64, tpu.core_type = #tpu.core_type<sc_vector_subcore>, window_params = [{transform_indices = #map}, {transform_indices = #map}, {transform_indices = #map}]} {
    %mul3A = arith.constant 2 : i32
    %mul3A_0 = arith.muli %arg1, %mul3A : i32
    %add3A = arith.addi %mul3A_0, %arg0 : i32
    %jit3A = arith.constant 8 : i32
    %eq3A = arith.constant 0 : i32
    %eq3A_1 = arith.cmpi eq, %jit3A, %eq3A : i32
    %jit3A_2 = arith.constant 1 : i32
    %select_n3A = arith.select %eq3A_1, %jit3A_2, %jit3A : i32
    %rem3A = arith.remsi %add3A, %select_n3A : i32
    %ne3A = arith.constant 0 : i32
    %ne3A_3 = arith.cmpi ne, %rem3A, %ne3A : i32
    %lt3A = arith.constant 0 : i32
    %lt3A_4 = arith.cmpi slt, %rem3A, %lt3A : i32
    %lt3A_5 = arith.constant 0 : i32
    %lt3A_6 = arith.cmpi slt, %select_n3A, %lt3A_5 : i32
    %ne3A_7 = arith.xori %lt3A_4, %lt3A_6 : i1
    %and3A = arith.andi %ne3A_7, %ne3A_3 : i1
    %add3A_8 = arith.addi %rem3A, %select_n3A : i32
    %select_n3A_9 = arith.select %and3A, %add3A_8, %rem3A : i32
    %jit3A_10 = arith.constant 8 : i32
    %div3A = arith.divsi %add3A, %jit3A_10 : i32
    %sign3A = arith.constant 0 : i32
    %sign3A_11 = arith.cmpi sgt, %add3A, %sign3A : i32
    %sign3A_12 = arith.extui %sign3A_11 : i1 to i32
    %sign3A_13 = arith.constant 0 : i32
    %sign3A_14 = arith.cmpi slt, %add3A, %sign3A_13 : i32
    %sign3A_15 = arith.extui %sign3A_14 : i1 to i32
    %sign3A_16 = arith.subi %sign3A_12, %sign3A_15 : i32
    %sign3A_17 = arith.constant 0 : i32
    %sign3A_18 = arith.cmpi sgt, %jit3A_10, %sign3A_17 : i32
    %sign3A_19 = arith.extui %sign3A_18 : i1 to i32
    %sign3A_20 = arith.constant 0 : i32
    %sign3A_21 = arith.cmpi slt, %jit3A_10, %sign3A_20 : i32
    %sign3A_22 = arith.extui %sign3A_21 : i1 to i32
    %sign3A_23 = arith.subi %sign3A_19, %sign3A_22 : i32
    %ne3A_24 = arith.cmpi ne, %sign3A_16, %sign3A_23 : i32
    %rem3A_25 = arith.remsi %add3A, %jit3A_10 : i32
    %ne3A_26 = arith.constant 0 : i32
    %ne3A_27 = arith.cmpi ne, %rem3A_25, %ne3A_26 : i32
    %and3A_28 = arith.andi %ne3A_24, %ne3A_27 : i1
    %sub3A = arith.constant 1 : i32
    %sub3A_29 = arith.subi %div3A, %sub3A : i32
    %select_n3A_30 = arith.select %and3A_28, %sub3A_29, %div3A : i32
    %mul3A_31 = arith.constant 2500 : i32
    %mul3A_32 = arith.muli %select_n3A_30, %mul3A_31 : i32
    %mul3A_33 = arith.constant 32 : i32
    %mul3A_34 = arith.muli %select_n3A_9, %mul3A_33 : i32
    "tpu.region"() ({
      %run_scoped3A = tpu.sem_alloc : memref<!tpu.dma_semaphore, #tpu.memory_space<semaphore_mem>>
      %dma_start3A_310 = arith.constant 0 : i32
      %dma_start3A_311 = tpu.memref_slice %arg2[%dma_start3A_310, %mul3A_34] : memref<5440x256xbf16, #tpu.memory_space<hbm>> -> memref<5440x32xbf16, #tpu.memory_space<hbm>>
      %dma_start3A_312 = arith.constant 0 : i32
      %dma_start3A_313 = tpu.memref_slice %arg2[%dma_start3A_312, %mul3A_34] : memref<5440x256xbf16, #tpu.memory_space<hbm>> -> memref<5440x32xbf16, #tpu.memory_space<hbm>>
      tpu.enqueue_dma source(%dma_start3A_313 : memref<5440x32xbf16, #tpu.memory_space<hbm>>) target(%arg5 : memref<5440x32xbf16, #tpu.memory_space<vmem>>) target_semaphore(%run_scoped3A : memref<!tpu.dma_semaphore, #tpu.memory_space<semaphore_mem>>)
      %dma_wait3A_314 = arith.constant 0 : i32
      %dma_wait3A_315 = tpu.memref_slice %arg2[%dma_wait3A_314, %mul3A_34] : memref<5440x256xbf16, #tpu.memory_space<hbm>> -> memref<5440x32xbf16, #tpu.memory_space<hbm>>
      %dma_wait3A_316 = arith.constant 0 : i32
      %dma_wait3A_317 = tpu.memref_slice %arg2[%dma_wait3A_316, %mul3A_34] : memref<5440x256xbf16, #tpu.memory_space<hbm>> -> memref<5440x32xbf16, #tpu.memory_space<hbm>>
      tpu.wait_dma2 semaphore(%run_scoped3A : memref<!tpu.dma_semaphore, #tpu.memory_space<semaphore_mem>>) src(%dma_wait3A_317 : memref<5440x32xbf16, #tpu.memory_space<hbm>>) dst(%arg5 : memref<5440x32xbf16, #tpu.memory_space<vmem>>)
      tpu.yield
    }) : () -> ()
    %mul3A_35 = arith.constant 0 : i32
    %mul3A_36 = arith.constant 50 : i32
    %mul3A_37 = arith.muli %mul3A_35, %mul3A_36 : i32
    %add3A_38 = arith.addi %mul3A_32, %mul3A_37 : i32
    %mul3A_39 = arith.constant 16 : i32
    %mul3A_40 = arith.muli %select_n3A_9, %mul3A_39 : i32
    %add3A_41 = arith.constant 0 : i32
    %add3A_42 = arith.addi %add3A_41, %mul3A_40 : i32
    %dma_start3A = arith.constant 0 : i32
    %dma_start3A_43 = arith.constant 0 : i32
    %dma_start3A_44 = arith.constant 0 : i32
    %dma_start3A_45 = tpu.memref_slice %arg6[%dma_start3A, %dma_start3A_43, %dma_start3A_44] : memref<4x50x16xi32, #tpu.memory_space<vmem>> -> memref<1x50x16xi32, #tpu.memory_space<vmem>>
    %dma_start3A_46 = tpu.memref_squeeze %dma_start3A_45 : memref<1x50x16xi32, #tpu.memory_space<vmem>> -> memref<50x16xi32, #tpu.memory_space<vmem>>
    %dma_start3A_47 = tpu.memref_slice %arg3[%add3A_38, %add3A_42] : memref<10000x512xi32, #tpu.memory_space<hbm>> -> memref<50x16xi32, #tpu.memory_space<hbm>>
    %dma_start3A_48 = arith.constant 0 : i32
    %dma_start3A_49 = arith.constant 0 : i32
    %dma_start3A_50 = tpu.memref_slice %arg6[%dma_start3A, %dma_start3A_48, %dma_start3A_49] : memref<4x50x16xi32, #tpu.memory_space<vmem>> -> memref<1x50x16xi32, #tpu.memory_space<vmem>>
    %dma_start3A_51 = tpu.memref_squeeze %dma_start3A_50 : memref<1x50x16xi32, #tpu.memory_space<vmem>> -> memref<50x16xi32, #tpu.memory_space<vmem>>
    %dma_start3A_52 = tpu.memref_slice %arg3[%add3A_38, %add3A_42] : memref<10000x512xi32, #tpu.memory_space<hbm>> -> memref<50x16xi32, #tpu.memory_space<hbm>>
    tpu.enqueue_dma source(%dma_start3A_52 : memref<50x16xi32, #tpu.memory_space<hbm>>) target(%dma_start3A_51 : memref<50x16xi32, #tpu.memory_space<vmem>>) target_semaphore(%arg10 : memref<!tpu.dma_semaphore, #tpu.memory_space<semaphore_mem>>)
    %mul3A_53 = arith.constant 16 : i32
    %mul3A_54 = arith.muli %select_n3A_9, %mul3A_53 : i32
    %add3A_55 = arith.constant 128 : i32
    %add3A_56 = arith.addi %add3A_55, %mul3A_54 : i32
    %dma_start3A_57 = arith.constant 1 : i32
    %dma_start3A_58 = arith.constant 0 : i32
    %dma_start3A_59 = arith.constant 0 : i32
    %dma_start3A_60 = tpu.memref_slice %arg6[%dma_start3A_57, %dma_start3A_58, %dma_start3A_59] : memref<4x50x16xi32, #tpu.memory_space<vmem>> -> memref<1x50x16xi32, #tpu.memory_space<vmem>>
    %dma_start3A_61 = tpu.memref_squeeze %dma_start3A_60 : memref<1x50x16xi32, #tpu.memory_space<vmem>> -> memref<50x16xi32, #tpu.memory_space<vmem>>
    %dma_start3A_62 = tpu.memref_slice %arg3[%add3A_38, %add3A_56] : memref<10000x512xi32, #tpu.memory_space<hbm>> -> memref<50x16xi32, #tpu.memory_space<hbm>>
    %dma_start3A_63 = arith.constant 0 : i32
    %dma_start3A_64 = arith.constant 0 : i32
    %dma_start3A_65 = tpu.memref_slice %arg6[%dma_start3A_57, %dma_start3A_63, %dma_start3A_64] : memref<4x50x16xi32, #tpu.memory_space<vmem>> -> memref<1x50x16xi32, #tpu.memory_space<vmem>>
    %dma_start3A_66 = tpu.memref_squeeze %dma_start3A_65 : memref<1x50x16xi32, #tpu.memory_space<vmem>> -> memref<50x16xi32, #tpu.memory_space<vmem>>
    %dma_start3A_67 = tpu.memref_slice %arg3[%add3A_38, %add3A_56] : memref<10000x512xi32, #tpu.memory_space<hbm>> -> memref<50x16xi32, #tpu.memory_space<hbm>>
    tpu.enqueue_dma source(%dma_start3A_67 : memref<50x16xi32, #tpu.memory_space<hbm>>) target(%dma_start3A_66 : memref<50x16xi32, #tpu.memory_space<vmem>>) target_semaphore(%arg10 : memref<!tpu.dma_semaphore, #tpu.memory_space<semaphore_mem>>)
    %mul3A_68 = arith.constant 16 : i32
    %mul3A_69 = arith.muli %select_n3A_9, %mul3A_68 : i32
    %add3A_70 = arith.constant 256 : i32
    %add3A_71 = arith.addi %add3A_70, %mul3A_69 : i32
    %dma_start3A_72 = arith.constant 2 : i32
    %dma_start3A_73 = arith.constant 0 : i32
    %dma_start3A_74 = arith.constant 0 : i32
    %dma_start3A_75 = tpu.memref_slice %arg6[%dma_start3A_72, %dma_start3A_73, %dma_start3A_74] : memref<4x50x16xi32, #tpu.memory_space<vmem>> -> memref<1x50x16xi32, #tpu.memory_space<vmem>>
    %dma_start3A_76 = tpu.memref_squeeze %dma_start3A_75 : memref<1x50x16xi32, #tpu.memory_space<vmem>> -> memref<50x16xi32, #tpu.memory_space<vmem>>
    %dma_start3A_77 = tpu.memref_slice %arg3[%add3A_38, %add3A_71] : memref<10000x512xi32, #tpu.memory_space<hbm>> -> memref<50x16xi32, #tpu.memory_space<hbm>>
    %dma_start3A_78 = arith.constant 0 : i32
    %dma_start3A_79 = arith.constant 0 : i32
    %dma_start3A_80 = tpu.memref_slice %arg6[%dma_start3A_72, %dma_start3A_78, %dma_start3A_79] : memref<4x50x16xi32, #tpu.memory_space<vmem>> -> memref<1x50x16xi32, #tpu.memory_space<vmem>>
    %dma_start3A_81 = tpu.memref_squeeze %dma_start3A_80 : memref<1x50x16xi32, #tpu.memory_space<vmem>> -> memref<50x16xi32, #tpu.memory_space<vmem>>
    %dma_start3A_82 = tpu.memref_slice %arg3[%add3A_38, %add3A_71] : memref<10000x512xi32, #tpu.memory_space<hbm>> -> memref<50x16xi32, #tpu.memory_space<hbm>>
    tpu.enqueue_dma source(%dma_start3A_82 : memref<50x16xi32, #tpu.memory_space<hbm>>) target(%dma_start3A_81 : memref<50x16xi32, #tpu.memory_space<vmem>>) target_semaphore(%arg10 : memref<!tpu.dma_semaphore, #tpu.memory_space<semaphore_mem>>)
    %mul3A_83 = arith.constant 16 : i32
    %mul3A_84 = arith.muli %select_n3A_9, %mul3A_83 : i32
    %add3A_85 = arith.constant 384 : i32
    %add3A_86 = arith.addi %add3A_85, %mul3A_84 : i32
    %dma_start3A_87 = arith.constant 3 : i32
    %dma_start3A_88 = arith.constant 0 : i32
    %dma_start3A_89 = arith.constant 0 : i32
    %dma_start3A_90 = tpu.memref_slice %arg6[%dma_start3A_87, %dma_start3A_88, %dma_start3A_89] : memref<4x50x16xi32, #tpu.memory_space<vmem>> -> memref<1x50x16xi32, #tpu.memory_space<vmem>>
    %dma_start3A_91 = tpu.memref_squeeze %dma_start3A_90 : memref<1x50x16xi32, #tpu.memory_space<vmem>> -> memref<50x16xi32, #tpu.memory_space<vmem>>
    %dma_start3A_92 = tpu.memref_slice %arg3[%add3A_38, %add3A_86] : memref<10000x512xi32, #tpu.memory_space<hbm>> -> memref<50x16xi32, #tpu.memory_space<hbm>>
    %dma_start3A_93 = arith.constant 0 : i32
    %dma_start3A_94 = arith.constant 0 : i32
    %dma_start3A_95 = tpu.memref_slice %arg6[%dma_start3A_87, %dma_start3A_93, %dma_start3A_94] : memref<4x50x16xi32, #tpu.memory_space<vmem>> -> memref<1x50x16xi32, #tpu.memory_space<vmem>>
    %dma_start3A_96 = tpu.memref_squeeze %dma_start3A_95 : memref<1x50x16xi32, #tpu.memory_space<vmem>> -> memref<50x16xi32, #tpu.memory_space<vmem>>
    %dma_start3A_97 = tpu.memref_slice %arg3[%add3A_38, %add3A_86] : memref<10000x512xi32, #tpu.memory_space<hbm>> -> memref<50x16xi32, #tpu.memory_space<hbm>>
    tpu.enqueue_dma source(%dma_start3A_97 : memref<50x16xi32, #tpu.memory_space<hbm>>) target(%dma_start3A_96 : memref<50x16xi32, #tpu.memory_space<vmem>>) target_semaphore(%arg10 : memref<!tpu.dma_semaphore, #tpu.memory_space<semaphore_mem>>)
    %mul3A_98 = arith.constant 0 : i32
    %mul3A_99 = arith.constant 50 : i32
    %mul3A_100 = arith.muli %mul3A_98, %mul3A_99 : i32
    %add3A_101 = arith.addi %mul3A_32, %mul3A_100 : i32
    %mul3A_102 = arith.constant 16 : i32
    %mul3A_103 = arith.muli %select_n3A_9, %mul3A_102 : i32
    %add3A_104 = arith.constant 0 : i32
    %add3A_105 = arith.addi %add3A_104, %mul3A_103 : i32
    %dma_wait3A = arith.constant 0 : i32
    %dma_wait3A_106 = arith.constant 0 : i32
    %dma_wait3A_107 = arith.constant 0 : i32
    %dma_wait3A_108 = tpu.memref_slice %arg6[%dma_wait3A, %dma_wait3A_106, %dma_wait3A_107] : memref<4x50x16xi32, #tpu.memory_space<vmem>> -> memref<1x50x16xi32, #tpu.memory_space<vmem>>
    %dma_wait3A_109 = tpu.memref_squeeze %dma_wait3A_108 : memref<1x50x16xi32, #tpu.memory_space<vmem>> -> memref<50x16xi32, #tpu.memory_space<vmem>>
    %dma_wait3A_110 = tpu.memref_slice %arg3[%add3A_101, %add3A_105] : memref<10000x512xi32, #tpu.memory_space<hbm>> -> memref<50x16xi32, #tpu.memory_space<hbm>>
    %dma_wait3A_111 = arith.constant 0 : i32
    %dma_wait3A_112 = arith.constant 0 : i32
    %dma_wait3A_113 = tpu.memref_slice %arg6[%dma_wait3A, %dma_wait3A_111, %dma_wait3A_112] : memref<4x50x16xi32, #tpu.memory_space<vmem>> -> memref<1x50x16xi32, #tpu.memory_space<vmem>>
    %dma_wait3A_114 = tpu.memref_squeeze %dma_wait3A_113 : memref<1x50x16xi32, #tpu.memory_space<vmem>> -> memref<50x16xi32, #tpu.memory_space<vmem>>
    %dma_wait3A_115 = tpu.memref_slice %arg3[%add3A_101, %add3A_105] : memref<10000x512xi32, #tpu.memory_space<hbm>> -> memref<50x16xi32, #tpu.memory_space<hbm>>
    tpu.wait_dma2 semaphore(%arg10 : memref<!tpu.dma_semaphore, #tpu.memory_space<semaphore_mem>>) src(%dma_wait3A_115 : memref<50x16xi32, #tpu.memory_space<hbm>>) dst(%dma_wait3A_114 : memref<50x16xi32, #tpu.memory_space<vmem>>)
    %mul3A_116 = arith.constant 16 : i32
    %mul3A_117 = arith.muli %select_n3A_9, %mul3A_116 : i32
    %add3A_118 = arith.constant 128 : i32
    %add3A_119 = arith.addi %add3A_118, %mul3A_117 : i32
    %dma_wait3A_120 = arith.constant 1 : i32
    %dma_wait3A_121 = arith.constant 0 : i32
    %dma_wait3A_122 = arith.constant 0 : i32
    %dma_wait3A_123 = tpu.memref_slice %arg6[%dma_wait3A_120, %dma_wait3A_121, %dma_wait3A_122] : memref<4x50x16xi32, #tpu.memory_space<vmem>> -> memref<1x50x16xi32, #tpu.memory_space<vmem>>
    %dma_wait3A_124 = tpu.memref_squeeze %dma_wait3A_123 : memref<1x50x16xi32, #tpu.memory_space<vmem>> -> memref<50x16xi32, #tpu.memory_space<vmem>>
    %dma_wait3A_125 = tpu.memref_slice %arg3[%add3A_101, %add3A_119] : memref<10000x512xi32, #tpu.memory_space<hbm>> -> memref<50x16xi32, #tpu.memory_space<hbm>>
    %dma_wait3A_126 = arith.constant 0 : i32
    %dma_wait3A_127 = arith.constant 0 : i32
    %dma_wait3A_128 = tpu.memref_slice %arg6[%dma_wait3A_120, %dma_wait3A_126, %dma_wait3A_127] : memref<4x50x16xi32, #tpu.memory_space<vmem>> -> memref<1x50x16xi32, #tpu.memory_space<vmem>>
    %dma_wait3A_129 = tpu.memref_squeeze %dma_wait3A_128 : memref<1x50x16xi32, #tpu.memory_space<vmem>> -> memref<50x16xi32, #tpu.memory_space<vmem>>
    %dma_wait3A_130 = tpu.memref_slice %arg3[%add3A_101, %add3A_119] : memref<10000x512xi32, #tpu.memory_space<hbm>> -> memref<50x16xi32, #tpu.memory_space<hbm>>
    tpu.wait_dma2 semaphore(%arg10 : memref<!tpu.dma_semaphore, #tpu.memory_space<semaphore_mem>>) src(%dma_wait3A_130 : memref<50x16xi32, #tpu.memory_space<hbm>>) dst(%dma_wait3A_129 : memref<50x16xi32, #tpu.memory_space<vmem>>)
    %mul3A_131 = arith.constant 16 : i32
    %mul3A_132 = arith.muli %select_n3A_9, %mul3A_131 : i32
    %add3A_133 = arith.constant 256 : i32
    %add3A_134 = arith.addi %add3A_133, %mul3A_132 : i32
    %dma_wait3A_135 = arith.constant 2 : i32
    %dma_wait3A_136 = arith.constant 0 : i32
    %dma_wait3A_137 = arith.constant 0 : i32
    %dma_wait3A_138 = tpu.memref_slice %arg6[%dma_wait3A_135, %dma_wait3A_136, %dma_wait3A_137] : memref<4x50x16xi32, #tpu.memory_space<vmem>> -> memref<1x50x16xi32, #tpu.memory_space<vmem>>
    %dma_wait3A_139 = tpu.memref_squeeze %dma_wait3A_138 : memref<1x50x16xi32, #tpu.memory_space<vmem>> -> memref<50x16xi32, #tpu.memory_space<vmem>>
    %dma_wait3A_140 = tpu.memref_slice %arg3[%add3A_101, %add3A_134] : memref<10000x512xi32, #tpu.memory_space<hbm>> -> memref<50x16xi32, #tpu.memory_space<hbm>>
    %dma_wait3A_141 = arith.constant 0 : i32
    %dma_wait3A_142 = arith.constant 0 : i32
    %dma_wait3A_143 = tpu.memref_slice %arg6[%dma_wait3A_135, %dma_wait3A_141, %dma_wait3A_142] : memref<4x50x16xi32, #tpu.memory_space<vmem>> -> memref<1x50x16xi32, #tpu.memory_space<vmem>>
    %dma_wait3A_144 = tpu.memref_squeeze %dma_wait3A_143 : memref<1x50x16xi32, #tpu.memory_space<vmem>> -> memref<50x16xi32, #tpu.memory_space<vmem>>
    %dma_wait3A_145 = tpu.memref_slice %arg3[%add3A_101, %add3A_134] : memref<10000x512xi32, #tpu.memory_space<hbm>> -> memref<50x16xi32, #tpu.memory_space<hbm>>
    tpu.wait_dma2 semaphore(%arg10 : memref<!tpu.dma_semaphore, #tpu.memory_space<semaphore_mem>>) src(%dma_wait3A_145 : memref<50x16xi32, #tpu.memory_space<hbm>>) dst(%dma_wait3A_144 : memref<50x16xi32, #tpu.memory_space<vmem>>)
    %mul3A_146 = arith.constant 16 : i32
    %mul3A_147 = arith.muli %select_n3A_9, %mul3A_146 : i32
    %add3A_148 = arith.constant 384 : i32
    %add3A_149 = arith.addi %add3A_148, %mul3A_147 : i32
    %dma_wait3A_150 = arith.constant 3 : i32
    %dma_wait3A_151 = arith.constant 0 : i32
    %dma_wait3A_152 = arith.constant 0 : i32
    %dma_wait3A_153 = tpu.memref_slice %arg6[%dma_wait3A_150, %dma_wait3A_151, %dma_wait3A_152] : memref<4x50x16xi32, #tpu.memory_space<vmem>> -> memref<1x50x16xi32, #tpu.memory_space<vmem>>
    %dma_wait3A_154 = tpu.memref_squeeze %dma_wait3A_153 : memref<1x50x16xi32, #tpu.memory_space<vmem>> -> memref<50x16xi32, #tpu.memory_space<vmem>>
    %dma_wait3A_155 = tpu.memref_slice %arg3[%add3A_101, %add3A_149] : memref<10000x512xi32, #tpu.memory_space<hbm>> -> memref<50x16xi32, #tpu.memory_space<hbm>>
    %dma_wait3A_156 = arith.constant 0 : i32
    %dma_wait3A_157 = arith.constant 0 : i32
    %dma_wait3A_158 = tpu.memref_slice %arg6[%dma_wait3A_150, %dma_wait3A_156, %dma_wait3A_157] : memref<4x50x16xi32, #tpu.memory_space<vmem>> -> memref<1x50x16xi32, #tpu.memory_space<vmem>>
    %dma_wait3A_159 = tpu.memref_squeeze %dma_wait3A_158 : memref<1x50x16xi32, #tpu.memory_space<vmem>> -> memref<50x16xi32, #tpu.memory_space<vmem>>
    %dma_wait3A_160 = tpu.memref_slice %arg3[%add3A_101, %add3A_149] : memref<10000x512xi32, #tpu.memory_space<hbm>> -> memref<50x16xi32, #tpu.memory_space<hbm>>
    tpu.wait_dma2 semaphore(%arg10 : memref<!tpu.dma_semaphore, #tpu.memory_space<semaphore_mem>>) src(%dma_wait3A_160 : memref<50x16xi32, #tpu.memory_space<hbm>>) dst(%dma_wait3A_159 : memref<50x16xi32, #tpu.memory_space<vmem>>)
    %mul3A_161 = arith.constant 1 : i32
    %mul3A_162 = arith.constant 50 : i32
    %mul3A_163 = arith.muli %mul3A_161, %mul3A_162 : i32
    %add3A_164 = arith.addi %mul3A_32, %mul3A_163 : i32
    %mul3A_165 = arith.constant 16 : i32
    %mul3A_166 = arith.muli %select_n3A_9, %mul3A_165 : i32
    %add3A_167 = arith.constant 0 : i32
    %add3A_168 = arith.addi %add3A_167, %mul3A_166 : i32
    %dma_start3A_169 = arith.constant 0 : i32
    %dma_start3A_170 = arith.constant 0 : i32
    %dma_start3A_171 = arith.constant 0 : i32
    %dma_start3A_172 = tpu.memref_slice %arg7[%dma_start3A_169, %dma_start3A_170, %dma_start3A_171] : memref<4x50x16xi32, #tpu.memory_space<vmem>> -> memref<1x50x16xi32, #tpu.memory_space<vmem>>
    %dma_start3A_173 = tpu.memref_squeeze %dma_start3A_172 : memref<1x50x16xi32, #tpu.memory_space<vmem>> -> memref<50x16xi32, #tpu.memory_space<vmem>>
    %dma_start3A_174 = tpu.memref_slice %arg3[%add3A_164, %add3A_168] : memref<10000x512xi32, #tpu.memory_space<hbm>> -> memref<50x16xi32, #tpu.memory_space<hbm>>
    %dma_start3A_175 = arith.constant 0 : i32
    %dma_start3A_176 = arith.constant 0 : i32
    %dma_start3A_177 = tpu.memref_slice %arg7[%dma_start3A_169, %dma_start3A_175, %dma_start3A_176] : memref<4x50x16xi32, #tpu.memory_space<vmem>> -> memref<1x50x16xi32, #tpu.memory_space<vmem>>
    %dma_start3A_178 = tpu.memref_squeeze %dma_start3A_177 : memref<1x50x16xi32, #tpu.memory_space<vmem>> -> memref<50x16xi32, #tpu.memory_space<vmem>>
    %dma_start3A_179 = tpu.memref_slice %arg3[%add3A_164, %add3A_168] : memref<10000x512xi32, #tpu.memory_space<hbm>> -> memref<50x16xi32, #tpu.memory_space<hbm>>
    tpu.enqueue_dma source(%dma_start3A_179 : memref<50x16xi32, #tpu.memory_space<hbm>>) target(%dma_start3A_178 : memref<50x16xi32, #tpu.memory_space<vmem>>) target_semaphore(%arg11 : memref<!tpu.dma_semaphore, #tpu.memory_space<semaphore_mem>>)
    %mul3A_180 = arith.constant 16 : i32
    %mul3A_181 = arith.muli %select_n3A_9, %mul3A_180 : i32
    %add3A_182 = arith.constant 128 : i32
    %add3A_183 = arith.addi %add3A_182, %mul3A_181 : i32
    %dma_start3A_184 = arith.constant 1 : i32
    %dma_start3A_185 = arith.constant 0 : i32
    %dma_start3A_186 = arith.constant 0 : i32
    %dma_start3A_187 = tpu.memref_slice %arg7[%dma_start3A_184, %dma_start3A_185, %dma_start3A_186] : memref<4x50x16xi32, #tpu.memory_space<vmem>> -> memref<1x50x16xi32, #tpu.memory_space<vmem>>
    %dma_start3A_188 = tpu.memref_squeeze %dma_start3A_187 : memref<1x50x16xi32, #tpu.memory_space<vmem>> -> memref<50x16xi32, #tpu.memory_space<vmem>>
    %dma_start3A_189 = tpu.memref_slice %arg3[%add3A_164, %add3A_183] : memref<10000x512xi32, #tpu.memory_space<hbm>> -> memref<50x16xi32, #tpu.memory_space<hbm>>
    %dma_start3A_190 = arith.constant 0 : i32
    %dma_start3A_191 = arith.constant 0 : i32
    %dma_start3A_192 = tpu.memref_slice %arg7[%dma_start3A_184, %dma_start3A_190, %dma_start3A_191] : memref<4x50x16xi32, #tpu.memory_space<vmem>> -> memref<1x50x16xi32, #tpu.memory_space<vmem>>
    %dma_start3A_193 = tpu.memref_squeeze %dma_start3A_192 : memref<1x50x16xi32, #tpu.memory_space<vmem>> -> memref<50x16xi32, #tpu.memory_space<vmem>>
    %dma_start3A_194 = tpu.memref_slice %arg3[%add3A_164, %add3A_183] : memref<10000x512xi32, #tpu.memory_space<hbm>> -> memref<50x16xi32, #tpu.memory_space<hbm>>
    tpu.enqueue_dma source(%dma_start3A_194 : memref<50x16xi32, #tpu.memory_space<hbm>>) target(%dma_start3A_193 : memref<50x16xi32, #tpu.memory_space<vmem>>) target_semaphore(%arg11 : memref<!tpu.dma_semaphore, #tpu.memory_space<semaphore_mem>>)
    %mul3A_195 = arith.constant 16 : i32
    %mul3A_196 = arith.muli %select_n3A_9, %mul3A_195 : i32
    %add3A_197 = arith.constant 256 : i32
    %add3A_198 = arith.addi %add3A_197, %mul3A_196 : i32
    %dma_start3A_199 = arith.constant 2 : i32
    %dma_start3A_200 = arith.constant 0 : i32
    %dma_start3A_201 = arith.constant 0 : i32
    %dma_start3A_202 = tpu.memref_slice %arg7[%dma_start3A_199, %dma_start3A_200, %dma_start3A_201] : memref<4x50x16xi32, #tpu.memory_space<vmem>> -> memref<1x50x16xi32, #tpu.memory_space<vmem>>
    %dma_start3A_203 = tpu.memref_squeeze %dma_start3A_202 : memref<1x50x16xi32, #tpu.memory_space<vmem>> -> memref<50x16xi32, #tpu.memory_space<vmem>>
    %dma_start3A_204 = tpu.memref_slice %arg3[%add3A_164, %add3A_198] : memref<10000x512xi32, #tpu.memory_space<hbm>> -> memref<50x16xi32, #tpu.memory_space<hbm>>
    %dma_start3A_205 = arith.constant 0 : i32
    %dma_start3A_206 = arith.constant 0 : i32
    %dma_start3A_207 = tpu.memref_slice %arg7[%dma_start3A_199, %dma_start3A_205, %dma_start3A_206] : memref<4x50x16xi32, #tpu.memory_space<vmem>> -> memref<1x50x16xi32, #tpu.memory_space<vmem>>
    %dma_start3A_208 = tpu.memref_squeeze %dma_start3A_207 : memref<1x50x16xi32, #tpu.memory_space<vmem>> -> memref<50x16xi32, #tpu.memory_space<vmem>>
    %dma_start3A_209 = tpu.memref_slice %arg3[%add3A_164, %add3A_198] : memref<10000x512xi32, #tpu.memory_space<hbm>> -> memref<50x16xi32, #tpu.memory_space<hbm>>
    tpu.enqueue_dma source(%dma_start3A_209 : memref<50x16xi32, #tpu.memory_space<hbm>>) target(%dma_start3A_208 : memref<50x16xi32, #tpu.memory_space<vmem>>) target_semaphore(%arg11 : memref<!tpu.dma_semaphore, #tpu.memory_space<semaphore_mem>>)
    %mul3A_210 = arith.constant 16 : i32
    %mul3A_211 = arith.muli %select_n3A_9, %mul3A_210 : i32
    %add3A_212 = arith.constant 384 : i32
    %add3A_213 = arith.addi %add3A_212, %mul3A_211 : i32
    %dma_start3A_214 = arith.constant 3 : i32
    %dma_start3A_215 = arith.constant 0 : i32
    %dma_start3A_216 = arith.constant 0 : i32
    %dma_start3A_217 = tpu.memref_slice %arg7[%dma_start3A_214, %dma_start3A_215, %dma_start3A_216] : memref<4x50x16xi32, #tpu.memory_space<vmem>> -> memref<1x50x16xi32, #tpu.memory_space<vmem>>
    %dma_start3A_218 = tpu.memref_squeeze %dma_start3A_217 : memref<1x50x16xi32, #tpu.memory_space<vmem>> -> memref<50x16xi32, #tpu.memory_space<vmem>>
    %dma_start3A_219 = tpu.memref_slice %arg3[%add3A_164, %add3A_213] : memref<10000x512xi32, #tpu.memory_space<hbm>> -> memref<50x16xi32, #tpu.memory_space<hbm>>
    %dma_start3A_220 = arith.constant 0 : i32
    %dma_start3A_221 = arith.constant 0 : i32
    %dma_start3A_222 = tpu.memref_slice %arg7[%dma_start3A_214, %dma_start3A_220, %dma_start3A_221] : memref<4x50x16xi32, #tpu.memory_space<vmem>> -> memref<1x50x16xi32, #tpu.memory_space<vmem>>
    %dma_start3A_223 = tpu.memref_squeeze %dma_start3A_222 : memref<1x50x16xi32, #tpu.memory_space<vmem>> -> memref<50x16xi32, #tpu.memory_space<vmem>>
    %dma_start3A_224 = tpu.memref_slice %arg3[%add3A_164, %add3A_213] : memref<10000x512xi32, #tpu.memory_space<hbm>> -> memref<50x16xi32, #tpu.memory_space<hbm>>
    tpu.enqueue_dma source(%dma_start3A_224 : memref<50x16xi32, #tpu.memory_space<hbm>>) target(%dma_start3A_223 : memref<50x16xi32, #tpu.memory_space<vmem>>) target_semaphore(%arg11 : memref<!tpu.dma_semaphore, #tpu.memory_space<semaphore_mem>>)
    %scan3A = arith.constant 0 : i32
    %scan3A_225 = arith.constant 0 : i32
    %scan3A_226 = arith.constant 25 : i32
    %scan3A_227 = arith.addi %scan3A_225, %scan3A_226 : i32
    %scan3A_228 = arith.constant 1 : i32
    scf.for %scan3A_310 = %scan3A_225 to %scan3A_227 step %scan3A_228  : i32 {
      %mul3A_311 = arith.constant 2 : i32
      %mul3A_312 = arith.muli %mul3A_311, %scan3A_310 : i32
      %gt3A = arith.constant 0 : i32
      %gt3A_313 = arith.cmpi sgt, %scan3A_310, %gt3A : i32
      %convert_element_type3A = arith.extui %gt3A_313 : i1 to i32
      %cond3A = arith.constant 0 : i32
      %cond3A_314 = arith.cmpi ne, %convert_element_type3A, %cond3A : i32
      scf.if %cond3A_314 {
        %sub3A_608 = arith.constant 2 : i32
        %sub3A_609 = arith.subi %mul3A_312, %sub3A_608 : i32
        %mul3A_610 = arith.constant 50 : i32
        %mul3A_611 = arith.muli %sub3A_609, %mul3A_610 : i32
        %add3A_612 = arith.addi %mul3A_32, %mul3A_611 : i32
        %mul3A_613 = arith.constant 32 : i32
        %mul3A_614 = arith.muli %select_n3A_9, %mul3A_613 : i32
        %dma_wait3A_615 = tpu.memref_slice %arg4[%add3A_612, %mul3A_614] : memref<10000x256xf32, #tpu.memory_space<hbm>> -> memref<50x32xf32, #tpu.memory_space<hbm>>
        %dma_wait3A_616 = tpu.memref_slice %arg4[%add3A_612, %mul3A_614] : memref<10000x256xf32, #tpu.memory_space<hbm>> -> memref<50x32xf32, #tpu.memory_space<hbm>>
        tpu.wait_dma2 semaphore(%arg12 : memref<!tpu.dma_semaphore, #tpu.memory_space<semaphore_mem>>) src(%arg8 : memref<50x32xf32, #tpu.memory_space<vmem>>) dst(%dma_wait3A_616 : memref<50x32xf32, #tpu.memory_space<hbm>>)
      } else {
      }
      %parallel_loop3A = arith.constant 0 : i32
      %parallel_loop3A_315 = arith.constant 50 : i32
      %parallel_loop3A_316 = arith.constant 1 : i32
      scf.for %parallel_loop3A_608 = %parallel_loop3A to %parallel_loop3A_315 step %parallel_loop3A_316  : i32 {
        %parallel_loop3A_609 = arith.constant 0.000000e+00 : f32
        %parallel_loop3A_610 = vector.broadcast %parallel_loop3A_609 : f32 to vector<16xf32>
        %parallel_loop3A_611 = arith.constant 0.000000e+00 : f32
        %parallel_loop3A_612 = vector.broadcast %parallel_loop3A_611 : f32 to vector<16xf32>
        %parallel_loop3A_613 = arith.constant 0 : i32
        %parallel_loop3A_614 = arith.index_cast %parallel_loop3A_613 : i32 to index
        %parallel_loop3A_615 = arith.index_cast %parallel_loop3A_608 : i32 to index
        %parallel_loop3A_616 = arith.constant 0 : index
        %parallel_loop3A_617 = tpu.vector_load %arg6[%parallel_loop3A_614, %parallel_loop3A_615, %parallel_loop3A_616] {strides = array<i32>} : memref<4x50x16xi32, #tpu.memory_space<vmem>>, vector<16xi32>,
        %parallel_loop3A_618 = arith.constant 65535 : i32
        %parallel_loop3A_619 = vector.broadcast %parallel_loop3A_618 : i32 to vector<16xi32>
        %parallel_loop3A_620 = arith.andi %parallel_loop3A_617, %parallel_loop3A_619 : vector<16xi32>
        %parallel_loop3A_621 = arith.constant -65536 : i32
        %parallel_loop3A_622 = vector.broadcast %parallel_loop3A_621 : i32 to vector<16xi32>
        %parallel_loop3A_623 = arith.andi %parallel_loop3A_617, %parallel_loop3A_622 : vector<16xi32>
        %parallel_loop3A_624 = vector.bitcast %parallel_loop3A_623 : vector<16xi32> to vector<16xf32>
        %parallel_loop3A_625 = vector.extract_strided_slice %parallel_loop3A_620 {offsets = [0], sizes = [1], strides = [1]} : vector<16xi32> to vector<1xi32>
        %parallel_loop3A_626 = vector.extract %parallel_loop3A_625[0] : i32 from vector<1xi32>
        %parallel_loop3A_627 = vector.extract_strided_slice %parallel_loop3A_624 {offsets = [0], sizes = [1], strides = [1]} : vector<16xf32> to vector<1xf32>
        %parallel_loop3A_628 = vector.extract %parallel_loop3A_627[0] : f32 from vector<1xf32>
        %parallel_loop3A_629 = arith.index_cast %parallel_loop3A_626 : i32 to index
        %parallel_loop3A_630 = arith.constant 0 : index
        %parallel_loop3A_631 = tpu.vector_load %arg5[%parallel_loop3A_629, %parallel_loop3A_630] {strides = array<i32>} : memref<5440x32xbf16, #tpu.memory_space<vmem>>, vector<32xbf16>,
        %parallel_loop3A_632 = vector.bitcast %parallel_loop3A_631 : vector<32xbf16> to vector<16xi32>
        %parallel_loop3A_633 = arith.constant 16 : i32
        %parallel_loop3A_634 = vector.broadcast %parallel_loop3A_633 : i32 to vector<16xi32>
        %parallel_loop3A_635 = arith.shli %parallel_loop3A_632, %parallel_loop3A_634 : vector<16xi32>
        %parallel_loop3A_636 = vector.bitcast %parallel_loop3A_635 : vector<16xi32> to vector<16xf32>
        %parallel_loop3A_637 = arith.constant -65536 : i32
        %parallel_loop3A_638 = vector.broadcast %parallel_loop3A_637 : i32 to vector<16xi32>
        %parallel_loop3A_639 = arith.andi %parallel_loop3A_632, %parallel_loop3A_638 : vector<16xi32>
        %parallel_loop3A_640 = vector.bitcast %parallel_loop3A_639 : vector<16xi32> to vector<16xf32>
        %parallel_loop3A_641 = vector.broadcast %parallel_loop3A_628 : f32 to vector<16xf32>
        %parallel_loop3A_642 = arith.mulf %parallel_loop3A_641, %parallel_loop3A_636 : vector<16xf32>
        %parallel_loop3A_643 = arith.addf %parallel_loop3A_610, %parallel_loop3A_642 : vector<16xf32>
        %parallel_loop3A_644 = vector.broadcast %parallel_loop3A_628 : f32 to vector<16xf32>
        %parallel_loop3A_645 = arith.mulf %parallel_loop3A_644, %parallel_loop3A_640 : vector<16xf32>
        %parallel_loop3A_646 = arith.addf %parallel_loop3A_612, %parallel_loop3A_645 : vector<16xf32>
        %parallel_loop3A_647 = vector.extract_strided_slice %parallel_loop3A_620 {offsets = [1], sizes = [1], strides = [1]} : vector<16xi32> to vector<1xi32>
        %parallel_loop3A_648 = vector.extract %parallel_loop3A_647[0] : i32 from vector<1xi32>
        %parallel_loop3A_649 = vector.extract_strided_slice %parallel_loop3A_624 {offsets = [1], sizes = [1], strides = [1]} : vector<16xf32> to vector<1xf32>
        %parallel_loop3A_650 = vector.extract %parallel_loop3A_649[0] : f32 from vector<1xf32>
        %parallel_loop3A_651 = arith.index_cast %parallel_loop3A_648 : i32 to index
        %parallel_loop3A_652 = arith.constant 0 : index
        %parallel_loop3A_653 = tpu.vector_load %arg5[%parallel_loop3A_651, %parallel_loop3A_652] {strides = array<i32>} : memref<5440x32xbf16, #tpu.memory_space<vmem>>, vector<32xbf16>,
        %parallel_loop3A_654 = vector.bitcast %parallel_loop3A_653 : vector<32xbf16> to vector<16xi32>
        %parallel_loop3A_655 = arith.constant 16 : i32
        %parallel_loop3A_656 = vector.broadcast %parallel_loop3A_655 : i32 to vector<16xi32>
        %parallel_loop3A_657 = arith.shli %parallel_loop3A_654, %parallel_loop3A_656 : vector<16xi32>
        %parallel_loop3A_658 = vector.bitcast %parallel_loop3A_657 : vector<16xi32> to vector<16xf32>
        %parallel_loop3A_659 = arith.constant -65536 : i32
        %parallel_loop3A_660 = vector.broadcast %parallel_loop3A_659 : i32 to vector<16xi32>
        %parallel_loop3A_661 = arith.andi %parallel_loop3A_654, %parallel_loop3A_660 : vector<16xi32>
        %parallel_loop3A_662 = vector.bitcast %parallel_loop3A_661 : vector<16xi32> to vector<16xf32>
        %parallel_loop3A_663 = vector.broadcast %parallel_loop3A_650 : f32 to vector<16xf32>
        %parallel_loop3A_664 = arith.mulf %parallel_loop3A_663, %parallel_loop3A_658 : vector<16xf32>
        %parallel_loop3A_665 = arith.addf %parallel_loop3A_643, %parallel_loop3A_664 : vector<16xf32>
        %parallel_loop3A_666 = vector.broadcast %parallel_loop3A_650 : f32 to vector<16xf32>
        %parallel_loop3A_667 = arith.mulf %parallel_loop3A_666, %parallel_loop3A_662 : vector<16xf32>
        %parallel_loop3A_668 = arith.addf %parallel_loop3A_646, %parallel_loop3A_667 : vector<16xf32>
        %parallel_loop3A_669 = vector.extract_strided_slice %parallel_loop3A_620 {offsets = [2], sizes = [1], strides = [1]} : vector<16xi32> to vector<1xi32>
        %parallel_loop3A_670 = vector.extract %parallel_loop3A_669[0] : i32 from vector<1xi32>
        %parallel_loop3A_671 = vector.extract_strided_slice %parallel_loop3A_624 {offsets = [2], sizes = [1], strides = [1]} : vector<16xf32> to vector<1xf32>
        %parallel_loop3A_672 = vector.extract %parallel_loop3A_671[0] : f32 from vector<1xf32>
        %parallel_loop3A_673 = arith.index_cast %parallel_loop3A_670 : i32 to index
        %parallel_loop3A_674 = arith.constant 0 : index
        %parallel_loop3A_675 = tpu.vector_load %arg5[%parallel_loop3A_673, %parallel_loop3A_674] {strides = array<i32>} : memref<5440x32xbf16, #tpu.memory_space<vmem>>, vector<32xbf16>,
        %parallel_loop3A_676 = vector.bitcast %parallel_loop3A_675 : vector<32xbf16> to vector<16xi32>
        %parallel_loop3A_677 = arith.constant 16 : i32
        %parallel_loop3A_678 = vector.broadcast %parallel_loop3A_677 : i32 to vector<16xi32>
        %parallel_loop3A_679 = arith.shli %parallel_loop3A_676, %parallel_loop3A_678 : vector<16xi32>
        %parallel_loop3A_680 = vector.bitcast %parallel_loop3A_679 : vector<16xi32> to vector<16xf32>
        %parallel_loop3A_681 = arith.constant -65536 : i32
        %parallel_loop3A_682 = vector.broadcast %parallel_loop3A_681 : i32 to vector<16xi32>
        %parallel_loop3A_683 = arith.andi %parallel_loop3A_676, %parallel_loop3A_682 : vector<16xi32>
        %parallel_loop3A_684 = vector.bitcast %parallel_loop3A_683 : vector<16xi32> to vector<16xf32>
        %parallel_loop3A_685 = vector.broadcast %parallel_loop3A_672 : f32 to vector<16xf32>
        %parallel_loop3A_686 = arith.mulf %parallel_loop3A_685, %parallel_loop3A_680 : vector<16xf32>
        %parallel_loop3A_687 = arith.addf %parallel_loop3A_665, %parallel_loop3A_686 : vector<16xf32>
        %parallel_loop3A_688 = vector.broadcast %parallel_loop3A_672 : f32 to vector<16xf32>
        %parallel_loop3A_689 = arith.mulf %parallel_loop3A_688, %parallel_loop3A_684 : vector<16xf32>
        %parallel_loop3A_690 = arith.addf %parallel_loop3A_668, %parallel_loop3A_689 : vector<16xf32>
        %parallel_loop3A_691 = vector.extract_strided_slice %parallel_loop3A_620 {offsets = [3], sizes = [1], strides = [1]} : vector<16xi32> to vector<1xi32>
        %parallel_loop3A_692 = vector.extract %parallel_loop3A_691[0] : i32 from vector<1xi32>
        %parallel_loop3A_693 = vector.extract_strided_slice %parallel_loop3A_624 {offsets = [3], sizes = [1], strides = [1]} : vector<16xf32> to vector<1xf32>
        %parallel_loop3A_694 = vector.extract %parallel_loop3A_693[0] : f32 from vector<1xf32>
        %parallel_loop3A_695 = arith.index_cast %parallel_loop3A_692 : i32 to index
        %parallel_loop3A_696 = arith.constant 0 : index
        %parallel_loop3A_697 = tpu.vector_load %arg5[%parallel_loop3A_695, %parallel_loop3A_696] {strides = array<i32>} : memref<5440x32xbf16, #tpu.memory_space<vmem>>, vector<32xbf16>,
        %parallel_loop3A_698 = vector.bitcast %parallel_loop3A_697 : vector<32xbf16> to vector<16xi32>
        %parallel_loop3A_699 = arith.constant 16 : i32
        %parallel_loop3A_700 = vector.broadcast %parallel_loop3A_699 : i32 to vector<16xi32>
        %parallel_loop3A_701 = arith.shli %parallel_loop3A_698, %parallel_loop3A_700 : vector<16xi32>
        %parallel_loop3A_702 = vector.bitcast %parallel_loop3A_701 : vector<16xi32> to vector<16xf32>
        %parallel_loop3A_703 = arith.constant -65536 : i32
        %parallel_loop3A_704 = vector.broadcast %parallel_loop3A_703 : i32 to vector<16xi32>
        %parallel_loop3A_705 = arith.andi %parallel_loop3A_698, %parallel_loop3A_704 : vector<16xi32>
        %parallel_loop3A_706 = vector.bitcast %parallel_loop3A_705 : vector<16xi32> to vector<16xf32>
        %parallel_loop3A_707 = vector.broadcast %parallel_loop3A_694 : f32 to vector<16xf32>
        %parallel_loop3A_708 = arith.mulf %parallel_loop3A_707, %parallel_loop3A_702 : vector<16xf32>
        %parallel_loop3A_709 = arith.addf %parallel_loop3A_687, %parallel_loop3A_708 : vector<16xf32>
        %parallel_loop3A_710 = vector.broadcast %parallel_loop3A_694 : f32 to vector<16xf32>
        %parallel_loop3A_711 = arith.mulf %parallel_loop3A_710, %parallel_loop3A_706 : vector<16xf32>
        %parallel_loop3A_712 = arith.addf %parallel_loop3A_690, %parallel_loop3A_711 : vector<16xf32>
        %parallel_loop3A_713 = vector.extract_strided_slice %parallel_loop3A_620 {offsets = [4], sizes = [1], strides = [1]} : vector<16xi32> to vector<1xi32>
        %parallel_loop3A_714 = vector.extract %parallel_loop3A_713[0] : i32 from vector<1xi32>
        %parallel_loop3A_715 = vector.extract_strided_slice %parallel_loop3A_624 {offsets = [4], sizes = [1], strides = [1]} : vector<16xf32> to vector<1xf32>
        %parallel_loop3A_716 = vector.extract %parallel_loop3A_715[0] : f32 from vector<1xf32>
        %parallel_loop3A_717 = arith.index_cast %parallel_loop3A_714 : i32 to index
        %parallel_loop3A_718 = arith.constant 0 : index
        %parallel_loop3A_719 = tpu.vector_load %arg5[%parallel_loop3A_717, %parallel_loop3A_718] {strides = array<i32>} : memref<5440x32xbf16, #tpu.memory_space<vmem>>, vector<32xbf16>,
        %parallel_loop3A_720 = vector.bitcast %parallel_loop3A_719 : vector<32xbf16> to vector<16xi32>
        %parallel_loop3A_721 = arith.constant 16 : i32
        %parallel_loop3A_722 = vector.broadcast %parallel_loop3A_721 : i32 to vector<16xi32>
        %parallel_loop3A_723 = arith.shli %parallel_loop3A_720, %parallel_loop3A_722 : vector<16xi32>
        %parallel_loop3A_724 = vector.bitcast %parallel_loop3A_723 : vector<16xi32> to vector<16xf32>
        %parallel_loop3A_725 = arith.constant -65536 : i32
        %parallel_loop3A_726 = vector.broadcast %parallel_loop3A_725 : i32 to vector<16xi32>
        %parallel_loop3A_727 = arith.andi %parallel_loop3A_720, %parallel_loop3A_726 : vector<16xi32>
        %parallel_loop3A_728 = vector.bitcast %parallel_loop3A_727 : vector<16xi32> to vector<16xf32>
        %parallel_loop3A_729 = vector.broadcast %parallel_loop3A_716 : f32 to vector<16xf32>
        %parallel_loop3A_730 = arith.mulf %parallel_loop3A_729, %parallel_loop3A_724 : vector<16xf32>
        %parallel_loop3A_731 = arith.addf %parallel_loop3A_709, %parallel_loop3A_730 : vector<16xf32>
        %parallel_loop3A_732 = vector.broadcast %parallel_loop3A_716 : f32 to vector<16xf32>
        %parallel_loop3A_733 = arith.mulf %parallel_loop3A_732, %parallel_loop3A_728 : vector<16xf32>
        %parallel_loop3A_734 = arith.addf %parallel_loop3A_712, %parallel_loop3A_733 : vector<16xf32>
        %parallel_loop3A_735 = vector.extract_strided_slice %parallel_loop3A_620 {offsets = [5], sizes = [1], strides = [1]} : vector<16xi32> to vector<1xi32>
        %parallel_loop3A_736 = vector.extract %parallel_loop3A_735[0] : i32 from vector<1xi32>
        %parallel_loop3A_737 = vector.extract_strided_slice %parallel_loop3A_624 {offsets = [5], sizes = [1], strides = [1]} : vector<16xf32> to vector<1xf32>
        %parallel_loop3A_738 = vector.extract %parallel_loop3A_737[0] : f32 from vector<1xf32>
        %parallel_loop3A_739 = arith.index_cast %parallel_loop3A_736 : i32 to index
        %parallel_loop3A_740 = arith.constant 0 : index
        %parallel_loop3A_741 = tpu.vector_load %arg5[%parallel_loop3A_739, %parallel_loop3A_740] {strides = array<i32>} : memref<5440x32xbf16, #tpu.memory_space<vmem>>, vector<32xbf16>,
        %parallel_loop3A_742 = vector.bitcast %parallel_loop3A_741 : vector<32xbf16> to vector<16xi32>
        %parallel_loop3A_743 = arith.constant 16 : i32
        %parallel_loop3A_744 = vector.broadcast %parallel_loop3A_743 : i32 to vector<16xi32>
        %parallel_loop3A_745 = arith.shli %parallel_loop3A_742, %parallel_loop3A_744 : vector<16xi32>
        %parallel_loop3A_746 = vector.bitcast %parallel_loop3A_745 : vector<16xi32> to vector<16xf32>
        %parallel_loop3A_747 = arith.constant -65536 : i32
        %parallel_loop3A_748 = vector.broadcast %parallel_loop3A_747 : i32 to vector<16xi32>
        %parallel_loop3A_749 = arith.andi %parallel_loop3A_742, %parallel_loop3A_748 : vector<16xi32>
        %parallel_loop3A_750 = vector.bitcast %parallel_loop3A_749 : vector<16xi32> to vector<16xf32>
        %parallel_loop3A_751 = vector.broadcast %parallel_loop3A_738 : f32 to vector<16xf32>
        %parallel_loop3A_752 = arith.mulf %parallel_loop3A_751, %parallel_loop3A_746 : vector<16xf32>
        %parallel_loop3A_753 = arith.addf %parallel_loop3A_731, %parallel_loop3A_752 : vector<16xf32>
        %parallel_loop3A_754 = vector.broadcast %parallel_loop3A_738 : f32 to vector<16xf32>
        %parallel_loop3A_755 = arith.mulf %parallel_loop3A_754, %parallel_loop3A_750 : vector<16xf32>
        %parallel_loop3A_756 = arith.addf %parallel_loop3A_734, %parallel_loop3A_755 : vector<16xf32>
        %parallel_loop3A_757 = vector.extract_strided_slice %parallel_loop3A_620 {offsets = [6], sizes = [1], strides = [1]} : vector<16xi32> to vector<1xi32>
        %parallel_loop3A_758 = vector.extract %parallel_loop3A_757[0] : i32 from vector<1xi32>
        %parallel_loop3A_759 = vector.extract_strided_slice %parallel_loop3A_624 {offsets = [6], sizes = [1], strides = [1]} : vector<16xf32> to vector<1xf32>
        %parallel_loop3A_760 = vector.extract %parallel_loop3A_759[0] : f32 from vector<1xf32>
        %parallel_loop3A_761 = arith.index_cast %parallel_loop3A_758 : i32 to index
        %parallel_loop3A_762 = arith.constant 0 : index
        %parallel_loop3A_763 = tpu.vector_load %arg5[%parallel_loop3A_761, %parallel_loop3A_762] {strides = array<i32>} : memref<5440x32xbf16, #tpu.memory_space<vmem>>, vector<32xbf16>,
        %parallel_loop3A_764 = vector.bitcast %parallel_loop3A_763 : vector<32xbf16> to vector<16xi32>
        %parallel_loop3A_765 = arith.constant 16 : i32
        %parallel_loop3A_766 = vector.broadcast %parallel_loop3A_765 : i32 to vector<16xi32>
        %parallel_loop3A_767 = arith.shli %parallel_loop3A_764, %parallel_loop3A_766 : vector<16xi32>
        %parallel_loop3A_768 = vector.bitcast %parallel_loop3A_767 : vector<16xi32> to vector<16xf32>
        %parallel_loop3A_769 = arith.constant -65536 : i32
        %parallel_loop3A_770 = vector.broadcast %parallel_loop3A_769 : i32 to vector<16xi32>
        %parallel_loop3A_771 = arith.andi %parallel_loop3A_764, %parallel_loop3A_770 : vector<16xi32>
        %parallel_loop3A_772 = vector.bitcast %parallel_loop3A_771 : vector<16xi32> to vector<16xf32>
        %parallel_loop3A_773 = vector.broadcast %parallel_loop3A_760 : f32 to vector<16xf32>
        %parallel_loop3A_774 = arith.mulf %parallel_loop3A_773, %parallel_loop3A_768 : vector<16xf32>
        %parallel_loop3A_775 = arith.addf %parallel_loop3A_753, %parallel_loop3A_774 : vector<16xf32>
        %parallel_loop3A_776 = vector.broadcast %parallel_loop3A_760 : f32 to vector<16xf32>
        %parallel_loop3A_777 = arith.mulf %parallel_loop3A_776, %parallel_loop3A_772 : vector<16xf32>
        %parallel_loop3A_778 = arith.addf %parallel_loop3A_756, %parallel_loop3A_777 : vector<16xf32>
        %parallel_loop3A_779 = vector.extract_strided_slice %parallel_loop3A_620 {offsets = [7], sizes = [1], strides = [1]} : vector<16xi32> to vector<1xi32>
        %parallel_loop3A_780 = vector.extract %parallel_loop3A_779[0] : i32 from vector<1xi32>
        %parallel_loop3A_781 = vector.extract_strided_slice %parallel_loop3A_624 {offsets = [7], sizes = [1], strides = [1]} : vector<16xf32> to vector<1xf32>
        %parallel_loop3A_782 = vector.extract %parallel_loop3A_781[0] : f32 from vector<1xf32>
        %parallel_loop3A_783 = arith.index_cast %parallel_loop3A_780 : i32 to index
        %parallel_loop3A_784 = arith.constant 0 : index
        %parallel_loop3A_785 = tpu.vector_load %arg5[%parallel_loop3A_783, %parallel_loop3A_784] {strides = array<i32>} : memref<5440x32xbf16, #tpu.memory_space<vmem>>, vector<32xbf16>,
        %parallel_loop3A_786 = vector.bitcast %parallel_loop3A_785 : vector<32xbf16> to vector<16xi32>
        %parallel_loop3A_787 = arith.constant 16 : i32
        %parallel_loop3A_788 = vector.broadcast %parallel_loop3A_787 : i32 to vector<16xi32>
        %parallel_loop3A_789 = arith.shli %parallel_loop3A_786, %parallel_loop3A_788 : vector<16xi32>
        %parallel_loop3A_790 = vector.bitcast %parallel_loop3A_789 : vector<16xi32> to vector<16xf32>
        %parallel_loop3A_791 = arith.constant -65536 : i32
        %parallel_loop3A_792 = vector.broadcast %parallel_loop3A_791 : i32 to vector<16xi32>
        %parallel_loop3A_793 = arith.andi %parallel_loop3A_786, %parallel_loop3A_792 : vector<16xi32>
        %parallel_loop3A_794 = vector.bitcast %parallel_loop3A_793 : vector<16xi32> to vector<16xf32>
        %parallel_loop3A_795 = vector.broadcast %parallel_loop3A_782 : f32 to vector<16xf32>
        %parallel_loop3A_796 = arith.mulf %parallel_loop3A_795, %parallel_loop3A_790 : vector<16xf32>
        %parallel_loop3A_797 = arith.addf %parallel_loop3A_775, %parallel_loop3A_796 : vector<16xf32>
        %parallel_loop3A_798 = vector.broadcast %parallel_loop3A_782 : f32 to vector<16xf32>
        %parallel_loop3A_799 = arith.mulf %parallel_loop3A_798, %parallel_loop3A_794 : vector<16xf32>
        %parallel_loop3A_800 = arith.addf %parallel_loop3A_778, %parallel_loop3A_799 : vector<16xf32>
        %parallel_loop3A_801 = vector.extract_strided_slice %parallel_loop3A_620 {offsets = [8], sizes = [1], strides = [1]} : vector<16xi32> to vector<1xi32>
        %parallel_loop3A_802 = vector.extract %parallel_loop3A_801[0] : i32 from vector<1xi32>
        %parallel_loop3A_803 = vector.extract_strided_slice %parallel_loop3A_624 {offsets = [8], sizes = [1], strides = [1]} : vector<16xf32> to vector<1xf32>
        %parallel_loop3A_804 = vector.extract %parallel_loop3A_803[0] : f32 from vector<1xf32>
        %parallel_loop3A_805 = arith.index_cast %parallel_loop3A_802 : i32 to index
        %parallel_loop3A_806 = arith.constant 0 : index
        %parallel_loop3A_807 = tpu.vector_load %arg5[%parallel_loop3A_805, %parallel_loop3A_806] {strides = array<i32>} : memref<5440x32xbf16, #tpu.memory_space<vmem>>, vector<32xbf16>,
        %parallel_loop3A_808 = vector.bitcast %parallel_loop3A_807 : vector<32xbf16> to vector<16xi32>
        %parallel_loop3A_809 = arith.constant 16 : i32
        %parallel_loop3A_810 = vector.broadcast %parallel_loop3A_809 : i32 to vector<16xi32>
        %parallel_loop3A_811 = arith.shli %parallel_loop3A_808, %parallel_loop3A_810 : vector<16xi32>
        %parallel_loop3A_812 = vector.bitcast %parallel_loop3A_811 : vector<16xi32> to vector<16xf32>
        %parallel_loop3A_813 = arith.constant -65536 : i32
        %parallel_loop3A_814 = vector.broadcast %parallel_loop3A_813 : i32 to vector<16xi32>
        %parallel_loop3A_815 = arith.andi %parallel_loop3A_808, %parallel_loop3A_814 : vector<16xi32>
        %parallel_loop3A_816 = vector.bitcast %parallel_loop3A_815 : vector<16xi32> to vector<16xf32>
        %parallel_loop3A_817 = vector.broadcast %parallel_loop3A_804 : f32 to vector<16xf32>
        %parallel_loop3A_818 = arith.mulf %parallel_loop3A_817, %parallel_loop3A_812 : vector<16xf32>
        %parallel_loop3A_819 = arith.addf %parallel_loop3A_797, %parallel_loop3A_818 : vector<16xf32>
        %parallel_loop3A_820 = vector.broadcast %parallel_loop3A_804 : f32 to vector<16xf32>
        %parallel_loop3A_821 = arith.mulf %parallel_loop3A_820, %parallel_loop3A_816 : vector<16xf32>
        %parallel_loop3A_822 = arith.addf %parallel_loop3A_800, %parallel_loop3A_821 : vector<16xf32>
        %parallel_loop3A_823 = vector.extract_strided_slice %parallel_loop3A_620 {offsets = [9], sizes = [1], strides = [1]} : vector<16xi32> to vector<1xi32>
        %parallel_loop3A_824 = vector.extract %parallel_loop3A_823[0] : i32 from vector<1xi32>
        %parallel_loop3A_825 = vector.extract_strided_slice %parallel_loop3A_624 {offsets = [9], sizes = [1], strides = [1]} : vector<16xf32> to vector<1xf32>
        %parallel_loop3A_826 = vector.extract %parallel_loop3A_825[0] : f32 from vector<1xf32>
        %parallel_loop3A_827 = arith.index_cast %parallel_loop3A_824 : i32 to index
        %parallel_loop3A_828 = arith.constant 0 : index
        %parallel_loop3A_829 = tpu.vector_load %arg5[%parallel_loop3A_827, %parallel_loop3A_828] {strides = array<i32>} : memref<5440x32xbf16, #tpu.memory_space<vmem>>, vector<32xbf16>,
        %parallel_loop3A_830 = vector.bitcast %parallel_loop3A_829 : vector<32xbf16> to vector<16xi32>
        %parallel_loop3A_831 = arith.constant 16 : i32
        %parallel_loop3A_832 = vector.broadcast %parallel_loop3A_831 : i32 to vector<16xi32>
        %parallel_loop3A_833 = arith.shli %parallel_loop3A_830, %parallel_loop3A_832 : vector<16xi32>
        %parallel_loop3A_834 = vector.bitcast %parallel_loop3A_833 : vector<16xi32> to vector<16xf32>
        %parallel_loop3A_835 = arith.constant -65536 : i32
        %parallel_loop3A_836 = vector.broadcast %parallel_loop3A_835 : i32 to vector<16xi32>
        %parallel_loop3A_837 = arith.andi %parallel_loop3A_830, %parallel_loop3A_836 : vector<16xi32>
        %parallel_loop3A_838 = vector.bitcast %parallel_loop3A_837 : vector<16xi32> to vector<16xf32>
        %parallel_loop3A_839 = vector.broadcast %parallel_loop3A_826 : f32 to vector<16xf32>
        %parallel_loop3A_840 = arith.mulf %parallel_loop3A_839, %parallel_loop3A_834 : vector<16xf32>
        %parallel_loop3A_841 = arith.addf %parallel_loop3A_819, %parallel_loop3A_840 : vector<16xf32>
        %parallel_loop3A_842 = vector.broadcast %parallel_loop3A_826 : f32 to vector<16xf32>
        %parallel_loop3A_843 = arith.mulf %parallel_loop3A_842, %parallel_loop3A_838 : vector<16xf32>
        %parallel_loop3A_844 = arith.addf %parallel_loop3A_822, %parallel_loop3A_843 : vector<16xf32>
        %parallel_loop3A_845 = vector.extract_strided_slice %parallel_loop3A_620 {offsets = [10], sizes = [1], strides = [1]} : vector<16xi32> to vector<1xi32>
        %parallel_loop3A_846 = vector.extract %parallel_loop3A_845[0] : i32 from vector<1xi32>
        %parallel_loop3A_847 = vector.extract_strided_slice %parallel_loop3A_624 {offsets = [10], sizes = [1], strides = [1]} : vector<16xf32> to vector<1xf32>
        %parallel_loop3A_848 = vector.extract %parallel_loop3A_847[0] : f32 from vector<1xf32>
        %parallel_loop3A_849 = arith.index_cast %parallel_loop3A_846 : i32 to index
        %parallel_loop3A_850 = arith.constant 0 : index
        %parallel_loop3A_851 = tpu.vector_load %arg5[%parallel_loop3A_849, %parallel_loop3A_850] {strides = array<i32>} : memref<5440x32xbf16, #tpu.memory_space<vmem>>, vector<32xbf16>,
        %parallel_loop3A_852 = vector.bitcast %parallel_loop3A_851 : vector<32xbf16> to vector<16xi32>
        %parallel_loop3A_853 = arith.constant 16 : i32
        %parallel_loop3A_854 = vector.broadcast %parallel_loop3A_853 : i32 to vector<16xi32>
        %parallel_loop3A_855 = arith.shli %parallel_loop3A_852, %parallel_loop3A_854 : vector<16xi32>
        %parallel_loop3A_856 = vector.bitcast %parallel_loop3A_855 : vector<16xi32> to vector<16xf32>
        %parallel_loop3A_857 = arith.constant -65536 : i32
        %parallel_loop3A_858 = vector.broadcast %parallel_loop3A_857 : i32 to vector<16xi32>
        %parallel_loop3A_859 = arith.andi %parallel_loop3A_852, %parallel_loop3A_858 : vector<16xi32>
        %parallel_loop3A_860 = vector.bitcast %parallel_loop3A_859 : vector<16xi32> to vector<16xf32>
        %parallel_loop3A_861 = vector.broadcast %parallel_loop3A_848 : f32 to vector<16xf32>
        %parallel_loop3A_862 = arith.mulf %parallel_loop3A_861, %parallel_loop3A_856 : vector<16xf32>
        %parallel_loop3A_863 = arith.addf %parallel_loop3A_841, %parallel_loop3A_862 : vector<16xf32>
        %parallel_loop3A_864 = vector.broadcast %parallel_loop3A_848 : f32 to vector<16xf32>
        %parallel_loop3A_865 = arith.mulf %parallel_loop3A_864, %parallel_loop3A_860 : vector<16xf32>
        %parallel_loop3A_866 = arith.addf %parallel_loop3A_844, %parallel_loop3A_865 : vector<16xf32>
        %parallel_loop3A_867 = vector.extract_strided_slice %parallel_loop3A_620 {offsets = [11], sizes = [1], strides = [1]} : vector<16xi32> to vector<1xi32>
        %parallel_loop3A_868 = vector.extract %parallel_loop3A_867[0] : i32 from vector<1xi32>
        %parallel_loop3A_869 = vector.extract_strided_slice %parallel_loop3A_624 {offsets = [11], sizes = [1], strides = [1]} : vector<16xf32> to vector<1xf32>
        %parallel_loop3A_870 = vector.extract %parallel_loop3A_869[0] : f32 from vector<1xf32>
        %parallel_loop3A_871 = arith.index_cast %parallel_loop3A_868 : i32 to index
        %parallel_loop3A_872 = arith.constant 0 : index
        %parallel_loop3A_873 = tpu.vector_load %arg5[%parallel_loop3A_871, %parallel_loop3A_872] {strides = array<i32>} : memref<5440x32xbf16, #tpu.memory_space<vmem>>, vector<32xbf16>,
        %parallel_loop3A_874 = vector.bitcast %parallel_loop3A_873 : vector<32xbf16> to vector<16xi32>
        %parallel_loop3A_875 = arith.constant 16 : i32
        %parallel_loop3A_876 = vector.broadcast %parallel_loop3A_875 : i32 to vector<16xi32>
        %parallel_loop3A_877 = arith.shli %parallel_loop3A_874, %parallel_loop3A_876 : vector<16xi32>
        %parallel_loop3A_878 = vector.bitcast %parallel_loop3A_877 : vector<16xi32> to vector<16xf32>
        %parallel_loop3A_879 = arith.constant -65536 : i32
        %parallel_loop3A_880 = vector.broadcast %parallel_loop3A_879 : i32 to vector<16xi32>
        %parallel_loop3A_881 = arith.andi %parallel_loop3A_874, %parallel_loop3A_880 : vector<16xi32>
        %parallel_loop3A_882 = vector.bitcast %parallel_loop3A_881 : vector<16xi32> to vector<16xf32>
        %parallel_loop3A_883 = vector.broadcast %parallel_loop3A_870 : f32 to vector<16xf32>
        %parallel_loop3A_884 = arith.mulf %parallel_loop3A_883, %parallel_loop3A_878 : vector<16xf32>
        %parallel_loop3A_885 = arith.addf %parallel_loop3A_863, %parallel_loop3A_884 : vector<16xf32>
        %parallel_loop3A_886 = vector.broadcast %parallel_loop3A_870 : f32 to vector<16xf32>
        %parallel_loop3A_887 = arith.mulf %parallel_loop3A_886, %parallel_loop3A_882 : vector<16xf32>
        %parallel_loop3A_888 = arith.addf %parallel_loop3A_866, %parallel_loop3A_887 : vector<16xf32>
        %parallel_loop3A_889 = vector.extract_strided_slice %parallel_loop3A_620 {offsets = [12], sizes = [1], strides = [1]} : vector<16xi32> to vector<1xi32>
        %parallel_loop3A_890 = vector.extract %parallel_loop3A_889[0] : i32 from vector<1xi32>
        %parallel_loop3A_891 = vector.extract_strided_slice %parallel_loop3A_624 {offsets = [12], sizes = [1], strides = [1]} : vector<16xf32> to vector<1xf32>
        %parallel_loop3A_892 = vector.extract %parallel_loop3A_891[0] : f32 from vector<1xf32>
        %parallel_loop3A_893 = arith.index_cast %parallel_loop3A_890 : i32 to index
        %parallel_loop3A_894 = arith.constant 0 : index
        %parallel_loop3A_895 = tpu.vector_load %arg5[%parallel_loop3A_893, %parallel_loop3A_894] {strides = array<i32>} : memref<5440x32xbf16, #tpu.memory_space<vmem>>, vector<32xbf16>,
        %parallel_loop3A_896 = vector.bitcast %parallel_loop3A_895 : vector<32xbf16> to vector<16xi32>
        %parallel_loop3A_897 = arith.constant 16 : i32
        %parallel_loop3A_898 = vector.broadcast %parallel_loop3A_897 : i32 to vector<16xi32>
        %parallel_loop3A_899 = arith.shli %parallel_loop3A_896, %parallel_loop3A_898 : vector<16xi32>
        %parallel_loop3A_900 = vector.bitcast %parallel_loop3A_899 : vector<16xi32> to vector<16xf32>
        %parallel_loop3A_901 = arith.constant -65536 : i32
        %parallel_loop3A_902 = vector.broadcast %parallel_loop3A_901 : i32 to vector<16xi32>
        %parallel_loop3A_903 = arith.andi %parallel_loop3A_896, %parallel_loop3A_902 : vector<16xi32>
        %parallel_loop3A_904 = vector.bitcast %parallel_loop3A_903 : vector<16xi32> to vector<16xf32>
        %parallel_loop3A_905 = vector.broadcast %parallel_loop3A_892 : f32 to vector<16xf32>
        %parallel_loop3A_906 = arith.mulf %parallel_loop3A_905, %parallel_loop3A_900 : vector<16xf32>
        %parallel_loop3A_907 = arith.addf %parallel_loop3A_885, %parallel_loop3A_906 : vector<16xf32>
        %parallel_loop3A_908 = vector.broadcast %parallel_loop3A_892 : f32 to vector<16xf32>
        %parallel_loop3A_909 = arith.mulf %parallel_loop3A_908, %parallel_loop3A_904 : vector<16xf32>
        %parallel_loop3A_910 = arith.addf %parallel_loop3A_888, %parallel_loop3A_909 : vector<16xf32>
        %parallel_loop3A_911 = vector.extract_strided_slice %parallel_loop3A_620 {offsets = [13], sizes = [1], strides = [1]} : vector<16xi32> to vector<1xi32>
        %parallel_loop3A_912 = vector.extract %parallel_loop3A_911[0] : i32 from vector<1xi32>
        %parallel_loop3A_913 = vector.extract_strided_slice %parallel_loop3A_624 {offsets = [13], sizes = [1], strides = [1]} : vector<16xf32> to vector<1xf32>
        %parallel_loop3A_914 = vector.extract %parallel_loop3A_913[0] : f32 from vector<1xf32>
        %parallel_loop3A_915 = arith.index_cast %parallel_loop3A_912 : i32 to index
        %parallel_loop3A_916 = arith.constant 0 : index
        %parallel_loop3A_917 = tpu.vector_load %arg5[%parallel_loop3A_915, %parallel_loop3A_916] {strides = array<i32>} : memref<5440x32xbf16, #tpu.memory_space<vmem>>, vector<32xbf16>,
        %parallel_loop3A_918 = vector.bitcast %parallel_loop3A_917 : vector<32xbf16> to vector<16xi32>
        %parallel_loop3A_919 = arith.constant 16 : i32
        %parallel_loop3A_920 = vector.broadcast %parallel_loop3A_919 : i32 to vector<16xi32>
        %parallel_loop3A_921 = arith.shli %parallel_loop3A_918, %parallel_loop3A_920 : vector<16xi32>
        %parallel_loop3A_922 = vector.bitcast %parallel_loop3A_921 : vector<16xi32> to vector<16xf32>
        %parallel_loop3A_923 = arith.constant -65536 : i32
        %parallel_loop3A_924 = vector.broadcast %parallel_loop3A_923 : i32 to vector<16xi32>
        %parallel_loop3A_925 = arith.andi %parallel_loop3A_918, %parallel_loop3A_924 : vector<16xi32>
        %parallel_loop3A_926 = vector.bitcast %parallel_loop3A_925 : vector<16xi32> to vector<16xf32>
        %parallel_loop3A_927 = vector.broadcast %parallel_loop3A_914 : f32 to vector<16xf32>
        %parallel_loop3A_928 = arith.mulf %parallel_loop3A_927, %parallel_loop3A_922 : vector<16xf32>
        %parallel_loop3A_929 = arith.addf %parallel_loop3A_907, %parallel_loop3A_928 : vector<16xf32>
        %parallel_loop3A_930 = vector.broadcast %parallel_loop3A_914 : f32 to vector<16xf32>
        %parallel_loop3A_931 = arith.mulf %parallel_loop3A_930, %parallel_loop3A_926 : vector<16xf32>
        %parallel_loop3A_932 = arith.addf %parallel_loop3A_910, %parallel_loop3A_931 : vector<16xf32>
        %parallel_loop3A_933 = vector.extract_strided_slice %parallel_loop3A_620 {offsets = [14], sizes = [1], strides = [1]} : vector<16xi32> to vector<1xi32>
        %parallel_loop3A_934 = vector.extract %parallel_loop3A_933[0] : i32 from vector<1xi32>
        %parallel_loop3A_935 = vector.extract_strided_slice %parallel_loop3A_624 {offsets = [14], sizes = [1], strides = [1]} : vector<16xf32> to vector<1xf32>
        %parallel_loop3A_936 = vector.extract %parallel_loop3A_935[0] : f32 from vector<1xf32>
        %parallel_loop3A_937 = arith.index_cast %parallel_loop3A_934 : i32 to index
        %parallel_loop3A_938 = arith.constant 0 : index
        %parallel_loop3A_939 = tpu.vector_load %arg5[%parallel_loop3A_937, %parallel_loop3A_938] {strides = array<i32>} : memref<5440x32xbf16, #tpu.memory_space<vmem>>, vector<32xbf16>,
        %parallel_loop3A_940 = vector.bitcast %parallel_loop3A_939 : vector<32xbf16> to vector<16xi32>
        %parallel_loop3A_941 = arith.constant 16 : i32
        %parallel_loop3A_942 = vector.broadcast %parallel_loop3A_941 : i32 to vector<16xi32>
        %parallel_loop3A_943 = arith.shli %parallel_loop3A_940, %parallel_loop3A_942 : vector<16xi32>
        %parallel_loop3A_944 = vector.bitcast %parallel_loop3A_943 : vector<16xi32> to vector<16xf32>
        %parallel_loop3A_945 = arith.constant -65536 : i32
        %parallel_loop3A_946 = vector.broadcast %parallel_loop3A_945 : i32 to vector<16xi32>
        %parallel_loop3A_947 = arith.andi %parallel_loop3A_940, %parallel_loop3A_946 : vector<16xi32>
        %parallel_loop3A_948 = vector.bitcast %parallel_loop3A_947 : vector<16xi32> to vector<16xf32>
        %parallel_loop3A_949 = vector.broadcast %parallel_loop3A_936 : f32 to vector<16xf32>
        %parallel_loop3A_950 = arith.mulf %parallel_loop3A_949, %parallel_loop3A_944 : vector<16xf32>
        %parallel_loop3A_951 = arith.addf %parallel_loop3A_929, %parallel_loop3A_950 : vector<16xf32>
        %parallel_loop3A_952 = vector.broadcast %parallel_loop3A_936 : f32 to vector<16xf32>
        %parallel_loop3A_953 = arith.mulf %parallel_loop3A_952, %parallel_loop3A_948 : vector<16xf32>
        %parallel_loop3A_954 = arith.addf %parallel_loop3A_932, %parallel_loop3A_953 : vector<16xf32>
        %parallel_loop3A_955 = vector.extract_strided_slice %parallel_loop3A_620 {offsets = [15], sizes = [1], strides = [1]} : vector<16xi32> to vector<1xi32>
        %parallel_loop3A_956 = vector.extract %parallel_loop3A_955[0] : i32 from vector<1xi32>
        %parallel_loop3A_957 = vector.extract_strided_slice %parallel_loop3A_624 {offsets = [15], sizes = [1], strides = [1]} : vector<16xf32> to vector<1xf32>
        %parallel_loop3A_958 = vector.extract %parallel_loop3A_957[0] : f32 from vector<1xf32>
        %parallel_loop3A_959 = arith.index_cast %parallel_loop3A_956 : i32 to index
        %parallel_loop3A_960 = arith.constant 0 : index
        %parallel_loop3A_961 = tpu.vector_load %arg5[%parallel_loop3A_959, %parallel_loop3A_960] {strides = array<i32>} : memref<5440x32xbf16, #tpu.memory_space<vmem>>, vector<32xbf16>,
        %parallel_loop3A_962 = vector.bitcast %parallel_loop3A_961 : vector<32xbf16> to vector<16xi32>
        %parallel_loop3A_963 = arith.constant 16 : i32
        %parallel_loop3A_964 = vector.broadcast %parallel_loop3A_963 : i32 to vector<16xi32>
        %parallel_loop3A_965 = arith.shli %parallel_loop3A_962, %parallel_loop3A_964 : vector<16xi32>
        %parallel_loop3A_966 = vector.bitcast %parallel_loop3A_965 : vector<16xi32> to vector<16xf32>
        %parallel_loop3A_967 = arith.constant -65536 : i32
        %parallel_loop3A_968 = vector.broadcast %parallel_loop3A_967 : i32 to vector<16xi32>
        %parallel_loop3A_969 = arith.andi %parallel_loop3A_962, %parallel_loop3A_968 : vector<16xi32>
        %parallel_loop3A_970 = vector.bitcast %parallel_loop3A_969 : vector<16xi32> to vector<16xf32>
        %parallel_loop3A_971 = vector.broadcast %parallel_loop3A_958 : f32 to vector<16xf32>
        %parallel_loop3A_972 = arith.mulf %parallel_loop3A_971, %parallel_loop3A_966 : vector<16xf32>
        %parallel_loop3A_973 = arith.addf %parallel_loop3A_951, %parallel_loop3A_972 : vector<16xf32>
        %parallel_loop3A_974 = vector.broadcast %parallel_loop3A_958 : f32 to vector<16xf32>
        %parallel_loop3A_975 = arith.mulf %parallel_loop3A_974, %parallel_loop3A_970 : vector<16xf32>
        %parallel_loop3A_976 = arith.addf %parallel_loop3A_954, %parallel_loop3A_975 : vector<16xf32>
        %parallel_loop3A_977 = arith.constant 1 : i32
        %parallel_loop3A_978 = arith.index_cast %parallel_loop3A_977 : i32 to index
        %parallel_loop3A_979 = arith.index_cast %parallel_loop3A_608 : i32 to index
        %parallel_loop3A_980 = arith.constant 0 : index
        %parallel_loop3A_981 = tpu.vector_load %arg6[%parallel_loop3A_978, %parallel_loop3A_979, %parallel_loop3A_980] {strides = array<i32>} : memref<4x50x16xi32, #tpu.memory_space<vmem>>, vector<16xi32>,
        %parallel_loop3A_982 = arith.constant 65535 : i32
        %parallel_loop3A_983 = vector.broadcast %parallel_loop3A_982 : i32 to vector<16xi32>
        %parallel_loop3A_984 = arith.andi %parallel_loop3A_981, %parallel_loop3A_983 : vector<16xi32>
        %parallel_loop3A_985 = arith.constant -65536 : i32
        %parallel_loop3A_986 = vector.broadcast %parallel_loop3A_985 : i32 to vector<16xi32>
        %parallel_loop3A_987 = arith.andi %parallel_loop3A_981, %parallel_loop3A_986 : vector<16xi32>
        %parallel_loop3A_988 = vector.bitcast %parallel_loop3A_987 : vector<16xi32> to vector<16xf32>
        %parallel_loop3A_989 = vector.extract_strided_slice %parallel_loop3A_984 {offsets = [0], sizes = [1], strides = [1]} : vector<16xi32> to vector<1xi32>
        %parallel_loop3A_990 = vector.extract %parallel_loop3A_989[0] : i32 from vector<1xi32>
        %parallel_loop3A_991 = vector.extract_strided_slice %parallel_loop3A_988 {offsets = [0], sizes = [1], strides = [1]} : vector<16xf32> to vector<1xf32>
        %parallel_loop3A_992 = vector.extract %parallel_loop3A_991[0] : f32 from vector<1xf32>
        %parallel_loop3A_993 = arith.index_cast %parallel_loop3A_990 : i32 to index
        %parallel_loop3A_994 = arith.constant 0 : index
        %parallel_loop3A_995 = tpu.vector_load %arg5[%parallel_loop3A_993, %parallel_loop3A_994] {strides = array<i32>} : memref<5440x32xbf16, #tpu.memory_space<vmem>>, vector<32xbf16>,
        %parallel_loop3A_996 = vector.bitcast %parallel_loop3A_995 : vector<32xbf16> to vector<16xi32>
        %parallel_loop3A_997 = arith.constant 16 : i32
        %parallel_loop3A_998 = vector.broadcast %parallel_loop3A_997 : i32 to vector<16xi32>
        %parallel_loop3A_999 = arith.shli %parallel_loop3A_996, %parallel_loop3A_998 : vector<16xi32>
        %parallel_loop3A_1000 = vector.bitcast %parallel_loop3A_999 : vector<16xi32> to vector<16xf32>
        %parallel_loop3A_1001 = arith.constant -65536 : i32
        %parallel_loop3A_1002 = vector.broadcast %parallel_loop3A_1001 : i32 to vector<16xi32>
        %parallel_loop3A_1003 = arith.andi %parallel_loop3A_996, %parallel_loop3A_1002 : vector<16xi32>
        %parallel_loop3A_1004 = vector.bitcast %parallel_loop3A_1003 : vector<16xi32> to vector<16xf32>
        %parallel_loop3A_1005 = vector.broadcast %parallel_loop3A_992 : f32 to vector<16xf32>
        %parallel_loop3A_1006 = arith.mulf %parallel_loop3A_1005, %parallel_loop3A_1000 : vector<16xf32>
        %parallel_loop3A_1007 = arith.addf %parallel_loop3A_973, %parallel_loop3A_1006 : vector<16xf32>
        %parallel_loop3A_1008 = vector.broadcast %parallel_loop3A_992 : f32 to vector<16xf32>
        %parallel_loop3A_1009 = arith.mulf %parallel_loop3A_1008, %parallel_loop3A_1004 : vector<16xf32>
        %parallel_loop3A_1010 = arith.addf %parallel_loop3A_976, %parallel_loop3A_1009 : vector<16xf32>
        %parallel_loop3A_1011 = vector.extract_strided_slice %parallel_loop3A_984 {offsets = [1], sizes = [1], strides = [1]} : vector<16xi32> to vector<1xi32>
        %parallel_loop3A_1012 = vector.extract %parallel_loop3A_1011[0] : i32 from vector<1xi32>
        %parallel_loop3A_1013 = vector.extract_strided_slice %parallel_loop3A_988 {offsets = [1], sizes = [1], strides = [1]} : vector<16xf32> to vector<1xf32>
        %parallel_loop3A_1014 = vector.extract %parallel_loop3A_1013[0] : f32 from vector<1xf32>
        %parallel_loop3A_1015 = arith.index_cast %parallel_loop3A_1012 : i32 to index
        %parallel_loop3A_1016 = arith.constant 0 : index
        %parallel_loop3A_1017 = tpu.vector_load %arg5[%parallel_loop3A_1015, %parallel_loop3A_1016] {strides = array<i32>} : memref<5440x32xbf16, #tpu.memory_space<vmem>>, vector<32xbf16>,
        %parallel_loop3A_1018 = vector.bitcast %parallel_loop3A_1017 : vector<32xbf16> to vector<16xi32>
        %parallel_loop3A_1019 = arith.constant 16 : i32
        %parallel_loop3A_1020 = vector.broadcast %parallel_loop3A_1019 : i32 to vector<16xi32>
        %parallel_loop3A_1021 = arith.shli %parallel_loop3A_1018, %parallel_loop3A_1020 : vector<16xi32>
        %parallel_loop3A_1022 = vector.bitcast %parallel_loop3A_1021 : vector<16xi32> to vector<16xf32>
        %parallel_loop3A_1023 = arith.constant -65536 : i32
        %parallel_loop3A_1024 = vector.broadcast %parallel_loop3A_1023 : i32 to vector<16xi32>
        %parallel_loop3A_1025 = arith.andi %parallel_loop3A_1018, %parallel_loop3A_1024 : vector<16xi32>
        %parallel_loop3A_1026 = vector.bitcast %parallel_loop3A_1025 : vector<16xi32> to vector<16xf32>
        %parallel_loop3A_1027 = vector.broadcast %parallel_loop3A_1014 : f32 to vector<16xf32>
        %parallel_loop3A_1028 = arith.mulf %parallel_loop3A_1027, %parallel_loop3A_1022 : vector<16xf32>
        %parallel_loop3A_1029 = arith.addf %parallel_loop3A_1007, %parallel_loop3A_1028 : vector<16xf32>
        %parallel_loop3A_1030 = vector.broadcast %parallel_loop3A_1014 : f32 to vector<16xf32>
        %parallel_loop3A_1031 = arith.mulf %parallel_loop3A_1030, %parallel_loop3A_1026 : vector<16xf32>
        %parallel_loop3A_1032 = arith.addf %parallel_loop3A_1010, %parallel_loop3A_1031 : vector<16xf32>
        %parallel_loop3A_1033 = vector.extract_strided_slice %parallel_loop3A_984 {offsets = [2], sizes = [1], strides = [1]} : vector<16xi32> to vector<1xi32>
        %parallel_loop3A_1034 = vector.extract %parallel_loop3A_1033[0] : i32 from vector<1xi32>
        %parallel_loop3A_1035 = vector.extract_strided_slice %parallel_loop3A_988 {offsets = [2], sizes = [1], strides = [1]} : vector<16xf32> to vector<1xf32>
        %parallel_loop3A_1036 = vector.extract %parallel_loop3A_1035[0] : f32 from vector<1xf32>
        %parallel_loop3A_1037 = arith.index_cast %parallel_loop3A_1034 : i32 to index
        %parallel_loop3A_1038 = arith.constant 0 : index
        %parallel_loop3A_1039 = tpu.vector_load %arg5[%parallel_loop3A_1037, %parallel_loop3A_1038] {strides = array<i32>} : memref<5440x32xbf16, #tpu.memory_space<vmem>>, vector<32xbf16>,
        %parallel_loop3A_1040 = vector.bitcast %parallel_loop3A_1039 : vector<32xbf16> to vector<16xi32>
        %parallel_loop3A_1041 = arith.constant 16 : i32
        %parallel_loop3A_1042 = vector.broadcast %parallel_loop3A_1041 : i32 to vector<16xi32>
        %parallel_loop3A_1043 = arith.shli %parallel_loop3A_1040, %parallel_loop3A_1042 : vector<16xi32>
        %parallel_loop3A_1044 = vector.bitcast %parallel_loop3A_1043 : vector<16xi32> to vector<16xf32>
        %parallel_loop3A_1045 = arith.constant -65536 : i32
        %parallel_loop3A_1046 = vector.broadcast %parallel_loop3A_1045 : i32 to vector<16xi32>
        %parallel_loop3A_1047 = arith.andi %parallel_loop3A_1040, %parallel_loop3A_1046 : vector<16xi32>
        %parallel_loop3A_1048 = vector.bitcast %parallel_loop3A_1047 : vector<16xi32> to vector<16xf32>
        %parallel_loop3A_1049 = vector.broadcast %parallel_loop3A_1036 : f32 to vector<16xf32>
        %parallel_loop3A_1050 = arith.mulf %parallel_loop3A_1049, %parallel_loop3A_1044 : vector<16xf32>
        %parallel_loop3A_1051 = arith.addf %parallel_loop3A_1029, %parallel_loop3A_1050 : vector<16xf32>
        %parallel_loop3A_1052 = vector.broadcast %parallel_loop3A_1036 : f32 to vector<16xf32>
        %parallel_loop3A_1053 = arith.mulf %parallel_loop3A_1052, %parallel_loop3A_1048 : vector<16xf32>
        %parallel_loop3A_1054 = arith.addf %parallel_loop3A_1032, %parallel_loop3A_1053 : vector<16xf32>
        %parallel_loop3A_1055 = vector.extract_strided_slice %parallel_loop3A_984 {offsets = [3], sizes = [1], strides = [1]} : vector<16xi32> to vector<1xi32>
        %parallel_loop3A_1056 = vector.extract %parallel_loop3A_1055[0] : i32 from vector<1xi32>
        %parallel_loop3A_1057 = vector.extract_strided_slice %parallel_loop3A_988 {offsets = [3], sizes = [1], strides = [1]} : vector<16xf32> to vector<1xf32>
        %parallel_loop3A_1058 = vector.extract %parallel_loop3A_1057[0] : f32 from vector<1xf32>
        %parallel_loop3A_1059 = arith.index_cast %parallel_loop3A_1056 : i32 to index
        %parallel_loop3A_1060 = arith.constant 0 : index
        %parallel_loop3A_1061 = tpu.vector_load %arg5[%parallel_loop3A_1059, %parallel_loop3A_1060] {strides = array<i32>} : memref<5440x32xbf16, #tpu.memory_space<vmem>>, vector<32xbf16>,
        %parallel_loop3A_1062 = vector.bitcast %parallel_loop3A_1061 : vector<32xbf16> to vector<16xi32>
        %parallel_loop3A_1063 = arith.constant 16 : i32
        %parallel_loop3A_1064 = vector.broadcast %parallel_loop3A_1063 : i32 to vector<16xi32>
        %parallel_loop3A_1065 = arith.shli %parallel_loop3A_1062, %parallel_loop3A_1064 : vector<16xi32>
        %parallel_loop3A_1066 = vector.bitcast %parallel_loop3A_1065 : vector<16xi32> to vector<16xf32>
        %parallel_loop3A_1067 = arith.constant -65536 : i32
        %parallel_loop3A_1068 = vector.broadcast %parallel_loop3A_1067 : i32 to vector<16xi32>
        %parallel_loop3A_1069 = arith.andi %parallel_loop3A_1062, %parallel_loop3A_1068 : vector<16xi32>
        %parallel_loop3A_1070 = vector.bitcast %parallel_loop3A_1069 : vector<16xi32> to vector<16xf32>
        %parallel_loop3A_1071 = vector.broadcast %parallel_loop3A_1058 : f32 to vector<16xf32>
        %parallel_loop3A_1072 = arith.mulf %parallel_loop3A_1071, %parallel_loop3A_1066 : vector<16xf32>
        %parallel_loop3A_1073 = arith.addf %parallel_loop3A_1051, %parallel_loop3A_1072 : vector<16xf32>
        %parallel_loop3A_1074 = vector.broadcast %parallel_loop3A_1058 : f32 to vector<16xf32>
        %parallel_loop3A_1075 = arith.mulf %parallel_loop3A_1074, %parallel_loop3A_1070 : vector<16xf32>
        %parallel_loop3A_1076 = arith.addf %parallel_loop3A_1054, %parallel_loop3A_1075 : vector<16xf32>
        %parallel_loop3A_1077 = vector.extract_strided_slice %parallel_loop3A_984 {offsets = [4], sizes = [1], strides = [1]} : vector<16xi32> to vector<1xi32>
        %parallel_loop3A_1078 = vector.extract %parallel_loop3A_1077[0] : i32 from vector<1xi32>
        %parallel_loop3A_1079 = vector.extract_strided_slice %parallel_loop3A_988 {offsets = [4], sizes = [1], strides = [1]} : vector<16xf32> to vector<1xf32>
        %parallel_loop3A_1080 = vector.extract %parallel_loop3A_1079[0] : f32 from vector<1xf32>
        %parallel_loop3A_1081 = arith.index_cast %parallel_loop3A_1078 : i32 to index
        %parallel_loop3A_1082 = arith.constant 0 : index
        %parallel_loop3A_1083 = tpu.vector_load %arg5[%parallel_loop3A_1081, %parallel_loop3A_1082] {strides = array<i32>} : memref<5440x32xbf16, #tpu.memory_space<vmem>>, vector<32xbf16>,
        %parallel_loop3A_1084 = vector.bitcast %parallel_loop3A_1083 : vector<32xbf16> to vector<16xi32>
        %parallel_loop3A_1085 = arith.constant 16 : i32
        %parallel_loop3A_1086 = vector.broadcast %parallel_loop3A_1085 : i32 to vector<16xi32>
        %parallel_loop3A_1087 = arith.shli %parallel_loop3A_1084, %parallel_loop3A_1086 : vector<16xi32>
        %parallel_loop3A_1088 = vector.bitcast %parallel_loop3A_1087 : vector<16xi32> to vector<16xf32>
        %parallel_loop3A_1089 = arith.constant -65536 : i32
        %parallel_loop3A_1090 = vector.broadcast %parallel_loop3A_1089 : i32 to vector<16xi32>
        %parallel_loop3A_1091 = arith.andi %parallel_loop3A_1084, %parallel_loop3A_1090 : vector<16xi32>
        %parallel_loop3A_1092 = vector.bitcast %parallel_loop3A_1091 : vector<16xi32> to vector<16xf32>
        %parallel_loop3A_1093 = vector.broadcast %parallel_loop3A_1080 : f32 to vector<16xf32>
        %parallel_loop3A_1094 = arith.mulf %parallel_loop3A_1093, %parallel_loop3A_1088 : vector<16xf32>
        %parallel_loop3A_1095 = arith.addf %parallel_loop3A_1073, %parallel_loop3A_1094 : vector<16xf32>
        %parallel_loop3A_1096 = vector.broadcast %parallel_loop3A_1080 : f32 to vector<16xf32>
        %parallel_loop3A_1097 = arith.mulf %parallel_loop3A_1096, %parallel_loop3A_1092 : vector<16xf32>
        %parallel_loop3A_1098 = arith.addf %parallel_loop3A_1076, %parallel_loop3A_1097 : vector<16xf32>
        %parallel_loop3A_1099 = vector.extract_strided_slice %parallel_loop3A_984 {offsets = [5], sizes = [1], strides = [1]} : vector<16xi32> to vector<1xi32>
        %parallel_loop3A_1100 = vector.extract %parallel_loop3A_1099[0] : i32 from vector<1xi32>
        %parallel_loop3A_1101 = vector.extract_strided_slice %parallel_loop3A_988 {offsets = [5], sizes = [1], strides = [1]} : vector<16xf32> to vector<1xf32>
        %parallel_loop3A_1102 = vector.extract %parallel_loop3A_1101[0] : f32 from vector<1xf32>
        %parallel_loop3A_1103 = arith.index_cast %parallel_loop3A_1100 : i32 to index
        %parallel_loop3A_1104 = arith.constant 0 : index
        %parallel_loop3A_1105 = tpu.vector_load %arg5[%parallel_loop3A_1103, %parallel_loop3A_1104] {strides = array<i32>} : memref<5440x32xbf16, #tpu.memory_space<vmem>>, vector<32xbf16>,
        %parallel_loop3A_1106 = vector.bitcast %parallel_loop3A_1105 : vector<32xbf16> to vector<16xi32>
        %parallel_loop3A_1107 = arith.constant 16 : i32
        %parallel_loop3A_1108 = vector.broadcast %parallel_loop3A_1107 : i32 to vector<16xi32>
        %parallel_loop3A_1109 = arith.shli %parallel_loop3A_1106, %parallel_loop3A_1108 : vector<16xi32>
        %parallel_loop3A_1110 = vector.bitcast %parallel_loop3A_1109 : vector<16xi32> to vector<16xf32>
        %parallel_loop3A_1111 = arith.constant -65536 : i32
        %parallel_loop3A_1112 = vector.broadcast %parallel_loop3A_1111 : i32 to vector<16xi32>
        %parallel_loop3A_1113 = arith.andi %parallel_loop3A_1106, %parallel_loop3A_1112 : vector<16xi32>
        %parallel_loop3A_1114 = vector.bitcast %parallel_loop3A_1113 : vector<16xi32> to vector<16xf32>
        %parallel_loop3A_1115 = vector.broadcast %parallel_loop3A_1102 : f32 to vector<16xf32>
        %parallel_loop3A_1116 = arith.mulf %parallel_loop3A_1115, %parallel_loop3A_1110 : vector<16xf32>
        %parallel_loop3A_1117 = arith.addf %parallel_loop3A_1095, %parallel_loop3A_1116 : vector<16xf32>
        %parallel_loop3A_1118 = vector.broadcast %parallel_loop3A_1102 : f32 to vector<16xf32>
        %parallel_loop3A_1119 = arith.mulf %parallel_loop3A_1118, %parallel_loop3A_1114 : vector<16xf32>
        %parallel_loop3A_1120 = arith.addf %parallel_loop3A_1098, %parallel_loop3A_1119 : vector<16xf32>
        %parallel_loop3A_1121 = vector.extract_strided_slice %parallel_loop3A_984 {offsets = [6], sizes = [1], strides = [1]} : vector<16xi32> to vector<1xi32>
        %parallel_loop3A_1122 = vector.extract %parallel_loop3A_1121[0] : i32 from vector<1xi32>
        %parallel_loop3A_1123 = vector.extract_strided_slice %parallel_loop3A_988 {offsets = [6], sizes = [1], strides = [1]} : vector<16xf32> to vector<1xf32>
        %parallel_loop3A_1124 = vector.extract %parallel_loop3A_1123[0] : f32 from vector<1xf32>
        %parallel_loop3A_1125 = arith.index_cast %parallel_loop3A_1122 : i32 to index
        %parallel_loop3A_1126 = arith.constant 0 : index
        %parallel_loop3A_1127 = tpu.vector_load %arg5[%parallel_loop3A_1125, %parallel_loop3A_1126] {strides = array<i32>} : memref<5440x32xbf16, #tpu.memory_space<vmem>>, vector<32xbf16>,
        %parallel_loop3A_1128 = vector.bitcast %parallel_loop3A_1127 : vector<32xbf16> to vector<16xi32>
        %parallel_loop3A_1129 = arith.constant 16 : i32
        %parallel_loop3A_1130 = vector.broadcast %parallel_loop3A_1129 : i32 to vector<16xi32>
        %parallel_loop3A_1131 = arith.shli %parallel_loop3A_1128, %parallel_loop3A_1130 : vector<16xi32>
        %parallel_loop3A_1132 = vector.bitcast %parallel_loop3A_1131 : vector<16xi32> to vector<16xf32>
        %parallel_loop3A_1133 = arith.constant -65536 : i32
        %parallel_loop3A_1134 = vector.broadcast %parallel_loop3A_1133 : i32 to vector<16xi32>
        %parallel_loop3A_1135 = arith.andi %parallel_loop3A_1128, %parallel_loop3A_1134 : vector<16xi32>
        %parallel_loop3A_1136 = vector.bitcast %parallel_loop3A_1135 : vector<16xi32> to vector<16xf32>
        %parallel_loop3A_1137 = vector.broadcast %parallel_loop3A_1124 : f32 to vector<16xf32>
        %parallel_loop3A_1138 = arith.mulf %parallel_loop3A_1137, %parallel_loop3A_1132 : vector<16xf32>
        %parallel_loop3A_1139 = arith.addf %parallel_loop3A_1117, %parallel_loop3A_1138 : vector<16xf32>
        %parallel_loop3A_1140 = vector.broadcast %parallel_loop3A_1124 : f32 to vector<16xf32>
        %parallel_loop3A_1141 = arith.mulf %parallel_loop3A_1140, %parallel_loop3A_1136 : vector<16xf32>
        %parallel_loop3A_1142 = arith.addf %parallel_loop3A_1120, %parallel_loop3A_1141 : vector<16xf32>
        %parallel_loop3A_1143 = vector.extract_strided_slice %parallel_loop3A_984 {offsets = [7], sizes = [1], strides = [1]} : vector<16xi32> to vector<1xi32>
        %parallel_loop3A_1144 = vector.extract %parallel_loop3A_1143[0] : i32 from vector<1xi32>
        %parallel_loop3A_1145 = vector.extract_strided_slice %parallel_loop3A_988 {offsets = [7], sizes = [1], strides = [1]} : vector<16xf32> to vector<1xf32>
        %parallel_loop3A_1146 = vector.extract %parallel_loop3A_1145[0] : f32 from vector<1xf32>
        %parallel_loop3A_1147 = arith.index_cast %parallel_loop3A_1144 : i32 to index
        %parallel_loop3A_1148 = arith.constant 0 : index
        %parallel_loop3A_1149 = tpu.vector_load %arg5[%parallel_loop3A_1147, %parallel_loop3A_1148] {strides = array<i32>} : memref<5440x32xbf16, #tpu.memory_space<vmem>>, vector<32xbf16>,
        %parallel_loop3A_1150 = vector.bitcast %parallel_loop3A_1149 : vector<32xbf16> to vector<16xi32>
        %parallel_loop3A_1151 = arith.constant 16 : i32
        %parallel_loop3A_1152 = vector.broadcast %parallel_loop3A_1151 : i32 to vector<16xi32>
        %parallel_loop3A_1153 = arith.shli %parallel_loop3A_1150, %parallel_loop3A_1152 : vector<16xi32>
        %parallel_loop3A_1154 = vector.bitcast %parallel_loop3A_1153 : vector<16xi32> to vector<16xf32>
        %parallel_loop3A_1155 = arith.constant -65536 : i32
        %parallel_loop3A_1156 = vector.broadcast %parallel_loop3A_1155 : i32 to vector<16xi32>
        %parallel_loop3A_1157 = arith.andi %parallel_loop3A_1150, %parallel_loop3A_1156 : vector<16xi32>
        %parallel_loop3A_1158 = vector.bitcast %parallel_loop3A_1157 : vector<16xi32> to vector<16xf32>
        %parallel_loop3A_1159 = vector.broadcast %parallel_loop3A_1146 : f32 to vector<16xf32>
        %parallel_loop3A_1160 = arith.mulf %parallel_loop3A_1159, %parallel_loop3A_1154 : vector<16xf32>
        %parallel_loop3A_1161 = arith.addf %parallel_loop3A_1139, %parallel_loop3A_1160 : vector<16xf32>
        %parallel_loop3A_1162 = vector.broadcast %parallel_loop3A_1146 : f32 to vector<16xf32>
        %parallel_loop3A_1163 = arith.mulf %parallel_loop3A_1162, %parallel_loop3A_1158 : vector<16xf32>
        %parallel_loop3A_1164 = arith.addf %parallel_loop3A_1142, %parallel_loop3A_1163 : vector<16xf32>
        %parallel_loop3A_1165 = vector.extract_strided_slice %parallel_loop3A_984 {offsets = [8], sizes = [1], strides = [1]} : vector<16xi32> to vector<1xi32>
        %parallel_loop3A_1166 = vector.extract %parallel_loop3A_1165[0] : i32 from vector<1xi32>
        %parallel_loop3A_1167 = vector.extract_strided_slice %parallel_loop3A_988 {offsets = [8], sizes = [1], strides = [1]} : vector<16xf32> to vector<1xf32>
        %parallel_loop3A_1168 = vector.extract %parallel_loop3A_1167[0] : f32 from vector<1xf32>
        %parallel_loop3A_1169 = arith.index_cast %parallel_loop3A_1166 : i32 to index
        %parallel_loop3A_1170 = arith.constant 0 : index
        %parallel_loop3A_1171 = tpu.vector_load %arg5[%parallel_loop3A_1169, %parallel_loop3A_1170] {strides = array<i32>} : memref<5440x32xbf16, #tpu.memory_space<vmem>>, vector<32xbf16>,
        %parallel_loop3A_1172 = vector.bitcast %parallel_loop3A_1171 : vector<32xbf16> to vector<16xi32>
        %parallel_loop3A_1173 = arith.constant 16 : i32
        %parallel_loop3A_1174 = vector.broadcast %parallel_loop3A_1173 : i32 to vector<16xi32>
        %parallel_loop3A_1175 = arith.shli %parallel_loop3A_1172, %parallel_loop3A_1174 : vector<16xi32>
        %parallel_loop3A_1176 = vector.bitcast %parallel_loop3A_1175 : vector<16xi32> to vector<16xf32>
        %parallel_loop3A_1177 = arith.constant -65536 : i32
        %parallel_loop3A_1178 = vector.broadcast %parallel_loop3A_1177 : i32 to vector<16xi32>
        %parallel_loop3A_1179 = arith.andi %parallel_loop3A_1172, %parallel_loop3A_1178 : vector<16xi32>
        %parallel_loop3A_1180 = vector.bitcast %parallel_loop3A_1179 : vector<16xi32> to vector<16xf32>
        %parallel_loop3A_1181 = vector.broadcast %parallel_loop3A_1168 : f32 to vector<16xf32>
        %parallel_loop3A_1182 = arith.mulf %parallel_loop3A_1181, %parallel_loop3A_1176 : vector<16xf32>
        %parallel_loop3A_1183 = arith.addf %parallel_loop3A_1161, %parallel_loop3A_1182 : vector<16xf32>
        %parallel_loop3A_1184 = vector.broadcast %parallel_loop3A_1168 : f32 to vector<16xf32>
        %parallel_loop3A_1185 = arith.mulf %parallel_loop3A_1184, %parallel_loop3A_1180 : vector<16xf32>
        %parallel_loop3A_1186 = arith.addf %parallel_loop3A_1164, %parallel_loop3A_1185 : vector<16xf32>
        %parallel_loop3A_1187 = vector.extract_strided_slice %parallel_loop3A_984 {offsets = [9], sizes = [1], strides = [1]} : vector<16xi32> to vector<1xi32>
        %parallel_loop3A_1188 = vector.extract %parallel_loop3A_1187[0] : i32 from vector<1xi32>
        %parallel_loop3A_1189 = vector.extract_strided_slice %parallel_loop3A_988 {offsets = [9], sizes = [1], strides = [1]} : vector<16xf32> to vector<1xf32>
        %parallel_loop3A_1190 = vector.extract %parallel_loop3A_1189[0] : f32 from vector<1xf32>
        %parallel_loop3A_1191 = arith.index_cast %parallel_loop3A_1188 : i32 to index
        %parallel_loop3A_1192 = arith.constant 0 : index
        %parallel_loop3A_1193 = tpu.vector_load %arg5[%parallel_loop3A_1191, %parallel_loop3A_1192] {strides = array<i32>} : memref<5440x32xbf16, #tpu.memory_space<vmem>>, vector<32xbf16>,
        %parallel_loop3A_1194 = vector.bitcast %parallel_loop3A_1193 : vector<32xbf16> to vector<16xi32>
        %parallel_loop3A_1195 = arith.constant 16 : i32
        %parallel_loop3A_1196 = vector.broadcast %parallel_loop3A_1195 : i32 to vector<16xi32>
        %parallel_loop3A_1197 = arith.shli %parallel_loop3A_1194, %parallel_loop3A_1196 : vector<16xi32>
        %parallel_loop3A_1198 = vector.bitcast %parallel_loop3A_1197 : vector<16xi32> to vector<16xf32>
        %parallel_loop3A_1199 = arith.constant -65536 : i32
        %parallel_loop3A_1200 = vector.broadcast %parallel_loop3A_1199 : i32 to vector<16xi32>
        %parallel_loop3A_1201 = arith.andi %parallel_loop3A_1194, %parallel_loop3A_1200 : vector<16xi32>
        %parallel_loop3A_1202 = vector.bitcast %parallel_loop3A_1201 : vector<16xi32> to vector<16xf32>
        %parallel_loop3A_1203 = vector.broadcast %parallel_loop3A_1190 : f32 to vector<16xf32>
        %parallel_loop3A_1204 = arith.mulf %parallel_loop3A_1203, %parallel_loop3A_1198 : vector<16xf32>
        %parallel_loop3A_1205 = arith.addf %parallel_loop3A_1183, %parallel_loop3A_1204 : vector<16xf32>
        %parallel_loop3A_1206 = vector.broadcast %parallel_loop3A_1190 : f32 to vector<16xf32>
        %parallel_loop3A_1207 = arith.mulf %parallel_loop3A_1206, %parallel_loop3A_1202 : vector<16xf32>
        %parallel_loop3A_1208 = arith.addf %parallel_loop3A_1186, %parallel_loop3A_1207 : vector<16xf32>
        %parallel_loop3A_1209 = vector.extract_strided_slice %parallel_loop3A_984 {offsets = [10], sizes = [1], strides = [1]} : vector<16xi32> to vector<1xi32>
        %parallel_loop3A_1210 = vector.extract %parallel_loop3A_1209[0] : i32 from vector<1xi32>
        %parallel_loop3A_1211 = vector.extract_strided_slice %parallel_loop3A_988 {offsets = [10], sizes = [1], strides = [1]} : vector<16xf32> to vector<1xf32>
        %parallel_loop3A_1212 = vector.extract %parallel_loop3A_1211[0] : f32 from vector<1xf32>
        %parallel_loop3A_1213 = arith.index_cast %parallel_loop3A_1210 : i32 to index
        %parallel_loop3A_1214 = arith.constant 0 : index
        %parallel_loop3A_1215 = tpu.vector_load %arg5[%parallel_loop3A_1213, %parallel_loop3A_1214] {strides = array<i32>} : memref<5440x32xbf16, #tpu.memory_space<vmem>>, vector<32xbf16>,
        %parallel_loop3A_1216 = vector.bitcast %parallel_loop3A_1215 : vector<32xbf16> to vector<16xi32>
        %parallel_loop3A_1217 = arith.constant 16 : i32
        %parallel_loop3A_1218 = vector.broadcast %parallel_loop3A_1217 : i32 to vector<16xi32>
        %parallel_loop3A_1219 = arith.shli %parallel_loop3A_1216, %parallel_loop3A_1218 : vector<16xi32>
        %parallel_loop3A_1220 = vector.bitcast %parallel_loop3A_1219 : vector<16xi32> to vector<16xf32>
        %parallel_loop3A_1221 = arith.constant -65536 : i32
        %parallel_loop3A_1222 = vector.broadcast %parallel_loop3A_1221 : i32 to vector<16xi32>
        %parallel_loop3A_1223 = arith.andi %parallel_loop3A_1216, %parallel_loop3A_1222 : vector<16xi32>
        %parallel_loop3A_1224 = vector.bitcast %parallel_loop3A_1223 : vector<16xi32> to vector<16xf32>
        %parallel_loop3A_1225 = vector.broadcast %parallel_loop3A_1212 : f32 to vector<16xf32>
        %parallel_loop3A_1226 = arith.mulf %parallel_loop3A_1225, %parallel_loop3A_1220 : vector<16xf32>
        %parallel_loop3A_1227 = arith.addf %parallel_loop3A_1205, %parallel_loop3A_1226 : vector<16xf32>
        %parallel_loop3A_1228 = vector.broadcast %parallel_loop3A_1212 : f32 to vector<16xf32>
        %parallel_loop3A_1229 = arith.mulf %parallel_loop3A_1228, %parallel_loop3A_1224 : vector<16xf32>
        %parallel_loop3A_1230 = arith.addf %parallel_loop3A_1208, %parallel_loop3A_1229 : vector<16xf32>
        %parallel_loop3A_1231 = vector.extract_strided_slice %parallel_loop3A_984 {offsets = [11], sizes = [1], strides = [1]} : vector<16xi32> to vector<1xi32>
        %parallel_loop3A_1232 = vector.extract %parallel_loop3A_1231[0] : i32 from vector<1xi32>
        %parallel_loop3A_1233 = vector.extract_strided_slice %parallel_loop3A_988 {offsets = [11], sizes = [1], strides = [1]} : vector<16xf32> to vector<1xf32>
        %parallel_loop3A_1234 = vector.extract %parallel_loop3A_1233[0] : f32 from vector<1xf32>
        %parallel_loop3A_1235 = arith.index_cast %parallel_loop3A_1232 : i32 to index
        %parallel_loop3A_1236 = arith.constant 0 : index
        %parallel_loop3A_1237 = tpu.vector_load %arg5[%parallel_loop3A_1235, %parallel_loop3A_1236] {strides = array<i32>} : memref<5440x32xbf16, #tpu.memory_space<vmem>>, vector<32xbf16>,
        %parallel_loop3A_1238 = vector.bitcast %parallel_loop3A_1237 : vector<32xbf16> to vector<16xi32>
        %parallel_loop3A_1239 = arith.constant 16 : i32
        %parallel_loop3A_1240 = vector.broadcast %parallel_loop3A_1239 : i32 to vector<16xi32>
        %parallel_loop3A_1241 = arith.shli %parallel_loop3A_1238, %parallel_loop3A_1240 : vector<16xi32>
        %parallel_loop3A_1242 = vector.bitcast %parallel_loop3A_1241 : vector<16xi32> to vector<16xf32>
        %parallel_loop3A_1243 = arith.constant -65536 : i32
        %parallel_loop3A_1244 = vector.broadcast %parallel_loop3A_1243 : i32 to vector<16xi32>
        %parallel_loop3A_1245 = arith.andi %parallel_loop3A_1238, %parallel_loop3A_1244 : vector<16xi32>
        %parallel_loop3A_1246 = vector.bitcast %parallel_loop3A_1245 : vector<16xi32> to vector<16xf32>
        %parallel_loop3A_1247 = vector.broadcast %parallel_loop3A_1234 : f32 to vector<16xf32>
        %parallel_loop3A_1248 = arith.mulf %parallel_loop3A_1247, %parallel_loop3A_1242 : vector<16xf32>
        %parallel_loop3A_1249 = arith.addf %parallel_loop3A_1227, %parallel_loop3A_1248 : vector<16xf32>
        %parallel_loop3A_1250 = vector.broadcast %parallel_loop3A_1234 : f32 to vector<16xf32>
        %parallel_loop3A_1251 = arith.mulf %parallel_loop3A_1250, %parallel_loop3A_1246 : vector<16xf32>
        %parallel_loop3A_1252 = arith.addf %parallel_loop3A_1230, %parallel_loop3A_1251 : vector<16xf32>
        %parallel_loop3A_1253 = vector.extract_strided_slice %parallel_loop3A_984 {offsets = [12], sizes = [1], strides = [1]} : vector<16xi32> to vector<1xi32>
        %parallel_loop3A_1254 = vector.extract %parallel_loop3A_1253[0] : i32 from vector<1xi32>
        %parallel_loop3A_1255 = vector.extract_strided_slice %parallel_loop3A_988 {offsets = [12], sizes = [1], strides = [1]} : vector<16xf32> to vector<1xf32>
        %parallel_loop3A_1256 = vector.extract %parallel_loop3A_1255[0] : f32 from vector<1xf32>
        %parallel_loop3A_1257 = arith.index_cast %parallel_loop3A_1254 : i32 to index
        %parallel_loop3A_1258 = arith.constant 0 : index
        %parallel_loop3A_1259 = tpu.vector_load %arg5[%parallel_loop3A_1257, %parallel_loop3A_1258] {strides = array<i32>} : memref<5440x32xbf16, #tpu.memory_space<vmem>>, vector<32xbf16>,
        %parallel_loop3A_1260 = vector.bitcast %parallel_loop3A_1259 : vector<32xbf16> to vector<16xi32>
        %parallel_loop3A_1261 = arith.constant 16 : i32
        %parallel_loop3A_1262 = vector.broadcast %parallel_loop3A_1261 : i32 to vector<16xi32>
        %parallel_loop3A_1263 = arith.shli %parallel_loop3A_1260, %parallel_loop3A_1262 : vector<16xi32>
        %parallel_loop3A_1264 = vector.bitcast %parallel_loop3A_1263 : vector<16xi32> to vector<16xf32>
        %parallel_loop3A_1265 = arith.constant -65536 : i32
        %parallel_loop3A_1266 = vector.broadcast %parallel_loop3A_1265 : i32 to vector<16xi32>
        %parallel_loop3A_1267 = arith.andi %parallel_loop3A_1260, %parallel_loop3A_1266 : vector<16xi32>
        %parallel_loop3A_1268 = vector.bitcast %parallel_loop3A_1267 : vector<16xi32> to vector<16xf32>
        %parallel_loop3A_1269 = vector.broadcast %parallel_loop3A_1256 : f32 to vector<16xf32>
        %parallel_loop3A_1270 = arith.mulf %parallel_loop3A_1269, %parallel_loop3A_1264 : vector<16xf32>
        %parallel_loop3A_1271 = arith.addf %parallel_loop3A_1249, %parallel_loop3A_1270 : vector<16xf32>
        %parallel_loop3A_1272 = vector.broadcast %parallel_loop3A_1256 : f32 to vector<16xf32>
        %parallel_loop3A_1273 = arith.mulf %parallel_loop3A_1272, %parallel_loop3A_1268 : vector<16xf32>
        %parallel_loop3A_1274 = arith.addf %parallel_loop3A_1252, %parallel_loop3A_1273 : vector<16xf32>
        %parallel_loop3A_1275 = vector.extract_strided_slice %parallel_loop3A_984 {offsets = [13], sizes = [1], strides = [1]} : vector<16xi32> to vector<1xi32>
        %parallel_loop3A_1276 = vector.extract %parallel_loop3A_1275[0] : i32 from vector<1xi32>
        %parallel_loop3A_1277 = vector.extract_strided_slice %parallel_loop3A_988 {offsets = [13], sizes = [1], strides = [1]} : vector<16xf32> to vector<1xf32>
        %parallel_loop3A_1278 = vector.extract %parallel_loop3A_1277[0] : f32 from vector<1xf32>
        %parallel_loop3A_1279 = arith.index_cast %parallel_loop3A_1276 : i32 to index
        %parallel_loop3A_1280 = arith.constant 0 : index
        %parallel_loop3A_1281 = tpu.vector_load %arg5[%parallel_loop3A_1279, %parallel_loop3A_1280] {strides = array<i32>} : memref<5440x32xbf16, #tpu.memory_space<vmem>>, vector<32xbf16>,
        %parallel_loop3A_1282 = vector.bitcast %parallel_loop3A_1281 : vector<32xbf16> to vector<16xi32>
        %parallel_loop3A_1283 = arith.constant 16 : i32
        %parallel_loop3A_1284 = vector.broadcast %parallel_loop3A_1283 : i32 to vector<16xi32>
        %parallel_loop3A_1285 = arith.shli %parallel_loop3A_1282, %parallel_loop3A_1284 : vector<16xi32>
        %parallel_loop3A_1286 = vector.bitcast %parallel_loop3A_1285 : vector<16xi32> to vector<16xf32>
        %parallel_loop3A_1287 = arith.constant -65536 : i32
        %parallel_loop3A_1288 = vector.broadcast %parallel_loop3A_1287 : i32 to vector<16xi32>
        %parallel_loop3A_1289 = arith.andi %parallel_loop3A_1282, %parallel_loop3A_1288 : vector<16xi32>
        %parallel_loop3A_1290 = vector.bitcast %parallel_loop3A_1289 : vector<16xi32> to vector<16xf32>
        %parallel_loop3A_1291 = vector.broadcast %parallel_loop3A_1278 : f32 to vector<16xf32>
        %parallel_loop3A_1292 = arith.mulf %parallel_loop3A_1291, %parallel_loop3A_1286 : vector<16xf32>
        %parallel_loop3A_1293 = arith.addf %parallel_loop3A_1271, %parallel_loop3A_1292 : vector<16xf32>
        %parallel_loop3A_1294 = vector.broadcast %parallel_loop3A_1278 : f32 to vector<16xf32>
        %parallel_loop3A_1295 = arith.mulf %parallel_loop3A_1294, %parallel_loop3A_1290 : vector<16xf32>
        %parallel_loop3A_1296 = arith.addf %parallel_loop3A_1274, %parallel_loop3A_1295 : vector<16xf32>
        %parallel_loop3A_1297 = vector.extract_strided_slice %parallel_loop3A_984 {offsets = [14], sizes = [1], strides = [1]} : vector<16xi32> to vector<1xi32>
        %parallel_loop3A_1298 = vector.extract %parallel_loop3A_1297[0] : i32 from vector<1xi32>
        %parallel_loop3A_1299 = vector.extract_strided_slice %parallel_loop3A_988 {offsets = [14], sizes = [1], strides = [1]} : vector<16xf32> to vector<1xf32>
        %parallel_loop3A_1300 = vector.extract %parallel_loop3A_1299[0] : f32 from vector<1xf32>
        %parallel_loop3A_1301 = arith.index_cast %parallel_loop3A_1298 : i32 to index
        %parallel_loop3A_1302 = arith.constant 0 : index
        %parallel_loop3A_1303 = tpu.vector_load %arg5[%parallel_loop3A_1301, %parallel_loop3A_1302] {strides = array<i32>} : memref<5440x32xbf16, #tpu.memory_space<vmem>>, vector<32xbf16>,
        %parallel_loop3A_1304 = vector.bitcast %parallel_loop3A_1303 : vector<32xbf16> to vector<16xi32>
        %parallel_loop3A_1305 = arith.constant 16 : i32
        %parallel_loop3A_1306 = vector.broadcast %parallel_loop3A_1305 : i32 to vector<16xi32>
        %parallel_loop3A_1307 = arith.shli %parallel_loop3A_1304, %parallel_loop3A_1306 : vector<16xi32>
        %parallel_loop3A_1308 = vector.bitcast %parallel_loop3A_1307 : vector<16xi32> to vector<16xf32>
        %parallel_loop3A_1309 = arith.constant -65536 : i32
        %parallel_loop3A_1310 = vector.broadcast %parallel_loop3A_1309 : i32 to vector<16xi32>
        %parallel_loop3A_1311 = arith.andi %parallel_loop3A_1304, %parallel_loop3A_1310 : vector<16xi32>
        %parallel_loop3A_1312 = vector.bitcast %parallel_loop3A_1311 : vector<16xi32> to vector<16xf32>
        %parallel_loop3A_1313 = vector.broadcast %parallel_loop3A_1300 : f32 to vector<16xf32>
        %parallel_loop3A_1314 = arith.mulf %parallel_loop3A_1313, %parallel_loop3A_1308 : vector<16xf32>
        %parallel_loop3A_1315 = arith.addf %parallel_loop3A_1293, %parallel_loop3A_1314 : vector<16xf32>
        %parallel_loop3A_1316 = vector.broadcast %parallel_loop3A_1300 : f32 to vector<16xf32>
        %parallel_loop3A_1317 = arith.mulf %parallel_loop3A_1316, %parallel_loop3A_1312 : vector<16xf32>
        %parallel_loop3A_1318 = arith.addf %parallel_loop3A_1296, %parallel_loop3A_1317 : vector<16xf32>
        %parallel_loop3A_1319 = vector.extract_strided_slice %parallel_loop3A_984 {offsets = [15], sizes = [1], strides = [1]} : vector<16xi32> to vector<1xi32>
        %parallel_loop3A_1320 = vector.extract %parallel_loop3A_1319[0] : i32 from vector<1xi32>
        %parallel_loop3A_1321 = vector.extract_strided_slice %parallel_loop3A_988 {offsets = [15], sizes = [1], strides = [1]} : vector<16xf32> to vector<1xf32>
        %parallel_loop3A_1322 = vector.extract %parallel_loop3A_1321[0] : f32 from vector<1xf32>
        %parallel_loop3A_1323 = arith.index_cast %parallel_loop3A_1320 : i32 to index
        %parallel_loop3A_1324 = arith.constant 0 : index
        %parallel_loop3A_1325 = tpu.vector_load %arg5[%parallel_loop3A_1323, %parallel_loop3A_1324] {strides = array<i32>} : memref<5440x32xbf16, #tpu.memory_space<vmem>>, vector<32xbf16>,
        %parallel_loop3A_1326 = vector.bitcast %parallel_loop3A_1325 : vector<32xbf16> to vector<16xi32>
        %parallel_loop3A_1327 = arith.constant 16 : i32
        %parallel_loop3A_1328 = vector.broadcast %parallel_loop3A_1327 : i32 to vector<16xi32>
        %parallel_loop3A_1329 = arith.shli %parallel_loop3A_1326, %parallel_loop3A_1328 : vector<16xi32>
        %parallel_loop3A_1330 = vector.bitcast %parallel_loop3A_1329 : vector<16xi32> to vector<16xf32>
        %parallel_loop3A_1331 = arith.constant -65536 : i32
        %parallel_loop3A_1332 = vector.broadcast %parallel_loop3A_1331 : i32 to vector<16xi32>
        %parallel_loop3A_1333 = arith.andi %parallel_loop3A_1326, %parallel_loop3A_1332 : vector<16xi32>
        %parallel_loop3A_1334 = vector.bitcast %parallel_loop3A_1333 : vector<16xi32> to vector<16xf32>
        %parallel_loop3A_1335 = vector.broadcast %parallel_loop3A_1322 : f32 to vector<16xf32>
        %parallel_loop3A_1336 = arith.mulf %parallel_loop3A_1335, %parallel_loop3A_1330 : vector<16xf32>
        %parallel_loop3A_1337 = arith.addf %parallel_loop3A_1315, %parallel_loop3A_1336 : vector<16xf32>
        %parallel_loop3A_1338 = vector.broadcast %parallel_loop3A_1322 : f32 to vector<16xf32>
        %parallel_loop3A_1339 = arith.mulf %parallel_loop3A_1338, %parallel_loop3A_1334 : vector<16xf32>
        %parallel_loop3A_1340 = arith.addf %parallel_loop3A_1318, %parallel_loop3A_1339 : vector<16xf32>
        %parallel_loop3A_1341 = arith.constant 2 : i32
        %parallel_loop3A_1342 = arith.index_cast %parallel_loop3A_1341 : i32 to index
        %parallel_loop3A_1343 = arith.index_cast %parallel_loop3A_608 : i32 to index
        %parallel_loop3A_1344 = arith.constant 0 : index
        %parallel_loop3A_1345 = tpu.vector_load %arg6[%parallel_loop3A_1342, %parallel_loop3A_1343, %parallel_loop3A_1344] {strides = array<i32>} : memref<4x50x16xi32, #tpu.memory_space<vmem>>, vector<16xi32>,
        %parallel_loop3A_1346 = arith.constant 65535 : i32
        %parallel_loop3A_1347 = vector.broadcast %parallel_loop3A_1346 : i32 to vector<16xi32>
        %parallel_loop3A_1348 = arith.andi %parallel_loop3A_1345, %parallel_loop3A_1347 : vector<16xi32>
        %parallel_loop3A_1349 = arith.constant -65536 : i32
        %parallel_loop3A_1350 = vector.broadcast %parallel_loop3A_1349 : i32 to vector<16xi32>
        %parallel_loop3A_1351 = arith.andi %parallel_loop3A_1345, %parallel_loop3A_1350 : vector<16xi32>
        %parallel_loop3A_1352 = vector.bitcast %parallel_loop3A_1351 : vector<16xi32> to vector<16xf32>
        %parallel_loop3A_1353 = vector.extract_strided_slice %parallel_loop3A_1348 {offsets = [0], sizes = [1], strides = [1]} : vector<16xi32> to vector<1xi32>
        %parallel_loop3A_1354 = vector.extract %parallel_loop3A_1353[0] : i32 from vector<1xi32>
        %parallel_loop3A_1355 = vector.extract_strided_slice %parallel_loop3A_1352 {offsets = [0], sizes = [1], strides = [1]} : vector<16xf32> to vector<1xf32>
        %parallel_loop3A_1356 = vector.extract %parallel_loop3A_1355[0] : f32 from vector<1xf32>
        %parallel_loop3A_1357 = arith.index_cast %parallel_loop3A_1354 : i32 to index
        %parallel_loop3A_1358 = arith.constant 0 : index
        %parallel_loop3A_1359 = tpu.vector_load %arg5[%parallel_loop3A_1357, %parallel_loop3A_1358] {strides = array<i32>} : memref<5440x32xbf16, #tpu.memory_space<vmem>>, vector<32xbf16>,
        %parallel_loop3A_1360 = vector.bitcast %parallel_loop3A_1359 : vector<32xbf16> to vector<16xi32>
        %parallel_loop3A_1361 = arith.constant 16 : i32
        %parallel_loop3A_1362 = vector.broadcast %parallel_loop3A_1361 : i32 to vector<16xi32>
        %parallel_loop3A_1363 = arith.shli %parallel_loop3A_1360, %parallel_loop3A_1362 : vector<16xi32>
        %parallel_loop3A_1364 = vector.bitcast %parallel_loop3A_1363 : vector<16xi32> to vector<16xf32>
        %parallel_loop3A_1365 = arith.constant -65536 : i32
        %parallel_loop3A_1366 = vector.broadcast %parallel_loop3A_1365 : i32 to vector<16xi32>
        %parallel_loop3A_1367 = arith.andi %parallel_loop3A_1360, %parallel_loop3A_1366 : vector<16xi32>
        %parallel_loop3A_1368 = vector.bitcast %parallel_loop3A_1367 : vector<16xi32> to vector<16xf32>
        %parallel_loop3A_1369 = vector.broadcast %parallel_loop3A_1356 : f32 to vector<16xf32>
        %parallel_loop3A_1370 = arith.mulf %parallel_loop3A_1369, %parallel_loop3A_1364 : vector<16xf32>
        %parallel_loop3A_1371 = arith.addf %parallel_loop3A_1337, %parallel_loop3A_1370 : vector<16xf32>
        %parallel_loop3A_1372 = vector.broadcast %parallel_loop3A_1356 : f32 to vector<16xf32>
        %parallel_loop3A_1373 = arith.mulf %parallel_loop3A_1372, %parallel_loop3A_1368 : vector<16xf32>
        %parallel_loop3A_1374 = arith.addf %parallel_loop3A_1340, %parallel_loop3A_1373 : vector<16xf32>
        %parallel_loop3A_1375 = vector.extract_strided_slice %parallel_loop3A_1348 {offsets = [1], sizes = [1], strides = [1]} : vector<16xi32> to vector<1xi32>
        %parallel_loop3A_1376 = vector.extract %parallel_loop3A_1375[0] : i32 from vector<1xi32>
        %parallel_loop3A_1377 = vector.extract_strided_slice %parallel_loop3A_1352 {offsets = [1], sizes = [1], strides = [1]} : vector<16xf32> to vector<1xf32>
        %parallel_loop3A_1378 = vector.extract %parallel_loop3A_1377[0] : f32 from vector<1xf32>
        %parallel_loop3A_1379 = arith.index_cast %parallel_loop3A_1376 : i32 to index
        %parallel_loop3A_1380 = arith.constant 0 : index
        %parallel_loop3A_1381 = tpu.vector_load %arg5[%parallel_loop3A_1379, %parallel_loop3A_1380] {strides = array<i32>} : memref<5440x32xbf16, #tpu.memory_space<vmem>>, vector<32xbf16>,
        %parallel_loop3A_1382 = vector.bitcast %parallel_loop3A_1381 : vector<32xbf16> to vector<16xi32>
        %parallel_loop3A_1383 = arith.constant 16 : i32
        %parallel_loop3A_1384 = vector.broadcast %parallel_loop3A_1383 : i32 to vector<16xi32>
        %parallel_loop3A_1385 = arith.shli %parallel_loop3A_1382, %parallel_loop3A_1384 : vector<16xi32>
        %parallel_loop3A_1386 = vector.bitcast %parallel_loop3A_1385 : vector<16xi32> to vector<16xf32>
        %parallel_loop3A_1387 = arith.constant -65536 : i32
        %parallel_loop3A_1388 = vector.broadcast %parallel_loop3A_1387 : i32 to vector<16xi32>
        %parallel_loop3A_1389 = arith.andi %parallel_loop3A_1382, %parallel_loop3A_1388 : vector<16xi32>
        %parallel_loop3A_1390 = vector.bitcast %parallel_loop3A_1389 : vector<16xi32> to vector<16xf32>
        %parallel_loop3A_1391 = vector.broadcast %parallel_loop3A_1378 : f32 to vector<16xf32>
        %parallel_loop3A_1392 = arith.mulf %parallel_loop3A_1391, %parallel_loop3A_1386 : vector<16xf32>
        %parallel_loop3A_1393 = arith.addf %parallel_loop3A_1371, %parallel_loop3A_1392 : vector<16xf32>
        %parallel_loop3A_1394 = vector.broadcast %parallel_loop3A_1378 : f32 to vector<16xf32>
        %parallel_loop3A_1395 = arith.mulf %parallel_loop3A_1394, %parallel_loop3A_1390 : vector<16xf32>
        %parallel_loop3A_1396 = arith.addf %parallel_loop3A_1374, %parallel_loop3A_1395 : vector<16xf32>
        %parallel_loop3A_1397 = vector.extract_strided_slice %parallel_loop3A_1348 {offsets = [2], sizes = [1], strides = [1]} : vector<16xi32> to vector<1xi32>
        %parallel_loop3A_1398 = vector.extract %parallel_loop3A_1397[0] : i32 from vector<1xi32>
        %parallel_loop3A_1399 = vector.extract_strided_slice %parallel_loop3A_1352 {offsets = [2], sizes = [1], strides = [1]} : vector<16xf32> to vector<1xf32>
        %parallel_loop3A_1400 = vector.extract %parallel_loop3A_1399[0] : f32 from vector<1xf32>
        %parallel_loop3A_1401 = arith.index_cast %parallel_loop3A_1398 : i32 to index
        %parallel_loop3A_1402 = arith.constant 0 : index
        %parallel_loop3A_1403 = tpu.vector_load %arg5[%parallel_loop3A_1401, %parallel_loop3A_1402] {strides = array<i32>} : memref<5440x32xbf16, #tpu.memory_space<vmem>>, vector<32xbf16>,
        %parallel_loop3A_1404 = vector.bitcast %parallel_loop3A_1403 : vector<32xbf16> to vector<16xi32>
        %parallel_loop3A_1405 = arith.constant 16 : i32
        %parallel_loop3A_1406 = vector.broadcast %parallel_loop3A_1405 : i32 to vector<16xi32>
        %parallel_loop3A_1407 = arith.shli %parallel_loop3A_1404, %parallel_loop3A_1406 : vector<16xi32>
        %parallel_loop3A_1408 = vector.bitcast %parallel_loop3A_1407 : vector<16xi32> to vector<16xf32>
        %parallel_loop3A_1409 = arith.constant -65536 : i32
        %parallel_loop3A_1410 = vector.broadcast %parallel_loop3A_1409 : i32 to vector<16xi32>
        %parallel_loop3A_1411 = arith.andi %parallel_loop3A_1404, %parallel_loop3A_1410 : vector<16xi32>
        %parallel_loop3A_1412 = vector.bitcast %parallel_loop3A_1411 : vector<16xi32> to vector<16xf32>
        %parallel_loop3A_1413 = vector.broadcast %parallel_loop3A_1400 : f32 to vector<16xf32>
        %parallel_loop3A_1414 = arith.mulf %parallel_loop3A_1413, %parallel_loop3A_1408 : vector<16xf32>
        %parallel_loop3A_1415 = arith.addf %parallel_loop3A_1393, %parallel_loop3A_1414 : vector<16xf32>
        %parallel_loop3A_1416 = vector.broadcast %parallel_loop3A_1400 : f32 to vector<16xf32>
        %parallel_loop3A_1417 = arith.mulf %parallel_loop3A_1416, %parallel_loop3A_1412 : vector<16xf32>
        %parallel_loop3A_1418 = arith.addf %parallel_loop3A_1396, %parallel_loop3A_1417 : vector<16xf32>
        %parallel_loop3A_1419 = vector.extract_strided_slice %parallel_loop3A_1348 {offsets = [3], sizes = [1], strides = [1]} : vector<16xi32> to vector<1xi32>
        %parallel_loop3A_1420 = vector.extract %parallel_loop3A_1419[0] : i32 from vector<1xi32>
        %parallel_loop3A_1421 = vector.extract_strided_slice %parallel_loop3A_1352 {offsets = [3], sizes = [1], strides = [1]} : vector<16xf32> to vector<1xf32>
        %parallel_loop3A_1422 = vector.extract %parallel_loop3A_1421[0] : f32 from vector<1xf32>
        %parallel_loop3A_1423 = arith.index_cast %parallel_loop3A_1420 : i32 to index
        %parallel_loop3A_1424 = arith.constant 0 : index
        %parallel_loop3A_1425 = tpu.vector_load %arg5[%parallel_loop3A_1423, %parallel_loop3A_1424] {strides = array<i32>} : memref<5440x32xbf16, #tpu.memory_space<vmem>>, vector<32xbf16>,
        %parallel_loop3A_1426 = vector.bitcast %parallel_loop3A_1425 : vector<32xbf16> to vector<16xi32>
        %parallel_loop3A_1427 = arith.constant 16 : i32
        %parallel_loop3A_1428 = vector.broadcast %parallel_loop3A_1427 : i32 to vector<16xi32>
        %parallel_loop3A_1429 = arith.shli %parallel_loop3A_1426, %parallel_loop3A_1428 : vector<16xi32>
        %parallel_loop3A_1430 = vector.bitcast %parallel_loop3A_1429 : vector<16xi32> to vector<16xf32>
        %parallel_loop3A_1431 = arith.constant -65536 : i32
        %parallel_loop3A_1432 = vector.broadcast %parallel_loop3A_1431 : i32 to vector<16xi32>
        %parallel_loop3A_1433 = arith.andi %parallel_loop3A_1426, %parallel_loop3A_1432 : vector<16xi32>
        %parallel_loop3A_1434 = vector.bitcast %parallel_loop3A_1433 : vector<16xi32> to vector<16xf32>
        %parallel_loop3A_1435 = vector.broadcast %parallel_loop3A_1422 : f32 to vector<16xf32>
        %parallel_loop3A_1436 = arith.mulf %parallel_loop3A_1435, %parallel_loop3A_1430 : vector<16xf32>
        %parallel_loop3A_1437 = arith.addf %parallel_loop3A_1415, %parallel_loop3A_1436 : vector<16xf32>
        %parallel_loop3A_1438 = vector.broadcast %parallel_loop3A_1422 : f32 to vector<16xf32>
        %parallel_loop3A_1439 = arith.mulf %parallel_loop3A_1438, %parallel_loop3A_1434 : vector<16xf32>
        %parallel_loop3A_1440 = arith.addf %parallel_loop3A_1418, %parallel_loop3A_1439 : vector<16xf32>
        %parallel_loop3A_1441 = vector.extract_strided_slice %parallel_loop3A_1348 {offsets = [4], sizes = [1], strides = [1]} : vector<16xi32> to vector<1xi32>
        %parallel_loop3A_1442 = vector.extract %parallel_loop3A_1441[0] : i32 from vector<1xi32>
        %parallel_loop3A_1443 = vector.extract_strided_slice %parallel_loop3A_1352 {offsets = [4], sizes = [1], strides = [1]} : vector<16xf32> to vector<1xf32>
        %parallel_loop3A_1444 = vector.extract %parallel_loop3A_1443[0] : f32 from vector<1xf32>
        %parallel_loop3A_1445 = arith.index_cast %parallel_loop3A_1442 : i32 to index
        %parallel_loop3A_1446 = arith.constant 0 : index
        %parallel_loop3A_1447 = tpu.vector_load %arg5[%parallel_loop3A_1445, %parallel_loop3A_1446] {strides = array<i32>} : memref<5440x32xbf16, #tpu.memory_space<vmem>>, vector<32xbf16>,
        %parallel_loop3A_1448 = vector.bitcast %parallel_loop3A_1447 : vector<32xbf16> to vector<16xi32>
        %parallel_loop3A_1449 = arith.constant 16 : i32
        %parallel_loop3A_1450 = vector.broadcast %parallel_loop3A_1449 : i32 to vector<16xi32>
        %parallel_loop3A_1451 = arith.shli %parallel_loop3A_1448, %parallel_loop3A_1450 : vector<16xi32>
        %parallel_loop3A_1452 = vector.bitcast %parallel_loop3A_1451 : vector<16xi32> to vector<16xf32>
        %parallel_loop3A_1453 = arith.constant -65536 : i32
        %parallel_loop3A_1454 = vector.broadcast %parallel_loop3A_1453 : i32 to vector<16xi32>
        %parallel_loop3A_1455 = arith.andi %parallel_loop3A_1448, %parallel_loop3A_1454 : vector<16xi32>
        %parallel_loop3A_1456 = vector.bitcast %parallel_loop3A_1455 : vector<16xi32> to vector<16xf32>
        %parallel_loop3A_1457 = vector.broadcast %parallel_loop3A_1444 : f32 to vector<16xf32>
        %parallel_loop3A_1458 = arith.mulf %parallel_loop3A_1457, %parallel_loop3A_1452 : vector<16xf32>
        %parallel_loop3A_1459 = arith.addf %parallel_loop3A_1437, %parallel_loop3A_1458 : vector<16xf32>
        %parallel_loop3A_1460 = vector.broadcast %parallel_loop3A_1444 : f32 to vector<16xf32>
        %parallel_loop3A_1461 = arith.mulf %parallel_loop3A_1460, %parallel_loop3A_1456 : vector<16xf32>
        %parallel_loop3A_1462 = arith.addf %parallel_loop3A_1440, %parallel_loop3A_1461 : vector<16xf32>
        %parallel_loop3A_1463 = vector.extract_strided_slice %parallel_loop3A_1348 {offsets = [5], sizes = [1], strides = [1]} : vector<16xi32> to vector<1xi32>
        %parallel_loop3A_1464 = vector.extract %parallel_loop3A_1463[0] : i32 from vector<1xi32>
        %parallel_loop3A_1465 = vector.extract_strided_slice %parallel_loop3A_1352 {offsets = [5], sizes = [1], strides = [1]} : vector<16xf32> to vector<1xf32>
        %parallel_loop3A_1466 = vector.extract %parallel_loop3A_1465[0] : f32 from vector<1xf32>
        %parallel_loop3A_1467 = arith.index_cast %parallel_loop3A_1464 : i32 to index
        %parallel_loop3A_1468 = arith.constant 0 : index
        %parallel_loop3A_1469 = tpu.vector_load %arg5[%parallel_loop3A_1467, %parallel_loop3A_1468] {strides = array<i32>} : memref<5440x32xbf16, #tpu.memory_space<vmem>>, vector<32xbf16>,
        %parallel_loop3A_1470 = vector.bitcast %parallel_loop3A_1469 : vector<32xbf16> to vector<16xi32>
        %parallel_loop3A_1471 = arith.constant 16 : i32
        %parallel_loop3A_1472 = vector.broadcast %parallel_loop3A_1471 : i32 to vector<16xi32>
        %parallel_loop3A_1473 = arith.shli %parallel_loop3A_1470, %parallel_loop3A_1472 : vector<16xi32>
        %parallel_loop3A_1474 = vector.bitcast %parallel_loop3A_1473 : vector<16xi32> to vector<16xf32>
        %parallel_loop3A_1475 = arith.constant -65536 : i32
        %parallel_loop3A_1476 = vector.broadcast %parallel_loop3A_1475 : i32 to vector<16xi32>
        %parallel_loop3A_1477 = arith.andi %parallel_loop3A_1470, %parallel_loop3A_1476 : vector<16xi32>
        %parallel_loop3A_1478 = vector.bitcast %parallel_loop3A_1477 : vector<16xi32> to vector<16xf32>
        %parallel_loop3A_1479 = vector.broadcast %parallel_loop3A_1466 : f32 to vector<16xf32>
        %parallel_loop3A_1480 = arith.mulf %parallel_loop3A_1479, %parallel_loop3A_1474 : vector<16xf32>
        %parallel_loop3A_1481 = arith.addf %parallel_loop3A_1459, %parallel_loop3A_1480 : vector<16xf32>
        %parallel_loop3A_1482 = vector.broadcast %parallel_loop3A_1466 : f32 to vector<16xf32>
        %parallel_loop3A_1483 = arith.mulf %parallel_loop3A_1482, %parallel_loop3A_1478 : vector<16xf32>
        %parallel_loop3A_1484 = arith.addf %parallel_loop3A_1462, %parallel_loop3A_1483 : vector<16xf32>
        %parallel_loop3A_1485 = vector.extract_strided_slice %parallel_loop3A_1348 {offsets = [6], sizes = [1], strides = [1]} : vector<16xi32> to vector<1xi32>
        %parallel_loop3A_1486 = vector.extract %parallel_loop3A_1485[0] : i32 from vector<1xi32>
        %parallel_loop3A_1487 = vector.extract_strided_slice %parallel_loop3A_1352 {offsets = [6], sizes = [1], strides = [1]} : vector<16xf32> to vector<1xf32>
        %parallel_loop3A_1488 = vector.extract %parallel_loop3A_1487[0] : f32 from vector<1xf32>
        %parallel_loop3A_1489 = arith.index_cast %parallel_loop3A_1486 : i32 to index
        %parallel_loop3A_1490 = arith.constant 0 : index
        %parallel_loop3A_1491 = tpu.vector_load %arg5[%parallel_loop3A_1489, %parallel_loop3A_1490] {strides = array<i32>} : memref<5440x32xbf16, #tpu.memory_space<vmem>>, vector<32xbf16>,
        %parallel_loop3A_1492 = vector.bitcast %parallel_loop3A_1491 : vector<32xbf16> to vector<16xi32>
        %parallel_loop3A_1493 = arith.constant 16 : i32
        %parallel_loop3A_1494 = vector.broadcast %parallel_loop3A_1493 : i32 to vector<16xi32>
        %parallel_loop3A_1495 = arith.shli %parallel_loop3A_1492, %parallel_loop3A_1494 : vector<16xi32>
        %parallel_loop3A_1496 = vector.bitcast %parallel_loop3A_1495 : vector<16xi32> to vector<16xf32>
        %parallel_loop3A_1497 = arith.constant -65536 : i32
        %parallel_loop3A_1498 = vector.broadcast %parallel_loop3A_1497 : i32 to vector<16xi32>
        %parallel_loop3A_1499 = arith.andi %parallel_loop3A_1492, %parallel_loop3A_1498 : vector<16xi32>
        %parallel_loop3A_1500 = vector.bitcast %parallel_loop3A_1499 : vector<16xi32> to vector<16xf32>
        %parallel_loop3A_1501 = vector.broadcast %parallel_loop3A_1488 : f32 to vector<16xf32>
        %parallel_loop3A_1502 = arith.mulf %parallel_loop3A_1501, %parallel_loop3A_1496 : vector<16xf32>
        %parallel_loop3A_1503 = arith.addf %parallel_loop3A_1481, %parallel_loop3A_1502 : vector<16xf32>
        %parallel_loop3A_1504 = vector.broadcast %parallel_loop3A_1488 : f32 to vector<16xf32>
        %parallel_loop3A_1505 = arith.mulf %parallel_loop3A_1504, %parallel_loop3A_1500 : vector<16xf32>
        %parallel_loop3A_1506 = arith.addf %parallel_loop3A_1484, %parallel_loop3A_1505 : vector<16xf32>
        %parallel_loop3A_1507 = vector.extract_strided_slice %parallel_loop3A_1348 {offsets = [7], sizes = [1], strides = [1]} : vector<16xi32> to vector<1xi32>
        %parallel_loop3A_1508 = vector.extract %parallel_loop3A_1507[0] : i32 from vector<1xi32>
        %parallel_loop3A_1509 = vector.extract_strided_slice %parallel_loop3A_1352 {offsets = [7], sizes = [1], strides = [1]} : vector<16xf32> to vector<1xf32>
        %parallel_loop3A_1510 = vector.extract %parallel_loop3A_1509[0] : f32 from vector<1xf32>
        %parallel_loop3A_1511 = arith.index_cast %parallel_loop3A_1508 : i32 to index
        %parallel_loop3A_1512 = arith.constant 0 : index
        %parallel_loop3A_1513 = tpu.vector_load %arg5[%parallel_loop3A_1511, %parallel_loop3A_1512] {strides = array<i32>} : memref<5440x32xbf16, #tpu.memory_space<vmem>>, vector<32xbf16>,
        %parallel_loop3A_1514 = vector.bitcast %parallel_loop3A_1513 : vector<32xbf16> to vector<16xi32>
        %parallel_loop3A_1515 = arith.constant 16 : i32
        %parallel_loop3A_1516 = vector.broadcast %parallel_loop3A_1515 : i32 to vector<16xi32>
        %parallel_loop3A_1517 = arith.shli %parallel_loop3A_1514, %parallel_loop3A_1516 : vector<16xi32>
        %parallel_loop3A_1518 = vector.bitcast %parallel_loop3A_1517 : vector<16xi32> to vector<16xf32>
        %parallel_loop3A_1519 = arith.constant -65536 : i32
        %parallel_loop3A_1520 = vector.broadcast %parallel_loop3A_1519 : i32 to vector<16xi32>
        %parallel_loop3A_1521 = arith.andi %parallel_loop3A_1514, %parallel_loop3A_1520 : vector<16xi32>
        %parallel_loop3A_1522 = vector.bitcast %parallel_loop3A_1521 : vector<16xi32> to vector<16xf32>
        %parallel_loop3A_1523 = vector.broadcast %parallel_loop3A_1510 : f32 to vector<16xf32>
        %parallel_loop3A_1524 = arith.mulf %parallel_loop3A_1523, %parallel_loop3A_1518 : vector<16xf32>
        %parallel_loop3A_1525 = arith.addf %parallel_loop3A_1503, %parallel_loop3A_1524 : vector<16xf32>
        %parallel_loop3A_1526 = vector.broadcast %parallel_loop3A_1510 : f32 to vector<16xf32>
        %parallel_loop3A_1527 = arith.mulf %parallel_loop3A_1526, %parallel_loop3A_1522 : vector<16xf32>
        %parallel_loop3A_1528 = arith.addf %parallel_loop3A_1506, %parallel_loop3A_1527 : vector<16xf32>
        %parallel_loop3A_1529 = vector.extract_strided_slice %parallel_loop3A_1348 {offsets = [8], sizes = [1], strides = [1]} : vector<16xi32> to vector<1xi32>
        %parallel_loop3A_1530 = vector.extract %parallel_loop3A_1529[0] : i32 from vector<1xi32>
        %parallel_loop3A_1531 = vector.extract_strided_slice %parallel_loop3A_1352 {offsets = [8], sizes = [1], strides = [1]} : vector<16xf32> to vector<1xf32>
        %parallel_loop3A_1532 = vector.extract %parallel_loop3A_1531[0] : f32 from vector<1xf32>
        %parallel_loop3A_1533 = arith.index_cast %parallel_loop3A_1530 : i32 to index
        %parallel_loop3A_1534 = arith.constant 0 : index
        %parallel_loop3A_1535 = tpu.vector_load %arg5[%parallel_loop3A_1533, %parallel_loop3A_1534] {strides = array<i32>} : memref<5440x32xbf16, #tpu.memory_space<vmem>>, vector<32xbf16>,
        %parallel_loop3A_1536 = vector.bitcast %parallel_loop3A_1535 : vector<32xbf16> to vector<16xi32>
        %parallel_loop3A_1537 = arith.constant 16 : i32
        %parallel_loop3A_1538 = vector.broadcast %parallel_loop3A_1537 : i32 to vector<16xi32>
        %parallel_loop3A_1539 = arith.shli %parallel_loop3A_1536, %parallel_loop3A_1538 : vector<16xi32>
        %parallel_loop3A_1540 = vector.bitcast %parallel_loop3A_1539 : vector<16xi32> to vector<16xf32>
        %parallel_loop3A_1541 = arith.constant -65536 : i32
        %parallel_loop3A_1542 = vector.broadcast %parallel_loop3A_1541 : i32 to vector<16xi32>
        %parallel_loop3A_1543 = arith.andi %parallel_loop3A_1536, %parallel_loop3A_1542 : vector<16xi32>
        %parallel_loop3A_1544 = vector.bitcast %parallel_loop3A_1543 : vector<16xi32> to vector<16xf32>
        %parallel_loop3A_1545 = vector.broadcast %parallel_loop3A_1532 : f32 to vector<16xf32>
        %parallel_loop3A_1546 = arith.mulf %parallel_loop3A_1545, %parallel_loop3A_1540 : vector<16xf32>
        %parallel_loop3A_1547 = arith.addf %parallel_loop3A_1525, %parallel_loop3A_1546 : vector<16xf32>
        %parallel_loop3A_1548 = vector.broadcast %parallel_loop3A_1532 : f32 to vector<16xf32>
        %parallel_loop3A_1549 = arith.mulf %parallel_loop3A_1548, %parallel_loop3A_1544 : vector<16xf32>
        %parallel_loop3A_1550 = arith.addf %parallel_loop3A_1528, %parallel_loop3A_1549 : vector<16xf32>
        %parallel_loop3A_1551 = vector.extract_strided_slice %parallel_loop3A_1348 {offsets = [9], sizes = [1], strides = [1]} : vector<16xi32> to vector<1xi32>
        %parallel_loop3A_1552 = vector.extract %parallel_loop3A_1551[0] : i32 from vector<1xi32>
        %parallel_loop3A_1553 = vector.extract_strided_slice %parallel_loop3A_1352 {offsets = [9], sizes = [1], strides = [1]} : vector<16xf32> to vector<1xf32>
        %parallel_loop3A_1554 = vector.extract %parallel_loop3A_1553[0] : f32 from vector<1xf32>
        %parallel_loop3A_1555 = arith.index_cast %parallel_loop3A_1552 : i32 to index
        %parallel_loop3A_1556 = arith.constant 0 : index
        %parallel_loop3A_1557 = tpu.vector_load %arg5[%parallel_loop3A_1555, %parallel_loop3A_1556] {strides = array<i32>} : memref<5440x32xbf16, #tpu.memory_space<vmem>>, vector<32xbf16>,
        %parallel_loop3A_1558 = vector.bitcast %parallel_loop3A_1557 : vector<32xbf16> to vector<16xi32>
        %parallel_loop3A_1559 = arith.constant 16 : i32
        %parallel_loop3A_1560 = vector.broadcast %parallel_loop3A_1559 : i32 to vector<16xi32>
        %parallel_loop3A_1561 = arith.shli %parallel_loop3A_1558, %parallel_loop3A_1560 : vector<16xi32>
        %parallel_loop3A_1562 = vector.bitcast %parallel_loop3A_1561 : vector<16xi32> to vector<16xf32>
        %parallel_loop3A_1563 = arith.constant -65536 : i32
        %parallel_loop3A_1564 = vector.broadcast %parallel_loop3A_1563 : i32 to vector<16xi32>
        %parallel_loop3A_1565 = arith.andi %parallel_loop3A_1558, %parallel_loop3A_1564 : vector<16xi32>
        %parallel_loop3A_1566 = vector.bitcast %parallel_loop3A_1565 : vector<16xi32> to vector<16xf32>
        %parallel_loop3A_1567 = vector.broadcast %parallel_loop3A_1554 : f32 to vector<16xf32>
        %parallel_loop3A_1568 = arith.mulf %parallel_loop3A_1567, %parallel_loop3A_1562 : vector<16xf32>
        %parallel_loop3A_1569 = arith.addf %parallel_loop3A_1547, %parallel_loop3A_1568 : vector<16xf32>
        %parallel_loop3A_1570 = vector.broadcast %parallel_loop3A_1554 : f32 to vector<16xf32>
        %parallel_loop3A_1571 = arith.mulf %parallel_loop3A_1570, %parallel_loop3A_1566 : vector<16xf32>
        %parallel_loop3A_1572 = arith.addf %parallel_loop3A_1550, %parallel_loop3A_1571 : vector<16xf32>
        %parallel_loop3A_1573 = vector.extract_strided_slice %parallel_loop3A_1348 {offsets = [10], sizes = [1], strides = [1]} : vector<16xi32> to vector<1xi32>
        %parallel_loop3A_1574 = vector.extract %parallel_loop3A_1573[0] : i32 from vector<1xi32>
        %parallel_loop3A_1575 = vector.extract_strided_slice %parallel_loop3A_1352 {offsets = [10], sizes = [1], strides = [1]} : vector<16xf32> to vector<1xf32>
        %parallel_loop3A_1576 = vector.extract %parallel_loop3A_1575[0] : f32 from vector<1xf32>
        %parallel_loop3A_1577 = arith.index_cast %parallel_loop3A_1574 : i32 to index
        %parallel_loop3A_1578 = arith.constant 0 : index
        %parallel_loop3A_1579 = tpu.vector_load %arg5[%parallel_loop3A_1577, %parallel_loop3A_1578] {strides = array<i32>} : memref<5440x32xbf16, #tpu.memory_space<vmem>>, vector<32xbf16>,
        %parallel_loop3A_1580 = vector.bitcast %parallel_loop3A_1579 : vector<32xbf16> to vector<16xi32>
        %parallel_loop3A_1581 = arith.constant 16 : i32
        %parallel_loop3A_1582 = vector.broadcast %parallel_loop3A_1581 : i32 to vector<16xi32>
        %parallel_loop3A_1583 = arith.shli %parallel_loop3A_1580, %parallel_loop3A_1582 : vector<16xi32>
        %parallel_loop3A_1584 = vector.bitcast %parallel_loop3A_1583 : vector<16xi32> to vector<16xf32>
        %parallel_loop3A_1585 = arith.constant -65536 : i32
        %parallel_loop3A_1586 = vector.broadcast %parallel_loop3A_1585 : i32 to vector<16xi32>
        %parallel_loop3A_1587 = arith.andi %parallel_loop3A_1580, %parallel_loop3A_1586 : vector<16xi32>
        %parallel_loop3A_1588 = vector.bitcast %parallel_loop3A_1587 : vector<16xi32> to vector<16xf32>
        %parallel_loop3A_1589 = vector.broadcast %parallel_loop3A_1576 : f32 to vector<16xf32>
        %parallel_loop3A_1590 = arith.mulf %parallel_loop3A_1589, %parallel_loop3A_1584 : vector<16xf32>
        %parallel_loop3A_1591 = arith.addf %parallel_loop3A_1569, %parallel_loop3A_1590 : vector<16xf32>
        %parallel_loop3A_1592 = vector.broadcast %parallel_loop3A_1576 : f32 to vector<16xf32>
        %parallel_loop3A_1593 = arith.mulf %parallel_loop3A_1592, %parallel_loop3A_1588 : vector<16xf32>
        %parallel_loop3A_1594 = arith.addf %parallel_loop3A_1572, %parallel_loop3A_1593 : vector<16xf32>
        %parallel_loop3A_1595 = vector.extract_strided_slice %parallel_loop3A_1348 {offsets = [11], sizes = [1], strides = [1]} : vector<16xi32> to vector<1xi32>
        %parallel_loop3A_1596 = vector.extract %parallel_loop3A_1595[0] : i32 from vector<1xi32>
        %parallel_loop3A_1597 = vector.extract_strided_slice %parallel_loop3A_1352 {offsets = [11], sizes = [1], strides = [1]} : vector<16xf32> to vector<1xf32>
        %parallel_loop3A_1598 = vector.extract %parallel_loop3A_1597[0] : f32 from vector<1xf32>
        %parallel_loop3A_1599 = arith.index_cast %parallel_loop3A_1596 : i32 to index
        %parallel_loop3A_1600 = arith.constant 0 : index
        %parallel_loop3A_1601 = tpu.vector_load %arg5[%parallel_loop3A_1599, %parallel_loop3A_1600] {strides = array<i32>} : memref<5440x32xbf16, #tpu.memory_space<vmem>>, vector<32xbf16>,
        %parallel_loop3A_1602 = vector.bitcast %parallel_loop3A_1601 : vector<32xbf16> to vector<16xi32>
        %parallel_loop3A_1603 = arith.constant 16 : i32
        %parallel_loop3A_1604 = vector.broadcast %parallel_loop3A_1603 : i32 to vector<16xi32>
        %parallel_loop3A_1605 = arith.shli %parallel_loop3A_1602, %parallel_loop3A_1604 : vector<16xi32>
        %parallel_loop3A_1606 = vector.bitcast %parallel_loop3A_1605 : vector<16xi32> to vector<16xf32>
        %parallel_loop3A_1607 = arith.constant -65536 : i32
        %parallel_loop3A_1608 = vector.broadcast %parallel_loop3A_1607 : i32 to vector<16xi32>
        %parallel_loop3A_1609 = arith.andi %parallel_loop3A_1602, %parallel_loop3A_1608 : vector<16xi32>
        %parallel_loop3A_1610 = vector.bitcast %parallel_loop3A_1609 : vector<16xi32> to vector<16xf32>
        %parallel_loop3A_1611 = vector.broadcast %parallel_loop3A_1598 : f32 to vector<16xf32>
        %parallel_loop3A_1612 = arith.mulf %parallel_loop3A_1611, %parallel_loop3A_1606 : vector<16xf32>
        %parallel_loop3A_1613 = arith.addf %parallel_loop3A_1591, %parallel_loop3A_1612 : vector<16xf32>
        %parallel_loop3A_1614 = vector.broadcast %parallel_loop3A_1598 : f32 to vector<16xf32>
        %parallel_loop3A_1615 = arith.mulf %parallel_loop3A_1614, %parallel_loop3A_1610 : vector<16xf32>
        %parallel_loop3A_1616 = arith.addf %parallel_loop3A_1594, %parallel_loop3A_1615 : vector<16xf32>
        %parallel_loop3A_1617 = vector.extract_strided_slice %parallel_loop3A_1348 {offsets = [12], sizes = [1], strides = [1]} : vector<16xi32> to vector<1xi32>
        %parallel_loop3A_1618 = vector.extract %parallel_loop3A_1617[0] : i32 from vector<1xi32>
        %parallel_loop3A_1619 = vector.extract_strided_slice %parallel_loop3A_1352 {offsets = [12], sizes = [1], strides = [1]} : vector<16xf32> to vector<1xf32>
        %parallel_loop3A_1620 = vector.extract %parallel_loop3A_1619[0] : f32 from vector<1xf32>
        %parallel_loop3A_1621 = arith.index_cast %parallel_loop3A_1618 : i32 to index
        %parallel_loop3A_1622 = arith.constant 0 : index
        %parallel_loop3A_1623 = tpu.vector_load %arg5[%parallel_loop3A_1621, %parallel_loop3A_1622] {strides = array<i32>} : memref<5440x32xbf16, #tpu.memory_space<vmem>>, vector<32xbf16>,
        %parallel_loop3A_1624 = vector.bitcast %parallel_loop3A_1623 : vector<32xbf16> to vector<16xi32>
        %parallel_loop3A_1625 = arith.constant 16 : i32
        %parallel_loop3A_1626 = vector.broadcast %parallel_loop3A_1625 : i32 to vector<16xi32>
        %parallel_loop3A_1627 = arith.shli %parallel_loop3A_1624, %parallel_loop3A_1626 : vector<16xi32>
        %parallel_loop3A_1628 = vector.bitcast %parallel_loop3A_1627 : vector<16xi32> to vector<16xf32>
        %parallel_loop3A_1629 = arith.constant -65536 : i32
        %parallel_loop3A_1630 = vector.broadcast %parallel_loop3A_1629 : i32 to vector<16xi32>
        %parallel_loop3A_1631 = arith.andi %parallel_loop3A_1624, %parallel_loop3A_1630 : vector<16xi32>
        %parallel_loop3A_1632 = vector.bitcast %parallel_loop3A_1631 : vector<16xi32> to vector<16xf32>
        %parallel_loop3A_1633 = vector.broadcast %parallel_loop3A_1620 : f32 to vector<16xf32>
        %parallel_loop3A_1634 = arith.mulf %parallel_loop3A_1633, %parallel_loop3A_1628 : vector<16xf32>
        %parallel_loop3A_1635 = arith.addf %parallel_loop3A_1613, %parallel_loop3A_1634 : vector<16xf32>
        %parallel_loop3A_1636 = vector.broadcast %parallel_loop3A_1620 : f32 to vector<16xf32>
        %parallel_loop3A_1637 = arith.mulf %parallel_loop3A_1636, %parallel_loop3A_1632 : vector<16xf32>
        %parallel_loop3A_1638 = arith.addf %parallel_loop3A_1616, %parallel_loop3A_1637 : vector<16xf32>
        %parallel_loop3A_1639 = vector.extract_strided_slice %parallel_loop3A_1348 {offsets = [13], sizes = [1], strides = [1]} : vector<16xi32> to vector<1xi32>
        %parallel_loop3A_1640 = vector.extract %parallel_loop3A_1639[0] : i32 from vector<1xi32>
        %parallel_loop3A_1641 = vector.extract_strided_slice %parallel_loop3A_1352 {offsets = [13], sizes = [1], strides = [1]} : vector<16xf32> to vector<1xf32>
        %parallel_loop3A_1642 = vector.extract %parallel_loop3A_1641[0] : f32 from vector<1xf32>
        %parallel_loop3A_1643 = arith.index_cast %parallel_loop3A_1640 : i32 to index
        %parallel_loop3A_1644 = arith.constant 0 : index
        %parallel_loop3A_1645 = tpu.vector_load %arg5[%parallel_loop3A_1643, %parallel_loop3A_1644] {strides = array<i32>} : memref<5440x32xbf16, #tpu.memory_space<vmem>>, vector<32xbf16>,
        %parallel_loop3A_1646 = vector.bitcast %parallel_loop3A_1645 : vector<32xbf16> to vector<16xi32>
        %parallel_loop3A_1647 = arith.constant 16 : i32
        %parallel_loop3A_1648 = vector.broadcast %parallel_loop3A_1647 : i32 to vector<16xi32>
        %parallel_loop3A_1649 = arith.shli %parallel_loop3A_1646, %parallel_loop3A_1648 : vector<16xi32>
        %parallel_loop3A_1650 = vector.bitcast %parallel_loop3A_1649 : vector<16xi32> to vector<16xf32>
        %parallel_loop3A_1651 = arith.constant -65536 : i32
        %parallel_loop3A_1652 = vector.broadcast %parallel_loop3A_1651 : i32 to vector<16xi32>
        %parallel_loop3A_1653 = arith.andi %parallel_loop3A_1646, %parallel_loop3A_1652 : vector<16xi32>
        %parallel_loop3A_1654 = vector.bitcast %parallel_loop3A_1653 : vector<16xi32> to vector<16xf32>
        %parallel_loop3A_1655 = vector.broadcast %parallel_loop3A_1642 : f32 to vector<16xf32>
        %parallel_loop3A_1656 = arith.mulf %parallel_loop3A_1655, %parallel_loop3A_1650 : vector<16xf32>
        %parallel_loop3A_1657 = arith.addf %parallel_loop3A_1635, %parallel_loop3A_1656 : vector<16xf32>
        %parallel_loop3A_1658 = vector.broadcast %parallel_loop3A_1642 : f32 to vector<16xf32>
        %parallel_loop3A_1659 = arith.mulf %parallel_loop3A_1658, %parallel_loop3A_1654 : vector<16xf32>
        %parallel_loop3A_1660 = arith.addf %parallel_loop3A_1638, %parallel_loop3A_1659 : vector<16xf32>
        %parallel_loop3A_1661 = vector.extract_strided_slice %parallel_loop3A_1348 {offsets = [14], sizes = [1], strides = [1]} : vector<16xi32> to vector<1xi32>
        %parallel_loop3A_1662 = vector.extract %parallel_loop3A_1661[0] : i32 from vector<1xi32>
        %parallel_loop3A_1663 = vector.extract_strided_slice %parallel_loop3A_1352 {offsets = [14], sizes = [1], strides = [1]} : vector<16xf32> to vector<1xf32>
        %parallel_loop3A_1664 = vector.extract %parallel_loop3A_1663[0] : f32 from vector<1xf32>
        %parallel_loop3A_1665 = arith.index_cast %parallel_loop3A_1662 : i32 to index
        %parallel_loop3A_1666 = arith.constant 0 : index
        %parallel_loop3A_1667 = tpu.vector_load %arg5[%parallel_loop3A_1665, %parallel_loop3A_1666] {strides = array<i32>} : memref<5440x32xbf16, #tpu.memory_space<vmem>>, vector<32xbf16>,
        %parallel_loop3A_1668 = vector.bitcast %parallel_loop3A_1667 : vector<32xbf16> to vector<16xi32>
        %parallel_loop3A_1669 = arith.constant 16 : i32
        %parallel_loop3A_1670 = vector.broadcast %parallel_loop3A_1669 : i32 to vector<16xi32>
        %parallel_loop3A_1671 = arith.shli %parallel_loop3A_1668, %parallel_loop3A_1670 : vector<16xi32>
        %parallel_loop3A_1672 = vector.bitcast %parallel_loop3A_1671 : vector<16xi32> to vector<16xf32>
        %parallel_loop3A_1673 = arith.constant -65536 : i32
        %parallel_loop3A_1674 = vector.broadcast %parallel_loop3A_1673 : i32 to vector<16xi32>
        %parallel_loop3A_1675 = arith.andi %parallel_loop3A_1668, %parallel_loop3A_1674 : vector<16xi32>
        %parallel_loop3A_1676 = vector.bitcast %parallel_loop3A_1675 : vector<16xi32> to vector<16xf32>
        %parallel_loop3A_1677 = vector.broadcast %parallel_loop3A_1664 : f32 to vector<16xf32>
        %parallel_loop3A_1678 = arith.mulf %parallel_loop3A_1677, %parallel_loop3A_1672 : vector<16xf32>
        %parallel_loop3A_1679 = arith.addf %parallel_loop3A_1657, %parallel_loop3A_1678 : vector<16xf32>
        %parallel_loop3A_1680 = vector.broadcast %parallel_loop3A_1664 : f32 to vector<16xf32>
        %parallel_loop3A_1681 = arith.mulf %parallel_loop3A_1680, %parallel_loop3A_1676 : vector<16xf32>
        %parallel_loop3A_1682 = arith.addf %parallel_loop3A_1660, %parallel_loop3A_1681 : vector<16xf32>
        %parallel_loop3A_1683 = vector.extract_strided_slice %parallel_loop3A_1348 {offsets = [15], sizes = [1], strides = [1]} : vector<16xi32> to vector<1xi32>
        %parallel_loop3A_1684 = vector.extract %parallel_loop3A_1683[0] : i32 from vector<1xi32>
        %parallel_loop3A_1685 = vector.extract_strided_slice %parallel_loop3A_1352 {offsets = [15], sizes = [1], strides = [1]} : vector<16xf32> to vector<1xf32>
        %parallel_loop3A_1686 = vector.extract %parallel_loop3A_1685[0] : f32 from vector<1xf32>
        %parallel_loop3A_1687 = arith.index_cast %parallel_loop3A_1684 : i32 to index
        %parallel_loop3A_1688 = arith.constant 0 : index
        %parallel_loop3A_1689 = tpu.vector_load %arg5[%parallel_loop3A_1687, %parallel_loop3A_1688] {strides = array<i32>} : memref<5440x32xbf16, #tpu.memory_space<vmem>>, vector<32xbf16>,
        %parallel_loop3A_1690 = vector.bitcast %parallel_loop3A_1689 : vector<32xbf16> to vector<16xi32>
        %parallel_loop3A_1691 = arith.constant 16 : i32
        %parallel_loop3A_1692 = vector.broadcast %parallel_loop3A_1691 : i32 to vector<16xi32>
        %parallel_loop3A_1693 = arith.shli %parallel_loop3A_1690, %parallel_loop3A_1692 : vector<16xi32>
        %parallel_loop3A_1694 = vector.bitcast %parallel_loop3A_1693 : vector<16xi32> to vector<16xf32>
        %parallel_loop3A_1695 = arith.constant -65536 : i32
        %parallel_loop3A_1696 = vector.broadcast %parallel_loop3A_1695 : i32 to vector<16xi32>
        %parallel_loop3A_1697 = arith.andi %parallel_loop3A_1690, %parallel_loop3A_1696 : vector<16xi32>
        %parallel_loop3A_1698 = vector.bitcast %parallel_loop3A_1697 : vector<16xi32> to vector<16xf32>
        %parallel_loop3A_1699 = vector.broadcast %parallel_loop3A_1686 : f32 to vector<16xf32>
        %parallel_loop3A_1700 = arith.mulf %parallel_loop3A_1699, %parallel_loop3A_1694 : vector<16xf32>
        %parallel_loop3A_1701 = arith.addf %parallel_loop3A_1679, %parallel_loop3A_1700 : vector<16xf32>
        %parallel_loop3A_1702 = vector.broadcast %parallel_loop3A_1686 : f32 to vector<16xf32>
        %parallel_loop3A_1703 = arith.mulf %parallel_loop3A_1702, %parallel_loop3A_1698 : vector<16xf32>
        %parallel_loop3A_1704 = arith.addf %parallel_loop3A_1682, %parallel_loop3A_1703 : vector<16xf32>
        %parallel_loop3A_1705 = arith.constant 3 : i32
        %parallel_loop3A_1706 = arith.index_cast %parallel_loop3A_1705 : i32 to index
        %parallel_loop3A_1707 = arith.index_cast %parallel_loop3A_608 : i32 to index
        %parallel_loop3A_1708 = arith.constant 0 : index
        %parallel_loop3A_1709 = tpu.vector_load %arg6[%parallel_loop3A_1706, %parallel_loop3A_1707, %parallel_loop3A_1708] {strides = array<i32>} : memref<4x50x16xi32, #tpu.memory_space<vmem>>, vector<16xi32>,
        %parallel_loop3A_1710 = arith.constant 65535 : i32
        %parallel_loop3A_1711 = vector.broadcast %parallel_loop3A_1710 : i32 to vector<16xi32>
        %parallel_loop3A_1712 = arith.andi %parallel_loop3A_1709, %parallel_loop3A_1711 : vector<16xi32>
        %parallel_loop3A_1713 = arith.constant -65536 : i32
        %parallel_loop3A_1714 = vector.broadcast %parallel_loop3A_1713 : i32 to vector<16xi32>
        %parallel_loop3A_1715 = arith.andi %parallel_loop3A_1709, %parallel_loop3A_1714 : vector<16xi32>
        %parallel_loop3A_1716 = vector.bitcast %parallel_loop3A_1715 : vector<16xi32> to vector<16xf32>
        %parallel_loop3A_1717 = vector.extract_strided_slice %parallel_loop3A_1712 {offsets = [0], sizes = [1], strides = [1]} : vector<16xi32> to vector<1xi32>
        %parallel_loop3A_1718 = vector.extract %parallel_loop3A_1717[0] : i32 from vector<1xi32>
        %parallel_loop3A_1719 = vector.extract_strided_slice %parallel_loop3A_1716 {offsets = [0], sizes = [1], strides = [1]} : vector<16xf32> to vector<1xf32>
        %parallel_loop3A_1720 = vector.extract %parallel_loop3A_1719[0] : f32 from vector<1xf32>
        %parallel_loop3A_1721 = arith.index_cast %parallel_loop3A_1718 : i32 to index
        %parallel_loop3A_1722 = arith.constant 0 : index
        %parallel_loop3A_1723 = tpu.vector_load %arg5[%parallel_loop3A_1721, %parallel_loop3A_1722] {strides = array<i32>} : memref<5440x32xbf16, #tpu.memory_space<vmem>>, vector<32xbf16>,
        %parallel_loop3A_1724 = vector.bitcast %parallel_loop3A_1723 : vector<32xbf16> to vector<16xi32>
        %parallel_loop3A_1725 = arith.constant 16 : i32
        %parallel_loop3A_1726 = vector.broadcast %parallel_loop3A_1725 : i32 to vector<16xi32>
        %parallel_loop3A_1727 = arith.shli %parallel_loop3A_1724, %parallel_loop3A_1726 : vector<16xi32>
        %parallel_loop3A_1728 = vector.bitcast %parallel_loop3A_1727 : vector<16xi32> to vector<16xf32>
        %parallel_loop3A_1729 = arith.constant -65536 : i32
        %parallel_loop3A_1730 = vector.broadcast %parallel_loop3A_1729 : i32 to vector<16xi32>
        %parallel_loop3A_1731 = arith.andi %parallel_loop3A_1724, %parallel_loop3A_1730 : vector<16xi32>
        %parallel_loop3A_1732 = vector.bitcast %parallel_loop3A_1731 : vector<16xi32> to vector<16xf32>
        %parallel_loop3A_1733 = vector.broadcast %parallel_loop3A_1720 : f32 to vector<16xf32>
        %parallel_loop3A_1734 = arith.mulf %parallel_loop3A_1733, %parallel_loop3A_1728 : vector<16xf32>
        %parallel_loop3A_1735 = arith.addf %parallel_loop3A_1701, %parallel_loop3A_1734 : vector<16xf32>
        %parallel_loop3A_1736 = vector.broadcast %parallel_loop3A_1720 : f32 to vector<16xf32>
        %parallel_loop3A_1737 = arith.mulf %parallel_loop3A_1736, %parallel_loop3A_1732 : vector<16xf32>
        %parallel_loop3A_1738 = arith.addf %parallel_loop3A_1704, %parallel_loop3A_1737 : vector<16xf32>
        %parallel_loop3A_1739 = vector.extract_strided_slice %parallel_loop3A_1712 {offsets = [1], sizes = [1], strides = [1]} : vector<16xi32> to vector<1xi32>
        %parallel_loop3A_1740 = vector.extract %parallel_loop3A_1739[0] : i32 from vector<1xi32>
        %parallel_loop3A_1741 = vector.extract_strided_slice %parallel_loop3A_1716 {offsets = [1], sizes = [1], strides = [1]} : vector<16xf32> to vector<1xf32>
        %parallel_loop3A_1742 = vector.extract %parallel_loop3A_1741[0] : f32 from vector<1xf32>
        %parallel_loop3A_1743 = arith.index_cast %parallel_loop3A_1740 : i32 to index
        %parallel_loop3A_1744 = arith.constant 0 : index
        %parallel_loop3A_1745 = tpu.vector_load %arg5[%parallel_loop3A_1743, %parallel_loop3A_1744] {strides = array<i32>} : memref<5440x32xbf16, #tpu.memory_space<vmem>>, vector<32xbf16>,
        %parallel_loop3A_1746 = vector.bitcast %parallel_loop3A_1745 : vector<32xbf16> to vector<16xi32>
        %parallel_loop3A_1747 = arith.constant 16 : i32
        %parallel_loop3A_1748 = vector.broadcast %parallel_loop3A_1747 : i32 to vector<16xi32>
        %parallel_loop3A_1749 = arith.shli %parallel_loop3A_1746, %parallel_loop3A_1748 : vector<16xi32>
        %parallel_loop3A_1750 = vector.bitcast %parallel_loop3A_1749 : vector<16xi32> to vector<16xf32>
        %parallel_loop3A_1751 = arith.constant -65536 : i32
        %parallel_loop3A_1752 = vector.broadcast %parallel_loop3A_1751 : i32 to vector<16xi32>
        %parallel_loop3A_1753 = arith.andi %parallel_loop3A_1746, %parallel_loop3A_1752 : vector<16xi32>
        %parallel_loop3A_1754 = vector.bitcast %parallel_loop3A_1753 : vector<16xi32> to vector<16xf32>
        %parallel_loop3A_1755 = vector.broadcast %parallel_loop3A_1742 : f32 to vector<16xf32>
        %parallel_loop3A_1756 = arith.mulf %parallel_loop3A_1755, %parallel_loop3A_1750 : vector<16xf32>
        %parallel_loop3A_1757 = arith.addf %parallel_loop3A_1735, %parallel_loop3A_1756 : vector<16xf32>
        %parallel_loop3A_1758 = vector.broadcast %parallel_loop3A_1742 : f32 to vector<16xf32>
        %parallel_loop3A_1759 = arith.mulf %parallel_loop3A_1758, %parallel_loop3A_1754 : vector<16xf32>
        %parallel_loop3A_1760 = arith.addf %parallel_loop3A_1738, %parallel_loop3A_1759 : vector<16xf32>
        %parallel_loop3A_1761 = vector.extract_strided_slice %parallel_loop3A_1712 {offsets = [2], sizes = [1], strides = [1]} : vector<16xi32> to vector<1xi32>
        %parallel_loop3A_1762 = vector.extract %parallel_loop3A_1761[0] : i32 from vector<1xi32>
        %parallel_loop3A_1763 = vector.extract_strided_slice %parallel_loop3A_1716 {offsets = [2], sizes = [1], strides = [1]} : vector<16xf32> to vector<1xf32>
        %parallel_loop3A_1764 = vector.extract %parallel_loop3A_1763[0] : f32 from vector<1xf32>
        %parallel_loop3A_1765 = arith.index_cast %parallel_loop3A_1762 : i32 to index
        %parallel_loop3A_1766 = arith.constant 0 : index
        %parallel_loop3A_1767 = tpu.vector_load %arg5[%parallel_loop3A_1765, %parallel_loop3A_1766] {strides = array<i32>} : memref<5440x32xbf16, #tpu.memory_space<vmem>>, vector<32xbf16>,
        %parallel_loop3A_1768 = vector.bitcast %parallel_loop3A_1767 : vector<32xbf16> to vector<16xi32>
        %parallel_loop3A_1769 = arith.constant 16 : i32
        %parallel_loop3A_1770 = vector.broadcast %parallel_loop3A_1769 : i32 to vector<16xi32>
        %parallel_loop3A_1771 = arith.shli %parallel_loop3A_1768, %parallel_loop3A_1770 : vector<16xi32>
        %parallel_loop3A_1772 = vector.bitcast %parallel_loop3A_1771 : vector<16xi32> to vector<16xf32>
        %parallel_loop3A_1773 = arith.constant -65536 : i32
        %parallel_loop3A_1774 = vector.broadcast %parallel_loop3A_1773 : i32 to vector<16xi32>
        %parallel_loop3A_1775 = arith.andi %parallel_loop3A_1768, %parallel_loop3A_1774 : vector<16xi32>
        %parallel_loop3A_1776 = vector.bitcast %parallel_loop3A_1775 : vector<16xi32> to vector<16xf32>
        %parallel_loop3A_1777 = vector.broadcast %parallel_loop3A_1764 : f32 to vector<16xf32>
        %parallel_loop3A_1778 = arith.mulf %parallel_loop3A_1777, %parallel_loop3A_1772 : vector<16xf32>
        %parallel_loop3A_1779 = arith.addf %parallel_loop3A_1757, %parallel_loop3A_1778 : vector<16xf32>
        %parallel_loop3A_1780 = vector.broadcast %parallel_loop3A_1764 : f32 to vector<16xf32>
        %parallel_loop3A_1781 = arith.mulf %parallel_loop3A_1780, %parallel_loop3A_1776 : vector<16xf32>
        %parallel_loop3A_1782 = arith.addf %parallel_loop3A_1760, %parallel_loop3A_1781 : vector<16xf32>
        %parallel_loop3A_1783 = vector.extract_strided_slice %parallel_loop3A_1712 {offsets = [3], sizes = [1], strides = [1]} : vector<16xi32> to vector<1xi32>
        %parallel_loop3A_1784 = vector.extract %parallel_loop3A_1783[0] : i32 from vector<1xi32>
        %parallel_loop3A_1785 = vector.extract_strided_slice %parallel_loop3A_1716 {offsets = [3], sizes = [1], strides = [1]} : vector<16xf32> to vector<1xf32>
        %parallel_loop3A_1786 = vector.extract %parallel_loop3A_1785[0] : f32 from vector<1xf32>
        %parallel_loop3A_1787 = arith.index_cast %parallel_loop3A_1784 : i32 to index
        %parallel_loop3A_1788 = arith.constant 0 : index
        %parallel_loop3A_1789 = tpu.vector_load %arg5[%parallel_loop3A_1787, %parallel_loop3A_1788] {strides = array<i32>} : memref<5440x32xbf16, #tpu.memory_space<vmem>>, vector<32xbf16>,
        %parallel_loop3A_1790 = vector.bitcast %parallel_loop3A_1789 : vector<32xbf16> to vector<16xi32>
        %parallel_loop3A_1791 = arith.constant 16 : i32
        %parallel_loop3A_1792 = vector.broadcast %parallel_loop3A_1791 : i32 to vector<16xi32>
        %parallel_loop3A_1793 = arith.shli %parallel_loop3A_1790, %parallel_loop3A_1792 : vector<16xi32>
        %parallel_loop3A_1794 = vector.bitcast %parallel_loop3A_1793 : vector<16xi32> to vector<16xf32>
        %parallel_loop3A_1795 = arith.constant -65536 : i32
        %parallel_loop3A_1796 = vector.broadcast %parallel_loop3A_1795 : i32 to vector<16xi32>
        %parallel_loop3A_1797 = arith.andi %parallel_loop3A_1790, %parallel_loop3A_1796 : vector<16xi32>
        %parallel_loop3A_1798 = vector.bitcast %parallel_loop3A_1797 : vector<16xi32> to vector<16xf32>
        %parallel_loop3A_1799 = vector.broadcast %parallel_loop3A_1786 : f32 to vector<16xf32>
        %parallel_loop3A_1800 = arith.mulf %parallel_loop3A_1799, %parallel_loop3A_1794 : vector<16xf32>
        %parallel_loop3A_1801 = arith.addf %parallel_loop3A_1779, %parallel_loop3A_1800 : vector<16xf32>
        %parallel_loop3A_1802 = vector.broadcast %parallel_loop3A_1786 : f32 to vector<16xf32>
        %parallel_loop3A_1803 = arith.mulf %parallel_loop3A_1802, %parallel_loop3A_1798 : vector<16xf32>
        %parallel_loop3A_1804 = arith.addf %parallel_loop3A_1782, %parallel_loop3A_1803 : vector<16xf32>
        %parallel_loop3A_1805 = vector.extract_strided_slice %parallel_loop3A_1712 {offsets = [4], sizes = [1], strides = [1]} : vector<16xi32> to vector<1xi32>
        %parallel_loop3A_1806 = vector.extract %parallel_loop3A_1805[0] : i32 from vector<1xi32>
        %parallel_loop3A_1807 = vector.extract_strided_slice %parallel_loop3A_1716 {offsets = [4], sizes = [1], strides = [1]} : vector<16xf32> to vector<1xf32>
        %parallel_loop3A_1808 = vector.extract %parallel_loop3A_1807[0] : f32 from vector<1xf32>
        %parallel_loop3A_1809 = arith.index_cast %parallel_loop3A_1806 : i32 to index
        %parallel_loop3A_1810 = arith.constant 0 : index
        %parallel_loop3A_1811 = tpu.vector_load %arg5[%parallel_loop3A_1809, %parallel_loop3A_1810] {strides = array<i32>} : memref<5440x32xbf16, #tpu.memory_space<vmem>>, vector<32xbf16>,
        %parallel_loop3A_1812 = vector.bitcast %parallel_loop3A_1811 : vector<32xbf16> to vector<16xi32>
        %parallel_loop3A_1813 = arith.constant 16 : i32
        %parallel_loop3A_1814 = vector.broadcast %parallel_loop3A_1813 : i32 to vector<16xi32>
        %parallel_loop3A_1815 = arith.shli %parallel_loop3A_1812, %parallel_loop3A_1814 : vector<16xi32>
        %parallel_loop3A_1816 = vector.bitcast %parallel_loop3A_1815 : vector<16xi32> to vector<16xf32>
        %parallel_loop3A_1817 = arith.constant -65536 : i32
        %parallel_loop3A_1818 = vector.broadcast %parallel_loop3A_1817 : i32 to vector<16xi32>
        %parallel_loop3A_1819 = arith.andi %parallel_loop3A_1812, %parallel_loop3A_1818 : vector<16xi32>
        %parallel_loop3A_1820 = vector.bitcast %parallel_loop3A_1819 : vector<16xi32> to vector<16xf32>
        %parallel_loop3A_1821 = vector.broadcast %parallel_loop3A_1808 : f32 to vector<16xf32>
        %parallel_loop3A_1822 = arith.mulf %parallel_loop3A_1821, %parallel_loop3A_1816 : vector<16xf32>
        %parallel_loop3A_1823 = arith.addf %parallel_loop3A_1801, %parallel_loop3A_1822 : vector<16xf32>
        %parallel_loop3A_1824 = vector.broadcast %parallel_loop3A_1808 : f32 to vector<16xf32>
        %parallel_loop3A_1825 = arith.mulf %parallel_loop3A_1824, %parallel_loop3A_1820 : vector<16xf32>
        %parallel_loop3A_1826 = arith.addf %parallel_loop3A_1804, %parallel_loop3A_1825 : vector<16xf32>
        %parallel_loop3A_1827 = vector.extract_strided_slice %parallel_loop3A_1712 {offsets = [5], sizes = [1], strides = [1]} : vector<16xi32> to vector<1xi32>
        %parallel_loop3A_1828 = vector.extract %parallel_loop3A_1827[0] : i32 from vector<1xi32>
        %parallel_loop3A_1829 = vector.extract_strided_slice %parallel_loop3A_1716 {offsets = [5], sizes = [1], strides = [1]} : vector<16xf32> to vector<1xf32>
        %parallel_loop3A_1830 = vector.extract %parallel_loop3A_1829[0] : f32 from vector<1xf32>
        %parallel_loop3A_1831 = arith.index_cast %parallel_loop3A_1828 : i32 to index
        %parallel_loop3A_1832 = arith.constant 0 : index
        %parallel_loop3A_1833 = tpu.vector_load %arg5[%parallel_loop3A_1831, %parallel_loop3A_1832] {strides = array<i32>} : memref<5440x32xbf16, #tpu.memory_space<vmem>>, vector<32xbf16>,
        %parallel_loop3A_1834 = vector.bitcast %parallel_loop3A_1833 : vector<32xbf16> to vector<16xi32>
        %parallel_loop3A_1835 = arith.constant 16 : i32
        %parallel_loop3A_1836 = vector.broadcast %parallel_loop3A_1835 : i32 to vector<16xi32>
        %parallel_loop3A_1837 = arith.shli %parallel_loop3A_1834, %parallel_loop3A_1836 : vector<16xi32>
        %parallel_loop3A_1838 = vector.bitcast %parallel_loop3A_1837 : vector<16xi32> to vector<16xf32>
        %parallel_loop3A_1839 = arith.constant -65536 : i32
        %parallel_loop3A_1840 = vector.broadcast %parallel_loop3A_1839 : i32 to vector<16xi32>
        %parallel_loop3A_1841 = arith.andi %parallel_loop3A_1834, %parallel_loop3A_1840 : vector<16xi32>
        %parallel_loop3A_1842 = vector.bitcast %parallel_loop3A_1841 : vector<16xi32> to vector<16xf32>
        %parallel_loop3A_1843 = vector.broadcast %parallel_loop3A_1830 : f32 to vector<16xf32>
        %parallel_loop3A_1844 = arith.mulf %parallel_loop3A_1843, %parallel_loop3A_1838 : vector<16xf32>
        %parallel_loop3A_1845 = arith.addf %parallel_loop3A_1823, %parallel_loop3A_1844 : vector<16xf32>
        %parallel_loop3A_1846 = vector.broadcast %parallel_loop3A_1830 : f32 to vector<16xf32>
        %parallel_loop3A_1847 = arith.mulf %parallel_loop3A_1846, %parallel_loop3A_1842 : vector<16xf32>
        %parallel_loop3A_1848 = arith.addf %parallel_loop3A_1826, %parallel_loop3A_1847 : vector<16xf32>
        %parallel_loop3A_1849 = vector.extract_strided_slice %parallel_loop3A_1712 {offsets = [6], sizes = [1], strides = [1]} : vector<16xi32> to vector<1xi32>
        %parallel_loop3A_1850 = vector.extract %parallel_loop3A_1849[0] : i32 from vector<1xi32>
        %parallel_loop3A_1851 = vector.extract_strided_slice %parallel_loop3A_1716 {offsets = [6], sizes = [1], strides = [1]} : vector<16xf32> to vector<1xf32>
        %parallel_loop3A_1852 = vector.extract %parallel_loop3A_1851[0] : f32 from vector<1xf32>
        %parallel_loop3A_1853 = arith.index_cast %parallel_loop3A_1850 : i32 to index
        %parallel_loop3A_1854 = arith.constant 0 : index
        %parallel_loop3A_1855 = tpu.vector_load %arg5[%parallel_loop3A_1853, %parallel_loop3A_1854] {strides = array<i32>} : memref<5440x32xbf16, #tpu.memory_space<vmem>>, vector<32xbf16>,
        %parallel_loop3A_1856 = vector.bitcast %parallel_loop3A_1855 : vector<32xbf16> to vector<16xi32>
        %parallel_loop3A_1857 = arith.constant 16 : i32
        %parallel_loop3A_1858 = vector.broadcast %parallel_loop3A_1857 : i32 to vector<16xi32>
        %parallel_loop3A_1859 = arith.shli %parallel_loop3A_1856, %parallel_loop3A_1858 : vector<16xi32>
        %parallel_loop3A_1860 = vector.bitcast %parallel_loop3A_1859 : vector<16xi32> to vector<16xf32>
        %parallel_loop3A_1861 = arith.constant -65536 : i32
        %parallel_loop3A_1862 = vector.broadcast %parallel_loop3A_1861 : i32 to vector<16xi32>
        %parallel_loop3A_1863 = arith.andi %parallel_loop3A_1856, %parallel_loop3A_1862 : vector<16xi32>
        %parallel_loop3A_1864 = vector.bitcast %parallel_loop3A_1863 : vector<16xi32> to vector<16xf32>
        %parallel_loop3A_1865 = vector.broadcast %parallel_loop3A_1852 : f32 to vector<16xf32>
        %parallel_loop3A_1866 = arith.mulf %parallel_loop3A_1865, %parallel_loop3A_1860 : vector<16xf32>
        %parallel_loop3A_1867 = arith.addf %parallel_loop3A_1845, %parallel_loop3A_1866 : vector<16xf32>
        %parallel_loop3A_1868 = vector.broadcast %parallel_loop3A_1852 : f32 to vector<16xf32>
        %parallel_loop3A_1869 = arith.mulf %parallel_loop3A_1868, %parallel_loop3A_1864 : vector<16xf32>
        %parallel_loop3A_1870 = arith.addf %parallel_loop3A_1848, %parallel_loop3A_1869 : vector<16xf32>
        %parallel_loop3A_1871 = vector.extract_strided_slice %parallel_loop3A_1712 {offsets = [7], sizes = [1], strides = [1]} : vector<16xi32> to vector<1xi32>
        %parallel_loop3A_1872 = vector.extract %parallel_loop3A_1871[0] : i32 from vector<1xi32>
        %parallel_loop3A_1873 = vector.extract_strided_slice %parallel_loop3A_1716 {offsets = [7], sizes = [1], strides = [1]} : vector<16xf32> to vector<1xf32>
        %parallel_loop3A_1874 = vector.extract %parallel_loop3A_1873[0] : f32 from vector<1xf32>
        %parallel_loop3A_1875 = arith.index_cast %parallel_loop3A_1872 : i32 to index
        %parallel_loop3A_1876 = arith.constant 0 : index
        %parallel_loop3A_1877 = tpu.vector_load %arg5[%parallel_loop3A_1875, %parallel_loop3A_1876] {strides = array<i32>} : memref<5440x32xbf16, #tpu.memory_space<vmem>>, vector<32xbf16>,
        %parallel_loop3A_1878 = vector.bitcast %parallel_loop3A_1877 : vector<32xbf16> to vector<16xi32>
        %parallel_loop3A_1879 = arith.constant 16 : i32
        %parallel_loop3A_1880 = vector.broadcast %parallel_loop3A_1879 : i32 to vector<16xi32>
        %parallel_loop3A_1881 = arith.shli %parallel_loop3A_1878, %parallel_loop3A_1880 : vector<16xi32>
        %parallel_loop3A_1882 = vector.bitcast %parallel_loop3A_1881 : vector<16xi32> to vector<16xf32>
        %parallel_loop3A_1883 = arith.constant -65536 : i32
        %parallel_loop3A_1884 = vector.broadcast %parallel_loop3A_1883 : i32 to vector<16xi32>
        %parallel_loop3A_1885 = arith.andi %parallel_loop3A_1878, %parallel_loop3A_1884 : vector<16xi32>
        %parallel_loop3A_1886 = vector.bitcast %parallel_loop3A_1885 : vector<16xi32> to vector<16xf32>
        %parallel_loop3A_1887 = vector.broadcast %parallel_loop3A_1874 : f32 to vector<16xf32>
        %parallel_loop3A_1888 = arith.mulf %parallel_loop3A_1887, %parallel_loop3A_1882 : vector<16xf32>
        %parallel_loop3A_1889 = arith.addf %parallel_loop3A_1867, %parallel_loop3A_1888 : vector<16xf32>
        %parallel_loop3A_1890 = vector.broadcast %parallel_loop3A_1874 : f32 to vector<16xf32>
        %parallel_loop3A_1891 = arith.mulf %parallel_loop3A_1890, %parallel_loop3A_1886 : vector<16xf32>
        %parallel_loop3A_1892 = arith.addf %parallel_loop3A_1870, %parallel_loop3A_1891 : vector<16xf32>
        %parallel_loop3A_1893 = vector.extract_strided_slice %parallel_loop3A_1712 {offsets = [8], sizes = [1], strides = [1]} : vector<16xi32> to vector<1xi32>
        %parallel_loop3A_1894 = vector.extract %parallel_loop3A_1893[0] : i32 from vector<1xi32>
        %parallel_loop3A_1895 = vector.extract_strided_slice %parallel_loop3A_1716 {offsets = [8], sizes = [1], strides = [1]} : vector<16xf32> to vector<1xf32>
        %parallel_loop3A_1896 = vector.extract %parallel_loop3A_1895[0] : f32 from vector<1xf32>
        %parallel_loop3A_1897 = arith.index_cast %parallel_loop3A_1894 : i32 to index
        %parallel_loop3A_1898 = arith.constant 0 : index
        %parallel_loop3A_1899 = tpu.vector_load %arg5[%parallel_loop3A_1897, %parallel_loop3A_1898] {strides = array<i32>} : memref<5440x32xbf16, #tpu.memory_space<vmem>>, vector<32xbf16>,
        %parallel_loop3A_1900 = vector.bitcast %parallel_loop3A_1899 : vector<32xbf16> to vector<16xi32>
        %parallel_loop3A_1901 = arith.constant 16 : i32
        %parallel_loop3A_1902 = vector.broadcast %parallel_loop3A_1901 : i32 to vector<16xi32>
        %parallel_loop3A_1903 = arith.shli %parallel_loop3A_1900, %parallel_loop3A_1902 : vector<16xi32>
        %parallel_loop3A_1904 = vector.bitcast %parallel_loop3A_1903 : vector<16xi32> to vector<16xf32>
        %parallel_loop3A_1905 = arith.constant -65536 : i32
        %parallel_loop3A_1906 = vector.broadcast %parallel_loop3A_1905 : i32 to vector<16xi32>
        %parallel_loop3A_1907 = arith.andi %parallel_loop3A_1900, %parallel_loop3A_1906 : vector<16xi32>
        %parallel_loop3A_1908 = vector.bitcast %parallel_loop3A_1907 : vector<16xi32> to vector<16xf32>
        %parallel_loop3A_1909 = vector.broadcast %parallel_loop3A_1896 : f32 to vector<16xf32>
        %parallel_loop3A_1910 = arith.mulf %parallel_loop3A_1909, %parallel_loop3A_1904 : vector<16xf32>
        %parallel_loop3A_1911 = arith.addf %parallel_loop3A_1889, %parallel_loop3A_1910 : vector<16xf32>
        %parallel_loop3A_1912 = vector.broadcast %parallel_loop3A_1896 : f32 to vector<16xf32>
        %parallel_loop3A_1913 = arith.mulf %parallel_loop3A_1912, %parallel_loop3A_1908 : vector<16xf32>
        %parallel_loop3A_1914 = arith.addf %parallel_loop3A_1892, %parallel_loop3A_1913 : vector<16xf32>
        %parallel_loop3A_1915 = vector.extract_strided_slice %parallel_loop3A_1712 {offsets = [9], sizes = [1], strides = [1]} : vector<16xi32> to vector<1xi32>
        %parallel_loop3A_1916 = vector.extract %parallel_loop3A_1915[0] : i32 from vector<1xi32>
        %parallel_loop3A_1917 = vector.extract_strided_slice %parallel_loop3A_1716 {offsets = [9], sizes = [1], strides = [1]} : vector<16xf32> to vector<1xf32>
        %parallel_loop3A_1918 = vector.extract %parallel_loop3A_1917[0] : f32 from vector<1xf32>
        %parallel_loop3A_1919 = arith.index_cast %parallel_loop3A_1916 : i32 to index
        %parallel_loop3A_1920 = arith.constant 0 : index
        %parallel_loop3A_1921 = tpu.vector_load %arg5[%parallel_loop3A_1919, %parallel_loop3A_1920] {strides = array<i32>} : memref<5440x32xbf16, #tpu.memory_space<vmem>>, vector<32xbf16>,
        %parallel_loop3A_1922 = vector.bitcast %parallel_loop3A_1921 : vector<32xbf16> to vector<16xi32>
        %parallel_loop3A_1923 = arith.constant 16 : i32
        %parallel_loop3A_1924 = vector.broadcast %parallel_loop3A_1923 : i32 to vector<16xi32>
        %parallel_loop3A_1925 = arith.shli %parallel_loop3A_1922, %parallel_loop3A_1924 : vector<16xi32>
        %parallel_loop3A_1926 = vector.bitcast %parallel_loop3A_1925 : vector<16xi32> to vector<16xf32>
        %parallel_loop3A_1927 = arith.constant -65536 : i32
        %parallel_loop3A_1928 = vector.broadcast %parallel_loop3A_1927 : i32 to vector<16xi32>
        %parallel_loop3A_1929 = arith.andi %parallel_loop3A_1922, %parallel_loop3A_1928 : vector<16xi32>
        %parallel_loop3A_1930 = vector.bitcast %parallel_loop3A_1929 : vector<16xi32> to vector<16xf32>
        %parallel_loop3A_1931 = vector.broadcast %parallel_loop3A_1918 : f32 to vector<16xf32>
        %parallel_loop3A_1932 = arith.mulf %parallel_loop3A_1931, %parallel_loop3A_1926 : vector<16xf32>
        %parallel_loop3A_1933 = arith.addf %parallel_loop3A_1911, %parallel_loop3A_1932 : vector<16xf32>
        %parallel_loop3A_1934 = vector.broadcast %parallel_loop3A_1918 : f32 to vector<16xf32>
        %parallel_loop3A_1935 = arith.mulf %parallel_loop3A_1934, %parallel_loop3A_1930 : vector<16xf32>
        %parallel_loop3A_1936 = arith.addf %parallel_loop3A_1914, %parallel_loop3A_1935 : vector<16xf32>
        %parallel_loop3A_1937 = vector.extract_strided_slice %parallel_loop3A_1712 {offsets = [10], sizes = [1], strides = [1]} : vector<16xi32> to vector<1xi32>
        %parallel_loop3A_1938 = vector.extract %parallel_loop3A_1937[0] : i32 from vector<1xi32>
        %parallel_loop3A_1939 = vector.extract_strided_slice %parallel_loop3A_1716 {offsets = [10], sizes = [1], strides = [1]} : vector<16xf32> to vector<1xf32>
        %parallel_loop3A_1940 = vector.extract %parallel_loop3A_1939[0] : f32 from vector<1xf32>
        %parallel_loop3A_1941 = arith.index_cast %parallel_loop3A_1938 : i32 to index
        %parallel_loop3A_1942 = arith.constant 0 : index
        %parallel_loop3A_1943 = tpu.vector_load %arg5[%parallel_loop3A_1941, %parallel_loop3A_1942] {strides = array<i32>} : memref<5440x32xbf16, #tpu.memory_space<vmem>>, vector<32xbf16>,
        %parallel_loop3A_1944 = vector.bitcast %parallel_loop3A_1943 : vector<32xbf16> to vector<16xi32>
        %parallel_loop3A_1945 = arith.constant 16 : i32
        %parallel_loop3A_1946 = vector.broadcast %parallel_loop3A_1945 : i32 to vector<16xi32>
        %parallel_loop3A_1947 = arith.shli %parallel_loop3A_1944, %parallel_loop3A_1946 : vector<16xi32>
        %parallel_loop3A_1948 = vector.bitcast %parallel_loop3A_1947 : vector<16xi32> to vector<16xf32>
        %parallel_loop3A_1949 = arith.constant -65536 : i32
        %parallel_loop3A_1950 = vector.broadcast %parallel_loop3A_1949 : i32 to vector<16xi32>
        %parallel_loop3A_1951 = arith.andi %parallel_loop3A_1944, %parallel_loop3A_1950 : vector<16xi32>
        %parallel_loop3A_1952 = vector.bitcast %parallel_loop3A_1951 : vector<16xi32> to vector<16xf32>
        %parallel_loop3A_1953 = vector.broadcast %parallel_loop3A_1940 : f32 to vector<16xf32>
        %parallel_loop3A_1954 = arith.mulf %parallel_loop3A_1953, %parallel_loop3A_1948 : vector<16xf32>
        %parallel_loop3A_1955 = arith.addf %parallel_loop3A_1933, %parallel_loop3A_1954 : vector<16xf32>
        %parallel_loop3A_1956 = vector.broadcast %parallel_loop3A_1940 : f32 to vector<16xf32>
        %parallel_loop3A_1957 = arith.mulf %parallel_loop3A_1956, %parallel_loop3A_1952 : vector<16xf32>
        %parallel_loop3A_1958 = arith.addf %parallel_loop3A_1936, %parallel_loop3A_1957 : vector<16xf32>
        %parallel_loop3A_1959 = vector.extract_strided_slice %parallel_loop3A_1712 {offsets = [11], sizes = [1], strides = [1]} : vector<16xi32> to vector<1xi32>
        %parallel_loop3A_1960 = vector.extract %parallel_loop3A_1959[0] : i32 from vector<1xi32>
        %parallel_loop3A_1961 = vector.extract_strided_slice %parallel_loop3A_1716 {offsets = [11], sizes = [1], strides = [1]} : vector<16xf32> to vector<1xf32>
        %parallel_loop3A_1962 = vector.extract %parallel_loop3A_1961[0] : f32 from vector<1xf32>
        %parallel_loop3A_1963 = arith.index_cast %parallel_loop3A_1960 : i32 to index
        %parallel_loop3A_1964 = arith.constant 0 : index
        %parallel_loop3A_1965 = tpu.vector_load %arg5[%parallel_loop3A_1963, %parallel_loop3A_1964] {strides = array<i32>} : memref<5440x32xbf16, #tpu.memory_space<vmem>>, vector<32xbf16>,
        %parallel_loop3A_1966 = vector.bitcast %parallel_loop3A_1965 : vector<32xbf16> to vector<16xi32>
        %parallel_loop3A_1967 = arith.constant 16 : i32
        %parallel_loop3A_1968 = vector.broadcast %parallel_loop3A_1967 : i32 to vector<16xi32>
        %parallel_loop3A_1969 = arith.shli %parallel_loop3A_1966, %parallel_loop3A_1968 : vector<16xi32>
        %parallel_loop3A_1970 = vector.bitcast %parallel_loop3A_1969 : vector<16xi32> to vector<16xf32>
        %parallel_loop3A_1971 = arith.constant -65536 : i32
        %parallel_loop3A_1972 = vector.broadcast %parallel_loop3A_1971 : i32 to vector<16xi32>
        %parallel_loop3A_1973 = arith.andi %parallel_loop3A_1966, %parallel_loop3A_1972 : vector<16xi32>
        %parallel_loop3A_1974 = vector.bitcast %parallel_loop3A_1973 : vector<16xi32> to vector<16xf32>
        %parallel_loop3A_1975 = vector.broadcast %parallel_loop3A_1962 : f32 to vector<16xf32>
        %parallel_loop3A_1976 = arith.mulf %parallel_loop3A_1975, %parallel_loop3A_1970 : vector<16xf32>
        %parallel_loop3A_1977 = arith.addf %parallel_loop3A_1955, %parallel_loop3A_1976 : vector<16xf32>
        %parallel_loop3A_1978 = vector.broadcast %parallel_loop3A_1962 : f32 to vector<16xf32>
        %parallel_loop3A_1979 = arith.mulf %parallel_loop3A_1978, %parallel_loop3A_1974 : vector<16xf32>
        %parallel_loop3A_1980 = arith.addf %parallel_loop3A_1958, %parallel_loop3A_1979 : vector<16xf32>
        %parallel_loop3A_1981 = vector.extract_strided_slice %parallel_loop3A_1712 {offsets = [12], sizes = [1], strides = [1]} : vector<16xi32> to vector<1xi32>
        %parallel_loop3A_1982 = vector.extract %parallel_loop3A_1981[0] : i32 from vector<1xi32>
        %parallel_loop3A_1983 = vector.extract_strided_slice %parallel_loop3A_1716 {offsets = [12], sizes = [1], strides = [1]} : vector<16xf32> to vector<1xf32>
        %parallel_loop3A_1984 = vector.extract %parallel_loop3A_1983[0] : f32 from vector<1xf32>
        %parallel_loop3A_1985 = arith.index_cast %parallel_loop3A_1982 : i32 to index
        %parallel_loop3A_1986 = arith.constant 0 : index
        %parallel_loop3A_1987 = tpu.vector_load %arg5[%parallel_loop3A_1985, %parallel_loop3A_1986] {strides = array<i32>} : memref<5440x32xbf16, #tpu.memory_space<vmem>>, vector<32xbf16>,
        %parallel_loop3A_1988 = vector.bitcast %parallel_loop3A_1987 : vector<32xbf16> to vector<16xi32>
        %parallel_loop3A_1989 = arith.constant 16 : i32
        %parallel_loop3A_1990 = vector.broadcast %parallel_loop3A_1989 : i32 to vector<16xi32>
        %parallel_loop3A_1991 = arith.shli %parallel_loop3A_1988, %parallel_loop3A_1990 : vector<16xi32>
        %parallel_loop3A_1992 = vector.bitcast %parallel_loop3A_1991 : vector<16xi32> to vector<16xf32>
        %parallel_loop3A_1993 = arith.constant -65536 : i32
        %parallel_loop3A_1994 = vector.broadcast %parallel_loop3A_1993 : i32 to vector<16xi32>
        %parallel_loop3A_1995 = arith.andi %parallel_loop3A_1988, %parallel_loop3A_1994 : vector<16xi32>
        %parallel_loop3A_1996 = vector.bitcast %parallel_loop3A_1995 : vector<16xi32> to vector<16xf32>
        %parallel_loop3A_1997 = vector.broadcast %parallel_loop3A_1984 : f32 to vector<16xf32>
        %parallel_loop3A_1998 = arith.mulf %parallel_loop3A_1997, %parallel_loop3A_1992 : vector<16xf32>
        %parallel_loop3A_1999 = arith.addf %parallel_loop3A_1977, %parallel_loop3A_1998 : vector<16xf32>
        %parallel_loop3A_2000 = vector.broadcast %parallel_loop3A_1984 : f32 to vector<16xf32>
        %parallel_loop3A_2001 = arith.mulf %parallel_loop3A_2000, %parallel_loop3A_1996 : vector<16xf32>
        %parallel_loop3A_2002 = arith.addf %parallel_loop3A_1980, %parallel_loop3A_2001 : vector<16xf32>
        %parallel_loop3A_2003 = vector.extract_strided_slice %parallel_loop3A_1712 {offsets = [13], sizes = [1], strides = [1]} : vector<16xi32> to vector<1xi32>
        %parallel_loop3A_2004 = vector.extract %parallel_loop3A_2003[0] : i32 from vector<1xi32>
        %parallel_loop3A_2005 = vector.extract_strided_slice %parallel_loop3A_1716 {offsets = [13], sizes = [1], strides = [1]} : vector<16xf32> to vector<1xf32>
        %parallel_loop3A_2006 = vector.extract %parallel_loop3A_2005[0] : f32 from vector<1xf32>
        %parallel_loop3A_2007 = arith.index_cast %parallel_loop3A_2004 : i32 to index
        %parallel_loop3A_2008 = arith.constant 0 : index
        %parallel_loop3A_2009 = tpu.vector_load %arg5[%parallel_loop3A_2007, %parallel_loop3A_2008] {strides = array<i32>} : memref<5440x32xbf16, #tpu.memory_space<vmem>>, vector<32xbf16>,
        %parallel_loop3A_2010 = vector.bitcast %parallel_loop3A_2009 : vector<32xbf16> to vector<16xi32>
        %parallel_loop3A_2011 = arith.constant 16 : i32
        %parallel_loop3A_2012 = vector.broadcast %parallel_loop3A_2011 : i32 to vector<16xi32>
        %parallel_loop3A_2013 = arith.shli %parallel_loop3A_2010, %parallel_loop3A_2012 : vector<16xi32>
        %parallel_loop3A_2014 = vector.bitcast %parallel_loop3A_2013 : vector<16xi32> to vector<16xf32>
        %parallel_loop3A_2015 = arith.constant -65536 : i32
        %parallel_loop3A_2016 = vector.broadcast %parallel_loop3A_2015 : i32 to vector<16xi32>
        %parallel_loop3A_2017 = arith.andi %parallel_loop3A_2010, %parallel_loop3A_2016 : vector<16xi32>
        %parallel_loop3A_2018 = vector.bitcast %parallel_loop3A_2017 : vector<16xi32> to vector<16xf32>
        %parallel_loop3A_2019 = vector.broadcast %parallel_loop3A_2006 : f32 to vector<16xf32>
        %parallel_loop3A_2020 = arith.mulf %parallel_loop3A_2019, %parallel_loop3A_2014 : vector<16xf32>
        %parallel_loop3A_2021 = arith.addf %parallel_loop3A_1999, %parallel_loop3A_2020 : vector<16xf32>
        %parallel_loop3A_2022 = vector.broadcast %parallel_loop3A_2006 : f32 to vector<16xf32>
        %parallel_loop3A_2023 = arith.mulf %parallel_loop3A_2022, %parallel_loop3A_2018 : vector<16xf32>
        %parallel_loop3A_2024 = arith.addf %parallel_loop3A_2002, %parallel_loop3A_2023 : vector<16xf32>
        %parallel_loop3A_2025 = vector.extract_strided_slice %parallel_loop3A_1712 {offsets = [14], sizes = [1], strides = [1]} : vector<16xi32> to vector<1xi32>
        %parallel_loop3A_2026 = vector.extract %parallel_loop3A_2025[0] : i32 from vector<1xi32>
        %parallel_loop3A_2027 = vector.extract_strided_slice %parallel_loop3A_1716 {offsets = [14], sizes = [1], strides = [1]} : vector<16xf32> to vector<1xf32>
        %parallel_loop3A_2028 = vector.extract %parallel_loop3A_2027[0] : f32 from vector<1xf32>
        %parallel_loop3A_2029 = arith.index_cast %parallel_loop3A_2026 : i32 to index
        %parallel_loop3A_2030 = arith.constant 0 : index
        %parallel_loop3A_2031 = tpu.vector_load %arg5[%parallel_loop3A_2029, %parallel_loop3A_2030] {strides = array<i32>} : memref<5440x32xbf16, #tpu.memory_space<vmem>>, vector<32xbf16>,
        %parallel_loop3A_2032 = vector.bitcast %parallel_loop3A_2031 : vector<32xbf16> to vector<16xi32>
        %parallel_loop3A_2033 = arith.constant 16 : i32
        %parallel_loop3A_2034 = vector.broadcast %parallel_loop3A_2033 : i32 to vector<16xi32>
        %parallel_loop3A_2035 = arith.shli %parallel_loop3A_2032, %parallel_loop3A_2034 : vector<16xi32>
        %parallel_loop3A_2036 = vector.bitcast %parallel_loop3A_2035 : vector<16xi32> to vector<16xf32>
        %parallel_loop3A_2037 = arith.constant -65536 : i32
        %parallel_loop3A_2038 = vector.broadcast %parallel_loop3A_2037 : i32 to vector<16xi32>
        %parallel_loop3A_2039 = arith.andi %parallel_loop3A_2032, %parallel_loop3A_2038 : vector<16xi32>
        %parallel_loop3A_2040 = vector.bitcast %parallel_loop3A_2039 : vector<16xi32> to vector<16xf32>
        %parallel_loop3A_2041 = vector.broadcast %parallel_loop3A_2028 : f32 to vector<16xf32>
        %parallel_loop3A_2042 = arith.mulf %parallel_loop3A_2041, %parallel_loop3A_2036 : vector<16xf32>
        %parallel_loop3A_2043 = arith.addf %parallel_loop3A_2021, %parallel_loop3A_2042 : vector<16xf32>
        %parallel_loop3A_2044 = vector.broadcast %parallel_loop3A_2028 : f32 to vector<16xf32>
        %parallel_loop3A_2045 = arith.mulf %parallel_loop3A_2044, %parallel_loop3A_2040 : vector<16xf32>
        %parallel_loop3A_2046 = arith.addf %parallel_loop3A_2024, %parallel_loop3A_2045 : vector<16xf32>
        %parallel_loop3A_2047 = vector.extract_strided_slice %parallel_loop3A_1712 {offsets = [15], sizes = [1], strides = [1]} : vector<16xi32> to vector<1xi32>
        %parallel_loop3A_2048 = vector.extract %parallel_loop3A_2047[0] : i32 from vector<1xi32>
        %parallel_loop3A_2049 = vector.extract_strided_slice %parallel_loop3A_1716 {offsets = [15], sizes = [1], strides = [1]} : vector<16xf32> to vector<1xf32>
        %parallel_loop3A_2050 = vector.extract %parallel_loop3A_2049[0] : f32 from vector<1xf32>
        %parallel_loop3A_2051 = arith.index_cast %parallel_loop3A_2048 : i32 to index
        %parallel_loop3A_2052 = arith.constant 0 : index
        %parallel_loop3A_2053 = tpu.vector_load %arg5[%parallel_loop3A_2051, %parallel_loop3A_2052] {strides = array<i32>} : memref<5440x32xbf16, #tpu.memory_space<vmem>>, vector<32xbf16>,
        %parallel_loop3A_2054 = vector.bitcast %parallel_loop3A_2053 : vector<32xbf16> to vector<16xi32>
        %parallel_loop3A_2055 = arith.constant 16 : i32
        %parallel_loop3A_2056 = vector.broadcast %parallel_loop3A_2055 : i32 to vector<16xi32>
        %parallel_loop3A_2057 = arith.shli %parallel_loop3A_2054, %parallel_loop3A_2056 : vector<16xi32>
        %parallel_loop3A_2058 = vector.bitcast %parallel_loop3A_2057 : vector<16xi32> to vector<16xf32>
        %parallel_loop3A_2059 = arith.constant -65536 : i32
        %parallel_loop3A_2060 = vector.broadcast %parallel_loop3A_2059 : i32 to vector<16xi32>
        %parallel_loop3A_2061 = arith.andi %parallel_loop3A_2054, %parallel_loop3A_2060 : vector<16xi32>
        %parallel_loop3A_2062 = vector.bitcast %parallel_loop3A_2061 : vector<16xi32> to vector<16xf32>
        %parallel_loop3A_2063 = vector.broadcast %parallel_loop3A_2050 : f32 to vector<16xf32>
        %parallel_loop3A_2064 = arith.mulf %parallel_loop3A_2063, %parallel_loop3A_2058 : vector<16xf32>
        %parallel_loop3A_2065 = arith.addf %parallel_loop3A_2043, %parallel_loop3A_2064 : vector<16xf32>
        %parallel_loop3A_2066 = vector.broadcast %parallel_loop3A_2050 : f32 to vector<16xf32>
        %parallel_loop3A_2067 = arith.mulf %parallel_loop3A_2066, %parallel_loop3A_2062 : vector<16xf32>
        %parallel_loop3A_2068 = arith.addf %parallel_loop3A_2046, %parallel_loop3A_2067 : vector<16xf32>
        %parallel_loop3A_2069 = arith.index_cast %parallel_loop3A_608 : i32 to index
        %parallel_loop3A_2070 = arith.constant 0 : index
        %parallel_loop3A_2071 = tpu.vector_load %arg8[%parallel_loop3A_2069, %parallel_loop3A_2070] {strides = array<i32>} : memref<50x32xf32, #tpu.memory_space<vmem>>, vector<16xf32>,
        tpu.vector_store %arg8[%parallel_loop3A_2069, %parallel_loop3A_2070], %parallel_loop3A_2065 {strides = array<i32>} : memref<50x32xf32, #tpu.memory_space<vmem>>, vector<16xf32>,
        %parallel_loop3A_2072 = arith.index_cast %parallel_loop3A_608 : i32 to index
        %parallel_loop3A_2073 = arith.constant 16 : index
        %parallel_loop3A_2074 = tpu.vector_load %arg8[%parallel_loop3A_2072, %parallel_loop3A_2073] {strides = array<i32>} : memref<50x32xf32, #tpu.memory_space<vmem>>, vector<16xf32>,
        tpu.vector_store %arg8[%parallel_loop3A_2072, %parallel_loop3A_2073], %parallel_loop3A_2068 {strides = array<i32>} : memref<50x32xf32, #tpu.memory_space<vmem>>, vector<16xf32>,
      } {sc.loop_unroll_factor = 2 : i64, sc.parallel_access}
      %mul3A_317 = arith.constant 50 : i32
      %mul3A_318 = arith.muli %mul3A_312, %mul3A_317 : i32
      %add3A_319 = arith.addi %mul3A_32, %mul3A_318 : i32
      %mul3A_320 = arith.constant 32 : i32
      %mul3A_321 = arith.muli %select_n3A_9, %mul3A_320 : i32
      %dma_start3A_322 = tpu.memref_slice %arg4[%add3A_319, %mul3A_321] : memref<10000x256xf32, #tpu.memory_space<hbm>> -> memref<50x32xf32, #tpu.memory_space<hbm>>
      %dma_start3A_323 = tpu.memref_slice %arg4[%add3A_319, %mul3A_321] : memref<10000x256xf32, #tpu.memory_space<hbm>> -> memref<50x32xf32, #tpu.memory_space<hbm>>
      tpu.enqueue_dma source(%arg8 : memref<50x32xf32, #tpu.memory_space<vmem>>) target(%dma_start3A_323 : memref<50x32xf32, #tpu.memory_space<hbm>>) target_semaphore(%arg12 : memref<!tpu.dma_semaphore, #tpu.memory_space<semaphore_mem>>)
      %add3A_324 = arith.constant 2 : i32
      %add3A_325 = arith.addi %mul3A_312, %add3A_324 : i32
      %min3A = arith.constant 49 : i32
      %min3A_326 = arith.minsi %add3A_325, %min3A : i32
      %mul3A_327 = arith.constant 50 : i32
      %mul3A_328 = arith.muli %min3A_326, %mul3A_327 : i32
      %add3A_329 = arith.addi %mul3A_32, %mul3A_328 : i32
      %mul3A_330 = arith.constant 16 : i32
      %mul3A_331 = arith.muli %select_n3A_9, %mul3A_330 : i32
      %add3A_332 = arith.constant 0 : i32
      %add3A_333 = arith.addi %add3A_332, %mul3A_331 : i32
      %dma_start3A_334 = arith.constant 0 : i32
      %dma_start3A_335 = arith.constant 0 : i32
      %dma_start3A_336 = arith.constant 0 : i32
      %dma_start3A_337 = tpu.memref_slice %arg6[%dma_start3A_334, %dma_start3A_335, %dma_start3A_336] : memref<4x50x16xi32, #tpu.memory_space<vmem>> -> memref<1x50x16xi32, #tpu.memory_space<vmem>>
      %dma_start3A_338 = tpu.memref_squeeze %dma_start3A_337 : memref<1x50x16xi32, #tpu.memory_space<vmem>> -> memref<50x16xi32, #tpu.memory_space<vmem>>
      %dma_start3A_339 = tpu.memref_slice %arg3[%add3A_329, %add3A_333] : memref<10000x512xi32, #tpu.memory_space<hbm>> -> memref<50x16xi32, #tpu.memory_space<hbm>>
      %dma_start3A_340 = arith.constant 0 : i32
      %dma_start3A_341 = arith.constant 0 : i32
      %dma_start3A_342 = tpu.memref_slice %arg6[%dma_start3A_334, %dma_start3A_340, %dma_start3A_341] : memref<4x50x16xi32, #tpu.memory_space<vmem>> -> memref<1x50x16xi32, #tpu.memory_space<vmem>>
      %dma_start3A_343 = tpu.memref_squeeze %dma_start3A_342 : memref<1x50x16xi32, #tpu.memory_space<vmem>> -> memref<50x16xi32, #tpu.memory_space<vmem>>
      %dma_start3A_344 = tpu.memref_slice %arg3[%add3A_329, %add3A_333] : memref<10000x512xi32, #tpu.memory_space<hbm>> -> memref<50x16xi32, #tpu.memory_space<hbm>>
      tpu.enqueue_dma source(%dma_start3A_344 : memref<50x16xi32, #tpu.memory_space<hbm>>) target(%dma_start3A_343 : memref<50x16xi32, #tpu.memory_space<vmem>>) target_semaphore(%arg10 : memref<!tpu.dma_semaphore, #tpu.memory_space<semaphore_mem>>)
      %mul3A_345 = arith.constant 16 : i32
      %mul3A_346 = arith.muli %select_n3A_9, %mul3A_345 : i32
      %add3A_347 = arith.constant 128 : i32
      %add3A_348 = arith.addi %add3A_347, %mul3A_346 : i32
      %dma_start3A_349 = arith.constant 1 : i32
      %dma_start3A_350 = arith.constant 0 : i32
      %dma_start3A_351 = arith.constant 0 : i32
      %dma_start3A_352 = tpu.memref_slice %arg6[%dma_start3A_349, %dma_start3A_350, %dma_start3A_351] : memref<4x50x16xi32, #tpu.memory_space<vmem>> -> memref<1x50x16xi32, #tpu.memory_space<vmem>>
      %dma_start3A_353 = tpu.memref_squeeze %dma_start3A_352 : memref<1x50x16xi32, #tpu.memory_space<vmem>> -> memref<50x16xi32, #tpu.memory_space<vmem>>
      %dma_start3A_354 = tpu.memref_slice %arg3[%add3A_329, %add3A_348] : memref<10000x512xi32, #tpu.memory_space<hbm>> -> memref<50x16xi32, #tpu.memory_space<hbm>>
      %dma_start3A_355 = arith.constant 0 : i32
      %dma_start3A_356 = arith.constant 0 : i32
      %dma_start3A_357 = tpu.memref_slice %arg6[%dma_start3A_349, %dma_start3A_355, %dma_start3A_356] : memref<4x50x16xi32, #tpu.memory_space<vmem>> -> memref<1x50x16xi32, #tpu.memory_space<vmem>>
      %dma_start3A_358 = tpu.memref_squeeze %dma_start3A_357 : memref<1x50x16xi32, #tpu.memory_space<vmem>> -> memref<50x16xi32, #tpu.memory_space<vmem>>
      %dma_start3A_359 = tpu.memref_slice %arg3[%add3A_329, %add3A_348] : memref<10000x512xi32, #tpu.memory_space<hbm>> -> memref<50x16xi32, #tpu.memory_space<hbm>>
      tpu.enqueue_dma source(%dma_start3A_359 : memref<50x16xi32, #tpu.memory_space<hbm>>) target(%dma_start3A_358 : memref<50x16xi32, #tpu.memory_space<vmem>>) target_semaphore(%arg10 : memref<!tpu.dma_semaphore, #tpu.memory_space<semaphore_mem>>)
      %mul3A_360 = arith.constant 16 : i32
      %mul3A_361 = arith.muli %select_n3A_9, %mul3A_360 : i32
      %add3A_362 = arith.constant 256 : i32
      %add3A_363 = arith.addi %add3A_362, %mul3A_361 : i32
      %dma_start3A_364 = arith.constant 2 : i32
      %dma_start3A_365 = arith.constant 0 : i32
      %dma_start3A_366 = arith.constant 0 : i32
      %dma_start3A_367 = tpu.memref_slice %arg6[%dma_start3A_364, %dma_start3A_365, %dma_start3A_366] : memref<4x50x16xi32, #tpu.memory_space<vmem>> -> memref<1x50x16xi32, #tpu.memory_space<vmem>>
      %dma_start3A_368 = tpu.memref_squeeze %dma_start3A_367 : memref<1x50x16xi32, #tpu.memory_space<vmem>> -> memref<50x16xi32, #tpu.memory_space<vmem>>
      %dma_start3A_369 = tpu.memref_slice %arg3[%add3A_329, %add3A_363] : memref<10000x512xi32, #tpu.memory_space<hbm>> -> memref<50x16xi32, #tpu.memory_space<hbm>>
      %dma_start3A_370 = arith.constant 0 : i32
      %dma_start3A_371 = arith.constant 0 : i32
      %dma_start3A_372 = tpu.memref_slice %arg6[%dma_start3A_364, %dma_start3A_370, %dma_start3A_371] : memref<4x50x16xi32, #tpu.memory_space<vmem>> -> memref<1x50x16xi32, #tpu.memory_space<vmem>>
      %dma_start3A_373 = tpu.memref_squeeze %dma_start3A_372 : memref<1x50x16xi32, #tpu.memory_space<vmem>> -> memref<50x16xi32, #tpu.memory_space<vmem>>
      %dma_start3A_374 = tpu.memref_slice %arg3[%add3A_329, %add3A_363] : memref<10000x512xi32, #tpu.memory_space<hbm>> -> memref<50x16xi32, #tpu.memory_space<hbm>>
      tpu.enqueue_dma source(%dma_start3A_374 : memref<50x16xi32, #tpu.memory_space<hbm>>) target(%dma_start3A_373 : memref<50x16xi32, #tpu.memory_space<vmem>>) target_semaphore(%arg10 : memref<!tpu.dma_semaphore, #tpu.memory_space<semaphore_mem>>)
      %mul3A_375 = arith.constant 16 : i32
      %mul3A_376 = arith.muli %select_n3A_9, %mul3A_375 : i32
      %add3A_377 = arith.constant 384 : i32
      %add3A_378 = arith.addi %add3A_377, %mul3A_376 : i32
      %dma_start3A_379 = arith.constant 3 : i32
      %dma_start3A_380 = arith.constant 0 : i32
      %dma_start3A_381 = arith.constant 0 : i32
      %dma_start3A_382 = tpu.memref_slice %arg6[%dma_start3A_379, %dma_start3A_380, %dma_start3A_381] : memref<4x50x16xi32, #tpu.memory_space<vmem>> -> memref<1x50x16xi32, #tpu.memory_space<vmem>>
      %dma_start3A_383 = tpu.memref_squeeze %dma_start3A_382 : memref<1x50x16xi32, #tpu.memory_space<vmem>> -> memref<50x16xi32, #tpu.memory_space<vmem>>
      %dma_start3A_384 = tpu.memref_slice %arg3[%add3A_329, %add3A_378] : memref<10000x512xi32, #tpu.memory_space<hbm>> -> memref<50x16xi32, #tpu.memory_space<hbm>>
      %dma_start3A_385 = arith.constant 0 : i32
      %dma_start3A_386 = arith.constant 0 : i32
      %dma_start3A_387 = tpu.memref_slice %arg6[%dma_start3A_379, %dma_start3A_385, %dma_start3A_386] : memref<4x50x16xi32, #tpu.memory_space<vmem>> -> memref<1x50x16xi32, #tpu.memory_space<vmem>>
      %dma_start3A_388 = tpu.memref_squeeze %dma_start3A_387 : memref<1x50x16xi32, #tpu.memory_space<vmem>> -> memref<50x16xi32, #tpu.memory_space<vmem>>
      %dma_start3A_389 = tpu.memref_slice %arg3[%add3A_329, %add3A_378] : memref<10000x512xi32, #tpu.memory_space<hbm>> -> memref<50x16xi32, #tpu.memory_space<hbm>>
      tpu.enqueue_dma source(%dma_start3A_389 : memref<50x16xi32, #tpu.memory_space<hbm>>) target(%dma_start3A_388 : memref<50x16xi32, #tpu.memory_space<vmem>>) target_semaphore(%arg10 : memref<!tpu.dma_semaphore, #tpu.memory_space<semaphore_mem>>)
      %add3A_390 = arith.constant 1 : i32
      %add3A_391 = arith.addi %mul3A_312, %add3A_390 : i32
      %min3A_392 = arith.constant 49 : i32
      %min3A_393 = arith.minsi %add3A_391, %min3A_392 : i32
      %mul3A_394 = arith.constant 50 : i32
      %mul3A_395 = arith.muli %min3A_393, %mul3A_394 : i32
      %add3A_396 = arith.addi %mul3A_32, %mul3A_395 : i32
      %mul3A_397 = arith.constant 16 : i32
      %mul3A_398 = arith.muli %select_n3A_9, %mul3A_397 : i32
      %add3A_399 = arith.constant 0 : i32
      %add3A_400 = arith.addi %add3A_399, %mul3A_398 : i32
      %dma_wait3A_401 = arith.constant 0 : i32
      %dma_wait3A_402 = arith.constant 0 : i32
      %dma_wait3A_403 = arith.constant 0 : i32
      %dma_wait3A_404 = tpu.memref_slice %arg7[%dma_wait3A_401, %dma_wait3A_402, %dma_wait3A_403] : memref<4x50x16xi32, #tpu.memory_space<vmem>> -> memref<1x50x16xi32, #tpu.memory_space<vmem>>
      %dma_wait3A_405 = tpu.memref_squeeze %dma_wait3A_404 : memref<1x50x16xi32, #tpu.memory_space<vmem>> -> memref<50x16xi32, #tpu.memory_space<vmem>>
      %dma_wait3A_406 = tpu.memref_slice %arg3[%add3A_396, %add3A_400] : memref<10000x512xi32, #tpu.memory_space<hbm>> -> memref<50x16xi32, #tpu.memory_space<hbm>>
      %dma_wait3A_407 = arith.constant 0 : i32
      %dma_wait3A_408 = arith.constant 0 : i32
      %dma_wait3A_409 = tpu.memref_slice %arg7[%dma_wait3A_401, %dma_wait3A_407, %dma_wait3A_408] : memref<4x50x16xi32, #tpu.memory_space<vmem>> -> memref<1x50x16xi32, #tpu.memory_space<vmem>>
      %dma_wait3A_410 = tpu.memref_squeeze %dma_wait3A_409 : memref<1x50x16xi32, #tpu.memory_space<vmem>> -> memref<50x16xi32, #tpu.memory_space<vmem>>
      %dma_wait3A_411 = tpu.memref_slice %arg3[%add3A_396, %add3A_400] : memref<10000x512xi32, #tpu.memory_space<hbm>> -> memref<50x16xi32, #tpu.memory_space<hbm>>
      tpu.wait_dma2 semaphore(%arg11 : memref<!tpu.dma_semaphore, #tpu.memory_space<semaphore_mem>>) src(%dma_wait3A_411 : memref<50x16xi32, #tpu.memory_space<hbm>>) dst(%dma_wait3A_410 : memref<50x16xi32, #tpu.memory_space<vmem>>)
      %mul3A_412 = arith.constant 16 : i32
      %mul3A_413 = arith.muli %select_n3A_9, %mul3A_412 : i32
      %add3A_414 = arith.constant 128 : i32
      %add3A_415 = arith.addi %add3A_414, %mul3A_413 : i32
      %dma_wait3A_416 = arith.constant 1 : i32
      %dma_wait3A_417 = arith.constant 0 : i32
      %dma_wait3A_418 = arith.constant 0 : i32
      %dma_wait3A_419 = tpu.memref_slice %arg7[%dma_wait3A_416, %dma_wait3A_417, %dma_wait3A_418] : memref<4x50x16xi32, #tpu.memory_space<vmem>> -> memref<1x50x16xi32, #tpu.memory_space<vmem>>
      %dma_wait3A_420 = tpu.memref_squeeze %dma_wait3A_419 : memref<1x50x16xi32, #tpu.memory_space<vmem>> -> memref<50x16xi32, #tpu.memory_space<vmem>>
      %dma_wait3A_421 = tpu.memref_slice %arg3[%add3A_396, %add3A_415] : memref<10000x512xi32, #tpu.memory_space<hbm>> -> memref<50x16xi32, #tpu.memory_space<hbm>>
      %dma_wait3A_422 = arith.constant 0 : i32
      %dma_wait3A_423 = arith.constant 0 : i32
      %dma_wait3A_424 = tpu.memref_slice %arg7[%dma_wait3A_416, %dma_wait3A_422, %dma_wait3A_423] : memref<4x50x16xi32, #tpu.memory_space<vmem>> -> memref<1x50x16xi32, #tpu.memory_space<vmem>>
      %dma_wait3A_425 = tpu.memref_squeeze %dma_wait3A_424 : memref<1x50x16xi32, #tpu.memory_space<vmem>> -> memref<50x16xi32, #tpu.memory_space<vmem>>
      %dma_wait3A_426 = tpu.memref_slice %arg3[%add3A_396, %add3A_415] : memref<10000x512xi32, #tpu.memory_space<hbm>> -> memref<50x16xi32, #tpu.memory_space<hbm>>
      tpu.wait_dma2 semaphore(%arg11 : memref<!tpu.dma_semaphore, #tpu.memory_space<semaphore_mem>>) src(%dma_wait3A_426 : memref<50x16xi32, #tpu.memory_space<hbm>>) dst(%dma_wait3A_425 : memref<50x16xi32, #tpu.memory_space<vmem>>)
      %mul3A_427 = arith.constant 16 : i32
      %mul3A_428 = arith.muli %select_n3A_9, %mul3A_427 : i32
      %add3A_429 = arith.constant 256 : i32
      %add3A_430 = arith.addi %add3A_429, %mul3A_428 : i32
      %dma_wait3A_431 = arith.constant 2 : i32
      %dma_wait3A_432 = arith.constant 0 : i32
      %dma_wait3A_433 = arith.constant 0 : i32
      %dma_wait3A_434 = tpu.memref_slice %arg7[%dma_wait3A_431, %dma_wait3A_432, %dma_wait3A_433] : memref<4x50x16xi32, #tpu.memory_space<vmem>> -> memref<1x50x16xi32, #tpu.memory_space<vmem>>
      %dma_wait3A_435 = tpu.memref_squeeze %dma_wait3A_434 : memref<1x50x16xi32, #tpu.memory_space<vmem>> -> memref<50x16xi32, #tpu.memory_space<vmem>>
      %dma_wait3A_436 = tpu.memref_slice %arg3[%add3A_396, %add3A_430] : memref<10000x512xi32, #tpu.memory_space<hbm>> -> memref<50x16xi32, #tpu.memory_space<hbm>>
      %dma_wait3A_437 = arith.constant 0 : i32
      %dma_wait3A_438 = arith.constant 0 : i32
      %dma_wait3A_439 = tpu.memref_slice %arg7[%dma_wait3A_431, %dma_wait3A_437, %dma_wait3A_438] : memref<4x50x16xi32, #tpu.memory_space<vmem>> -> memref<1x50x16xi32, #tpu.memory_space<vmem>>
      %dma_wait3A_440 = tpu.memref_squeeze %dma_wait3A_439 : memref<1x50x16xi32, #tpu.memory_space<vmem>> -> memref<50x16xi32, #tpu.memory_space<vmem>>
      %dma_wait3A_441 = tpu.memref_slice %arg3[%add3A_396, %add3A_430] : memref<10000x512xi32, #tpu.memory_space<hbm>> -> memref<50x16xi32, #tpu.memory_space<hbm>>
      tpu.wait_dma2 semaphore(%arg11 : memref<!tpu.dma_semaphore, #tpu.memory_space<semaphore_mem>>) src(%dma_wait3A_441 : memref<50x16xi32, #tpu.memory_space<hbm>>) dst(%dma_wait3A_440 : memref<50x16xi32, #tpu.memory_space<vmem>>)
      %mul3A_442 = arith.constant 16 : i32
      %mul3A_443 = arith.muli %select_n3A_9, %mul3A_442 : i32
      %add3A_444 = arith.constant 384 : i32
      %add3A_445 = arith.addi %add3A_444, %mul3A_443 : i32
      %dma_wait3A_446 = arith.constant 3 : i32
      %dma_wait3A_447 = arith.constant 0 : i32
      %dma_wait3A_448 = arith.constant 0 : i32
      %dma_wait3A_449 = tpu.memref_slice %arg7[%dma_wait3A_446, %dma_wait3A_447, %dma_wait3A_448] : memref<4x50x16xi32, #tpu.memory_space<vmem>> -> memref<1x50x16xi32, #tpu.memory_space<vmem>>
      %dma_wait3A_450 = tpu.memref_squeeze %dma_wait3A_449 : memref<1x50x16xi32, #tpu.memory_space<vmem>> -> memref<50x16xi32, #tpu.memory_space<vmem>>
      %dma_wait3A_451 = tpu.memref_slice %arg3[%add3A_396, %add3A_445] : memref<10000x512xi32, #tpu.memory_space<hbm>> -> memref<50x16xi32, #tpu.memory_space<hbm>>
      %dma_wait3A_452 = arith.constant 0 : i32
      %dma_wait3A_453 = arith.constant 0 : i32
      %dma_wait3A_454 = tpu.memref_slice %arg7[%dma_wait3A_446, %dma_wait3A_452, %dma_wait3A_453] : memref<4x50x16xi32, #tpu.memory_space<vmem>> -> memref<1x50x16xi32, #tpu.memory_space<vmem>>
      %dma_wait3A_455 = tpu.memref_squeeze %dma_wait3A_454 : memref<1x50x16xi32, #tpu.memory_space<vmem>> -> memref<50x16xi32, #tpu.memory_space<vmem>>
      %dma_wait3A_456 = tpu.memref_slice %arg3[%add3A_396, %add3A_445] : memref<10000x512xi32, #tpu.memory_space<hbm>> -> memref<50x16xi32, #tpu.memory_space<hbm>>
      tpu.wait_dma2 semaphore(%arg11 : memref<!tpu.dma_semaphore, #tpu.memory_space<semaphore_mem>>) src(%dma_wait3A_456 : memref<50x16xi32, #tpu.memory_space<hbm>>) dst(%dma_wait3A_455 : memref<50x16xi32, #tpu.memory_space<vmem>>)
      %gt3A_457 = arith.constant 0 : i32
      %gt3A_458 = arith.cmpi sgt, %scan3A_310, %gt3A_457 : i32
      %convert_element_type3A_459 = arith.extui %gt3A_458 : i1 to i32
      %cond3A_460 = arith.constant 0 : i32
      %cond3A_461 = arith.cmpi ne, %convert_element_type3A_459, %cond3A_460 : i32
      scf.if %cond3A_461 {
        %sub3A_608 = arith.constant 1 : i32
        %sub3A_609 = arith.subi %mul3A_312, %sub3A_608 : i32
        %mul3A_610 = arith.constant 50 : i32
        %mul3A_611 = arith.muli %sub3A_609, %mul3A_610 : i32
        %add3A_612 = arith.addi %mul3A_32, %mul3A_611 : i32
        %mul3A_613 = arith.constant 32 : i32
        %mul3A_614 = arith.muli %select_n3A_9, %mul3A_613 : i32
        %dma_wait3A_615 = tpu.memref_slice %arg4[%add3A_612, %mul3A_614] : memref<10000x256xf32, #tpu.memory_space<hbm>> -> memref<50x32xf32, #tpu.memory_space<hbm>>
        %dma_wait3A_616 = tpu.memref_slice %arg4[%add3A_612, %mul3A_614] : memref<10000x256xf32, #tpu.memory_space<hbm>> -> memref<50x32xf32, #tpu.memory_space<hbm>>
        tpu.wait_dma2 semaphore(%arg13 : memref<!tpu.dma_semaphore, #tpu.memory_space<semaphore_mem>>) src(%arg9 : memref<50x32xf32, #tpu.memory_space<vmem>>) dst(%dma_wait3A_616 : memref<50x32xf32, #tpu.memory_space<hbm>>)
      } else {
      }
      %parallel_loop3A_462 = arith.constant 0 : i32
      %parallel_loop3A_463 = arith.constant 50 : i32
      %parallel_loop3A_464 = arith.constant 1 : i32
      scf.for %parallel_loop3A_608 = %parallel_loop3A_462 to %parallel_loop3A_463 step %parallel_loop3A_464  : i32 {
        %parallel_loop3A_609 = arith.constant 0.000000e+00 : f32
        %parallel_loop3A_610 = vector.broadcast %parallel_loop3A_609 : f32 to vector<16xf32>
        %parallel_loop3A_611 = arith.constant 0.000000e+00 : f32
        %parallel_loop3A_612 = vector.broadcast %parallel_loop3A_611 : f32 to vector<16xf32>
        %parallel_loop3A_613 = arith.constant 0 : i32
        %parallel_loop3A_614 = arith.index_cast %parallel_loop3A_613 : i32 to index
        %parallel_loop3A_615 = arith.index_cast %parallel_loop3A_608 : i32 to index
        %parallel_loop3A_616 = arith.constant 0 : index
        %parallel_loop3A_617 = tpu.vector_load %arg7[%parallel_loop3A_614, %parallel_loop3A_615, %parallel_loop3A_616] {strides = array<i32>} : memref<4x50x16xi32, #tpu.memory_space<vmem>>, vector<16xi32>,
        %parallel_loop3A_618 = arith.constant 65535 : i32
        %parallel_loop3A_619 = vector.broadcast %parallel_loop3A_618 : i32 to vector<16xi32>
        %parallel_loop3A_620 = arith.andi %parallel_loop3A_617, %parallel_loop3A_619 : vector<16xi32>
        %parallel_loop3A_621 = arith.constant -65536 : i32
        %parallel_loop3A_622 = vector.broadcast %parallel_loop3A_621 : i32 to vector<16xi32>
        %parallel_loop3A_623 = arith.andi %parallel_loop3A_617, %parallel_loop3A_622 : vector<16xi32>
        %parallel_loop3A_624 = vector.bitcast %parallel_loop3A_623 : vector<16xi32> to vector<16xf32>
        %parallel_loop3A_625 = vector.extract_strided_slice %parallel_loop3A_620 {offsets = [0], sizes = [1], strides = [1]} : vector<16xi32> to vector<1xi32>
        %parallel_loop3A_626 = vector.extract %parallel_loop3A_625[0] : i32 from vector<1xi32>
        %parallel_loop3A_627 = vector.extract_strided_slice %parallel_loop3A_624 {offsets = [0], sizes = [1], strides = [1]} : vector<16xf32> to vector<1xf32>
        %parallel_loop3A_628 = vector.extract %parallel_loop3A_627[0] : f32 from vector<1xf32>
        %parallel_loop3A_629 = arith.index_cast %parallel_loop3A_626 : i32 to index
        %parallel_loop3A_630 = arith.constant 0 : index
        %parallel_loop3A_631 = tpu.vector_load %arg5[%parallel_loop3A_629, %parallel_loop3A_630] {strides = array<i32>} : memref<5440x32xbf16, #tpu.memory_space<vmem>>, vector<32xbf16>,
        %parallel_loop3A_632 = vector.bitcast %parallel_loop3A_631 : vector<32xbf16> to vector<16xi32>
        %parallel_loop3A_633 = arith.constant 16 : i32
        %parallel_loop3A_634 = vector.broadcast %parallel_loop3A_633 : i32 to vector<16xi32>
        %parallel_loop3A_635 = arith.shli %parallel_loop3A_632, %parallel_loop3A_634 : vector<16xi32>
        %parallel_loop3A_636 = vector.bitcast %parallel_loop3A_635 : vector<16xi32> to vector<16xf32>
        %parallel_loop3A_637 = arith.constant -65536 : i32
        %parallel_loop3A_638 = vector.broadcast %parallel_loop3A_637 : i32 to vector<16xi32>
        %parallel_loop3A_639 = arith.andi %parallel_loop3A_632, %parallel_loop3A_638 : vector<16xi32>
        %parallel_loop3A_640 = vector.bitcast %parallel_loop3A_639 : vector<16xi32> to vector<16xf32>
        %parallel_loop3A_641 = vector.broadcast %parallel_loop3A_628 : f32 to vector<16xf32>
        %parallel_loop3A_642 = arith.mulf %parallel_loop3A_641, %parallel_loop3A_636 : vector<16xf32>
        %parallel_loop3A_643 = arith.addf %parallel_loop3A_610, %parallel_loop3A_642 : vector<16xf32>
        %parallel_loop3A_644 = vector.broadcast %parallel_loop3A_628 : f32 to vector<16xf32>
        %parallel_loop3A_645 = arith.mulf %parallel_loop3A_644, %parallel_loop3A_640 : vector<16xf32>
        %parallel_loop3A_646 = arith.addf %parallel_loop3A_612, %parallel_loop3A_645 : vector<16xf32>
        %parallel_loop3A_647 = vector.extract_strided_slice %parallel_loop3A_620 {offsets = [1], sizes = [1], strides = [1]} : vector<16xi32> to vector<1xi32>
        %parallel_loop3A_648 = vector.extract %parallel_loop3A_647[0] : i32 from vector<1xi32>
        %parallel_loop3A_649 = vector.extract_strided_slice %parallel_loop3A_624 {offsets = [1], sizes = [1], strides = [1]} : vector<16xf32> to vector<1xf32>
        %parallel_loop3A_650 = vector.extract %parallel_loop3A_649[0] : f32 from vector<1xf32>
        %parallel_loop3A_651 = arith.index_cast %parallel_loop3A_648 : i32 to index
        %parallel_loop3A_652 = arith.constant 0 : index
        %parallel_loop3A_653 = tpu.vector_load %arg5[%parallel_loop3A_651, %parallel_loop3A_652] {strides = array<i32>} : memref<5440x32xbf16, #tpu.memory_space<vmem>>, vector<32xbf16>,
        %parallel_loop3A_654 = vector.bitcast %parallel_loop3A_653 : vector<32xbf16> to vector<16xi32>
        %parallel_loop3A_655 = arith.constant 16 : i32
        %parallel_loop3A_656 = vector.broadcast %parallel_loop3A_655 : i32 to vector<16xi32>
        %parallel_loop3A_657 = arith.shli %parallel_loop3A_654, %parallel_loop3A_656 : vector<16xi32>
        %parallel_loop3A_658 = vector.bitcast %parallel_loop3A_657 : vector<16xi32> to vector<16xf32>
        %parallel_loop3A_659 = arith.constant -65536 : i32
        %parallel_loop3A_660 = vector.broadcast %parallel_loop3A_659 : i32 to vector<16xi32>
        %parallel_loop3A_661 = arith.andi %parallel_loop3A_654, %parallel_loop3A_660 : vector<16xi32>
        %parallel_loop3A_662 = vector.bitcast %parallel_loop3A_661 : vector<16xi32> to vector<16xf32>
        %parallel_loop3A_663 = vector.broadcast %parallel_loop3A_650 : f32 to vector<16xf32>
        %parallel_loop3A_664 = arith.mulf %parallel_loop3A_663, %parallel_loop3A_658 : vector<16xf32>
        %parallel_loop3A_665 = arith.addf %parallel_loop3A_643, %parallel_loop3A_664 : vector<16xf32>
        %parallel_loop3A_666 = vector.broadcast %parallel_loop3A_650 : f32 to vector<16xf32>
        %parallel_loop3A_667 = arith.mulf %parallel_loop3A_666, %parallel_loop3A_662 : vector<16xf32>
        %parallel_loop3A_668 = arith.addf %parallel_loop3A_646, %parallel_loop3A_667 : vector<16xf32>
        %parallel_loop3A_669 = vector.extract_strided_slice %parallel_loop3A_620 {offsets = [2], sizes = [1], strides = [1]} : vector<16xi32> to vector<1xi32>
        %parallel_loop3A_670 = vector.extract %parallel_loop3A_669[0] : i32 from vector<1xi32>
        %parallel_loop3A_671 = vector.extract_strided_slice %parallel_loop3A_624 {offsets = [2], sizes = [1], strides = [1]} : vector<16xf32> to vector<1xf32>
        %parallel_loop3A_672 = vector.extract %parallel_loop3A_671[0] : f32 from vector<1xf32>
        %parallel_loop3A_673 = arith.index_cast %parallel_loop3A_670 : i32 to index
        %parallel_loop3A_674 = arith.constant 0 : index
        %parallel_loop3A_675 = tpu.vector_load %arg5[%parallel_loop3A_673, %parallel_loop3A_674] {strides = array<i32>} : memref<5440x32xbf16, #tpu.memory_space<vmem>>, vector<32xbf16>,
        %parallel_loop3A_676 = vector.bitcast %parallel_loop3A_675 : vector<32xbf16> to vector<16xi32>
        %parallel_loop3A_677 = arith.constant 16 : i32
        %parallel_loop3A_678 = vector.broadcast %parallel_loop3A_677 : i32 to vector<16xi32>
        %parallel_loop3A_679 = arith.shli %parallel_loop3A_676, %parallel_loop3A_678 : vector<16xi32>
        %parallel_loop3A_680 = vector.bitcast %parallel_loop3A_679 : vector<16xi32> to vector<16xf32>
        %parallel_loop3A_681 = arith.constant -65536 : i32
        %parallel_loop3A_682 = vector.broadcast %parallel_loop3A_681 : i32 to vector<16xi32>
        %parallel_loop3A_683 = arith.andi %parallel_loop3A_676, %parallel_loop3A_682 : vector<16xi32>
        %parallel_loop3A_684 = vector.bitcast %parallel_loop3A_683 : vector<16xi32> to vector<16xf32>
        %parallel_loop3A_685 = vector.broadcast %parallel_loop3A_672 : f32 to vector<16xf32>
        %parallel_loop3A_686 = arith.mulf %parallel_loop3A_685, %parallel_loop3A_680 : vector<16xf32>
        %parallel_loop3A_687 = arith.addf %parallel_loop3A_665, %parallel_loop3A_686 : vector<16xf32>
        %parallel_loop3A_688 = vector.broadcast %parallel_loop3A_672 : f32 to vector<16xf32>
        %parallel_loop3A_689 = arith.mulf %parallel_loop3A_688, %parallel_loop3A_684 : vector<16xf32>
        %parallel_loop3A_690 = arith.addf %parallel_loop3A_668, %parallel_loop3A_689 : vector<16xf32>
        %parallel_loop3A_691 = vector.extract_strided_slice %parallel_loop3A_620 {offsets = [3], sizes = [1], strides = [1]} : vector<16xi32> to vector<1xi32>
        %parallel_loop3A_692 = vector.extract %parallel_loop3A_691[0] : i32 from vector<1xi32>
        %parallel_loop3A_693 = vector.extract_strided_slice %parallel_loop3A_624 {offsets = [3], sizes = [1], strides = [1]} : vector<16xf32> to vector<1xf32>
        %parallel_loop3A_694 = vector.extract %parallel_loop3A_693[0] : f32 from vector<1xf32>
        %parallel_loop3A_695 = arith.index_cast %parallel_loop3A_692 : i32 to index
        %parallel_loop3A_696 = arith.constant 0 : index
        %parallel_loop3A_697 = tpu.vector_load %arg5[%parallel_loop3A_695, %parallel_loop3A_696] {strides = array<i32>} : memref<5440x32xbf16, #tpu.memory_space<vmem>>, vector<32xbf16>,
        %parallel_loop3A_698 = vector.bitcast %parallel_loop3A_697 : vector<32xbf16> to vector<16xi32>
        %parallel_loop3A_699 = arith.constant 16 : i32
        %parallel_loop3A_700 = vector.broadcast %parallel_loop3A_699 : i32 to vector<16xi32>
        %parallel_loop3A_701 = arith.shli %parallel_loop3A_698, %parallel_loop3A_700 : vector<16xi32>
        %parallel_loop3A_702 = vector.bitcast %parallel_loop3A_701 : vector<16xi32> to vector<16xf32>
        %parallel_loop3A_703 = arith.constant -65536 : i32
        %parallel_loop3A_704 = vector.broadcast %parallel_loop3A_703 : i32 to vector<16xi32>
        %parallel_loop3A_705 = arith.andi %parallel_loop3A_698, %parallel_loop3A_704 : vector<16xi32>
        %parallel_loop3A_706 = vector.bitcast %parallel_loop3A_705 : vector<16xi32> to vector<16xf32>
        %parallel_loop3A_707 = vector.broadcast %parallel_loop3A_694 : f32 to vector<16xf32>
        %parallel_loop3A_708 = arith.mulf %parallel_loop3A_707, %parallel_loop3A_702 : vector<16xf32>
        %parallel_loop3A_709 = arith.addf %parallel_loop3A_687, %parallel_loop3A_708 : vector<16xf32>
        %parallel_loop3A_710 = vector.broadcast %parallel_loop3A_694 : f32 to vector<16xf32>
        %parallel_loop3A_711 = arith.mulf %parallel_loop3A_710, %parallel_loop3A_706 : vector<16xf32>
        %parallel_loop3A_712 = arith.addf %parallel_loop3A_690, %parallel_loop3A_711 : vector<16xf32>
        %parallel_loop3A_713 = vector.extract_strided_slice %parallel_loop3A_620 {offsets = [4], sizes = [1], strides = [1]} : vector<16xi32> to vector<1xi32>
        %parallel_loop3A_714 = vector.extract %parallel_loop3A_713[0] : i32 from vector<1xi32>
        %parallel_loop3A_715 = vector.extract_strided_slice %parallel_loop3A_624 {offsets = [4], sizes = [1], strides = [1]} : vector<16xf32> to vector<1xf32>
        %parallel_loop3A_716 = vector.extract %parallel_loop3A_715[0] : f32 from vector<1xf32>
        %parallel_loop3A_717 = arith.index_cast %parallel_loop3A_714 : i32 to index
        %parallel_loop3A_718 = arith.constant 0 : index
        %parallel_loop3A_719 = tpu.vector_load %arg5[%parallel_loop3A_717, %parallel_loop3A_718] {strides = array<i32>} : memref<5440x32xbf16, #tpu.memory_space<vmem>>, vector<32xbf16>,
        %parallel_loop3A_720 = vector.bitcast %parallel_loop3A_719 : vector<32xbf16> to vector<16xi32>
        %parallel_loop3A_721 = arith.constant 16 : i32
        %parallel_loop3A_722 = vector.broadcast %parallel_loop3A_721 : i32 to vector<16xi32>
        %parallel_loop3A_723 = arith.shli %parallel_loop3A_720, %parallel_loop3A_722 : vector<16xi32>
        %parallel_loop3A_724 = vector.bitcast %parallel_loop3A_723 : vector<16xi32> to vector<16xf32>
        %parallel_loop3A_725 = arith.constant -65536 : i32
        %parallel_loop3A_726 = vector.broadcast %parallel_loop3A_725 : i32 to vector<16xi32>
        %parallel_loop3A_727 = arith.andi %parallel_loop3A_720, %parallel_loop3A_726 : vector<16xi32>
        %parallel_loop3A_728 = vector.bitcast %parallel_loop3A_727 : vector<16xi32> to vector<16xf32>
        %parallel_loop3A_729 = vector.broadcast %parallel_loop3A_716 : f32 to vector<16xf32>
        %parallel_loop3A_730 = arith.mulf %parallel_loop3A_729, %parallel_loop3A_724 : vector<16xf32>
        %parallel_loop3A_731 = arith.addf %parallel_loop3A_709, %parallel_loop3A_730 : vector<16xf32>
        %parallel_loop3A_732 = vector.broadcast %parallel_loop3A_716 : f32 to vector<16xf32>
        %parallel_loop3A_733 = arith.mulf %parallel_loop3A_732, %parallel_loop3A_728 : vector<16xf32>
        %parallel_loop3A_734 = arith.addf %parallel_loop3A_712, %parallel_loop3A_733 : vector<16xf32>
        %parallel_loop3A_735 = vector.extract_strided_slice %parallel_loop3A_620 {offsets = [5], sizes = [1], strides = [1]} : vector<16xi32> to vector<1xi32>
        %parallel_loop3A_736 = vector.extract %parallel_loop3A_735[0] : i32 from vector<1xi32>
        %parallel_loop3A_737 = vector.extract_strided_slice %parallel_loop3A_624 {offsets = [5], sizes = [1], strides = [1]} : vector<16xf32> to vector<1xf32>
        %parallel_loop3A_738 = vector.extract %parallel_loop3A_737[0] : f32 from vector<1xf32>
        %parallel_loop3A_739 = arith.index_cast %parallel_loop3A_736 : i32 to index
        %parallel_loop3A_740 = arith.constant 0 : index
        %parallel_loop3A_741 = tpu.vector_load %arg5[%parallel_loop3A_739, %parallel_loop3A_740] {strides = array<i32>} : memref<5440x32xbf16, #tpu.memory_space<vmem>>, vector<32xbf16>,
        %parallel_loop3A_742 = vector.bitcast %parallel_loop3A_741 : vector<32xbf16> to vector<16xi32>
        %parallel_loop3A_743 = arith.constant 16 : i32
        %parallel_loop3A_744 = vector.broadcast %parallel_loop3A_743 : i32 to vector<16xi32>
        %parallel_loop3A_745 = arith.shli %parallel_loop3A_742, %parallel_loop3A_744 : vector<16xi32>
        %parallel_loop3A_746 = vector.bitcast %parallel_loop3A_745 : vector<16xi32> to vector<16xf32>
        %parallel_loop3A_747 = arith.constant -65536 : i32
        %parallel_loop3A_748 = vector.broadcast %parallel_loop3A_747 : i32 to vector<16xi32>
        %parallel_loop3A_749 = arith.andi %parallel_loop3A_742, %parallel_loop3A_748 : vector<16xi32>
        %parallel_loop3A_750 = vector.bitcast %parallel_loop3A_749 : vector<16xi32> to vector<16xf32>
        %parallel_loop3A_751 = vector.broadcast %parallel_loop3A_738 : f32 to vector<16xf32>
        %parallel_loop3A_752 = arith.mulf %parallel_loop3A_751, %parallel_loop3A_746 : vector<16xf32>
        %parallel_loop3A_753 = arith.addf %parallel_loop3A_731, %parallel_loop3A_752 : vector<16xf32>
        %parallel_loop3A_754 = vector.broadcast %parallel_loop3A_738 : f32 to vector<16xf32>
        %parallel_loop3A_755 = arith.mulf %parallel_loop3A_754, %parallel_loop3A_750 : vector<16xf32>
        %parallel_loop3A_756 = arith.addf %parallel_loop3A_734, %parallel_loop3A_755 : vector<16xf32>
        %parallel_loop3A_757 = vector.extract_strided_slice %parallel_loop3A_620 {offsets = [6], sizes = [1], strides = [1]} : vector<16xi32> to vector<1xi32>
        %parallel_loop3A_758 = vector.extract %parallel_loop3A_757[0] : i32 from vector<1xi32>
        %parallel_loop3A_759 = vector.extract_strided_slice %parallel_loop3A_624 {offsets = [6], sizes = [1], strides = [1]} : vector<16xf32> to vector<1xf32>
        %parallel_loop3A_760 = vector.extract %parallel_loop3A_759[0] : f32 from vector<1xf32>
        %parallel_loop3A_761 = arith.index_cast %parallel_loop3A_758 : i32 to index
        %parallel_loop3A_762 = arith.constant 0 : index
        %parallel_loop3A_763 = tpu.vector_load %arg5[%parallel_loop3A_761, %parallel_loop3A_762] {strides = array<i32>} : memref<5440x32xbf16, #tpu.memory_space<vmem>>, vector<32xbf16>,
        %parallel_loop3A_764 = vector.bitcast %parallel_loop3A_763 : vector<32xbf16> to vector<16xi32>
        %parallel_loop3A_765 = arith.constant 16 : i32
        %parallel_loop3A_766 = vector.broadcast %parallel_loop3A_765 : i32 to vector<16xi32>
        %parallel_loop3A_767 = arith.shli %parallel_loop3A_764, %parallel_loop3A_766 : vector<16xi32>
        %parallel_loop3A_768 = vector.bitcast %parallel_loop3A_767 : vector<16xi32> to vector<16xf32>
        %parallel_loop3A_769 = arith.constant -65536 : i32
        %parallel_loop3A_770 = vector.broadcast %parallel_loop3A_769 : i32 to vector<16xi32>
        %parallel_loop3A_771 = arith.andi %parallel_loop3A_764, %parallel_loop3A_770 : vector<16xi32>
        %parallel_loop3A_772 = vector.bitcast %parallel_loop3A_771 : vector<16xi32> to vector<16xf32>
        %parallel_loop3A_773 = vector.broadcast %parallel_loop3A_760 : f32 to vector<16xf32>
        %parallel_loop3A_774 = arith.mulf %parallel_loop3A_773, %parallel_loop3A_768 : vector<16xf32>
        %parallel_loop3A_775 = arith.addf %parallel_loop3A_753, %parallel_loop3A_774 : vector<16xf32>
        %parallel_loop3A_776 = vector.broadcast %parallel_loop3A_760 : f32 to vector<16xf32>
        %parallel_loop3A_777 = arith.mulf %parallel_loop3A_776, %parallel_loop3A_772 : vector<16xf32>
        %parallel_loop3A_778 = arith.addf %parallel_loop3A_756, %parallel_loop3A_777 : vector<16xf32>
        %parallel_loop3A_779 = vector.extract_strided_slice %parallel_loop3A_620 {offsets = [7], sizes = [1], strides = [1]} : vector<16xi32> to vector<1xi32>
        %parallel_loop3A_780 = vector.extract %parallel_loop3A_779[0] : i32 from vector<1xi32>
        %parallel_loop3A_781 = vector.extract_strided_slice %parallel_loop3A_624 {offsets = [7], sizes = [1], strides = [1]} : vector<16xf32> to vector<1xf32>
        %parallel_loop3A_782 = vector.extract %parallel_loop3A_781[0] : f32 from vector<1xf32>
        %parallel_loop3A_783 = arith.index_cast %parallel_loop3A_780 : i32 to index
        %parallel_loop3A_784 = arith.constant 0 : index
        %parallel_loop3A_785 = tpu.vector_load %arg5[%parallel_loop3A_783, %parallel_loop3A_784] {strides = array<i32>} : memref<5440x32xbf16, #tpu.memory_space<vmem>>, vector<32xbf16>,
        %parallel_loop3A_786 = vector.bitcast %parallel_loop3A_785 : vector<32xbf16> to vector<16xi32>
        %parallel_loop3A_787 = arith.constant 16 : i32
        %parallel_loop3A_788 = vector.broadcast %parallel_loop3A_787 : i32 to vector<16xi32>
        %parallel_loop3A_789 = arith.shli %parallel_loop3A_786, %parallel_loop3A_788 : vector<16xi32>
        %parallel_loop3A_790 = vector.bitcast %parallel_loop3A_789 : vector<16xi32> to vector<16xf32>
        %parallel_loop3A_791 = arith.constant -65536 : i32
        %parallel_loop3A_792 = vector.broadcast %parallel_loop3A_791 : i32 to vector<16xi32>
        %parallel_loop3A_793 = arith.andi %parallel_loop3A_786, %parallel_loop3A_792 : vector<16xi32>
        %parallel_loop3A_794 = vector.bitcast %parallel_loop3A_793 : vector<16xi32> to vector<16xf32>
        %parallel_loop3A_795 = vector.broadcast %parallel_loop3A_782 : f32 to vector<16xf32>
        %parallel_loop3A_796 = arith.mulf %parallel_loop3A_795, %parallel_loop3A_790 : vector<16xf32>
        %parallel_loop3A_797 = arith.addf %parallel_loop3A_775, %parallel_loop3A_796 : vector<16xf32>
        %parallel_loop3A_798 = vector.broadcast %parallel_loop3A_782 : f32 to vector<16xf32>
        %parallel_loop3A_799 = arith.mulf %parallel_loop3A_798, %parallel_loop3A_794 : vector<16xf32>
        %parallel_loop3A_800 = arith.addf %parallel_loop3A_778, %parallel_loop3A_799 : vector<16xf32>
        %parallel_loop3A_801 = vector.extract_strided_slice %parallel_loop3A_620 {offsets = [8], sizes = [1], strides = [1]} : vector<16xi32> to vector<1xi32>
        %parallel_loop3A_802 = vector.extract %parallel_loop3A_801[0] : i32 from vector<1xi32>
        %parallel_loop3A_803 = vector.extract_strided_slice %parallel_loop3A_624 {offsets = [8], sizes = [1], strides = [1]} : vector<16xf32> to vector<1xf32>
        %parallel_loop3A_804 = vector.extract %parallel_loop3A_803[0] : f32 from vector<1xf32>
        %parallel_loop3A_805 = arith.index_cast %parallel_loop3A_802 : i32 to index
        %parallel_loop3A_806 = arith.constant 0 : index
        %parallel_loop3A_807 = tpu.vector_load %arg5[%parallel_loop3A_805, %parallel_loop3A_806] {strides = array<i32>} : memref<5440x32xbf16, #tpu.memory_space<vmem>>, vector<32xbf16>,
        %parallel_loop3A_808 = vector.bitcast %parallel_loop3A_807 : vector<32xbf16> to vector<16xi32>
        %parallel_loop3A_809 = arith.constant 16 : i32
        %parallel_loop3A_810 = vector.broadcast %parallel_loop3A_809 : i32 to vector<16xi32>
        %parallel_loop3A_811 = arith.shli %parallel_loop3A_808, %parallel_loop3A_810 : vector<16xi32>
        %parallel_loop3A_812 = vector.bitcast %parallel_loop3A_811 : vector<16xi32> to vector<16xf32>
        %parallel_loop3A_813 = arith.constant -65536 : i32
        %parallel_loop3A_814 = vector.broadcast %parallel_loop3A_813 : i32 to vector<16xi32>
        %parallel_loop3A_815 = arith.andi %parallel_loop3A_808, %parallel_loop3A_814 : vector<16xi32>
        %parallel_loop3A_816 = vector.bitcast %parallel_loop3A_815 : vector<16xi32> to vector<16xf32>
        %parallel_loop3A_817 = vector.broadcast %parallel_loop3A_804 : f32 to vector<16xf32>
        %parallel_loop3A_818 = arith.mulf %parallel_loop3A_817, %parallel_loop3A_812 : vector<16xf32>
        %parallel_loop3A_819 = arith.addf %parallel_loop3A_797, %parallel_loop3A_818 : vector<16xf32>
        %parallel_loop3A_820 = vector.broadcast %parallel_loop3A_804 : f32 to vector<16xf32>
        %parallel_loop3A_821 = arith.mulf %parallel_loop3A_820, %parallel_loop3A_816 : vector<16xf32>
        %parallel_loop3A_822 = arith.addf %parallel_loop3A_800, %parallel_loop3A_821 : vector<16xf32>
        %parallel_loop3A_823 = vector.extract_strided_slice %parallel_loop3A_620 {offsets = [9], sizes = [1], strides = [1]} : vector<16xi32> to vector<1xi32>
        %parallel_loop3A_824 = vector.extract %parallel_loop3A_823[0] : i32 from vector<1xi32>
        %parallel_loop3A_825 = vector.extract_strided_slice %parallel_loop3A_624 {offsets = [9], sizes = [1], strides = [1]} : vector<16xf32> to vector<1xf32>
        %parallel_loop3A_826 = vector.extract %parallel_loop3A_825[0] : f32 from vector<1xf32>
        %parallel_loop3A_827 = arith.index_cast %parallel_loop3A_824 : i32 to index
        %parallel_loop3A_828 = arith.constant 0 : index
        %parallel_loop3A_829 = tpu.vector_load %arg5[%parallel_loop3A_827, %parallel_loop3A_828] {strides = array<i32>} : memref<5440x32xbf16, #tpu.memory_space<vmem>>, vector<32xbf16>,
        %parallel_loop3A_830 = vector.bitcast %parallel_loop3A_829 : vector<32xbf16> to vector<16xi32>
        %parallel_loop3A_831 = arith.constant 16 : i32
        %parallel_loop3A_832 = vector.broadcast %parallel_loop3A_831 : i32 to vector<16xi32>
        %parallel_loop3A_833 = arith.shli %parallel_loop3A_830, %parallel_loop3A_832 : vector<16xi32>
        %parallel_loop3A_834 = vector.bitcast %parallel_loop3A_833 : vector<16xi32> to vector<16xf32>
        %parallel_loop3A_835 = arith.constant -65536 : i32
        %parallel_loop3A_836 = vector.broadcast %parallel_loop3A_835 : i32 to vector<16xi32>
        %parallel_loop3A_837 = arith.andi %parallel_loop3A_830, %parallel_loop3A_836 : vector<16xi32>
        %parallel_loop3A_838 = vector.bitcast %parallel_loop3A_837 : vector<16xi32> to vector<16xf32>
        %parallel_loop3A_839 = vector.broadcast %parallel_loop3A_826 : f32 to vector<16xf32>
        %parallel_loop3A_840 = arith.mulf %parallel_loop3A_839, %parallel_loop3A_834 : vector<16xf32>
        %parallel_loop3A_841 = arith.addf %parallel_loop3A_819, %parallel_loop3A_840 : vector<16xf32>
        %parallel_loop3A_842 = vector.broadcast %parallel_loop3A_826 : f32 to vector<16xf32>
        %parallel_loop3A_843 = arith.mulf %parallel_loop3A_842, %parallel_loop3A_838 : vector<16xf32>
        %parallel_loop3A_844 = arith.addf %parallel_loop3A_822, %parallel_loop3A_843 : vector<16xf32>
        %parallel_loop3A_845 = vector.extract_strided_slice %parallel_loop3A_620 {offsets = [10], sizes = [1], strides = [1]} : vector<16xi32> to vector<1xi32>
        %parallel_loop3A_846 = vector.extract %parallel_loop3A_845[0] : i32 from vector<1xi32>
        %parallel_loop3A_847 = vector.extract_strided_slice %parallel_loop3A_624 {offsets = [10], sizes = [1], strides = [1]} : vector<16xf32> to vector<1xf32>
        %parallel_loop3A_848 = vector.extract %parallel_loop3A_847[0] : f32 from vector<1xf32>
        %parallel_loop3A_849 = arith.index_cast %parallel_loop3A_846 : i32 to index
        %parallel_loop3A_850 = arith.constant 0 : index
        %parallel_loop3A_851 = tpu.vector_load %arg5[%parallel_loop3A_849, %parallel_loop3A_850] {strides = array<i32>} : memref<5440x32xbf16, #tpu.memory_space<vmem>>, vector<32xbf16>,
        %parallel_loop3A_852 = vector.bitcast %parallel_loop3A_851 : vector<32xbf16> to vector<16xi32>
        %parallel_loop3A_853 = arith.constant 16 : i32
        %parallel_loop3A_854 = vector.broadcast %parallel_loop3A_853 : i32 to vector<16xi32>
        %parallel_loop3A_855 = arith.shli %parallel_loop3A_852, %parallel_loop3A_854 : vector<16xi32>
        %parallel_loop3A_856 = vector.bitcast %parallel_loop3A_855 : vector<16xi32> to vector<16xf32>
        %parallel_loop3A_857 = arith.constant -65536 : i32
        %parallel_loop3A_858 = vector.broadcast %parallel_loop3A_857 : i32 to vector<16xi32>
        %parallel_loop3A_859 = arith.andi %parallel_loop3A_852, %parallel_loop3A_858 : vector<16xi32>
        %parallel_loop3A_860 = vector.bitcast %parallel_loop3A_859 : vector<16xi32> to vector<16xf32>
        %parallel_loop3A_861 = vector.broadcast %parallel_loop3A_848 : f32 to vector<16xf32>
        %parallel_loop3A_862 = arith.mulf %parallel_loop3A_861, %parallel_loop3A_856 : vector<16xf32>
        %parallel_loop3A_863 = arith.addf %parallel_loop3A_841, %parallel_loop3A_862 : vector<16xf32>
        %parallel_loop3A_864 = vector.broadcast %parallel_loop3A_848 : f32 to vector<16xf32>
        %parallel_loop3A_865 = arith.mulf %parallel_loop3A_864, %parallel_loop3A_860 : vector<16xf32>
        %parallel_loop3A_866 = arith.addf %parallel_loop3A_844, %parallel_loop3A_865 : vector<16xf32>
        %parallel_loop3A_867 = vector.extract_strided_slice %parallel_loop3A_620 {offsets = [11], sizes = [1], strides = [1]} : vector<16xi32> to vector<1xi32>
        %parallel_loop3A_868 = vector.extract %parallel_loop3A_867[0] : i32 from vector<1xi32>
        %parallel_loop3A_869 = vector.extract_strided_slice %parallel_loop3A_624 {offsets = [11], sizes = [1], strides = [1]} : vector<16xf32> to vector<1xf32>
        %parallel_loop3A_870 = vector.extract %parallel_loop3A_869[0] : f32 from vector<1xf32>
        %parallel_loop3A_871 = arith.index_cast %parallel_loop3A_868 : i32 to index
        %parallel_loop3A_872 = arith.constant 0 : index
        %parallel_loop3A_873 = tpu.vector_load %arg5[%parallel_loop3A_871, %parallel_loop3A_872] {strides = array<i32>} : memref<5440x32xbf16, #tpu.memory_space<vmem>>, vector<32xbf16>,
        %parallel_loop3A_874 = vector.bitcast %parallel_loop3A_873 : vector<32xbf16> to vector<16xi32>
        %parallel_loop3A_875 = arith.constant 16 : i32
        %parallel_loop3A_876 = vector.broadcast %parallel_loop3A_875 : i32 to vector<16xi32>
        %parallel_loop3A_877 = arith.shli %parallel_loop3A_874, %parallel_loop3A_876 : vector<16xi32>
        %parallel_loop3A_878 = vector.bitcast %parallel_loop3A_877 : vector<16xi32> to vector<16xf32>
        %parallel_loop3A_879 = arith.constant -65536 : i32
        %parallel_loop3A_880 = vector.broadcast %parallel_loop3A_879 : i32 to vector<16xi32>
        %parallel_loop3A_881 = arith.andi %parallel_loop3A_874, %parallel_loop3A_880 : vector<16xi32>
        %parallel_loop3A_882 = vector.bitcast %parallel_loop3A_881 : vector<16xi32> to vector<16xf32>
        %parallel_loop3A_883 = vector.broadcast %parallel_loop3A_870 : f32 to vector<16xf32>
        %parallel_loop3A_884 = arith.mulf %parallel_loop3A_883, %parallel_loop3A_878 : vector<16xf32>
        %parallel_loop3A_885 = arith.addf %parallel_loop3A_863, %parallel_loop3A_884 : vector<16xf32>
        %parallel_loop3A_886 = vector.broadcast %parallel_loop3A_870 : f32 to vector<16xf32>
        %parallel_loop3A_887 = arith.mulf %parallel_loop3A_886, %parallel_loop3A_882 : vector<16xf32>
        %parallel_loop3A_888 = arith.addf %parallel_loop3A_866, %parallel_loop3A_887 : vector<16xf32>
        %parallel_loop3A_889 = vector.extract_strided_slice %parallel_loop3A_620 {offsets = [12], sizes = [1], strides = [1]} : vector<16xi32> to vector<1xi32>
        %parallel_loop3A_890 = vector.extract %parallel_loop3A_889[0] : i32 from vector<1xi32>
        %parallel_loop3A_891 = vector.extract_strided_slice %parallel_loop3A_624 {offsets = [12], sizes = [1], strides = [1]} : vector<16xf32> to vector<1xf32>
        %parallel_loop3A_892 = vector.extract %parallel_loop3A_891[0] : f32 from vector<1xf32>
        %parallel_loop3A_893 = arith.index_cast %parallel_loop3A_890 : i32 to index
        %parallel_loop3A_894 = arith.constant 0 : index
        %parallel_loop3A_895 = tpu.vector_load %arg5[%parallel_loop3A_893, %parallel_loop3A_894] {strides = array<i32>} : memref<5440x32xbf16, #tpu.memory_space<vmem>>, vector<32xbf16>,
        %parallel_loop3A_896 = vector.bitcast %parallel_loop3A_895 : vector<32xbf16> to vector<16xi32>
        %parallel_loop3A_897 = arith.constant 16 : i32
        %parallel_loop3A_898 = vector.broadcast %parallel_loop3A_897 : i32 to vector<16xi32>
        %parallel_loop3A_899 = arith.shli %parallel_loop3A_896, %parallel_loop3A_898 : vector<16xi32>
        %parallel_loop3A_900 = vector.bitcast %parallel_loop3A_899 : vector<16xi32> to vector<16xf32>
        %parallel_loop3A_901 = arith.constant -65536 : i32
        %parallel_loop3A_902 = vector.broadcast %parallel_loop3A_901 : i32 to vector<16xi32>
        %parallel_loop3A_903 = arith.andi %parallel_loop3A_896, %parallel_loop3A_902 : vector<16xi32>
        %parallel_loop3A_904 = vector.bitcast %parallel_loop3A_903 : vector<16xi32> to vector<16xf32>
        %parallel_loop3A_905 = vector.broadcast %parallel_loop3A_892 : f32 to vector<16xf32>
        %parallel_loop3A_906 = arith.mulf %parallel_loop3A_905, %parallel_loop3A_900 : vector<16xf32>
        %parallel_loop3A_907 = arith.addf %parallel_loop3A_885, %parallel_loop3A_906 : vector<16xf32>
        %parallel_loop3A_908 = vector.broadcast %parallel_loop3A_892 : f32 to vector<16xf32>
        %parallel_loop3A_909 = arith.mulf %parallel_loop3A_908, %parallel_loop3A_904 : vector<16xf32>
        %parallel_loop3A_910 = arith.addf %parallel_loop3A_888, %parallel_loop3A_909 : vector<16xf32>
        %parallel_loop3A_911 = vector.extract_strided_slice %parallel_loop3A_620 {offsets = [13], sizes = [1], strides = [1]} : vector<16xi32> to vector<1xi32>
        %parallel_loop3A_912 = vector.extract %parallel_loop3A_911[0] : i32 from vector<1xi32>
        %parallel_loop3A_913 = vector.extract_strided_slice %parallel_loop3A_624 {offsets = [13], sizes = [1], strides = [1]} : vector<16xf32> to vector<1xf32>
        %parallel_loop3A_914 = vector.extract %parallel_loop3A_913[0] : f32 from vector<1xf32>
        %parallel_loop3A_915 = arith.index_cast %parallel_loop3A_912 : i32 to index
        %parallel_loop3A_916 = arith.constant 0 : index
        %parallel_loop3A_917 = tpu.vector_load %arg5[%parallel_loop3A_915, %parallel_loop3A_916] {strides = array<i32>} : memref<5440x32xbf16, #tpu.memory_space<vmem>>, vector<32xbf16>,
        %parallel_loop3A_918 = vector.bitcast %parallel_loop3A_917 : vector<32xbf16> to vector<16xi32>
        %parallel_loop3A_919 = arith.constant 16 : i32
        %parallel_loop3A_920 = vector.broadcast %parallel_loop3A_919 : i32 to vector<16xi32>
        %parallel_loop3A_921 = arith.shli %parallel_loop3A_918, %parallel_loop3A_920 : vector<16xi32>
        %parallel_loop3A_922 = vector.bitcast %parallel_loop3A_921 : vector<16xi32> to vector<16xf32>
        %parallel_loop3A_923 = arith.constant -65536 : i32
        %parallel_loop3A_924 = vector.broadcast %parallel_loop3A_923 : i32 to vector<16xi32>
        %parallel_loop3A_925 = arith.andi %parallel_loop3A_918, %parallel_loop3A_924 : vector<16xi32>
        %parallel_loop3A_926 = vector.bitcast %parallel_loop3A_925 : vector<16xi32> to vector<16xf32>
        %parallel_loop3A_927 = vector.broadcast %parallel_loop3A_914 : f32 to vector<16xf32>
        %parallel_loop3A_928 = arith.mulf %parallel_loop3A_927, %parallel_loop3A_922 : vector<16xf32>
        %parallel_loop3A_929 = arith.addf %parallel_loop3A_907, %parallel_loop3A_928 : vector<16xf32>
        %parallel_loop3A_930 = vector.broadcast %parallel_loop3A_914 : f32 to vector<16xf32>
        %parallel_loop3A_931 = arith.mulf %parallel_loop3A_930, %parallel_loop3A_926 : vector<16xf32>
        %parallel_loop3A_932 = arith.addf %parallel_loop3A_910, %parallel_loop3A_931 : vector<16xf32>
        %parallel_loop3A_933 = vector.extract_strided_slice %parallel_loop3A_620 {offsets = [14], sizes = [1], strides = [1]} : vector<16xi32> to vector<1xi32>
        %parallel_loop3A_934 = vector.extract %parallel_loop3A_933[0] : i32 from vector<1xi32>
        %parallel_loop3A_935 = vector.extract_strided_slice %parallel_loop3A_624 {offsets = [14], sizes = [1], strides = [1]} : vector<16xf32> to vector<1xf32>
        %parallel_loop3A_936 = vector.extract %parallel_loop3A_935[0] : f32 from vector<1xf32>
        %parallel_loop3A_937 = arith.index_cast %parallel_loop3A_934 : i32 to index
        %parallel_loop3A_938 = arith.constant 0 : index
        %parallel_loop3A_939 = tpu.vector_load %arg5[%parallel_loop3A_937, %parallel_loop3A_938] {strides = array<i32>} : memref<5440x32xbf16, #tpu.memory_space<vmem>>, vector<32xbf16>,
        %parallel_loop3A_940 = vector.bitcast %parallel_loop3A_939 : vector<32xbf16> to vector<16xi32>
        %parallel_loop3A_941 = arith.constant 16 : i32
        %parallel_loop3A_942 = vector.broadcast %parallel_loop3A_941 : i32 to vector<16xi32>
        %parallel_loop3A_943 = arith.shli %parallel_loop3A_940, %parallel_loop3A_942 : vector<16xi32>
        %parallel_loop3A_944 = vector.bitcast %parallel_loop3A_943 : vector<16xi32> to vector<16xf32>
        %parallel_loop3A_945 = arith.constant -65536 : i32
        %parallel_loop3A_946 = vector.broadcast %parallel_loop3A_945 : i32 to vector<16xi32>
        %parallel_loop3A_947 = arith.andi %parallel_loop3A_940, %parallel_loop3A_946 : vector<16xi32>
        %parallel_loop3A_948 = vector.bitcast %parallel_loop3A_947 : vector<16xi32> to vector<16xf32>
        %parallel_loop3A_949 = vector.broadcast %parallel_loop3A_936 : f32 to vector<16xf32>
        %parallel_loop3A_950 = arith.mulf %parallel_loop3A_949, %parallel_loop3A_944 : vector<16xf32>
        %parallel_loop3A_951 = arith.addf %parallel_loop3A_929, %parallel_loop3A_950 : vector<16xf32>
        %parallel_loop3A_952 = vector.broadcast %parallel_loop3A_936 : f32 to vector<16xf32>
        %parallel_loop3A_953 = arith.mulf %parallel_loop3A_952, %parallel_loop3A_948 : vector<16xf32>
        %parallel_loop3A_954 = arith.addf %parallel_loop3A_932, %parallel_loop3A_953 : vector<16xf32>
        %parallel_loop3A_955 = vector.extract_strided_slice %parallel_loop3A_620 {offsets = [15], sizes = [1], strides = [1]} : vector<16xi32> to vector<1xi32>
        %parallel_loop3A_956 = vector.extract %parallel_loop3A_955[0] : i32 from vector<1xi32>
        %parallel_loop3A_957 = vector.extract_strided_slice %parallel_loop3A_624 {offsets = [15], sizes = [1], strides = [1]} : vector<16xf32> to vector<1xf32>
        %parallel_loop3A_958 = vector.extract %parallel_loop3A_957[0] : f32 from vector<1xf32>
        %parallel_loop3A_959 = arith.index_cast %parallel_loop3A_956 : i32 to index
        %parallel_loop3A_960 = arith.constant 0 : index
        %parallel_loop3A_961 = tpu.vector_load %arg5[%parallel_loop3A_959, %parallel_loop3A_960] {strides = array<i32>} : memref<5440x32xbf16, #tpu.memory_space<vmem>>, vector<32xbf16>,
        %parallel_loop3A_962 = vector.bitcast %parallel_loop3A_961 : vector<32xbf16> to vector<16xi32>
        %parallel_loop3A_963 = arith.constant 16 : i32
        %parallel_loop3A_964 = vector.broadcast %parallel_loop3A_963 : i32 to vector<16xi32>
        %parallel_loop3A_965 = arith.shli %parallel_loop3A_962, %parallel_loop3A_964 : vector<16xi32>
        %parallel_loop3A_966 = vector.bitcast %parallel_loop3A_965 : vector<16xi32> to vector<16xf32>
        %parallel_loop3A_967 = arith.constant -65536 : i32
        %parallel_loop3A_968 = vector.broadcast %parallel_loop3A_967 : i32 to vector<16xi32>
        %parallel_loop3A_969 = arith.andi %parallel_loop3A_962, %parallel_loop3A_968 : vector<16xi32>
        %parallel_loop3A_970 = vector.bitcast %parallel_loop3A_969 : vector<16xi32> to vector<16xf32>
        %parallel_loop3A_971 = vector.broadcast %parallel_loop3A_958 : f32 to vector<16xf32>
        %parallel_loop3A_972 = arith.mulf %parallel_loop3A_971, %parallel_loop3A_966 : vector<16xf32>
        %parallel_loop3A_973 = arith.addf %parallel_loop3A_951, %parallel_loop3A_972 : vector<16xf32>
        %parallel_loop3A_974 = vector.broadcast %parallel_loop3A_958 : f32 to vector<16xf32>
        %parallel_loop3A_975 = arith.mulf %parallel_loop3A_974, %parallel_loop3A_970 : vector<16xf32>
        %parallel_loop3A_976 = arith.addf %parallel_loop3A_954, %parallel_loop3A_975 : vector<16xf32>
        %parallel_loop3A_977 = arith.constant 1 : i32
        %parallel_loop3A_978 = arith.index_cast %parallel_loop3A_977 : i32 to index
        %parallel_loop3A_979 = arith.index_cast %parallel_loop3A_608 : i32 to index
        %parallel_loop3A_980 = arith.constant 0 : index
        %parallel_loop3A_981 = tpu.vector_load %arg7[%parallel_loop3A_978, %parallel_loop3A_979, %parallel_loop3A_980] {strides = array<i32>} : memref<4x50x16xi32, #tpu.memory_space<vmem>>, vector<16xi32>,
        %parallel_loop3A_982 = arith.constant 65535 : i32
        %parallel_loop3A_983 = vector.broadcast %parallel_loop3A_982 : i32 to vector<16xi32>
        %parallel_loop3A_984 = arith.andi %parallel_loop3A_981, %parallel_loop3A_983 : vector<16xi32>
        %parallel_loop3A_985 = arith.constant -65536 : i32
        %parallel_loop3A_986 = vector.broadcast %parallel_loop3A_985 : i32 to vector<16xi32>
        %parallel_loop3A_987 = arith.andi %parallel_loop3A_981, %parallel_loop3A_986 : vector<16xi32>
        %parallel_loop3A_988 = vector.bitcast %parallel_loop3A_987 : vector<16xi32> to vector<16xf32>
        %parallel_loop3A_989 = vector.extract_strided_slice %parallel_loop3A_984 {offsets = [0], sizes = [1], strides = [1]} : vector<16xi32> to vector<1xi32>
        %parallel_loop3A_990 = vector.extract %parallel_loop3A_989[0] : i32 from vector<1xi32>
        %parallel_loop3A_991 = vector.extract_strided_slice %parallel_loop3A_988 {offsets = [0], sizes = [1], strides = [1]} : vector<16xf32> to vector<1xf32>
        %parallel_loop3A_992 = vector.extract %parallel_loop3A_991[0] : f32 from vector<1xf32>
        %parallel_loop3A_993 = arith.index_cast %parallel_loop3A_990 : i32 to index
        %parallel_loop3A_994 = arith.constant 0 : index
        %parallel_loop3A_995 = tpu.vector_load %arg5[%parallel_loop3A_993, %parallel_loop3A_994] {strides = array<i32>} : memref<5440x32xbf16, #tpu.memory_space<vmem>>, vector<32xbf16>,
        %parallel_loop3A_996 = vector.bitcast %parallel_loop3A_995 : vector<32xbf16> to vector<16xi32>
        %parallel_loop3A_997 = arith.constant 16 : i32
        %parallel_loop3A_998 = vector.broadcast %parallel_loop3A_997 : i32 to vector<16xi32>
        %parallel_loop3A_999 = arith.shli %parallel_loop3A_996, %parallel_loop3A_998 : vector<16xi32>
        %parallel_loop3A_1000 = vector.bitcast %parallel_loop3A_999 : vector<16xi32> to vector<16xf32>
        %parallel_loop3A_1001 = arith.constant -65536 : i32
        %parallel_loop3A_1002 = vector.broadcast %parallel_loop3A_1001 : i32 to vector<16xi32>
        %parallel_loop3A_1003 = arith.andi %parallel_loop3A_996, %parallel_loop3A_1002 : vector<16xi32>
        %parallel_loop3A_1004 = vector.bitcast %parallel_loop3A_1003 : vector<16xi32> to vector<16xf32>
        %parallel_loop3A_1005 = vector.broadcast %parallel_loop3A_992 : f32 to vector<16xf32>
        %parallel_loop3A_1006 = arith.mulf %parallel_loop3A_1005, %parallel_loop3A_1000 : vector<16xf32>
        %parallel_loop3A_1007 = arith.addf %parallel_loop3A_973, %parallel_loop3A_1006 : vector<16xf32>
        %parallel_loop3A_1008 = vector.broadcast %parallel_loop3A_992 : f32 to vector<16xf32>
        %parallel_loop3A_1009 = arith.mulf %parallel_loop3A_1008, %parallel_loop3A_1004 : vector<16xf32>
        %parallel_loop3A_1010 = arith.addf %parallel_loop3A_976, %parallel_loop3A_1009 : vector<16xf32>
        %parallel_loop3A_1011 = vector.extract_strided_slice %parallel_loop3A_984 {offsets = [1], sizes = [1], strides = [1]} : vector<16xi32> to vector<1xi32>
        %parallel_loop3A_1012 = vector.extract %parallel_loop3A_1011[0] : i32 from vector<1xi32>
        %parallel_loop3A_1013 = vector.extract_strided_slice %parallel_loop3A_988 {offsets = [1], sizes = [1], strides = [1]} : vector<16xf32> to vector<1xf32>
        %parallel_loop3A_1014 = vector.extract %parallel_loop3A_1013[0] : f32 from vector<1xf32>
        %parallel_loop3A_1015 = arith.index_cast %parallel_loop3A_1012 : i32 to index
        %parallel_loop3A_1016 = arith.constant 0 : index
        %parallel_loop3A_1017 = tpu.vector_load %arg5[%parallel_loop3A_1015, %parallel_loop3A_1016] {strides = array<i32>} : memref<5440x32xbf16, #tpu.memory_space<vmem>>, vector<32xbf16>,
        %parallel_loop3A_1018 = vector.bitcast %parallel_loop3A_1017 : vector<32xbf16> to vector<16xi32>
        %parallel_loop3A_1019 = arith.constant 16 : i32
        %parallel_loop3A_1020 = vector.broadcast %parallel_loop3A_1019 : i32 to vector<16xi32>
        %parallel_loop3A_1021 = arith.shli %parallel_loop3A_1018, %parallel_loop3A_1020 : vector<16xi32>
        %parallel_loop3A_1022 = vector.bitcast %parallel_loop3A_1021 : vector<16xi32> to vector<16xf32>
        %parallel_loop3A_1023 = arith.constant -65536 : i32
        %parallel_loop3A_1024 = vector.broadcast %parallel_loop3A_1023 : i32 to vector<16xi32>
        %parallel_loop3A_1025 = arith.andi %parallel_loop3A_1018, %parallel_loop3A_1024 : vector<16xi32>
        %parallel_loop3A_1026 = vector.bitcast %parallel_loop3A_1025 : vector<16xi32> to vector<16xf32>
        %parallel_loop3A_1027 = vector.broadcast %parallel_loop3A_1014 : f32 to vector<16xf32>
        %parallel_loop3A_1028 = arith.mulf %parallel_loop3A_1027, %parallel_loop3A_1022 : vector<16xf32>
        %parallel_loop3A_1029 = arith.addf %parallel_loop3A_1007, %parallel_loop3A_1028 : vector<16xf32>
        %parallel_loop3A_1030 = vector.broadcast %parallel_loop3A_1014 : f32 to vector<16xf32>
        %parallel_loop3A_1031 = arith.mulf %parallel_loop3A_1030, %parallel_loop3A_1026 : vector<16xf32>
        %parallel_loop3A_1032 = arith.addf %parallel_loop3A_1010, %parallel_loop3A_1031 : vector<16xf32>
        %parallel_loop3A_1033 = vector.extract_strided_slice %parallel_loop3A_984 {offsets = [2], sizes = [1], strides = [1]} : vector<16xi32> to vector<1xi32>
        %parallel_loop3A_1034 = vector.extract %parallel_loop3A_1033[0] : i32 from vector<1xi32>
        %parallel_loop3A_1035 = vector.extract_strided_slice %parallel_loop3A_988 {offsets = [2], sizes = [1], strides = [1]} : vector<16xf32> to vector<1xf32>
        %parallel_loop3A_1036 = vector.extract %parallel_loop3A_1035[0] : f32 from vector<1xf32>
        %parallel_loop3A_1037 = arith.index_cast %parallel_loop3A_1034 : i32 to index
        %parallel_loop3A_1038 = arith.constant 0 : index
        %parallel_loop3A_1039 = tpu.vector_load %arg5[%parallel_loop3A_1037, %parallel_loop3A_1038] {strides = array<i32>} : memref<5440x32xbf16, #tpu.memory_space<vmem>>, vector<32xbf16>,
        %parallel_loop3A_1040 = vector.bitcast %parallel_loop3A_1039 : vector<32xbf16> to vector<16xi32>
        %parallel_loop3A_1041 = arith.constant 16 : i32
        %parallel_loop3A_1042 = vector.broadcast %parallel_loop3A_1041 : i32 to vector<16xi32>
        %parallel_loop3A_1043 = arith.shli %parallel_loop3A_1040, %parallel_loop3A_1042 : vector<16xi32>
        %parallel_loop3A_1044 = vector.bitcast %parallel_loop3A_1043 : vector<16xi32> to vector<16xf32>
        %parallel_loop3A_1045 = arith.constant -65536 : i32
        %parallel_loop3A_1046 = vector.broadcast %parallel_loop3A_1045 : i32 to vector<16xi32>
        %parallel_loop3A_1047 = arith.andi %parallel_loop3A_1040, %parallel_loop3A_1046 : vector<16xi32>
        %parallel_loop3A_1048 = vector.bitcast %parallel_loop3A_1047 : vector<16xi32> to vector<16xf32>
        %parallel_loop3A_1049 = vector.broadcast %parallel_loop3A_1036 : f32 to vector<16xf32>
        %parallel_loop3A_1050 = arith.mulf %parallel_loop3A_1049, %parallel_loop3A_1044 : vector<16xf32>
        %parallel_loop3A_1051 = arith.addf %parallel_loop3A_1029, %parallel_loop3A_1050 : vector<16xf32>
        %parallel_loop3A_1052 = vector.broadcast %parallel_loop3A_1036 : f32 to vector<16xf32>
        %parallel_loop3A_1053 = arith.mulf %parallel_loop3A_1052, %parallel_loop3A_1048 : vector<16xf32>
        %parallel_loop3A_1054 = arith.addf %parallel_loop3A_1032, %parallel_loop3A_1053 : vector<16xf32>
        %parallel_loop3A_1055 = vector.extract_strided_slice %parallel_loop3A_984 {offsets = [3], sizes = [1], strides = [1]} : vector<16xi32> to vector<1xi32>
        %parallel_loop3A_1056 = vector.extract %parallel_loop3A_1055[0] : i32 from vector<1xi32>
        %parallel_loop3A_1057 = vector.extract_strided_slice %parallel_loop3A_988 {offsets = [3], sizes = [1], strides = [1]} : vector<16xf32> to vector<1xf32>
        %parallel_loop3A_1058 = vector.extract %parallel_loop3A_1057[0] : f32 from vector<1xf32>
        %parallel_loop3A_1059 = arith.index_cast %parallel_loop3A_1056 : i32 to index
        %parallel_loop3A_1060 = arith.constant 0 : index
        %parallel_loop3A_1061 = tpu.vector_load %arg5[%parallel_loop3A_1059, %parallel_loop3A_1060] {strides = array<i32>} : memref<5440x32xbf16, #tpu.memory_space<vmem>>, vector<32xbf16>,
        %parallel_loop3A_1062 = vector.bitcast %parallel_loop3A_1061 : vector<32xbf16> to vector<16xi32>
        %parallel_loop3A_1063 = arith.constant 16 : i32
        %parallel_loop3A_1064 = vector.broadcast %parallel_loop3A_1063 : i32 to vector<16xi32>
        %parallel_loop3A_1065 = arith.shli %parallel_loop3A_1062, %parallel_loop3A_1064 : vector<16xi32>
        %parallel_loop3A_1066 = vector.bitcast %parallel_loop3A_1065 : vector<16xi32> to vector<16xf32>
        %parallel_loop3A_1067 = arith.constant -65536 : i32
        %parallel_loop3A_1068 = vector.broadcast %parallel_loop3A_1067 : i32 to vector<16xi32>
        %parallel_loop3A_1069 = arith.andi %parallel_loop3A_1062, %parallel_loop3A_1068 : vector<16xi32>
        %parallel_loop3A_1070 = vector.bitcast %parallel_loop3A_1069 : vector<16xi32> to vector<16xf32>
        %parallel_loop3A_1071 = vector.broadcast %parallel_loop3A_1058 : f32 to vector<16xf32>
        %parallel_loop3A_1072 = arith.mulf %parallel_loop3A_1071, %parallel_loop3A_1066 : vector<16xf32>
        %parallel_loop3A_1073 = arith.addf %parallel_loop3A_1051, %parallel_loop3A_1072 : vector<16xf32>
        %parallel_loop3A_1074 = vector.broadcast %parallel_loop3A_1058 : f32 to vector<16xf32>
        %parallel_loop3A_1075 = arith.mulf %parallel_loop3A_1074, %parallel_loop3A_1070 : vector<16xf32>
        %parallel_loop3A_1076 = arith.addf %parallel_loop3A_1054, %parallel_loop3A_1075 : vector<16xf32>
        %parallel_loop3A_1077 = vector.extract_strided_slice %parallel_loop3A_984 {offsets = [4], sizes = [1], strides = [1]} : vector<16xi32> to vector<1xi32>
        %parallel_loop3A_1078 = vector.extract %parallel_loop3A_1077[0] : i32 from vector<1xi32>
        %parallel_loop3A_1079 = vector.extract_strided_slice %parallel_loop3A_988 {offsets = [4], sizes = [1], strides = [1]} : vector<16xf32> to vector<1xf32>
        %parallel_loop3A_1080 = vector.extract %parallel_loop3A_1079[0] : f32 from vector<1xf32>
        %parallel_loop3A_1081 = arith.index_cast %parallel_loop3A_1078 : i32 to index
        %parallel_loop3A_1082 = arith.constant 0 : index
        %parallel_loop3A_1083 = tpu.vector_load %arg5[%parallel_loop3A_1081, %parallel_loop3A_1082] {strides = array<i32>} : memref<5440x32xbf16, #tpu.memory_space<vmem>>, vector<32xbf16>,
        %parallel_loop3A_1084 = vector.bitcast %parallel_loop3A_1083 : vector<32xbf16> to vector<16xi32>
        %parallel_loop3A_1085 = arith.constant 16 : i32
        %parallel_loop3A_1086 = vector.broadcast %parallel_loop3A_1085 : i32 to vector<16xi32>
        %parallel_loop3A_1087 = arith.shli %parallel_loop3A_1084, %parallel_loop3A_1086 : vector<16xi32>
        %parallel_loop3A_1088 = vector.bitcast %parallel_loop3A_1087 : vector<16xi32> to vector<16xf32>
        %parallel_loop3A_1089 = arith.constant -65536 : i32
        %parallel_loop3A_1090 = vector.broadcast %parallel_loop3A_1089 : i32 to vector<16xi32>
        %parallel_loop3A_1091 = arith.andi %parallel_loop3A_1084, %parallel_loop3A_1090 : vector<16xi32>
        %parallel_loop3A_1092 = vector.bitcast %parallel_loop3A_1091 : vector<16xi32> to vector<16xf32>
        %parallel_loop3A_1093 = vector.broadcast %parallel_loop3A_1080 : f32 to vector<16xf32>
        %parallel_loop3A_1094 = arith.mulf %parallel_loop3A_1093, %parallel_loop3A_1088 : vector<16xf32>
        %parallel_loop3A_1095 = arith.addf %parallel_loop3A_1073, %parallel_loop3A_1094 : vector<16xf32>
        %parallel_loop3A_1096 = vector.broadcast %parallel_loop3A_1080 : f32 to vector<16xf32>
        %parallel_loop3A_1097 = arith.mulf %parallel_loop3A_1096, %parallel_loop3A_1092 : vector<16xf32>
        %parallel_loop3A_1098 = arith.addf %parallel_loop3A_1076, %parallel_loop3A_1097 : vector<16xf32>
        %parallel_loop3A_1099 = vector.extract_strided_slice %parallel_loop3A_984 {offsets = [5], sizes = [1], strides = [1]} : vector<16xi32> to vector<1xi32>
        %parallel_loop3A_1100 = vector.extract %parallel_loop3A_1099[0] : i32 from vector<1xi32>
        %parallel_loop3A_1101 = vector.extract_strided_slice %parallel_loop3A_988 {offsets = [5], sizes = [1], strides = [1]} : vector<16xf32> to vector<1xf32>
        %parallel_loop3A_1102 = vector.extract %parallel_loop3A_1101[0] : f32 from vector<1xf32>
        %parallel_loop3A_1103 = arith.index_cast %parallel_loop3A_1100 : i32 to index
        %parallel_loop3A_1104 = arith.constant 0 : index
        %parallel_loop3A_1105 = tpu.vector_load %arg5[%parallel_loop3A_1103, %parallel_loop3A_1104] {strides = array<i32>} : memref<5440x32xbf16, #tpu.memory_space<vmem>>, vector<32xbf16>,
        %parallel_loop3A_1106 = vector.bitcast %parallel_loop3A_1105 : vector<32xbf16> to vector<16xi32>
        %parallel_loop3A_1107 = arith.constant 16 : i32
        %parallel_loop3A_1108 = vector.broadcast %parallel_loop3A_1107 : i32 to vector<16xi32>
        %parallel_loop3A_1109 = arith.shli %parallel_loop3A_1106, %parallel_loop3A_1108 : vector<16xi32>
        %parallel_loop3A_1110 = vector.bitcast %parallel_loop3A_1109 : vector<16xi32> to vector<16xf32>
        %parallel_loop3A_1111 = arith.constant -65536 : i32
        %parallel_loop3A_1112 = vector.broadcast %parallel_loop3A_1111 : i32 to vector<16xi32>
        %parallel_loop3A_1113 = arith.andi %parallel_loop3A_1106, %parallel_loop3A_1112 : vector<16xi32>
        %parallel_loop3A_1114 = vector.bitcast %parallel_loop3A_1113 : vector<16xi32> to vector<16xf32>
        %parallel_loop3A_1115 = vector.broadcast %parallel_loop3A_1102 : f32 to vector<16xf32>
        %parallel_loop3A_1116 = arith.mulf %parallel_loop3A_1115, %parallel_loop3A_1110 : vector<16xf32>
        %parallel_loop3A_1117 = arith.addf %parallel_loop3A_1095, %parallel_loop3A_1116 : vector<16xf32>
        %parallel_loop3A_1118 = vector.broadcast %parallel_loop3A_1102 : f32 to vector<16xf32>
        %parallel_loop3A_1119 = arith.mulf %parallel_loop3A_1118, %parallel_loop3A_1114 : vector<16xf32>
        %parallel_loop3A_1120 = arith.addf %parallel_loop3A_1098, %parallel_loop3A_1119 : vector<16xf32>
        %parallel_loop3A_1121 = vector.extract_strided_slice %parallel_loop3A_984 {offsets = [6], sizes = [1], strides = [1]} : vector<16xi32> to vector<1xi32>
        %parallel_loop3A_1122 = vector.extract %parallel_loop3A_1121[0] : i32 from vector<1xi32>
        %parallel_loop3A_1123 = vector.extract_strided_slice %parallel_loop3A_988 {offsets = [6], sizes = [1], strides = [1]} : vector<16xf32> to vector<1xf32>
        %parallel_loop3A_1124 = vector.extract %parallel_loop3A_1123[0] : f32 from vector<1xf32>
        %parallel_loop3A_1125 = arith.index_cast %parallel_loop3A_1122 : i32 to index
        %parallel_loop3A_1126 = arith.constant 0 : index
        %parallel_loop3A_1127 = tpu.vector_load %arg5[%parallel_loop3A_1125, %parallel_loop3A_1126] {strides = array<i32>} : memref<5440x32xbf16, #tpu.memory_space<vmem>>, vector<32xbf16>,
        %parallel_loop3A_1128 = vector.bitcast %parallel_loop3A_1127 : vector<32xbf16> to vector<16xi32>
        %parallel_loop3A_1129 = arith.constant 16 : i32
        %parallel_loop3A_1130 = vector.broadcast %parallel_loop3A_1129 : i32 to vector<16xi32>
        %parallel_loop3A_1131 = arith.shli %parallel_loop3A_1128, %parallel_loop3A_1130 : vector<16xi32>
        %parallel_loop3A_1132 = vector.bitcast %parallel_loop3A_1131 : vector<16xi32> to vector<16xf32>
        %parallel_loop3A_1133 = arith.constant -65536 : i32
        %parallel_loop3A_1134 = vector.broadcast %parallel_loop3A_1133 : i32 to vector<16xi32>
        %parallel_loop3A_1135 = arith.andi %parallel_loop3A_1128, %parallel_loop3A_1134 : vector<16xi32>
        %parallel_loop3A_1136 = vector.bitcast %parallel_loop3A_1135 : vector<16xi32> to vector<16xf32>
        %parallel_loop3A_1137 = vector.broadcast %parallel_loop3A_1124 : f32 to vector<16xf32>
        %parallel_loop3A_1138 = arith.mulf %parallel_loop3A_1137, %parallel_loop3A_1132 : vector<16xf32>
        %parallel_loop3A_1139 = arith.addf %parallel_loop3A_1117, %parallel_loop3A_1138 : vector<16xf32>
        %parallel_loop3A_1140 = vector.broadcast %parallel_loop3A_1124 : f32 to vector<16xf32>
        %parallel_loop3A_1141 = arith.mulf %parallel_loop3A_1140, %parallel_loop3A_1136 : vector<16xf32>
        %parallel_loop3A_1142 = arith.addf %parallel_loop3A_1120, %parallel_loop3A_1141 : vector<16xf32>
        %parallel_loop3A_1143 = vector.extract_strided_slice %parallel_loop3A_984 {offsets = [7], sizes = [1], strides = [1]} : vector<16xi32> to vector<1xi32>
        %parallel_loop3A_1144 = vector.extract %parallel_loop3A_1143[0] : i32 from vector<1xi32>
        %parallel_loop3A_1145 = vector.extract_strided_slice %parallel_loop3A_988 {offsets = [7], sizes = [1], strides = [1]} : vector<16xf32> to vector<1xf32>
        %parallel_loop3A_1146 = vector.extract %parallel_loop3A_1145[0] : f32 from vector<1xf32>
        %parallel_loop3A_1147 = arith.index_cast %parallel_loop3A_1144 : i32 to index
        %parallel_loop3A_1148 = arith.constant 0 : index
        %parallel_loop3A_1149 = tpu.vector_load %arg5[%parallel_loop3A_1147, %parallel_loop3A_1148] {strides = array<i32>} : memref<5440x32xbf16, #tpu.memory_space<vmem>>, vector<32xbf16>,
        %parallel_loop3A_1150 = vector.bitcast %parallel_loop3A_1149 : vector<32xbf16> to vector<16xi32>
        %parallel_loop3A_1151 = arith.constant 16 : i32
        %parallel_loop3A_1152 = vector.broadcast %parallel_loop3A_1151 : i32 to vector<16xi32>
        %parallel_loop3A_1153 = arith.shli %parallel_loop3A_1150, %parallel_loop3A_1152 : vector<16xi32>
        %parallel_loop3A_1154 = vector.bitcast %parallel_loop3A_1153 : vector<16xi32> to vector<16xf32>
        %parallel_loop3A_1155 = arith.constant -65536 : i32
        %parallel_loop3A_1156 = vector.broadcast %parallel_loop3A_1155 : i32 to vector<16xi32>
        %parallel_loop3A_1157 = arith.andi %parallel_loop3A_1150, %parallel_loop3A_1156 : vector<16xi32>
        %parallel_loop3A_1158 = vector.bitcast %parallel_loop3A_1157 : vector<16xi32> to vector<16xf32>
        %parallel_loop3A_1159 = vector.broadcast %parallel_loop3A_1146 : f32 to vector<16xf32>
        %parallel_loop3A_1160 = arith.mulf %parallel_loop3A_1159, %parallel_loop3A_1154 : vector<16xf32>
        %parallel_loop3A_1161 = arith.addf %parallel_loop3A_1139, %parallel_loop3A_1160 : vector<16xf32>
        %parallel_loop3A_1162 = vector.broadcast %parallel_loop3A_1146 : f32 to vector<16xf32>
        %parallel_loop3A_1163 = arith.mulf %parallel_loop3A_1162, %parallel_loop3A_1158 : vector<16xf32>
        %parallel_loop3A_1164 = arith.addf %parallel_loop3A_1142, %parallel_loop3A_1163 : vector<16xf32>
        %parallel_loop3A_1165 = vector.extract_strided_slice %parallel_loop3A_984 {offsets = [8], sizes = [1], strides = [1]} : vector<16xi32> to vector<1xi32>
        %parallel_loop3A_1166 = vector.extract %parallel_loop3A_1165[0] : i32 from vector<1xi32>
        %parallel_loop3A_1167 = vector.extract_strided_slice %parallel_loop3A_988 {offsets = [8], sizes = [1], strides = [1]} : vector<16xf32> to vector<1xf32>
        %parallel_loop3A_1168 = vector.extract %parallel_loop3A_1167[0] : f32 from vector<1xf32>
        %parallel_loop3A_1169 = arith.index_cast %parallel_loop3A_1166 : i32 to index
        %parallel_loop3A_1170 = arith.constant 0 : index
        %parallel_loop3A_1171 = tpu.vector_load %arg5[%parallel_loop3A_1169, %parallel_loop3A_1170] {strides = array<i32>} : memref<5440x32xbf16, #tpu.memory_space<vmem>>, vector<32xbf16>,
        %parallel_loop3A_1172 = vector.bitcast %parallel_loop3A_1171 : vector<32xbf16> to vector<16xi32>
        %parallel_loop3A_1173 = arith.constant 16 : i32
        %parallel_loop3A_1174 = vector.broadcast %parallel_loop3A_1173 : i32 to vector<16xi32>
        %parallel_loop3A_1175 = arith.shli %parallel_loop3A_1172, %parallel_loop3A_1174 : vector<16xi32>
        %parallel_loop3A_1176 = vector.bitcast %parallel_loop3A_1175 : vector<16xi32> to vector<16xf32>
        %parallel_loop3A_1177 = arith.constant -65536 : i32
        %parallel_loop3A_1178 = vector.broadcast %parallel_loop3A_1177 : i32 to vector<16xi32>
        %parallel_loop3A_1179 = arith.andi %parallel_loop3A_1172, %parallel_loop3A_1178 : vector<16xi32>
        %parallel_loop3A_1180 = vector.bitcast %parallel_loop3A_1179 : vector<16xi32> to vector<16xf32>
        %parallel_loop3A_1181 = vector.broadcast %parallel_loop3A_1168 : f32 to vector<16xf32>
        %parallel_loop3A_1182 = arith.mulf %parallel_loop3A_1181, %parallel_loop3A_1176 : vector<16xf32>
        %parallel_loop3A_1183 = arith.addf %parallel_loop3A_1161, %parallel_loop3A_1182 : vector<16xf32>
        %parallel_loop3A_1184 = vector.broadcast %parallel_loop3A_1168 : f32 to vector<16xf32>
        %parallel_loop3A_1185 = arith.mulf %parallel_loop3A_1184, %parallel_loop3A_1180 : vector<16xf32>
        %parallel_loop3A_1186 = arith.addf %parallel_loop3A_1164, %parallel_loop3A_1185 : vector<16xf32>
        %parallel_loop3A_1187 = vector.extract_strided_slice %parallel_loop3A_984 {offsets = [9], sizes = [1], strides = [1]} : vector<16xi32> to vector<1xi32>
        %parallel_loop3A_1188 = vector.extract %parallel_loop3A_1187[0] : i32 from vector<1xi32>
        %parallel_loop3A_1189 = vector.extract_strided_slice %parallel_loop3A_988 {offsets = [9], sizes = [1], strides = [1]} : vector<16xf32> to vector<1xf32>
        %parallel_loop3A_1190 = vector.extract %parallel_loop3A_1189[0] : f32 from vector<1xf32>
        %parallel_loop3A_1191 = arith.index_cast %parallel_loop3A_1188 : i32 to index
        %parallel_loop3A_1192 = arith.constant 0 : index
        %parallel_loop3A_1193 = tpu.vector_load %arg5[%parallel_loop3A_1191, %parallel_loop3A_1192] {strides = array<i32>} : memref<5440x32xbf16, #tpu.memory_space<vmem>>, vector<32xbf16>,
        %parallel_loop3A_1194 = vector.bitcast %parallel_loop3A_1193 : vector<32xbf16> to vector<16xi32>
        %parallel_loop3A_1195 = arith.constant 16 : i32
        %parallel_loop3A_1196 = vector.broadcast %parallel_loop3A_1195 : i32 to vector<16xi32>
        %parallel_loop3A_1197 = arith.shli %parallel_loop3A_1194, %parallel_loop3A_1196 : vector<16xi32>
        %parallel_loop3A_1198 = vector.bitcast %parallel_loop3A_1197 : vector<16xi32> to vector<16xf32>
        %parallel_loop3A_1199 = arith.constant -65536 : i32
        %parallel_loop3A_1200 = vector.broadcast %parallel_loop3A_1199 : i32 to vector<16xi32>
        %parallel_loop3A_1201 = arith.andi %parallel_loop3A_1194, %parallel_loop3A_1200 : vector<16xi32>
        %parallel_loop3A_1202 = vector.bitcast %parallel_loop3A_1201 : vector<16xi32> to vector<16xf32>
        %parallel_loop3A_1203 = vector.broadcast %parallel_loop3A_1190 : f32 to vector<16xf32>
        %parallel_loop3A_1204 = arith.mulf %parallel_loop3A_1203, %parallel_loop3A_1198 : vector<16xf32>
        %parallel_loop3A_1205 = arith.addf %parallel_loop3A_1183, %parallel_loop3A_1204 : vector<16xf32>
        %parallel_loop3A_1206 = vector.broadcast %parallel_loop3A_1190 : f32 to vector<16xf32>
        %parallel_loop3A_1207 = arith.mulf %parallel_loop3A_1206, %parallel_loop3A_1202 : vector<16xf32>
        %parallel_loop3A_1208 = arith.addf %parallel_loop3A_1186, %parallel_loop3A_1207 : vector<16xf32>
        %parallel_loop3A_1209 = vector.extract_strided_slice %parallel_loop3A_984 {offsets = [10], sizes = [1], strides = [1]} : vector<16xi32> to vector<1xi32>
        %parallel_loop3A_1210 = vector.extract %parallel_loop3A_1209[0] : i32 from vector<1xi32>
        %parallel_loop3A_1211 = vector.extract_strided_slice %parallel_loop3A_988 {offsets = [10], sizes = [1], strides = [1]} : vector<16xf32> to vector<1xf32>
        %parallel_loop3A_1212 = vector.extract %parallel_loop3A_1211[0] : f32 from vector<1xf32>
        %parallel_loop3A_1213 = arith.index_cast %parallel_loop3A_1210 : i32 to index
        %parallel_loop3A_1214 = arith.constant 0 : index
        %parallel_loop3A_1215 = tpu.vector_load %arg5[%parallel_loop3A_1213, %parallel_loop3A_1214] {strides = array<i32>} : memref<5440x32xbf16, #tpu.memory_space<vmem>>, vector<32xbf16>,
        %parallel_loop3A_1216 = vector.bitcast %parallel_loop3A_1215 : vector<32xbf16> to vector<16xi32>
        %parallel_loop3A_1217 = arith.constant 16 : i32
        %parallel_loop3A_1218 = vector.broadcast %parallel_loop3A_1217 : i32 to vector<16xi32>
        %parallel_loop3A_1219 = arith.shli %parallel_loop3A_1216, %parallel_loop3A_1218 : vector<16xi32>
        %parallel_loop3A_1220 = vector.bitcast %parallel_loop3A_1219 : vector<16xi32> to vector<16xf32>
        %parallel_loop3A_1221 = arith.constant -65536 : i32
        %parallel_loop3A_1222 = vector.broadcast %parallel_loop3A_1221 : i32 to vector<16xi32>
        %parallel_loop3A_1223 = arith.andi %parallel_loop3A_1216, %parallel_loop3A_1222 : vector<16xi32>
        %parallel_loop3A_1224 = vector.bitcast %parallel_loop3A_1223 : vector<16xi32> to vector<16xf32>
        %parallel_loop3A_1225 = vector.broadcast %parallel_loop3A_1212 : f32 to vector<16xf32>
        %parallel_loop3A_1226 = arith.mulf %parallel_loop3A_1225, %parallel_loop3A_1220 : vector<16xf32>
        %parallel_loop3A_1227 = arith.addf %parallel_loop3A_1205, %parallel_loop3A_1226 : vector<16xf32>
        %parallel_loop3A_1228 = vector.broadcast %parallel_loop3A_1212 : f32 to vector<16xf32>
        %parallel_loop3A_1229 = arith.mulf %parallel_loop3A_1228, %parallel_loop3A_1224 : vector<16xf32>
        %parallel_loop3A_1230 = arith.addf %parallel_loop3A_1208, %parallel_loop3A_1229 : vector<16xf32>
        %parallel_loop3A_1231 = vector.extract_strided_slice %parallel_loop3A_984 {offsets = [11], sizes = [1], strides = [1]} : vector<16xi32> to vector<1xi32>
        %parallel_loop3A_1232 = vector.extract %parallel_loop3A_1231[0] : i32 from vector<1xi32>
        %parallel_loop3A_1233 = vector.extract_strided_slice %parallel_loop3A_988 {offsets = [11], sizes = [1], strides = [1]} : vector<16xf32> to vector<1xf32>
        %parallel_loop3A_1234 = vector.extract %parallel_loop3A_1233[0] : f32 from vector<1xf32>
        %parallel_loop3A_1235 = arith.index_cast %parallel_loop3A_1232 : i32 to index
        %parallel_loop3A_1236 = arith.constant 0 : index
        %parallel_loop3A_1237 = tpu.vector_load %arg5[%parallel_loop3A_1235, %parallel_loop3A_1236] {strides = array<i32>} : memref<5440x32xbf16, #tpu.memory_space<vmem>>, vector<32xbf16>,
        %parallel_loop3A_1238 = vector.bitcast %parallel_loop3A_1237 : vector<32xbf16> to vector<16xi32>
        %parallel_loop3A_1239 = arith.constant 16 : i32
        %parallel_loop3A_1240 = vector.broadcast %parallel_loop3A_1239 : i32 to vector<16xi32>
        %parallel_loop3A_1241 = arith.shli %parallel_loop3A_1238, %parallel_loop3A_1240 : vector<16xi32>
        %parallel_loop3A_1242 = vector.bitcast %parallel_loop3A_1241 : vector<16xi32> to vector<16xf32>
        %parallel_loop3A_1243 = arith.constant -65536 : i32
        %parallel_loop3A_1244 = vector.broadcast %parallel_loop3A_1243 : i32 to vector<16xi32>
        %parallel_loop3A_1245 = arith.andi %parallel_loop3A_1238, %parallel_loop3A_1244 : vector<16xi32>
        %parallel_loop3A_1246 = vector.bitcast %parallel_loop3A_1245 : vector<16xi32> to vector<16xf32>
        %parallel_loop3A_1247 = vector.broadcast %parallel_loop3A_1234 : f32 to vector<16xf32>
        %parallel_loop3A_1248 = arith.mulf %parallel_loop3A_1247, %parallel_loop3A_1242 : vector<16xf32>
        %parallel_loop3A_1249 = arith.addf %parallel_loop3A_1227, %parallel_loop3A_1248 : vector<16xf32>
        %parallel_loop3A_1250 = vector.broadcast %parallel_loop3A_1234 : f32 to vector<16xf32>
        %parallel_loop3A_1251 = arith.mulf %parallel_loop3A_1250, %parallel_loop3A_1246 : vector<16xf32>
        %parallel_loop3A_1252 = arith.addf %parallel_loop3A_1230, %parallel_loop3A_1251 : vector<16xf32>
        %parallel_loop3A_1253 = vector.extract_strided_slice %parallel_loop3A_984 {offsets = [12], sizes = [1], strides = [1]} : vector<16xi32> to vector<1xi32>
        %parallel_loop3A_1254 = vector.extract %parallel_loop3A_1253[0] : i32 from vector<1xi32>
        %parallel_loop3A_1255 = vector.extract_strided_slice %parallel_loop3A_988 {offsets = [12], sizes = [1], strides = [1]} : vector<16xf32> to vector<1xf32>
        %parallel_loop3A_1256 = vector.extract %parallel_loop3A_1255[0] : f32 from vector<1xf32>
        %parallel_loop3A_1257 = arith.index_cast %parallel_loop3A_1254 : i32 to index
        %parallel_loop3A_1258 = arith.constant 0 : index
        %parallel_loop3A_1259 = tpu.vector_load %arg5[%parallel_loop3A_1257, %parallel_loop3A_1258] {strides = array<i32>} : memref<5440x32xbf16, #tpu.memory_space<vmem>>, vector<32xbf16>,
        %parallel_loop3A_1260 = vector.bitcast %parallel_loop3A_1259 : vector<32xbf16> to vector<16xi32>
        %parallel_loop3A_1261 = arith.constant 16 : i32
        %parallel_loop3A_1262 = vector.broadcast %parallel_loop3A_1261 : i32 to vector<16xi32>
        %parallel_loop3A_1263 = arith.shli %parallel_loop3A_1260, %parallel_loop3A_1262 : vector<16xi32>
        %parallel_loop3A_1264 = vector.bitcast %parallel_loop3A_1263 : vector<16xi32> to vector<16xf32>
        %parallel_loop3A_1265 = arith.constant -65536 : i32
        %parallel_loop3A_1266 = vector.broadcast %parallel_loop3A_1265 : i32 to vector<16xi32>
        %parallel_loop3A_1267 = arith.andi %parallel_loop3A_1260, %parallel_loop3A_1266 : vector<16xi32>
        %parallel_loop3A_1268 = vector.bitcast %parallel_loop3A_1267 : vector<16xi32> to vector<16xf32>
        %parallel_loop3A_1269 = vector.broadcast %parallel_loop3A_1256 : f32 to vector<16xf32>
        %parallel_loop3A_1270 = arith.mulf %parallel_loop3A_1269, %parallel_loop3A_1264 : vector<16xf32>
        %parallel_loop3A_1271 = arith.addf %parallel_loop3A_1249, %parallel_loop3A_1270 : vector<16xf32>
        %parallel_loop3A_1272 = vector.broadcast %parallel_loop3A_1256 : f32 to vector<16xf32>
        %parallel_loop3A_1273 = arith.mulf %parallel_loop3A_1272, %parallel_loop3A_1268 : vector<16xf32>
        %parallel_loop3A_1274 = arith.addf %parallel_loop3A_1252, %parallel_loop3A_1273 : vector<16xf32>
        %parallel_loop3A_1275 = vector.extract_strided_slice %parallel_loop3A_984 {offsets = [13], sizes = [1], strides = [1]} : vector<16xi32> to vector<1xi32>
        %parallel_loop3A_1276 = vector.extract %parallel_loop3A_1275[0] : i32 from vector<1xi32>
        %parallel_loop3A_1277 = vector.extract_strided_slice %parallel_loop3A_988 {offsets = [13], sizes = [1], strides = [1]} : vector<16xf32> to vector<1xf32>
        %parallel_loop3A_1278 = vector.extract %parallel_loop3A_1277[0] : f32 from vector<1xf32>
        %parallel_loop3A_1279 = arith.index_cast %parallel_loop3A_1276 : i32 to index
        %parallel_loop3A_1280 = arith.constant 0 : index
        %parallel_loop3A_1281 = tpu.vector_load %arg5[%parallel_loop3A_1279, %parallel_loop3A_1280] {strides = array<i32>} : memref<5440x32xbf16, #tpu.memory_space<vmem>>, vector<32xbf16>,
        %parallel_loop3A_1282 = vector.bitcast %parallel_loop3A_1281 : vector<32xbf16> to vector<16xi32>
        %parallel_loop3A_1283 = arith.constant 16 : i32
        %parallel_loop3A_1284 = vector.broadcast %parallel_loop3A_1283 : i32 to vector<16xi32>
        %parallel_loop3A_1285 = arith.shli %parallel_loop3A_1282, %parallel_loop3A_1284 : vector<16xi32>
        %parallel_loop3A_1286 = vector.bitcast %parallel_loop3A_1285 : vector<16xi32> to vector<16xf32>
        %parallel_loop3A_1287 = arith.constant -65536 : i32
        %parallel_loop3A_1288 = vector.broadcast %parallel_loop3A_1287 : i32 to vector<16xi32>
        %parallel_loop3A_1289 = arith.andi %parallel_loop3A_1282, %parallel_loop3A_1288 : vector<16xi32>
        %parallel_loop3A_1290 = vector.bitcast %parallel_loop3A_1289 : vector<16xi32> to vector<16xf32>
        %parallel_loop3A_1291 = vector.broadcast %parallel_loop3A_1278 : f32 to vector<16xf32>
        %parallel_loop3A_1292 = arith.mulf %parallel_loop3A_1291, %parallel_loop3A_1286 : vector<16xf32>
        %parallel_loop3A_1293 = arith.addf %parallel_loop3A_1271, %parallel_loop3A_1292 : vector<16xf32>
        %parallel_loop3A_1294 = vector.broadcast %parallel_loop3A_1278 : f32 to vector<16xf32>
        %parallel_loop3A_1295 = arith.mulf %parallel_loop3A_1294, %parallel_loop3A_1290 : vector<16xf32>
        %parallel_loop3A_1296 = arith.addf %parallel_loop3A_1274, %parallel_loop3A_1295 : vector<16xf32>
        %parallel_loop3A_1297 = vector.extract_strided_slice %parallel_loop3A_984 {offsets = [14], sizes = [1], strides = [1]} : vector<16xi32> to vector<1xi32>
        %parallel_loop3A_1298 = vector.extract %parallel_loop3A_1297[0] : i32 from vector<1xi32>
        %parallel_loop3A_1299 = vector.extract_strided_slice %parallel_loop3A_988 {offsets = [14], sizes = [1], strides = [1]} : vector<16xf32> to vector<1xf32>
        %parallel_loop3A_1300 = vector.extract %parallel_loop3A_1299[0] : f32 from vector<1xf32>
        %parallel_loop3A_1301 = arith.index_cast %parallel_loop3A_1298 : i32 to index
        %parallel_loop3A_1302 = arith.constant 0 : index
        %parallel_loop3A_1303 = tpu.vector_load %arg5[%parallel_loop3A_1301, %parallel_loop3A_1302] {strides = array<i32>} : memref<5440x32xbf16, #tpu.memory_space<vmem>>, vector<32xbf16>,
        %parallel_loop3A_1304 = vector.bitcast %parallel_loop3A_1303 : vector<32xbf16> to vector<16xi32>
        %parallel_loop3A_1305 = arith.constant 16 : i32
        %parallel_loop3A_1306 = vector.broadcast %parallel_loop3A_1305 : i32 to vector<16xi32>
        %parallel_loop3A_1307 = arith.shli %parallel_loop3A_1304, %parallel_loop3A_1306 : vector<16xi32>
        %parallel_loop3A_1308 = vector.bitcast %parallel_loop3A_1307 : vector<16xi32> to vector<16xf32>
        %parallel_loop3A_1309 = arith.constant -65536 : i32
        %parallel_loop3A_1310 = vector.broadcast %parallel_loop3A_1309 : i32 to vector<16xi32>
        %parallel_loop3A_1311 = arith.andi %parallel_loop3A_1304, %parallel_loop3A_1310 : vector<16xi32>
        %parallel_loop3A_1312 = vector.bitcast %parallel_loop3A_1311 : vector<16xi32> to vector<16xf32>
        %parallel_loop3A_1313 = vector.broadcast %parallel_loop3A_1300 : f32 to vector<16xf32>
        %parallel_loop3A_1314 = arith.mulf %parallel_loop3A_1313, %parallel_loop3A_1308 : vector<16xf32>
        %parallel_loop3A_1315 = arith.addf %parallel_loop3A_1293, %parallel_loop3A_1314 : vector<16xf32>
        %parallel_loop3A_1316 = vector.broadcast %parallel_loop3A_1300 : f32 to vector<16xf32>
        %parallel_loop3A_1317 = arith.mulf %parallel_loop3A_1316, %parallel_loop3A_1312 : vector<16xf32>
        %parallel_loop3A_1318 = arith.addf %parallel_loop3A_1296, %parallel_loop3A_1317 : vector<16xf32>
        %parallel_loop3A_1319 = vector.extract_strided_slice %parallel_loop3A_984 {offsets = [15], sizes = [1], strides = [1]} : vector<16xi32> to vector<1xi32>
        %parallel_loop3A_1320 = vector.extract %parallel_loop3A_1319[0] : i32 from vector<1xi32>
        %parallel_loop3A_1321 = vector.extract_strided_slice %parallel_loop3A_988 {offsets = [15], sizes = [1], strides = [1]} : vector<16xf32> to vector<1xf32>
        %parallel_loop3A_1322 = vector.extract %parallel_loop3A_1321[0] : f32 from vector<1xf32>
        %parallel_loop3A_1323 = arith.index_cast %parallel_loop3A_1320 : i32 to index
        %parallel_loop3A_1324 = arith.constant 0 : index
        %parallel_loop3A_1325 = tpu.vector_load %arg5[%parallel_loop3A_1323, %parallel_loop3A_1324] {strides = array<i32>} : memref<5440x32xbf16, #tpu.memory_space<vmem>>, vector<32xbf16>,
        %parallel_loop3A_1326 = vector.bitcast %parallel_loop3A_1325 : vector<32xbf16> to vector<16xi32>
        %parallel_loop3A_1327 = arith.constant 16 : i32
        %parallel_loop3A_1328 = vector.broadcast %parallel_loop3A_1327 : i32 to vector<16xi32>
        %parallel_loop3A_1329 = arith.shli %parallel_loop3A_1326, %parallel_loop3A_1328 : vector<16xi32>
        %parallel_loop3A_1330 = vector.bitcast %parallel_loop3A_1329 : vector<16xi32> to vector<16xf32>
        %parallel_loop3A_1331 = arith.constant -65536 : i32
        %parallel_loop3A_1332 = vector.broadcast %parallel_loop3A_1331 : i32 to vector<16xi32>
        %parallel_loop3A_1333 = arith.andi %parallel_loop3A_1326, %parallel_loop3A_1332 : vector<16xi32>
        %parallel_loop3A_1334 = vector.bitcast %parallel_loop3A_1333 : vector<16xi32> to vector<16xf32>
        %parallel_loop3A_1335 = vector.broadcast %parallel_loop3A_1322 : f32 to vector<16xf32>
        %parallel_loop3A_1336 = arith.mulf %parallel_loop3A_1335, %parallel_loop3A_1330 : vector<16xf32>
        %parallel_loop3A_1337 = arith.addf %parallel_loop3A_1315, %parallel_loop3A_1336 : vector<16xf32>
        %parallel_loop3A_1338 = vector.broadcast %parallel_loop3A_1322 : f32 to vector<16xf32>
        %parallel_loop3A_1339 = arith.mulf %parallel_loop3A_1338, %parallel_loop3A_1334 : vector<16xf32>
        %parallel_loop3A_1340 = arith.addf %parallel_loop3A_1318, %parallel_loop3A_1339 : vector<16xf32>
        %parallel_loop3A_1341 = arith.constant 2 : i32
        %parallel_loop3A_1342 = arith.index_cast %parallel_loop3A_1341 : i32 to index
        %parallel_loop3A_1343 = arith.index_cast %parallel_loop3A_608 : i32 to index
        %parallel_loop3A_1344 = arith.constant 0 : index
        %parallel_loop3A_1345 = tpu.vector_load %arg7[%parallel_loop3A_1342, %parallel_loop3A_1343, %parallel_loop3A_1344] {strides = array<i32>} : memref<4x50x16xi32, #tpu.memory_space<vmem>>, vector<16xi32>,
        %parallel_loop3A_1346 = arith.constant 65535 : i32
        %parallel_loop3A_1347 = vector.broadcast %parallel_loop3A_1346 : i32 to vector<16xi32>
        %parallel_loop3A_1348 = arith.andi %parallel_loop3A_1345, %parallel_loop3A_1347 : vector<16xi32>
        %parallel_loop3A_1349 = arith.constant -65536 : i32
        %parallel_loop3A_1350 = vector.broadcast %parallel_loop3A_1349 : i32 to vector<16xi32>
        %parallel_loop3A_1351 = arith.andi %parallel_loop3A_1345, %parallel_loop3A_1350 : vector<16xi32>
        %parallel_loop3A_1352 = vector.bitcast %parallel_loop3A_1351 : vector<16xi32> to vector<16xf32>
        %parallel_loop3A_1353 = vector.extract_strided_slice %parallel_loop3A_1348 {offsets = [0], sizes = [1], strides = [1]} : vector<16xi32> to vector<1xi32>
        %parallel_loop3A_1354 = vector.extract %parallel_loop3A_1353[0] : i32 from vector<1xi32>
        %parallel_loop3A_1355 = vector.extract_strided_slice %parallel_loop3A_1352 {offsets = [0], sizes = [1], strides = [1]} : vector<16xf32> to vector<1xf32>
        %parallel_loop3A_1356 = vector.extract %parallel_loop3A_1355[0] : f32 from vector<1xf32>
        %parallel_loop3A_1357 = arith.index_cast %parallel_loop3A_1354 : i32 to index
        %parallel_loop3A_1358 = arith.constant 0 : index
        %parallel_loop3A_1359 = tpu.vector_load %arg5[%parallel_loop3A_1357, %parallel_loop3A_1358] {strides = array<i32>} : memref<5440x32xbf16, #tpu.memory_space<vmem>>, vector<32xbf16>,
        %parallel_loop3A_1360 = vector.bitcast %parallel_loop3A_1359 : vector<32xbf16> to vector<16xi32>
        %parallel_loop3A_1361 = arith.constant 16 : i32
        %parallel_loop3A_1362 = vector.broadcast %parallel_loop3A_1361 : i32 to vector<16xi32>
        %parallel_loop3A_1363 = arith.shli %parallel_loop3A_1360, %parallel_loop3A_1362 : vector<16xi32>
        %parallel_loop3A_1364 = vector.bitcast %parallel_loop3A_1363 : vector<16xi32> to vector<16xf32>
        %parallel_loop3A_1365 = arith.constant -65536 : i32
        %parallel_loop3A_1366 = vector.broadcast %parallel_loop3A_1365 : i32 to vector<16xi32>
        %parallel_loop3A_1367 = arith.andi %parallel_loop3A_1360, %parallel_loop3A_1366 : vector<16xi32>
        %parallel_loop3A_1368 = vector.bitcast %parallel_loop3A_1367 : vector<16xi32> to vector<16xf32>
        %parallel_loop3A_1369 = vector.broadcast %parallel_loop3A_1356 : f32 to vector<16xf32>
        %parallel_loop3A_1370 = arith.mulf %parallel_loop3A_1369, %parallel_loop3A_1364 : vector<16xf32>
        %parallel_loop3A_1371 = arith.addf %parallel_loop3A_1337, %parallel_loop3A_1370 : vector<16xf32>
        %parallel_loop3A_1372 = vector.broadcast %parallel_loop3A_1356 : f32 to vector<16xf32>
        %parallel_loop3A_1373 = arith.mulf %parallel_loop3A_1372, %parallel_loop3A_1368 : vector<16xf32>
        %parallel_loop3A_1374 = arith.addf %parallel_loop3A_1340, %parallel_loop3A_1373 : vector<16xf32>
        %parallel_loop3A_1375 = vector.extract_strided_slice %parallel_loop3A_1348 {offsets = [1], sizes = [1], strides = [1]} : vector<16xi32> to vector<1xi32>
        %parallel_loop3A_1376 = vector.extract %parallel_loop3A_1375[0] : i32 from vector<1xi32>
        %parallel_loop3A_1377 = vector.extract_strided_slice %parallel_loop3A_1352 {offsets = [1], sizes = [1], strides = [1]} : vector<16xf32> to vector<1xf32>
        %parallel_loop3A_1378 = vector.extract %parallel_loop3A_1377[0] : f32 from vector<1xf32>
        %parallel_loop3A_1379 = arith.index_cast %parallel_loop3A_1376 : i32 to index
        %parallel_loop3A_1380 = arith.constant 0 : index
        %parallel_loop3A_1381 = tpu.vector_load %arg5[%parallel_loop3A_1379, %parallel_loop3A_1380] {strides = array<i32>} : memref<5440x32xbf16, #tpu.memory_space<vmem>>, vector<32xbf16>,
        %parallel_loop3A_1382 = vector.bitcast %parallel_loop3A_1381 : vector<32xbf16> to vector<16xi32>
        %parallel_loop3A_1383 = arith.constant 16 : i32
        %parallel_loop3A_1384 = vector.broadcast %parallel_loop3A_1383 : i32 to vector<16xi32>
        %parallel_loop3A_1385 = arith.shli %parallel_loop3A_1382, %parallel_loop3A_1384 : vector<16xi32>
        %parallel_loop3A_1386 = vector.bitcast %parallel_loop3A_1385 : vector<16xi32> to vector<16xf32>
        %parallel_loop3A_1387 = arith.constant -65536 : i32
        %parallel_loop3A_1388 = vector.broadcast %parallel_loop3A_1387 : i32 to vector<16xi32>
        %parallel_loop3A_1389 = arith.andi %parallel_loop3A_1382, %parallel_loop3A_1388 : vector<16xi32>
        %parallel_loop3A_1390 = vector.bitcast %parallel_loop3A_1389 : vector<16xi32> to vector<16xf32>
        %parallel_loop3A_1391 = vector.broadcast %parallel_loop3A_1378 : f32 to vector<16xf32>
        %parallel_loop3A_1392 = arith.mulf %parallel_loop3A_1391, %parallel_loop3A_1386 : vector<16xf32>
        %parallel_loop3A_1393 = arith.addf %parallel_loop3A_1371, %parallel_loop3A_1392 : vector<16xf32>
        %parallel_loop3A_1394 = vector.broadcast %parallel_loop3A_1378 : f32 to vector<16xf32>
        %parallel_loop3A_1395 = arith.mulf %parallel_loop3A_1394, %parallel_loop3A_1390 : vector<16xf32>
        %parallel_loop3A_1396 = arith.addf %parallel_loop3A_1374, %parallel_loop3A_1395 : vector<16xf32>
        %parallel_loop3A_1397 = vector.extract_strided_slice %parallel_loop3A_1348 {offsets = [2], sizes = [1], strides = [1]} : vector<16xi32> to vector<1xi32>
        %parallel_loop3A_1398 = vector.extract %parallel_loop3A_1397[0] : i32 from vector<1xi32>
        %parallel_loop3A_1399 = vector.extract_strided_slice %parallel_loop3A_1352 {offsets = [2], sizes = [1], strides = [1]} : vector<16xf32> to vector<1xf32>
        %parallel_loop3A_1400 = vector.extract %parallel_loop3A_1399[0] : f32 from vector<1xf32>
        %parallel_loop3A_1401 = arith.index_cast %parallel_loop3A_1398 : i32 to index
        %parallel_loop3A_1402 = arith.constant 0 : index
        %parallel_loop3A_1403 = tpu.vector_load %arg5[%parallel_loop3A_1401, %parallel_loop3A_1402] {strides = array<i32>} : memref<5440x32xbf16, #tpu.memory_space<vmem>>, vector<32xbf16>,
        %parallel_loop3A_1404 = vector.bitcast %parallel_loop3A_1403 : vector<32xbf16> to vector<16xi32>
        %parallel_loop3A_1405 = arith.constant 16 : i32
        %parallel_loop3A_1406 = vector.broadcast %parallel_loop3A_1405 : i32 to vector<16xi32>
        %parallel_loop3A_1407 = arith.shli %parallel_loop3A_1404, %parallel_loop3A_1406 : vector<16xi32>
        %parallel_loop3A_1408 = vector.bitcast %parallel_loop3A_1407 : vector<16xi32> to vector<16xf32>
        %parallel_loop3A_1409 = arith.constant -65536 : i32
        %parallel_loop3A_1410 = vector.broadcast %parallel_loop3A_1409 : i32 to vector<16xi32>
        %parallel_loop3A_1411 = arith.andi %parallel_loop3A_1404, %parallel_loop3A_1410 : vector<16xi32>
        %parallel_loop3A_1412 = vector.bitcast %parallel_loop3A_1411 : vector<16xi32> to vector<16xf32>
        %parallel_loop3A_1413 = vector.broadcast %parallel_loop3A_1400 : f32 to vector<16xf32>
        %parallel_loop3A_1414 = arith.mulf %parallel_loop3A_1413, %parallel_loop3A_1408 : vector<16xf32>
        %parallel_loop3A_1415 = arith.addf %parallel_loop3A_1393, %parallel_loop3A_1414 : vector<16xf32>
        %parallel_loop3A_1416 = vector.broadcast %parallel_loop3A_1400 : f32 to vector<16xf32>
        %parallel_loop3A_1417 = arith.mulf %parallel_loop3A_1416, %parallel_loop3A_1412 : vector<16xf32>
        %parallel_loop3A_1418 = arith.addf %parallel_loop3A_1396, %parallel_loop3A_1417 : vector<16xf32>
        %parallel_loop3A_1419 = vector.extract_strided_slice %parallel_loop3A_1348 {offsets = [3], sizes = [1], strides = [1]} : vector<16xi32> to vector<1xi32>
        %parallel_loop3A_1420 = vector.extract %parallel_loop3A_1419[0] : i32 from vector<1xi32>
        %parallel_loop3A_1421 = vector.extract_strided_slice %parallel_loop3A_1352 {offsets = [3], sizes = [1], strides = [1]} : vector<16xf32> to vector<1xf32>
        %parallel_loop3A_1422 = vector.extract %parallel_loop3A_1421[0] : f32 from vector<1xf32>
        %parallel_loop3A_1423 = arith.index_cast %parallel_loop3A_1420 : i32 to index
        %parallel_loop3A_1424 = arith.constant 0 : index
        %parallel_loop3A_1425 = tpu.vector_load %arg5[%parallel_loop3A_1423, %parallel_loop3A_1424] {strides = array<i32>} : memref<5440x32xbf16, #tpu.memory_space<vmem>>, vector<32xbf16>,
        %parallel_loop3A_1426 = vector.bitcast %parallel_loop3A_1425 : vector<32xbf16> to vector<16xi32>
        %parallel_loop3A_1427 = arith.constant 16 : i32
        %parallel_loop3A_1428 = vector.broadcast %parallel_loop3A_1427 : i32 to vector<16xi32>
        %parallel_loop3A_1429 = arith.shli %parallel_loop3A_1426, %parallel_loop3A_1428 : vector<16xi32>
        %parallel_loop3A_1430 = vector.bitcast %parallel_loop3A_1429 : vector<16xi32> to vector<16xf32>
        %parallel_loop3A_1431 = arith.constant -65536 : i32
        %parallel_loop3A_1432 = vector.broadcast %parallel_loop3A_1431 : i32 to vector<16xi32>
        %parallel_loop3A_1433 = arith.andi %parallel_loop3A_1426, %parallel_loop3A_1432 : vector<16xi32>
        %parallel_loop3A_1434 = vector.bitcast %parallel_loop3A_1433 : vector<16xi32> to vector<16xf32>
        %parallel_loop3A_1435 = vector.broadcast %parallel_loop3A_1422 : f32 to vector<16xf32>
        %parallel_loop3A_1436 = arith.mulf %parallel_loop3A_1435, %parallel_loop3A_1430 : vector<16xf32>
        %parallel_loop3A_1437 = arith.addf %parallel_loop3A_1415, %parallel_loop3A_1436 : vector<16xf32>
        %parallel_loop3A_1438 = vector.broadcast %parallel_loop3A_1422 : f32 to vector<16xf32>
        %parallel_loop3A_1439 = arith.mulf %parallel_loop3A_1438, %parallel_loop3A_1434 : vector<16xf32>
        %parallel_loop3A_1440 = arith.addf %parallel_loop3A_1418, %parallel_loop3A_1439 : vector<16xf32>
        %parallel_loop3A_1441 = vector.extract_strided_slice %parallel_loop3A_1348 {offsets = [4], sizes = [1], strides = [1]} : vector<16xi32> to vector<1xi32>
        %parallel_loop3A_1442 = vector.extract %parallel_loop3A_1441[0] : i32 from vector<1xi32>
        %parallel_loop3A_1443 = vector.extract_strided_slice %parallel_loop3A_1352 {offsets = [4], sizes = [1], strides = [1]} : vector<16xf32> to vector<1xf32>
        %parallel_loop3A_1444 = vector.extract %parallel_loop3A_1443[0] : f32 from vector<1xf32>
        %parallel_loop3A_1445 = arith.index_cast %parallel_loop3A_1442 : i32 to index
        %parallel_loop3A_1446 = arith.constant 0 : index
        %parallel_loop3A_1447 = tpu.vector_load %arg5[%parallel_loop3A_1445, %parallel_loop3A_1446] {strides = array<i32>} : memref<5440x32xbf16, #tpu.memory_space<vmem>>, vector<32xbf16>,
        %parallel_loop3A_1448 = vector.bitcast %parallel_loop3A_1447 : vector<32xbf16> to vector<16xi32>
        %parallel_loop3A_1449 = arith.constant 16 : i32
        %parallel_loop3A_1450 = vector.broadcast %parallel_loop3A_1449 : i32 to vector<16xi32>
        %parallel_loop3A_1451 = arith.shli %parallel_loop3A_1448, %parallel_loop3A_1450 : vector<16xi32>
        %parallel_loop3A_1452 = vector.bitcast %parallel_loop3A_1451 : vector<16xi32> to vector<16xf32>
        %parallel_loop3A_1453 = arith.constant -65536 : i32
        %parallel_loop3A_1454 = vector.broadcast %parallel_loop3A_1453 : i32 to vector<16xi32>
        %parallel_loop3A_1455 = arith.andi %parallel_loop3A_1448, %parallel_loop3A_1454 : vector<16xi32>
        %parallel_loop3A_1456 = vector.bitcast %parallel_loop3A_1455 : vector<16xi32> to vector<16xf32>
        %parallel_loop3A_1457 = vector.broadcast %parallel_loop3A_1444 : f32 to vector<16xf32>
        %parallel_loop3A_1458 = arith.mulf %parallel_loop3A_1457, %parallel_loop3A_1452 : vector<16xf32>
        %parallel_loop3A_1459 = arith.addf %parallel_loop3A_1437, %parallel_loop3A_1458 : vector<16xf32>
        %parallel_loop3A_1460 = vector.broadcast %parallel_loop3A_1444 : f32 to vector<16xf32>
        %parallel_loop3A_1461 = arith.mulf %parallel_loop3A_1460, %parallel_loop3A_1456 : vector<16xf32>
        %parallel_loop3A_1462 = arith.addf %parallel_loop3A_1440, %parallel_loop3A_1461 : vector<16xf32>
        %parallel_loop3A_1463 = vector.extract_strided_slice %parallel_loop3A_1348 {offsets = [5], sizes = [1], strides = [1]} : vector<16xi32> to vector<1xi32>
        %parallel_loop3A_1464 = vector.extract %parallel_loop3A_1463[0] : i32 from vector<1xi32>
        %parallel_loop3A_1465 = vector.extract_strided_slice %parallel_loop3A_1352 {offsets = [5], sizes = [1], strides = [1]} : vector<16xf32> to vector<1xf32>
        %parallel_loop3A_1466 = vector.extract %parallel_loop3A_1465[0] : f32 from vector<1xf32>
        %parallel_loop3A_1467 = arith.index_cast %parallel_loop3A_1464 : i32 to index
        %parallel_loop3A_1468 = arith.constant 0 : index
        %parallel_loop3A_1469 = tpu.vector_load %arg5[%parallel_loop3A_1467, %parallel_loop3A_1468] {strides = array<i32>} : memref<5440x32xbf16, #tpu.memory_space<vmem>>, vector<32xbf16>,
        %parallel_loop3A_1470 = vector.bitcast %parallel_loop3A_1469 : vector<32xbf16> to vector<16xi32>
        %parallel_loop3A_1471 = arith.constant 16 : i32
        %parallel_loop3A_1472 = vector.broadcast %parallel_loop3A_1471 : i32 to vector<16xi32>
        %parallel_loop3A_1473 = arith.shli %parallel_loop3A_1470, %parallel_loop3A_1472 : vector<16xi32>
        %parallel_loop3A_1474 = vector.bitcast %parallel_loop3A_1473 : vector<16xi32> to vector<16xf32>
        %parallel_loop3A_1475 = arith.constant -65536 : i32
        %parallel_loop3A_1476 = vector.broadcast %parallel_loop3A_1475 : i32 to vector<16xi32>
        %parallel_loop3A_1477 = arith.andi %parallel_loop3A_1470, %parallel_loop3A_1476 : vector<16xi32>
        %parallel_loop3A_1478 = vector.bitcast %parallel_loop3A_1477 : vector<16xi32> to vector<16xf32>
        %parallel_loop3A_1479 = vector.broadcast %parallel_loop3A_1466 : f32 to vector<16xf32>
        %parallel_loop3A_1480 = arith.mulf %parallel_loop3A_1479, %parallel_loop3A_1474 : vector<16xf32>
        %parallel_loop3A_1481 = arith.addf %parallel_loop3A_1459, %parallel_loop3A_1480 : vector<16xf32>
        %parallel_loop3A_1482 = vector.broadcast %parallel_loop3A_1466 : f32 to vector<16xf32>
        %parallel_loop3A_1483 = arith.mulf %parallel_loop3A_1482, %parallel_loop3A_1478 : vector<16xf32>
        %parallel_loop3A_1484 = arith.addf %parallel_loop3A_1462, %parallel_loop3A_1483 : vector<16xf32>
        %parallel_loop3A_1485 = vector.extract_strided_slice %parallel_loop3A_1348 {offsets = [6], sizes = [1], strides = [1]} : vector<16xi32> to vector<1xi32>
        %parallel_loop3A_1486 = vector.extract %parallel_loop3A_1485[0] : i32 from vector<1xi32>
        %parallel_loop3A_1487 = vector.extract_strided_slice %parallel_loop3A_1352 {offsets = [6], sizes = [1], strides = [1]} : vector<16xf32> to vector<1xf32>
        %parallel_loop3A_1488 = vector.extract %parallel_loop3A_1487[0] : f32 from vector<1xf32>
        %parallel_loop3A_1489 = arith.index_cast %parallel_loop3A_1486 : i32 to index
        %parallel_loop3A_1490 = arith.constant 0 : index
        %parallel_loop3A_1491 = tpu.vector_load %arg5[%parallel_loop3A_1489, %parallel_loop3A_1490] {strides = array<i32>} : memref<5440x32xbf16, #tpu.memory_space<vmem>>, vector<32xbf16>,
        %parallel_loop3A_1492 = vector.bitcast %parallel_loop3A_1491 : vector<32xbf16> to vector<16xi32>
        %parallel_loop3A_1493 = arith.constant 16 : i32
        %parallel_loop3A_1494 = vector.broadcast %parallel_loop3A_1493 : i32 to vector<16xi32>
        %parallel_loop3A_1495 = arith.shli %parallel_loop3A_1492, %parallel_loop3A_1494 : vector<16xi32>
        %parallel_loop3A_1496 = vector.bitcast %parallel_loop3A_1495 : vector<16xi32> to vector<16xf32>
        %parallel_loop3A_1497 = arith.constant -65536 : i32
        %parallel_loop3A_1498 = vector.broadcast %parallel_loop3A_1497 : i32 to vector<16xi32>
        %parallel_loop3A_1499 = arith.andi %parallel_loop3A_1492, %parallel_loop3A_1498 : vector<16xi32>
        %parallel_loop3A_1500 = vector.bitcast %parallel_loop3A_1499 : vector<16xi32> to vector<16xf32>
        %parallel_loop3A_1501 = vector.broadcast %parallel_loop3A_1488 : f32 to vector<16xf32>
        %parallel_loop3A_1502 = arith.mulf %parallel_loop3A_1501, %parallel_loop3A_1496 : vector<16xf32>
        %parallel_loop3A_1503 = arith.addf %parallel_loop3A_1481, %parallel_loop3A_1502 : vector<16xf32>
        %parallel_loop3A_1504 = vector.broadcast %parallel_loop3A_1488 : f32 to vector<16xf32>
        %parallel_loop3A_1505 = arith.mulf %parallel_loop3A_1504, %parallel_loop3A_1500 : vector<16xf32>
        %parallel_loop3A_1506 = arith.addf %parallel_loop3A_1484, %parallel_loop3A_1505 : vector<16xf32>
        %parallel_loop3A_1507 = vector.extract_strided_slice %parallel_loop3A_1348 {offsets = [7], sizes = [1], strides = [1]} : vector<16xi32> to vector<1xi32>
        %parallel_loop3A_1508 = vector.extract %parallel_loop3A_1507[0] : i32 from vector<1xi32>
        %parallel_loop3A_1509 = vector.extract_strided_slice %parallel_loop3A_1352 {offsets = [7], sizes = [1], strides = [1]} : vector<16xf32> to vector<1xf32>
        %parallel_loop3A_1510 = vector.extract %parallel_loop3A_1509[0] : f32 from vector<1xf32>
        %parallel_loop3A_1511 = arith.index_cast %parallel_loop3A_1508 : i32 to index
        %parallel_loop3A_1512 = arith.constant 0 : index
        %parallel_loop3A_1513 = tpu.vector_load %arg5[%parallel_loop3A_1511, %parallel_loop3A_1512] {strides = array<i32>} : memref<5440x32xbf16, #tpu.memory_space<vmem>>, vector<32xbf16>,
        %parallel_loop3A_1514 = vector.bitcast %parallel_loop3A_1513 : vector<32xbf16> to vector<16xi32>
        %parallel_loop3A_1515 = arith.constant 16 : i32
        %parallel_loop3A_1516 = vector.broadcast %parallel_loop3A_1515 : i32 to vector<16xi32>
        %parallel_loop3A_1517 = arith.shli %parallel_loop3A_1514, %parallel_loop3A_1516 : vector<16xi32>
        %parallel_loop3A_1518 = vector.bitcast %parallel_loop3A_1517 : vector<16xi32> to vector<16xf32>
        %parallel_loop3A_1519 = arith.constant -65536 : i32
        %parallel_loop3A_1520 = vector.broadcast %parallel_loop3A_1519 : i32 to vector<16xi32>
        %parallel_loop3A_1521 = arith.andi %parallel_loop3A_1514, %parallel_loop3A_1520 : vector<16xi32>
        %parallel_loop3A_1522 = vector.bitcast %parallel_loop3A_1521 : vector<16xi32> to vector<16xf32>
        %parallel_loop3A_1523 = vector.broadcast %parallel_loop3A_1510 : f32 to vector<16xf32>
        %parallel_loop3A_1524 = arith.mulf %parallel_loop3A_1523, %parallel_loop3A_1518 : vector<16xf32>
        %parallel_loop3A_1525 = arith.addf %parallel_loop3A_1503, %parallel_loop3A_1524 : vector<16xf32>
        %parallel_loop3A_1526 = vector.broadcast %parallel_loop3A_1510 : f32 to vector<16xf32>
        %parallel_loop3A_1527 = arith.mulf %parallel_loop3A_1526, %parallel_loop3A_1522 : vector<16xf32>
        %parallel_loop3A_1528 = arith.addf %parallel_loop3A_1506, %parallel_loop3A_1527 : vector<16xf32>
        %parallel_loop3A_1529 = vector.extract_strided_slice %parallel_loop3A_1348 {offsets = [8], sizes = [1], strides = [1]} : vector<16xi32> to vector<1xi32>
        %parallel_loop3A_1530 = vector.extract %parallel_loop3A_1529[0] : i32 from vector<1xi32>
        %parallel_loop3A_1531 = vector.extract_strided_slice %parallel_loop3A_1352 {offsets = [8], sizes = [1], strides = [1]} : vector<16xf32> to vector<1xf32>
        %parallel_loop3A_1532 = vector.extract %parallel_loop3A_1531[0] : f32 from vector<1xf32>
        %parallel_loop3A_1533 = arith.index_cast %parallel_loop3A_1530 : i32 to index
        %parallel_loop3A_1534 = arith.constant 0 : index
        %parallel_loop3A_1535 = tpu.vector_load %arg5[%parallel_loop3A_1533, %parallel_loop3A_1534] {strides = array<i32>} : memref<5440x32xbf16, #tpu.memory_space<vmem>>, vector<32xbf16>,
        %parallel_loop3A_1536 = vector.bitcast %parallel_loop3A_1535 : vector<32xbf16> to vector<16xi32>
        %parallel_loop3A_1537 = arith.constant 16 : i32
        %parallel_loop3A_1538 = vector.broadcast %parallel_loop3A_1537 : i32 to vector<16xi32>
        %parallel_loop3A_1539 = arith.shli %parallel_loop3A_1536, %parallel_loop3A_1538 : vector<16xi32>
        %parallel_loop3A_1540 = vector.bitcast %parallel_loop3A_1539 : vector<16xi32> to vector<16xf32>
        %parallel_loop3A_1541 = arith.constant -65536 : i32
        %parallel_loop3A_1542 = vector.broadcast %parallel_loop3A_1541 : i32 to vector<16xi32>
        %parallel_loop3A_1543 = arith.andi %parallel_loop3A_1536, %parallel_loop3A_1542 : vector<16xi32>
        %parallel_loop3A_1544 = vector.bitcast %parallel_loop3A_1543 : vector<16xi32> to vector<16xf32>
        %parallel_loop3A_1545 = vector.broadcast %parallel_loop3A_1532 : f32 to vector<16xf32>
        %parallel_loop3A_1546 = arith.mulf %parallel_loop3A_1545, %parallel_loop3A_1540 : vector<16xf32>
        %parallel_loop3A_1547 = arith.addf %parallel_loop3A_1525, %parallel_loop3A_1546 : vector<16xf32>
        %parallel_loop3A_1548 = vector.broadcast %parallel_loop3A_1532 : f32 to vector<16xf32>
        %parallel_loop3A_1549 = arith.mulf %parallel_loop3A_1548, %parallel_loop3A_1544 : vector<16xf32>
        %parallel_loop3A_1550 = arith.addf %parallel_loop3A_1528, %parallel_loop3A_1549 : vector<16xf32>
        %parallel_loop3A_1551 = vector.extract_strided_slice %parallel_loop3A_1348 {offsets = [9], sizes = [1], strides = [1]} : vector<16xi32> to vector<1xi32>
        %parallel_loop3A_1552 = vector.extract %parallel_loop3A_1551[0] : i32 from vector<1xi32>
        %parallel_loop3A_1553 = vector.extract_strided_slice %parallel_loop3A_1352 {offsets = [9], sizes = [1], strides = [1]} : vector<16xf32> to vector<1xf32>
        %parallel_loop3A_1554 = vector.extract %parallel_loop3A_1553[0] : f32 from vector<1xf32>
        %parallel_loop3A_1555 = arith.index_cast %parallel_loop3A_1552 : i32 to index
        %parallel_loop3A_1556 = arith.constant 0 : index
        %parallel_loop3A_1557 = tpu.vector_load %arg5[%parallel_loop3A_1555, %parallel_loop3A_1556] {strides = array<i32>} : memref<5440x32xbf16, #tpu.memory_space<vmem>>, vector<32xbf16>,
        %parallel_loop3A_1558 = vector.bitcast %parallel_loop3A_1557 : vector<32xbf16> to vector<16xi32>
        %parallel_loop3A_1559 = arith.constant 16 : i32
        %parallel_loop3A_1560 = vector.broadcast %parallel_loop3A_1559 : i32 to vector<16xi32>
        %parallel_loop3A_1561 = arith.shli %parallel_loop3A_1558, %parallel_loop3A_1560 : vector<16xi32>
        %parallel_loop3A_1562 = vector.bitcast %parallel_loop3A_1561 : vector<16xi32> to vector<16xf32>
        %parallel_loop3A_1563 = arith.constant -65536 : i32
        %parallel_loop3A_1564 = vector.broadcast %parallel_loop3A_1563 : i32 to vector<16xi32>
        %parallel_loop3A_1565 = arith.andi %parallel_loop3A_1558, %parallel_loop3A_1564 : vector<16xi32>
        %parallel_loop3A_1566 = vector.bitcast %parallel_loop3A_1565 : vector<16xi32> to vector<16xf32>
        %parallel_loop3A_1567 = vector.broadcast %parallel_loop3A_1554 : f32 to vector<16xf32>
        %parallel_loop3A_1568 = arith.mulf %parallel_loop3A_1567, %parallel_loop3A_1562 : vector<16xf32>
        %parallel_loop3A_1569 = arith.addf %parallel_loop3A_1547, %parallel_loop3A_1568 : vector<16xf32>
        %parallel_loop3A_1570 = vector.broadcast %parallel_loop3A_1554 : f32 to vector<16xf32>
        %parallel_loop3A_1571 = arith.mulf %parallel_loop3A_1570, %parallel_loop3A_1566 : vector<16xf32>
        %parallel_loop3A_1572 = arith.addf %parallel_loop3A_1550, %parallel_loop3A_1571 : vector<16xf32>
        %parallel_loop3A_1573 = vector.extract_strided_slice %parallel_loop3A_1348 {offsets = [10], sizes = [1], strides = [1]} : vector<16xi32> to vector<1xi32>
        %parallel_loop3A_1574 = vector.extract %parallel_loop3A_1573[0] : i32 from vector<1xi32>
        %parallel_loop3A_1575 = vector.extract_strided_slice %parallel_loop3A_1352 {offsets = [10], sizes = [1], strides = [1]} : vector<16xf32> to vector<1xf32>
        %parallel_loop3A_1576 = vector.extract %parallel_loop3A_1575[0] : f32 from vector<1xf32>
        %parallel_loop3A_1577 = arith.index_cast %parallel_loop3A_1574 : i32 to index
        %parallel_loop3A_1578 = arith.constant 0 : index
        %parallel_loop3A_1579 = tpu.vector_load %arg5[%parallel_loop3A_1577, %parallel_loop3A_1578] {strides = array<i32>} : memref<5440x32xbf16, #tpu.memory_space<vmem>>, vector<32xbf16>,
        %parallel_loop3A_1580 = vector.bitcast %parallel_loop3A_1579 : vector<32xbf16> to vector<16xi32>
        %parallel_loop3A_1581 = arith.constant 16 : i32
        %parallel_loop3A_1582 = vector.broadcast %parallel_loop3A_1581 : i32 to vector<16xi32>
        %parallel_loop3A_1583 = arith.shli %parallel_loop3A_1580, %parallel_loop3A_1582 : vector<16xi32>
        %parallel_loop3A_1584 = vector.bitcast %parallel_loop3A_1583 : vector<16xi32> to vector<16xf32>
        %parallel_loop3A_1585 = arith.constant -65536 : i32
        %parallel_loop3A_1586 = vector.broadcast %parallel_loop3A_1585 : i32 to vector<16xi32>
        %parallel_loop3A_1587 = arith.andi %parallel_loop3A_1580, %parallel_loop3A_1586 : vector<16xi32>
        %parallel_loop3A_1588 = vector.bitcast %parallel_loop3A_1587 : vector<16xi32> to vector<16xf32>
        %parallel_loop3A_1589 = vector.broadcast %parallel_loop3A_1576 : f32 to vector<16xf32>
        %parallel_loop3A_1590 = arith.mulf %parallel_loop3A_1589, %parallel_loop3A_1584 : vector<16xf32>
        %parallel_loop3A_1591 = arith.addf %parallel_loop3A_1569, %parallel_loop3A_1590 : vector<16xf32>
        %parallel_loop3A_1592 = vector.broadcast %parallel_loop3A_1576 : f32 to vector<16xf32>
        %parallel_loop3A_1593 = arith.mulf %parallel_loop3A_1592, %parallel_loop3A_1588 : vector<16xf32>
        %parallel_loop3A_1594 = arith.addf %parallel_loop3A_1572, %parallel_loop3A_1593 : vector<16xf32>
        %parallel_loop3A_1595 = vector.extract_strided_slice %parallel_loop3A_1348 {offsets = [11], sizes = [1], strides = [1]} : vector<16xi32> to vector<1xi32>
        %parallel_loop3A_1596 = vector.extract %parallel_loop3A_1595[0] : i32 from vector<1xi32>
        %parallel_loop3A_1597 = vector.extract_strided_slice %parallel_loop3A_1352 {offsets = [11], sizes = [1], strides = [1]} : vector<16xf32> to vector<1xf32>
        %parallel_loop3A_1598 = vector.extract %parallel_loop3A_1597[0] : f32 from vector<1xf32>
        %parallel_loop3A_1599 = arith.index_cast %parallel_loop3A_1596 : i32 to index
        %parallel_loop3A_1600 = arith.constant 0 : index
        %parallel_loop3A_1601 = tpu.vector_load %arg5[%parallel_loop3A_1599, %parallel_loop3A_1600] {strides = array<i32>} : memref<5440x32xbf16, #tpu.memory_space<vmem>>, vector<32xbf16>,
        %parallel_loop3A_1602 = vector.bitcast %parallel_loop3A_1601 : vector<32xbf16> to vector<16xi32>
        %parallel_loop3A_1603 = arith.constant 16 : i32
        %parallel_loop3A_1604 = vector.broadcast %parallel_loop3A_1603 : i32 to vector<16xi32>
        %parallel_loop3A_1605 = arith.shli %parallel_loop3A_1602, %parallel_loop3A_1604 : vector<16xi32>
        %parallel_loop3A_1606 = vector.bitcast %parallel_loop3A_1605 : vector<16xi32> to vector<16xf32>
        %parallel_loop3A_1607 = arith.constant -65536 : i32
        %parallel_loop3A_1608 = vector.broadcast %parallel_loop3A_1607 : i32 to vector<16xi32>
        %parallel_loop3A_1609 = arith.andi %parallel_loop3A_1602, %parallel_loop3A_1608 : vector<16xi32>
        %parallel_loop3A_1610 = vector.bitcast %parallel_loop3A_1609 : vector<16xi32> to vector<16xf32>
        %parallel_loop3A_1611 = vector.broadcast %parallel_loop3A_1598 : f32 to vector<16xf32>
        %parallel_loop3A_1612 = arith.mulf %parallel_loop3A_1611, %parallel_loop3A_1606 : vector<16xf32>
        %parallel_loop3A_1613 = arith.addf %parallel_loop3A_1591, %parallel_loop3A_1612 : vector<16xf32>
        %parallel_loop3A_1614 = vector.broadcast %parallel_loop3A_1598 : f32 to vector<16xf32>
        %parallel_loop3A_1615 = arith.mulf %parallel_loop3A_1614, %parallel_loop3A_1610 : vector<16xf32>
        %parallel_loop3A_1616 = arith.addf %parallel_loop3A_1594, %parallel_loop3A_1615 : vector<16xf32>
        %parallel_loop3A_1617 = vector.extract_strided_slice %parallel_loop3A_1348 {offsets = [12], sizes = [1], strides = [1]} : vector<16xi32> to vector<1xi32>
        %parallel_loop3A_1618 = vector.extract %parallel_loop3A_1617[0] : i32 from vector<1xi32>
        %parallel_loop3A_1619 = vector.extract_strided_slice %parallel_loop3A_1352 {offsets = [12], sizes = [1], strides = [1]} : vector<16xf32> to vector<1xf32>
        %parallel_loop3A_1620 = vector.extract %parallel_loop3A_1619[0] : f32 from vector<1xf32>
        %parallel_loop3A_1621 = arith.index_cast %parallel_loop3A_1618 : i32 to index
        %parallel_loop3A_1622 = arith.constant 0 : index
        %parallel_loop3A_1623 = tpu.vector_load %arg5[%parallel_loop3A_1621, %parallel_loop3A_1622] {strides = array<i32>} : memref<5440x32xbf16, #tpu.memory_space<vmem>>, vector<32xbf16>,
        %parallel_loop3A_1624 = vector.bitcast %parallel_loop3A_1623 : vector<32xbf16> to vector<16xi32>
        %parallel_loop3A_1625 = arith.constant 16 : i32
        %parallel_loop3A_1626 = vector.broadcast %parallel_loop3A_1625 : i32 to vector<16xi32>
        %parallel_loop3A_1627 = arith.shli %parallel_loop3A_1624, %parallel_loop3A_1626 : vector<16xi32>
        %parallel_loop3A_1628 = vector.bitcast %parallel_loop3A_1627 : vector<16xi32> to vector<16xf32>
        %parallel_loop3A_1629 = arith.constant -65536 : i32
        %parallel_loop3A_1630 = vector.broadcast %parallel_loop3A_1629 : i32 to vector<16xi32>
        %parallel_loop3A_1631 = arith.andi %parallel_loop3A_1624, %parallel_loop3A_1630 : vector<16xi32>
        %parallel_loop3A_1632 = vector.bitcast %parallel_loop3A_1631 : vector<16xi32> to vector<16xf32>
        %parallel_loop3A_1633 = vector.broadcast %parallel_loop3A_1620 : f32 to vector<16xf32>
        %parallel_loop3A_1634 = arith.mulf %parallel_loop3A_1633, %parallel_loop3A_1628 : vector<16xf32>
        %parallel_loop3A_1635 = arith.addf %parallel_loop3A_1613, %parallel_loop3A_1634 : vector<16xf32>
        %parallel_loop3A_1636 = vector.broadcast %parallel_loop3A_1620 : f32 to vector<16xf32>
        %parallel_loop3A_1637 = arith.mulf %parallel_loop3A_1636, %parallel_loop3A_1632 : vector<16xf32>
        %parallel_loop3A_1638 = arith.addf %parallel_loop3A_1616, %parallel_loop3A_1637 : vector<16xf32>
        %parallel_loop3A_1639 = vector.extract_strided_slice %parallel_loop3A_1348 {offsets = [13], sizes = [1], strides = [1]} : vector<16xi32> to vector<1xi32>
        %parallel_loop3A_1640 = vector.extract %parallel_loop3A_1639[0] : i32 from vector<1xi32>
        %parallel_loop3A_1641 = vector.extract_strided_slice %parallel_loop3A_1352 {offsets = [13], sizes = [1], strides = [1]} : vector<16xf32> to vector<1xf32>
        %parallel_loop3A_1642 = vector.extract %parallel_loop3A_1641[0] : f32 from vector<1xf32>
        %parallel_loop3A_1643 = arith.index_cast %parallel_loop3A_1640 : i32 to index
        %parallel_loop3A_1644 = arith.constant 0 : index
        %parallel_loop3A_1645 = tpu.vector_load %arg5[%parallel_loop3A_1643, %parallel_loop3A_1644] {strides = array<i32>} : memref<5440x32xbf16, #tpu.memory_space<vmem>>, vector<32xbf16>,
        %parallel_loop3A_1646 = vector.bitcast %parallel_loop3A_1645 : vector<32xbf16> to vector<16xi32>
        %parallel_loop3A_1647 = arith.constant 16 : i32
        %parallel_loop3A_1648 = vector.broadcast %parallel_loop3A_1647 : i32 to vector<16xi32>
        %parallel_loop3A_1649 = arith.shli %parallel_loop3A_1646, %parallel_loop3A_1648 : vector<16xi32>
        %parallel_loop3A_1650 = vector.bitcast %parallel_loop3A_1649 : vector<16xi32> to vector<16xf32>
        %parallel_loop3A_1651 = arith.constant -65536 : i32
        %parallel_loop3A_1652 = vector.broadcast %parallel_loop3A_1651 : i32 to vector<16xi32>
        %parallel_loop3A_1653 = arith.andi %parallel_loop3A_1646, %parallel_loop3A_1652 : vector<16xi32>
        %parallel_loop3A_1654 = vector.bitcast %parallel_loop3A_1653 : vector<16xi32> to vector<16xf32>
        %parallel_loop3A_1655 = vector.broadcast %parallel_loop3A_1642 : f32 to vector<16xf32>
        %parallel_loop3A_1656 = arith.mulf %parallel_loop3A_1655, %parallel_loop3A_1650 : vector<16xf32>
        %parallel_loop3A_1657 = arith.addf %parallel_loop3A_1635, %parallel_loop3A_1656 : vector<16xf32>
        %parallel_loop3A_1658 = vector.broadcast %parallel_loop3A_1642 : f32 to vector<16xf32>
        %parallel_loop3A_1659 = arith.mulf %parallel_loop3A_1658, %parallel_loop3A_1654 : vector<16xf32>
        %parallel_loop3A_1660 = arith.addf %parallel_loop3A_1638, %parallel_loop3A_1659 : vector<16xf32>
        %parallel_loop3A_1661 = vector.extract_strided_slice %parallel_loop3A_1348 {offsets = [14], sizes = [1], strides = [1]} : vector<16xi32> to vector<1xi32>
        %parallel_loop3A_1662 = vector.extract %parallel_loop3A_1661[0] : i32 from vector<1xi32>
        %parallel_loop3A_1663 = vector.extract_strided_slice %parallel_loop3A_1352 {offsets = [14], sizes = [1], strides = [1]} : vector<16xf32> to vector<1xf32>
        %parallel_loop3A_1664 = vector.extract %parallel_loop3A_1663[0] : f32 from vector<1xf32>
        %parallel_loop3A_1665 = arith.index_cast %parallel_loop3A_1662 : i32 to index
        %parallel_loop3A_1666 = arith.constant 0 : index
        %parallel_loop3A_1667 = tpu.vector_load %arg5[%parallel_loop3A_1665, %parallel_loop3A_1666] {strides = array<i32>} : memref<5440x32xbf16, #tpu.memory_space<vmem>>, vector<32xbf16>,
        %parallel_loop3A_1668 = vector.bitcast %parallel_loop3A_1667 : vector<32xbf16> to vector<16xi32>
        %parallel_loop3A_1669 = arith.constant 16 : i32
        %parallel_loop3A_1670 = vector.broadcast %parallel_loop3A_1669 : i32 to vector<16xi32>
        %parallel_loop3A_1671 = arith.shli %parallel_loop3A_1668, %parallel_loop3A_1670 : vector<16xi32>
        %parallel_loop3A_1672 = vector.bitcast %parallel_loop3A_1671 : vector<16xi32> to vector<16xf32>
        %parallel_loop3A_1673 = arith.constant -65536 : i32
        %parallel_loop3A_1674 = vector.broadcast %parallel_loop3A_1673 : i32 to vector<16xi32>
        %parallel_loop3A_1675 = arith.andi %parallel_loop3A_1668, %parallel_loop3A_1674 : vector<16xi32>
        %parallel_loop3A_1676 = vector.bitcast %parallel_loop3A_1675 : vector<16xi32> to vector<16xf32>
        %parallel_loop3A_1677 = vector.broadcast %parallel_loop3A_1664 : f32 to vector<16xf32>
        %parallel_loop3A_1678 = arith.mulf %parallel_loop3A_1677, %parallel_loop3A_1672 : vector<16xf32>
        %parallel_loop3A_1679 = arith.addf %parallel_loop3A_1657, %parallel_loop3A_1678 : vector<16xf32>
        %parallel_loop3A_1680 = vector.broadcast %parallel_loop3A_1664 : f32 to vector<16xf32>
        %parallel_loop3A_1681 = arith.mulf %parallel_loop3A_1680, %parallel_loop3A_1676 : vector<16xf32>
        %parallel_loop3A_1682 = arith.addf %parallel_loop3A_1660, %parallel_loop3A_1681 : vector<16xf32>
        %parallel_loop3A_1683 = vector.extract_strided_slice %parallel_loop3A_1348 {offsets = [15], sizes = [1], strides = [1]} : vector<16xi32> to vector<1xi32>
        %parallel_loop3A_1684 = vector.extract %parallel_loop3A_1683[0] : i32 from vector<1xi32>
        %parallel_loop3A_1685 = vector.extract_strided_slice %parallel_loop3A_1352 {offsets = [15], sizes = [1], strides = [1]} : vector<16xf32> to vector<1xf32>
        %parallel_loop3A_1686 = vector.extract %parallel_loop3A_1685[0] : f32 from vector<1xf32>
        %parallel_loop3A_1687 = arith.index_cast %parallel_loop3A_1684 : i32 to index
        %parallel_loop3A_1688 = arith.constant 0 : index
        %parallel_loop3A_1689 = tpu.vector_load %arg5[%parallel_loop3A_1687, %parallel_loop3A_1688] {strides = array<i32>} : memref<5440x32xbf16, #tpu.memory_space<vmem>>, vector<32xbf16>,
        %parallel_loop3A_1690 = vector.bitcast %parallel_loop3A_1689 : vector<32xbf16> to vector<16xi32>
        %parallel_loop3A_1691 = arith.constant 16 : i32
        %parallel_loop3A_1692 = vector.broadcast %parallel_loop3A_1691 : i32 to vector<16xi32>
        %parallel_loop3A_1693 = arith.shli %parallel_loop3A_1690, %parallel_loop3A_1692 : vector<16xi32>
        %parallel_loop3A_1694 = vector.bitcast %parallel_loop3A_1693 : vector<16xi32> to vector<16xf32>
        %parallel_loop3A_1695 = arith.constant -65536 : i32
        %parallel_loop3A_1696 = vector.broadcast %parallel_loop3A_1695 : i32 to vector<16xi32>
        %parallel_loop3A_1697 = arith.andi %parallel_loop3A_1690, %parallel_loop3A_1696 : vector<16xi32>
        %parallel_loop3A_1698 = vector.bitcast %parallel_loop3A_1697 : vector<16xi32> to vector<16xf32>
        %parallel_loop3A_1699 = vector.broadcast %parallel_loop3A_1686 : f32 to vector<16xf32>
        %parallel_loop3A_1700 = arith.mulf %parallel_loop3A_1699, %parallel_loop3A_1694 : vector<16xf32>
        %parallel_loop3A_1701 = arith.addf %parallel_loop3A_1679, %parallel_loop3A_1700 : vector<16xf32>
        %parallel_loop3A_1702 = vector.broadcast %parallel_loop3A_1686 : f32 to vector<16xf32>
        %parallel_loop3A_1703 = arith.mulf %parallel_loop3A_1702, %parallel_loop3A_1698 : vector<16xf32>
        %parallel_loop3A_1704 = arith.addf %parallel_loop3A_1682, %parallel_loop3A_1703 : vector<16xf32>
        %parallel_loop3A_1705 = arith.constant 3 : i32
        %parallel_loop3A_1706 = arith.index_cast %parallel_loop3A_1705 : i32 to index
        %parallel_loop3A_1707 = arith.index_cast %parallel_loop3A_608 : i32 to index
        %parallel_loop3A_1708 = arith.constant 0 : index
        %parallel_loop3A_1709 = tpu.vector_load %arg7[%parallel_loop3A_1706, %parallel_loop3A_1707, %parallel_loop3A_1708] {strides = array<i32>} : memref<4x50x16xi32, #tpu.memory_space<vmem>>, vector<16xi32>,
        %parallel_loop3A_1710 = arith.constant 65535 : i32
        %parallel_loop3A_1711 = vector.broadcast %parallel_loop3A_1710 : i32 to vector<16xi32>
        %parallel_loop3A_1712 = arith.andi %parallel_loop3A_1709, %parallel_loop3A_1711 : vector<16xi32>
        %parallel_loop3A_1713 = arith.constant -65536 : i32
        %parallel_loop3A_1714 = vector.broadcast %parallel_loop3A_1713 : i32 to vector<16xi32>
        %parallel_loop3A_1715 = arith.andi %parallel_loop3A_1709, %parallel_loop3A_1714 : vector<16xi32>
        %parallel_loop3A_1716 = vector.bitcast %parallel_loop3A_1715 : vector<16xi32> to vector<16xf32>
        %parallel_loop3A_1717 = vector.extract_strided_slice %parallel_loop3A_1712 {offsets = [0], sizes = [1], strides = [1]} : vector<16xi32> to vector<1xi32>
        %parallel_loop3A_1718 = vector.extract %parallel_loop3A_1717[0] : i32 from vector<1xi32>
        %parallel_loop3A_1719 = vector.extract_strided_slice %parallel_loop3A_1716 {offsets = [0], sizes = [1], strides = [1]} : vector<16xf32> to vector<1xf32>
        %parallel_loop3A_1720 = vector.extract %parallel_loop3A_1719[0] : f32 from vector<1xf32>
        %parallel_loop3A_1721 = arith.index_cast %parallel_loop3A_1718 : i32 to index
        %parallel_loop3A_1722 = arith.constant 0 : index
        %parallel_loop3A_1723 = tpu.vector_load %arg5[%parallel_loop3A_1721, %parallel_loop3A_1722] {strides = array<i32>} : memref<5440x32xbf16, #tpu.memory_space<vmem>>, vector<32xbf16>,
        %parallel_loop3A_1724 = vector.bitcast %parallel_loop3A_1723 : vector<32xbf16> to vector<16xi32>
        %parallel_loop3A_1725 = arith.constant 16 : i32
        %parallel_loop3A_1726 = vector.broadcast %parallel_loop3A_1725 : i32 to vector<16xi32>
        %parallel_loop3A_1727 = arith.shli %parallel_loop3A_1724, %parallel_loop3A_1726 : vector<16xi32>
        %parallel_loop3A_1728 = vector.bitcast %parallel_loop3A_1727 : vector<16xi32> to vector<16xf32>
        %parallel_loop3A_1729 = arith.constant -65536 : i32
        %parallel_loop3A_1730 = vector.broadcast %parallel_loop3A_1729 : i32 to vector<16xi32>
        %parallel_loop3A_1731 = arith.andi %parallel_loop3A_1724, %parallel_loop3A_1730 : vector<16xi32>
        %parallel_loop3A_1732 = vector.bitcast %parallel_loop3A_1731 : vector<16xi32> to vector<16xf32>
        %parallel_loop3A_1733 = vector.broadcast %parallel_loop3A_1720 : f32 to vector<16xf32>
        %parallel_loop3A_1734 = arith.mulf %parallel_loop3A_1733, %parallel_loop3A_1728 : vector<16xf32>
        %parallel_loop3A_1735 = arith.addf %parallel_loop3A_1701, %parallel_loop3A_1734 : vector<16xf32>
        %parallel_loop3A_1736 = vector.broadcast %parallel_loop3A_1720 : f32 to vector<16xf32>
        %parallel_loop3A_1737 = arith.mulf %parallel_loop3A_1736, %parallel_loop3A_1732 : vector<16xf32>
        %parallel_loop3A_1738 = arith.addf %parallel_loop3A_1704, %parallel_loop3A_1737 : vector<16xf32>
        %parallel_loop3A_1739 = vector.extract_strided_slice %parallel_loop3A_1712 {offsets = [1], sizes = [1], strides = [1]} : vector<16xi32> to vector<1xi32>
        %parallel_loop3A_1740 = vector.extract %parallel_loop3A_1739[0] : i32 from vector<1xi32>
        %parallel_loop3A_1741 = vector.extract_strided_slice %parallel_loop3A_1716 {offsets = [1], sizes = [1], strides = [1]} : vector<16xf32> to vector<1xf32>
        %parallel_loop3A_1742 = vector.extract %parallel_loop3A_1741[0] : f32 from vector<1xf32>
        %parallel_loop3A_1743 = arith.index_cast %parallel_loop3A_1740 : i32 to index
        %parallel_loop3A_1744 = arith.constant 0 : index
        %parallel_loop3A_1745 = tpu.vector_load %arg5[%parallel_loop3A_1743, %parallel_loop3A_1744] {strides = array<i32>} : memref<5440x32xbf16, #tpu.memory_space<vmem>>, vector<32xbf16>,
        %parallel_loop3A_1746 = vector.bitcast %parallel_loop3A_1745 : vector<32xbf16> to vector<16xi32>
        %parallel_loop3A_1747 = arith.constant 16 : i32
        %parallel_loop3A_1748 = vector.broadcast %parallel_loop3A_1747 : i32 to vector<16xi32>
        %parallel_loop3A_1749 = arith.shli %parallel_loop3A_1746, %parallel_loop3A_1748 : vector<16xi32>
        %parallel_loop3A_1750 = vector.bitcast %parallel_loop3A_1749 : vector<16xi32> to vector<16xf32>
        %parallel_loop3A_1751 = arith.constant -65536 : i32
        %parallel_loop3A_1752 = vector.broadcast %parallel_loop3A_1751 : i32 to vector<16xi32>
        %parallel_loop3A_1753 = arith.andi %parallel_loop3A_1746, %parallel_loop3A_1752 : vector<16xi32>
        %parallel_loop3A_1754 = vector.bitcast %parallel_loop3A_1753 : vector<16xi32> to vector<16xf32>
        %parallel_loop3A_1755 = vector.broadcast %parallel_loop3A_1742 : f32 to vector<16xf32>
        %parallel_loop3A_1756 = arith.mulf %parallel_loop3A_1755, %parallel_loop3A_1750 : vector<16xf32>
        %parallel_loop3A_1757 = arith.addf %parallel_loop3A_1735, %parallel_loop3A_1756 : vector<16xf32>
        %parallel_loop3A_1758 = vector.broadcast %parallel_loop3A_1742 : f32 to vector<16xf32>
        %parallel_loop3A_1759 = arith.mulf %parallel_loop3A_1758, %parallel_loop3A_1754 : vector<16xf32>
        %parallel_loop3A_1760 = arith.addf %parallel_loop3A_1738, %parallel_loop3A_1759 : vector<16xf32>
        %parallel_loop3A_1761 = vector.extract_strided_slice %parallel_loop3A_1712 {offsets = [2], sizes = [1], strides = [1]} : vector<16xi32> to vector<1xi32>
        %parallel_loop3A_1762 = vector.extract %parallel_loop3A_1761[0] : i32 from vector<1xi32>
        %parallel_loop3A_1763 = vector.extract_strided_slice %parallel_loop3A_1716 {offsets = [2], sizes = [1], strides = [1]} : vector<16xf32> to vector<1xf32>
        %parallel_loop3A_1764 = vector.extract %parallel_loop3A_1763[0] : f32 from vector<1xf32>
        %parallel_loop3A_1765 = arith.index_cast %parallel_loop3A_1762 : i32 to index
        %parallel_loop3A_1766 = arith.constant 0 : index
        %parallel_loop3A_1767 = tpu.vector_load %arg5[%parallel_loop3A_1765, %parallel_loop3A_1766] {strides = array<i32>} : memref<5440x32xbf16, #tpu.memory_space<vmem>>, vector<32xbf16>,
        %parallel_loop3A_1768 = vector.bitcast %parallel_loop3A_1767 : vector<32xbf16> to vector<16xi32>
        %parallel_loop3A_1769 = arith.constant 16 : i32
        %parallel_loop3A_1770 = vector.broadcast %parallel_loop3A_1769 : i32 to vector<16xi32>
        %parallel_loop3A_1771 = arith.shli %parallel_loop3A_1768, %parallel_loop3A_1770 : vector<16xi32>
        %parallel_loop3A_1772 = vector.bitcast %parallel_loop3A_1771 : vector<16xi32> to vector<16xf32>
        %parallel_loop3A_1773 = arith.constant -65536 : i32
        %parallel_loop3A_1774 = vector.broadcast %parallel_loop3A_1773 : i32 to vector<16xi32>
        %parallel_loop3A_1775 = arith.andi %parallel_loop3A_1768, %parallel_loop3A_1774 : vector<16xi32>
        %parallel_loop3A_1776 = vector.bitcast %parallel_loop3A_1775 : vector<16xi32> to vector<16xf32>
        %parallel_loop3A_1777 = vector.broadcast %parallel_loop3A_1764 : f32 to vector<16xf32>
        %parallel_loop3A_1778 = arith.mulf %parallel_loop3A_1777, %parallel_loop3A_1772 : vector<16xf32>
        %parallel_loop3A_1779 = arith.addf %parallel_loop3A_1757, %parallel_loop3A_1778 : vector<16xf32>
        %parallel_loop3A_1780 = vector.broadcast %parallel_loop3A_1764 : f32 to vector<16xf32>
        %parallel_loop3A_1781 = arith.mulf %parallel_loop3A_1780, %parallel_loop3A_1776 : vector<16xf32>
        %parallel_loop3A_1782 = arith.addf %parallel_loop3A_1760, %parallel_loop3A_1781 : vector<16xf32>
        %parallel_loop3A_1783 = vector.extract_strided_slice %parallel_loop3A_1712 {offsets = [3], sizes = [1], strides = [1]} : vector<16xi32> to vector<1xi32>
        %parallel_loop3A_1784 = vector.extract %parallel_loop3A_1783[0] : i32 from vector<1xi32>
        %parallel_loop3A_1785 = vector.extract_strided_slice %parallel_loop3A_1716 {offsets = [3], sizes = [1], strides = [1]} : vector<16xf32> to vector<1xf32>
        %parallel_loop3A_1786 = vector.extract %parallel_loop3A_1785[0] : f32 from vector<1xf32>
        %parallel_loop3A_1787 = arith.index_cast %parallel_loop3A_1784 : i32 to index
        %parallel_loop3A_1788 = arith.constant 0 : index
        %parallel_loop3A_1789 = tpu.vector_load %arg5[%parallel_loop3A_1787, %parallel_loop3A_1788] {strides = array<i32>} : memref<5440x32xbf16, #tpu.memory_space<vmem>>, vector<32xbf16>,
        %parallel_loop3A_1790 = vector.bitcast %parallel_loop3A_1789 : vector<32xbf16> to vector<16xi32>
        %parallel_loop3A_1791 = arith.constant 16 : i32
        %parallel_loop3A_1792 = vector.broadcast %parallel_loop3A_1791 : i32 to vector<16xi32>
        %parallel_loop3A_1793 = arith.shli %parallel_loop3A_1790, %parallel_loop3A_1792 : vector<16xi32>
        %parallel_loop3A_1794 = vector.bitcast %parallel_loop3A_1793 : vector<16xi32> to vector<16xf32>
        %parallel_loop3A_1795 = arith.constant -65536 : i32
        %parallel_loop3A_1796 = vector.broadcast %parallel_loop3A_1795 : i32 to vector<16xi32>
        %parallel_loop3A_1797 = arith.andi %parallel_loop3A_1790, %parallel_loop3A_1796 : vector<16xi32>
        %parallel_loop3A_1798 = vector.bitcast %parallel_loop3A_1797 : vector<16xi32> to vector<16xf32>
        %parallel_loop3A_1799 = vector.broadcast %parallel_loop3A_1786 : f32 to vector<16xf32>
        %parallel_loop3A_1800 = arith.mulf %parallel_loop3A_1799, %parallel_loop3A_1794 : vector<16xf32>
        %parallel_loop3A_1801 = arith.addf %parallel_loop3A_1779, %parallel_loop3A_1800 : vector<16xf32>
        %parallel_loop3A_1802 = vector.broadcast %parallel_loop3A_1786 : f32 to vector<16xf32>
        %parallel_loop3A_1803 = arith.mulf %parallel_loop3A_1802, %parallel_loop3A_1798 : vector<16xf32>
        %parallel_loop3A_1804 = arith.addf %parallel_loop3A_1782, %parallel_loop3A_1803 : vector<16xf32>
        %parallel_loop3A_1805 = vector.extract_strided_slice %parallel_loop3A_1712 {offsets = [4], sizes = [1], strides = [1]} : vector<16xi32> to vector<1xi32>
        %parallel_loop3A_1806 = vector.extract %parallel_loop3A_1805[0] : i32 from vector<1xi32>
        %parallel_loop3A_1807 = vector.extract_strided_slice %parallel_loop3A_1716 {offsets = [4], sizes = [1], strides = [1]} : vector<16xf32> to vector<1xf32>
        %parallel_loop3A_1808 = vector.extract %parallel_loop3A_1807[0] : f32 from vector<1xf32>
        %parallel_loop3A_1809 = arith.index_cast %parallel_loop3A_1806 : i32 to index
        %parallel_loop3A_1810 = arith.constant 0 : index
        %parallel_loop3A_1811 = tpu.vector_load %arg5[%parallel_loop3A_1809, %parallel_loop3A_1810] {strides = array<i32>} : memref<5440x32xbf16, #tpu.memory_space<vmem>>, vector<32xbf16>,
        %parallel_loop3A_1812 = vector.bitcast %parallel_loop3A_1811 : vector<32xbf16> to vector<16xi32>
        %parallel_loop3A_1813 = arith.constant 16 : i32
        %parallel_loop3A_1814 = vector.broadcast %parallel_loop3A_1813 : i32 to vector<16xi32>
        %parallel_loop3A_1815 = arith.shli %parallel_loop3A_1812, %parallel_loop3A_1814 : vector<16xi32>
        %parallel_loop3A_1816 = vector.bitcast %parallel_loop3A_1815 : vector<16xi32> to vector<16xf32>
        %parallel_loop3A_1817 = arith.constant -65536 : i32
        %parallel_loop3A_1818 = vector.broadcast %parallel_loop3A_1817 : i32 to vector<16xi32>
        %parallel_loop3A_1819 = arith.andi %parallel_loop3A_1812, %parallel_loop3A_1818 : vector<16xi32>
        %parallel_loop3A_1820 = vector.bitcast %parallel_loop3A_1819 : vector<16xi32> to vector<16xf32>
        %parallel_loop3A_1821 = vector.broadcast %parallel_loop3A_1808 : f32 to vector<16xf32>
        %parallel_loop3A_1822 = arith.mulf %parallel_loop3A_1821, %parallel_loop3A_1816 : vector<16xf32>
        %parallel_loop3A_1823 = arith.addf %parallel_loop3A_1801, %parallel_loop3A_1822 : vector<16xf32>
        %parallel_loop3A_1824 = vector.broadcast %parallel_loop3A_1808 : f32 to vector<16xf32>
        %parallel_loop3A_1825 = arith.mulf %parallel_loop3A_1824, %parallel_loop3A_1820 : vector<16xf32>
        %parallel_loop3A_1826 = arith.addf %parallel_loop3A_1804, %parallel_loop3A_1825 : vector<16xf32>
        %parallel_loop3A_1827 = vector.extract_strided_slice %parallel_loop3A_1712 {offsets = [5], sizes = [1], strides = [1]} : vector<16xi32> to vector<1xi32>
        %parallel_loop3A_1828 = vector.extract %parallel_loop3A_1827[0] : i32 from vector<1xi32>
        %parallel_loop3A_1829 = vector.extract_strided_slice %parallel_loop3A_1716 {offsets = [5], sizes = [1], strides = [1]} : vector<16xf32> to vector<1xf32>
        %parallel_loop3A_1830 = vector.extract %parallel_loop3A_1829[0] : f32 from vector<1xf32>
        %parallel_loop3A_1831 = arith.index_cast %parallel_loop3A_1828 : i32 to index
        %parallel_loop3A_1832 = arith.constant 0 : index
        %parallel_loop3A_1833 = tpu.vector_load %arg5[%parallel_loop3A_1831, %parallel_loop3A_1832] {strides = array<i32>} : memref<5440x32xbf16, #tpu.memory_space<vmem>>, vector<32xbf16>,
        %parallel_loop3A_1834 = vector.bitcast %parallel_loop3A_1833 : vector<32xbf16> to vector<16xi32>
        %parallel_loop3A_1835 = arith.constant 16 : i32
        %parallel_loop3A_1836 = vector.broadcast %parallel_loop3A_1835 : i32 to vector<16xi32>
        %parallel_loop3A_1837 = arith.shli %parallel_loop3A_1834, %parallel_loop3A_1836 : vector<16xi32>
        %parallel_loop3A_1838 = vector.bitcast %parallel_loop3A_1837 : vector<16xi32> to vector<16xf32>
        %parallel_loop3A_1839 = arith.constant -65536 : i32
        %parallel_loop3A_1840 = vector.broadcast %parallel_loop3A_1839 : i32 to vector<16xi32>
        %parallel_loop3A_1841 = arith.andi %parallel_loop3A_1834, %parallel_loop3A_1840 : vector<16xi32>
        %parallel_loop3A_1842 = vector.bitcast %parallel_loop3A_1841 : vector<16xi32> to vector<16xf32>
        %parallel_loop3A_1843 = vector.broadcast %parallel_loop3A_1830 : f32 to vector<16xf32>
        %parallel_loop3A_1844 = arith.mulf %parallel_loop3A_1843, %parallel_loop3A_1838 : vector<16xf32>
        %parallel_loop3A_1845 = arith.addf %parallel_loop3A_1823, %parallel_loop3A_1844 : vector<16xf32>
        %parallel_loop3A_1846 = vector.broadcast %parallel_loop3A_1830 : f32 to vector<16xf32>
        %parallel_loop3A_1847 = arith.mulf %parallel_loop3A_1846, %parallel_loop3A_1842 : vector<16xf32>
        %parallel_loop3A_1848 = arith.addf %parallel_loop3A_1826, %parallel_loop3A_1847 : vector<16xf32>
        %parallel_loop3A_1849 = vector.extract_strided_slice %parallel_loop3A_1712 {offsets = [6], sizes = [1], strides = [1]} : vector<16xi32> to vector<1xi32>
        %parallel_loop3A_1850 = vector.extract %parallel_loop3A_1849[0] : i32 from vector<1xi32>
        %parallel_loop3A_1851 = vector.extract_strided_slice %parallel_loop3A_1716 {offsets = [6], sizes = [1], strides = [1]} : vector<16xf32> to vector<1xf32>
        %parallel_loop3A_1852 = vector.extract %parallel_loop3A_1851[0] : f32 from vector<1xf32>
        %parallel_loop3A_1853 = arith.index_cast %parallel_loop3A_1850 : i32 to index
        %parallel_loop3A_1854 = arith.constant 0 : index
        %parallel_loop3A_1855 = tpu.vector_load %arg5[%parallel_loop3A_1853, %parallel_loop3A_1854] {strides = array<i32>} : memref<5440x32xbf16, #tpu.memory_space<vmem>>, vector<32xbf16>,
        %parallel_loop3A_1856 = vector.bitcast %parallel_loop3A_1855 : vector<32xbf16> to vector<16xi32>
        %parallel_loop3A_1857 = arith.constant 16 : i32
        %parallel_loop3A_1858 = vector.broadcast %parallel_loop3A_1857 : i32 to vector<16xi32>
        %parallel_loop3A_1859 = arith.shli %parallel_loop3A_1856, %parallel_loop3A_1858 : vector<16xi32>
        %parallel_loop3A_1860 = vector.bitcast %parallel_loop3A_1859 : vector<16xi32> to vector<16xf32>
        %parallel_loop3A_1861 = arith.constant -65536 : i32
        %parallel_loop3A_1862 = vector.broadcast %parallel_loop3A_1861 : i32 to vector<16xi32>
        %parallel_loop3A_1863 = arith.andi %parallel_loop3A_1856, %parallel_loop3A_1862 : vector<16xi32>
        %parallel_loop3A_1864 = vector.bitcast %parallel_loop3A_1863 : vector<16xi32> to vector<16xf32>
        %parallel_loop3A_1865 = vector.broadcast %parallel_loop3A_1852 : f32 to vector<16xf32>
        %parallel_loop3A_1866 = arith.mulf %parallel_loop3A_1865, %parallel_loop3A_1860 : vector<16xf32>
        %parallel_loop3A_1867 = arith.addf %parallel_loop3A_1845, %parallel_loop3A_1866 : vector<16xf32>
        %parallel_loop3A_1868 = vector.broadcast %parallel_loop3A_1852 : f32 to vector<16xf32>
        %parallel_loop3A_1869 = arith.mulf %parallel_loop3A_1868, %parallel_loop3A_1864 : vector<16xf32>
        %parallel_loop3A_1870 = arith.addf %parallel_loop3A_1848, %parallel_loop3A_1869 : vector<16xf32>
        %parallel_loop3A_1871 = vector.extract_strided_slice %parallel_loop3A_1712 {offsets = [7], sizes = [1], strides = [1]} : vector<16xi32> to vector<1xi32>
        %parallel_loop3A_1872 = vector.extract %parallel_loop3A_1871[0] : i32 from vector<1xi32>
        %parallel_loop3A_1873 = vector.extract_strided_slice %parallel_loop3A_1716 {offsets = [7], sizes = [1], strides = [1]} : vector<16xf32> to vector<1xf32>
        %parallel_loop3A_1874 = vector.extract %parallel_loop3A_1873[0] : f32 from vector<1xf32>
        %parallel_loop3A_1875 = arith.index_cast %parallel_loop3A_1872 : i32 to index
        %parallel_loop3A_1876 = arith.constant 0 : index
        %parallel_loop3A_1877 = tpu.vector_load %arg5[%parallel_loop3A_1875, %parallel_loop3A_1876] {strides = array<i32>} : memref<5440x32xbf16, #tpu.memory_space<vmem>>, vector<32xbf16>,
        %parallel_loop3A_1878 = vector.bitcast %parallel_loop3A_1877 : vector<32xbf16> to vector<16xi32>
        %parallel_loop3A_1879 = arith.constant 16 : i32
        %parallel_loop3A_1880 = vector.broadcast %parallel_loop3A_1879 : i32 to vector<16xi32>
        %parallel_loop3A_1881 = arith.shli %parallel_loop3A_1878, %parallel_loop3A_1880 : vector<16xi32>
        %parallel_loop3A_1882 = vector.bitcast %parallel_loop3A_1881 : vector<16xi32> to vector<16xf32>
        %parallel_loop3A_1883 = arith.constant -65536 : i32
        %parallel_loop3A_1884 = vector.broadcast %parallel_loop3A_1883 : i32 to vector<16xi32>
        %parallel_loop3A_1885 = arith.andi %parallel_loop3A_1878, %parallel_loop3A_1884 : vector<16xi32>
        %parallel_loop3A_1886 = vector.bitcast %parallel_loop3A_1885 : vector<16xi32> to vector<16xf32>
        %parallel_loop3A_1887 = vector.broadcast %parallel_loop3A_1874 : f32 to vector<16xf32>
        %parallel_loop3A_1888 = arith.mulf %parallel_loop3A_1887, %parallel_loop3A_1882 : vector<16xf32>
        %parallel_loop3A_1889 = arith.addf %parallel_loop3A_1867, %parallel_loop3A_1888 : vector<16xf32>
        %parallel_loop3A_1890 = vector.broadcast %parallel_loop3A_1874 : f32 to vector<16xf32>
        %parallel_loop3A_1891 = arith.mulf %parallel_loop3A_1890, %parallel_loop3A_1886 : vector<16xf32>
        %parallel_loop3A_1892 = arith.addf %parallel_loop3A_1870, %parallel_loop3A_1891 : vector<16xf32>
        %parallel_loop3A_1893 = vector.extract_strided_slice %parallel_loop3A_1712 {offsets = [8], sizes = [1], strides = [1]} : vector<16xi32> to vector<1xi32>
        %parallel_loop3A_1894 = vector.extract %parallel_loop3A_1893[0] : i32 from vector<1xi32>
        %parallel_loop3A_1895 = vector.extract_strided_slice %parallel_loop3A_1716 {offsets = [8], sizes = [1], strides = [1]} : vector<16xf32> to vector<1xf32>
        %parallel_loop3A_1896 = vector.extract %parallel_loop3A_1895[0] : f32 from vector<1xf32>
        %parallel_loop3A_1897 = arith.index_cast %parallel_loop3A_1894 : i32 to index
        %parallel_loop3A_1898 = arith.constant 0 : index
        %parallel_loop3A_1899 = tpu.vector_load %arg5[%parallel_loop3A_1897, %parallel_loop3A_1898] {strides = array<i32>} : memref<5440x32xbf16, #tpu.memory_space<vmem>>, vector<32xbf16>,
        %parallel_loop3A_1900 = vector.bitcast %parallel_loop3A_1899 : vector<32xbf16> to vector<16xi32>
        %parallel_loop3A_1901 = arith.constant 16 : i32
        %parallel_loop3A_1902 = vector.broadcast %parallel_loop3A_1901 : i32 to vector<16xi32>
        %parallel_loop3A_1903 = arith.shli %parallel_loop3A_1900, %parallel_loop3A_1902 : vector<16xi32>
        %parallel_loop3A_1904 = vector.bitcast %parallel_loop3A_1903 : vector<16xi32> to vector<16xf32>
        %parallel_loop3A_1905 = arith.constant -65536 : i32
        %parallel_loop3A_1906 = vector.broadcast %parallel_loop3A_1905 : i32 to vector<16xi32>
        %parallel_loop3A_1907 = arith.andi %parallel_loop3A_1900, %parallel_loop3A_1906 : vector<16xi32>
        %parallel_loop3A_1908 = vector.bitcast %parallel_loop3A_1907 : vector<16xi32> to vector<16xf32>
        %parallel_loop3A_1909 = vector.broadcast %parallel_loop3A_1896 : f32 to vector<16xf32>
        %parallel_loop3A_1910 = arith.mulf %parallel_loop3A_1909, %parallel_loop3A_1904 : vector<16xf32>
        %parallel_loop3A_1911 = arith.addf %parallel_loop3A_1889, %parallel_loop3A_1910 : vector<16xf32>
        %parallel_loop3A_1912 = vector.broadcast %parallel_loop3A_1896 : f32 to vector<16xf32>
        %parallel_loop3A_1913 = arith.mulf %parallel_loop3A_1912, %parallel_loop3A_1908 : vector<16xf32>
        %parallel_loop3A_1914 = arith.addf %parallel_loop3A_1892, %parallel_loop3A_1913 : vector<16xf32>
        %parallel_loop3A_1915 = vector.extract_strided_slice %parallel_loop3A_1712 {offsets = [9], sizes = [1], strides = [1]} : vector<16xi32> to vector<1xi32>
        %parallel_loop3A_1916 = vector.extract %parallel_loop3A_1915[0] : i32 from vector<1xi32>
        %parallel_loop3A_1917 = vector.extract_strided_slice %parallel_loop3A_1716 {offsets = [9], sizes = [1], strides = [1]} : vector<16xf32> to vector<1xf32>
        %parallel_loop3A_1918 = vector.extract %parallel_loop3A_1917[0] : f32 from vector<1xf32>
        %parallel_loop3A_1919 = arith.index_cast %parallel_loop3A_1916 : i32 to index
        %parallel_loop3A_1920 = arith.constant 0 : index
        %parallel_loop3A_1921 = tpu.vector_load %arg5[%parallel_loop3A_1919, %parallel_loop3A_1920] {strides = array<i32>} : memref<5440x32xbf16, #tpu.memory_space<vmem>>, vector<32xbf16>,
        %parallel_loop3A_1922 = vector.bitcast %parallel_loop3A_1921 : vector<32xbf16> to vector<16xi32>
        %parallel_loop3A_1923 = arith.constant 16 : i32
        %parallel_loop3A_1924 = vector.broadcast %parallel_loop3A_1923 : i32 to vector<16xi32>
        %parallel_loop3A_1925 = arith.shli %parallel_loop3A_1922, %parallel_loop3A_1924 : vector<16xi32>
        %parallel_loop3A_1926 = vector.bitcast %parallel_loop3A_1925 : vector<16xi32> to vector<16xf32>
        %parallel_loop3A_1927 = arith.constant -65536 : i32
        %parallel_loop3A_1928 = vector.broadcast %parallel_loop3A_1927 : i32 to vector<16xi32>
        %parallel_loop3A_1929 = arith.andi %parallel_loop3A_1922, %parallel_loop3A_1928 : vector<16xi32>
        %parallel_loop3A_1930 = vector.bitcast %parallel_loop3A_1929 : vector<16xi32> to vector<16xf32>
        %parallel_loop3A_1931 = vector.broadcast %parallel_loop3A_1918 : f32 to vector<16xf32>
        %parallel_loop3A_1932 = arith.mulf %parallel_loop3A_1931, %parallel_loop3A_1926 : vector<16xf32>
        %parallel_loop3A_1933 = arith.addf %parallel_loop3A_1911, %parallel_loop3A_1932 : vector<16xf32>
        %parallel_loop3A_1934 = vector.broadcast %parallel_loop3A_1918 : f32 to vector<16xf32>
        %parallel_loop3A_1935 = arith.mulf %parallel_loop3A_1934, %parallel_loop3A_1930 : vector<16xf32>
        %parallel_loop3A_1936 = arith.addf %parallel_loop3A_1914, %parallel_loop3A_1935 : vector<16xf32>
        %parallel_loop3A_1937 = vector.extract_strided_slice %parallel_loop3A_1712 {offsets = [10], sizes = [1], strides = [1]} : vector<16xi32> to vector<1xi32>
        %parallel_loop3A_1938 = vector.extract %parallel_loop3A_1937[0] : i32 from vector<1xi32>
        %parallel_loop3A_1939 = vector.extract_strided_slice %parallel_loop3A_1716 {offsets = [10], sizes = [1], strides = [1]} : vector<16xf32> to vector<1xf32>
        %parallel_loop3A_1940 = vector.extract %parallel_loop3A_1939[0] : f32 from vector<1xf32>
        %parallel_loop3A_1941 = arith.index_cast %parallel_loop3A_1938 : i32 to index
        %parallel_loop3A_1942 = arith.constant 0 : index
        %parallel_loop3A_1943 = tpu.vector_load %arg5[%parallel_loop3A_1941, %parallel_loop3A_1942] {strides = array<i32>} : memref<5440x32xbf16, #tpu.memory_space<vmem>>, vector<32xbf16>,
        %parallel_loop3A_1944 = vector.bitcast %parallel_loop3A_1943 : vector<32xbf16> to vector<16xi32>
        %parallel_loop3A_1945 = arith.constant 16 : i32
        %parallel_loop3A_1946 = vector.broadcast %parallel_loop3A_1945 : i32 to vector<16xi32>
        %parallel_loop3A_1947 = arith.shli %parallel_loop3A_1944, %parallel_loop3A_1946 : vector<16xi32>
        %parallel_loop3A_1948 = vector.bitcast %parallel_loop3A_1947 : vector<16xi32> to vector<16xf32>
        %parallel_loop3A_1949 = arith.constant -65536 : i32
        %parallel_loop3A_1950 = vector.broadcast %parallel_loop3A_1949 : i32 to vector<16xi32>
        %parallel_loop3A_1951 = arith.andi %parallel_loop3A_1944, %parallel_loop3A_1950 : vector<16xi32>
        %parallel_loop3A_1952 = vector.bitcast %parallel_loop3A_1951 : vector<16xi32> to vector<16xf32>
        %parallel_loop3A_1953 = vector.broadcast %parallel_loop3A_1940 : f32 to vector<16xf32>
        %parallel_loop3A_1954 = arith.mulf %parallel_loop3A_1953, %parallel_loop3A_1948 : vector<16xf32>
        %parallel_loop3A_1955 = arith.addf %parallel_loop3A_1933, %parallel_loop3A_1954 : vector<16xf32>
        %parallel_loop3A_1956 = vector.broadcast %parallel_loop3A_1940 : f32 to vector<16xf32>
        %parallel_loop3A_1957 = arith.mulf %parallel_loop3A_1956, %parallel_loop3A_1952 : vector<16xf32>
        %parallel_loop3A_1958 = arith.addf %parallel_loop3A_1936, %parallel_loop3A_1957 : vector<16xf32>
        %parallel_loop3A_1959 = vector.extract_strided_slice %parallel_loop3A_1712 {offsets = [11], sizes = [1], strides = [1]} : vector<16xi32> to vector<1xi32>
        %parallel_loop3A_1960 = vector.extract %parallel_loop3A_1959[0] : i32 from vector<1xi32>
        %parallel_loop3A_1961 = vector.extract_strided_slice %parallel_loop3A_1716 {offsets = [11], sizes = [1], strides = [1]} : vector<16xf32> to vector<1xf32>
        %parallel_loop3A_1962 = vector.extract %parallel_loop3A_1961[0] : f32 from vector<1xf32>
        %parallel_loop3A_1963 = arith.index_cast %parallel_loop3A_1960 : i32 to index
        %parallel_loop3A_1964 = arith.constant 0 : index
        %parallel_loop3A_1965 = tpu.vector_load %arg5[%parallel_loop3A_1963, %parallel_loop3A_1964] {strides = array<i32>} : memref<5440x32xbf16, #tpu.memory_space<vmem>>, vector<32xbf16>,
        %parallel_loop3A_1966 = vector.bitcast %parallel_loop3A_1965 : vector<32xbf16> to vector<16xi32>
        %parallel_loop3A_1967 = arith.constant 16 : i32
        %parallel_loop3A_1968 = vector.broadcast %parallel_loop3A_1967 : i32 to vector<16xi32>
        %parallel_loop3A_1969 = arith.shli %parallel_loop3A_1966, %parallel_loop3A_1968 : vector<16xi32>
        %parallel_loop3A_1970 = vector.bitcast %parallel_loop3A_1969 : vector<16xi32> to vector<16xf32>
        %parallel_loop3A_1971 = arith.constant -65536 : i32
        %parallel_loop3A_1972 = vector.broadcast %parallel_loop3A_1971 : i32 to vector<16xi32>
        %parallel_loop3A_1973 = arith.andi %parallel_loop3A_1966, %parallel_loop3A_1972 : vector<16xi32>
        %parallel_loop3A_1974 = vector.bitcast %parallel_loop3A_1973 : vector<16xi32> to vector<16xf32>
        %parallel_loop3A_1975 = vector.broadcast %parallel_loop3A_1962 : f32 to vector<16xf32>
        %parallel_loop3A_1976 = arith.mulf %parallel_loop3A_1975, %parallel_loop3A_1970 : vector<16xf32>
        %parallel_loop3A_1977 = arith.addf %parallel_loop3A_1955, %parallel_loop3A_1976 : vector<16xf32>
        %parallel_loop3A_1978 = vector.broadcast %parallel_loop3A_1962 : f32 to vector<16xf32>
        %parallel_loop3A_1979 = arith.mulf %parallel_loop3A_1978, %parallel_loop3A_1974 : vector<16xf32>
        %parallel_loop3A_1980 = arith.addf %parallel_loop3A_1958, %parallel_loop3A_1979 : vector<16xf32>
        %parallel_loop3A_1981 = vector.extract_strided_slice %parallel_loop3A_1712 {offsets = [12], sizes = [1], strides = [1]} : vector<16xi32> to vector<1xi32>
        %parallel_loop3A_1982 = vector.extract %parallel_loop3A_1981[0] : i32 from vector<1xi32>
        %parallel_loop3A_1983 = vector.extract_strided_slice %parallel_loop3A_1716 {offsets = [12], sizes = [1], strides = [1]} : vector<16xf32> to vector<1xf32>
        %parallel_loop3A_1984 = vector.extract %parallel_loop3A_1983[0] : f32 from vector<1xf32>
        %parallel_loop3A_1985 = arith.index_cast %parallel_loop3A_1982 : i32 to index
        %parallel_loop3A_1986 = arith.constant 0 : index
        %parallel_loop3A_1987 = tpu.vector_load %arg5[%parallel_loop3A_1985, %parallel_loop3A_1986] {strides = array<i32>} : memref<5440x32xbf16, #tpu.memory_space<vmem>>, vector<32xbf16>,
        %parallel_loop3A_1988 = vector.bitcast %parallel_loop3A_1987 : vector<32xbf16> to vector<16xi32>
        %parallel_loop3A_1989 = arith.constant 16 : i32
        %parallel_loop3A_1990 = vector.broadcast %parallel_loop3A_1989 : i32 to vector<16xi32>
        %parallel_loop3A_1991 = arith.shli %parallel_loop3A_1988, %parallel_loop3A_1990 : vector<16xi32>
        %parallel_loop3A_1992 = vector.bitcast %parallel_loop3A_1991 : vector<16xi32> to vector<16xf32>
        %parallel_loop3A_1993 = arith.constant -65536 : i32
        %parallel_loop3A_1994 = vector.broadcast %parallel_loop3A_1993 : i32 to vector<16xi32>
        %parallel_loop3A_1995 = arith.andi %parallel_loop3A_1988, %parallel_loop3A_1994 : vector<16xi32>
        %parallel_loop3A_1996 = vector.bitcast %parallel_loop3A_1995 : vector<16xi32> to vector<16xf32>
        %parallel_loop3A_1997 = vector.broadcast %parallel_loop3A_1984 : f32 to vector<16xf32>
        %parallel_loop3A_1998 = arith.mulf %parallel_loop3A_1997, %parallel_loop3A_1992 : vector<16xf32>
        %parallel_loop3A_1999 = arith.addf %parallel_loop3A_1977, %parallel_loop3A_1998 : vector<16xf32>
        %parallel_loop3A_2000 = vector.broadcast %parallel_loop3A_1984 : f32 to vector<16xf32>
        %parallel_loop3A_2001 = arith.mulf %parallel_loop3A_2000, %parallel_loop3A_1996 : vector<16xf32>
        %parallel_loop3A_2002 = arith.addf %parallel_loop3A_1980, %parallel_loop3A_2001 : vector<16xf32>
        %parallel_loop3A_2003 = vector.extract_strided_slice %parallel_loop3A_1712 {offsets = [13], sizes = [1], strides = [1]} : vector<16xi32> to vector<1xi32>
        %parallel_loop3A_2004 = vector.extract %parallel_loop3A_2003[0] : i32 from vector<1xi32>
        %parallel_loop3A_2005 = vector.extract_strided_slice %parallel_loop3A_1716 {offsets = [13], sizes = [1], strides = [1]} : vector<16xf32> to vector<1xf32>
        %parallel_loop3A_2006 = vector.extract %parallel_loop3A_2005[0] : f32 from vector<1xf32>
        %parallel_loop3A_2007 = arith.index_cast %parallel_loop3A_2004 : i32 to index
        %parallel_loop3A_2008 = arith.constant 0 : index
        %parallel_loop3A_2009 = tpu.vector_load %arg5[%parallel_loop3A_2007, %parallel_loop3A_2008] {strides = array<i32>} : memref<5440x32xbf16, #tpu.memory_space<vmem>>, vector<32xbf16>,
        %parallel_loop3A_2010 = vector.bitcast %parallel_loop3A_2009 : vector<32xbf16> to vector<16xi32>
        %parallel_loop3A_2011 = arith.constant 16 : i32
        %parallel_loop3A_2012 = vector.broadcast %parallel_loop3A_2011 : i32 to vector<16xi32>
        %parallel_loop3A_2013 = arith.shli %parallel_loop3A_2010, %parallel_loop3A_2012 : vector<16xi32>
        %parallel_loop3A_2014 = vector.bitcast %parallel_loop3A_2013 : vector<16xi32> to vector<16xf32>
        %parallel_loop3A_2015 = arith.constant -65536 : i32
        %parallel_loop3A_2016 = vector.broadcast %parallel_loop3A_2015 : i32 to vector<16xi32>
        %parallel_loop3A_2017 = arith.andi %parallel_loop3A_2010, %parallel_loop3A_2016 : vector<16xi32>
        %parallel_loop3A_2018 = vector.bitcast %parallel_loop3A_2017 : vector<16xi32> to vector<16xf32>
        %parallel_loop3A_2019 = vector.broadcast %parallel_loop3A_2006 : f32 to vector<16xf32>
        %parallel_loop3A_2020 = arith.mulf %parallel_loop3A_2019, %parallel_loop3A_2014 : vector<16xf32>
        %parallel_loop3A_2021 = arith.addf %parallel_loop3A_1999, %parallel_loop3A_2020 : vector<16xf32>
        %parallel_loop3A_2022 = vector.broadcast %parallel_loop3A_2006 : f32 to vector<16xf32>
        %parallel_loop3A_2023 = arith.mulf %parallel_loop3A_2022, %parallel_loop3A_2018 : vector<16xf32>
        %parallel_loop3A_2024 = arith.addf %parallel_loop3A_2002, %parallel_loop3A_2023 : vector<16xf32>
        %parallel_loop3A_2025 = vector.extract_strided_slice %parallel_loop3A_1712 {offsets = [14], sizes = [1], strides = [1]} : vector<16xi32> to vector<1xi32>
        %parallel_loop3A_2026 = vector.extract %parallel_loop3A_2025[0] : i32 from vector<1xi32>
        %parallel_loop3A_2027 = vector.extract_strided_slice %parallel_loop3A_1716 {offsets = [14], sizes = [1], strides = [1]} : vector<16xf32> to vector<1xf32>
        %parallel_loop3A_2028 = vector.extract %parallel_loop3A_2027[0] : f32 from vector<1xf32>
        %parallel_loop3A_2029 = arith.index_cast %parallel_loop3A_2026 : i32 to index
        %parallel_loop3A_2030 = arith.constant 0 : index
        %parallel_loop3A_2031 = tpu.vector_load %arg5[%parallel_loop3A_2029, %parallel_loop3A_2030] {strides = array<i32>} : memref<5440x32xbf16, #tpu.memory_space<vmem>>, vector<32xbf16>,
        %parallel_loop3A_2032 = vector.bitcast %parallel_loop3A_2031 : vector<32xbf16> to vector<16xi32>
        %parallel_loop3A_2033 = arith.constant 16 : i32
        %parallel_loop3A_2034 = vector.broadcast %parallel_loop3A_2033 : i32 to vector<16xi32>
        %parallel_loop3A_2035 = arith.shli %parallel_loop3A_2032, %parallel_loop3A_2034 : vector<16xi32>
        %parallel_loop3A_2036 = vector.bitcast %parallel_loop3A_2035 : vector<16xi32> to vector<16xf32>
        %parallel_loop3A_2037 = arith.constant -65536 : i32
        %parallel_loop3A_2038 = vector.broadcast %parallel_loop3A_2037 : i32 to vector<16xi32>
        %parallel_loop3A_2039 = arith.andi %parallel_loop3A_2032, %parallel_loop3A_2038 : vector<16xi32>
        %parallel_loop3A_2040 = vector.bitcast %parallel_loop3A_2039 : vector<16xi32> to vector<16xf32>
        %parallel_loop3A_2041 = vector.broadcast %parallel_loop3A_2028 : f32 to vector<16xf32>
        %parallel_loop3A_2042 = arith.mulf %parallel_loop3A_2041, %parallel_loop3A_2036 : vector<16xf32>
        %parallel_loop3A_2043 = arith.addf %parallel_loop3A_2021, %parallel_loop3A_2042 : vector<16xf32>
        %parallel_loop3A_2044 = vector.broadcast %parallel_loop3A_2028 : f32 to vector<16xf32>
        %parallel_loop3A_2045 = arith.mulf %parallel_loop3A_2044, %parallel_loop3A_2040 : vector<16xf32>
        %parallel_loop3A_2046 = arith.addf %parallel_loop3A_2024, %parallel_loop3A_2045 : vector<16xf32>
        %parallel_loop3A_2047 = vector.extract_strided_slice %parallel_loop3A_1712 {offsets = [15], sizes = [1], strides = [1]} : vector<16xi32> to vector<1xi32>
        %parallel_loop3A_2048 = vector.extract %parallel_loop3A_2047[0] : i32 from vector<1xi32>
        %parallel_loop3A_2049 = vector.extract_strided_slice %parallel_loop3A_1716 {offsets = [15], sizes = [1], strides = [1]} : vector<16xf32> to vector<1xf32>
        %parallel_loop3A_2050 = vector.extract %parallel_loop3A_2049[0] : f32 from vector<1xf32>
        %parallel_loop3A_2051 = arith.index_cast %parallel_loop3A_2048 : i32 to index
        %parallel_loop3A_2052 = arith.constant 0 : index
        %parallel_loop3A_2053 = tpu.vector_load %arg5[%parallel_loop3A_2051, %parallel_loop3A_2052] {strides = array<i32>} : memref<5440x32xbf16, #tpu.memory_space<vmem>>, vector<32xbf16>,
        %parallel_loop3A_2054 = vector.bitcast %parallel_loop3A_2053 : vector<32xbf16> to vector<16xi32>
        %parallel_loop3A_2055 = arith.constant 16 : i32
        %parallel_loop3A_2056 = vector.broadcast %parallel_loop3A_2055 : i32 to vector<16xi32>
        %parallel_loop3A_2057 = arith.shli %parallel_loop3A_2054, %parallel_loop3A_2056 : vector<16xi32>
        %parallel_loop3A_2058 = vector.bitcast %parallel_loop3A_2057 : vector<16xi32> to vector<16xf32>
        %parallel_loop3A_2059 = arith.constant -65536 : i32
        %parallel_loop3A_2060 = vector.broadcast %parallel_loop3A_2059 : i32 to vector<16xi32>
        %parallel_loop3A_2061 = arith.andi %parallel_loop3A_2054, %parallel_loop3A_2060 : vector<16xi32>
        %parallel_loop3A_2062 = vector.bitcast %parallel_loop3A_2061 : vector<16xi32> to vector<16xf32>
        %parallel_loop3A_2063 = vector.broadcast %parallel_loop3A_2050 : f32 to vector<16xf32>
        %parallel_loop3A_2064 = arith.mulf %parallel_loop3A_2063, %parallel_loop3A_2058 : vector<16xf32>
        %parallel_loop3A_2065 = arith.addf %parallel_loop3A_2043, %parallel_loop3A_2064 : vector<16xf32>
        %parallel_loop3A_2066 = vector.broadcast %parallel_loop3A_2050 : f32 to vector<16xf32>
        %parallel_loop3A_2067 = arith.mulf %parallel_loop3A_2066, %parallel_loop3A_2062 : vector<16xf32>
        %parallel_loop3A_2068 = arith.addf %parallel_loop3A_2046, %parallel_loop3A_2067 : vector<16xf32>
        %parallel_loop3A_2069 = arith.index_cast %parallel_loop3A_608 : i32 to index
        %parallel_loop3A_2070 = arith.constant 0 : index
        %parallel_loop3A_2071 = tpu.vector_load %arg9[%parallel_loop3A_2069, %parallel_loop3A_2070] {strides = array<i32>} : memref<50x32xf32, #tpu.memory_space<vmem>>, vector<16xf32>,
        tpu.vector_store %arg9[%parallel_loop3A_2069, %parallel_loop3A_2070], %parallel_loop3A_2065 {strides = array<i32>} : memref<50x32xf32, #tpu.memory_space<vmem>>, vector<16xf32>,
        %parallel_loop3A_2072 = arith.index_cast %parallel_loop3A_608 : i32 to index
        %parallel_loop3A_2073 = arith.constant 16 : index
        %parallel_loop3A_2074 = tpu.vector_load %arg9[%parallel_loop3A_2072, %parallel_loop3A_2073] {strides = array<i32>} : memref<50x32xf32, #tpu.memory_space<vmem>>, vector<16xf32>,
        tpu.vector_store %arg9[%parallel_loop3A_2072, %parallel_loop3A_2073], %parallel_loop3A_2068 {strides = array<i32>} : memref<50x32xf32, #tpu.memory_space<vmem>>, vector<16xf32>,
      } {sc.loop_unroll_factor = 2 : i64, sc.parallel_access}
      %add3A_465 = arith.constant 1 : i32
      %add3A_466 = arith.addi %mul3A_312, %add3A_465 : i32
      %mul3A_467 = arith.constant 50 : i32
      %mul3A_468 = arith.muli %add3A_466, %mul3A_467 : i32
      %add3A_469 = arith.addi %mul3A_32, %mul3A_468 : i32
      %mul3A_470 = arith.constant 32 : i32
      %mul3A_471 = arith.muli %select_n3A_9, %mul3A_470 : i32
      %dma_start3A_472 = tpu.memref_slice %arg4[%add3A_469, %mul3A_471] : memref<10000x256xf32, #tpu.memory_space<hbm>> -> memref<50x32xf32, #tpu.memory_space<hbm>>
      %dma_start3A_473 = tpu.memref_slice %arg4[%add3A_469, %mul3A_471] : memref<10000x256xf32, #tpu.memory_space<hbm>> -> memref<50x32xf32, #tpu.memory_space<hbm>>
      tpu.enqueue_dma source(%arg9 : memref<50x32xf32, #tpu.memory_space<vmem>>) target(%dma_start3A_473 : memref<50x32xf32, #tpu.memory_space<hbm>>) target_semaphore(%arg13 : memref<!tpu.dma_semaphore, #tpu.memory_space<semaphore_mem>>)
      %add3A_474 = arith.constant 3 : i32
      %add3A_475 = arith.addi %mul3A_312, %add3A_474 : i32
      %min3A_476 = arith.constant 49 : i32
      %min3A_477 = arith.minsi %add3A_475, %min3A_476 : i32
      %mul3A_478 = arith.constant 50 : i32
      %mul3A_479 = arith.muli %min3A_477, %mul3A_478 : i32
      %add3A_480 = arith.addi %mul3A_32, %mul3A_479 : i32
      %mul3A_481 = arith.constant 16 : i32
      %mul3A_482 = arith.muli %select_n3A_9, %mul3A_481 : i32
      %add3A_483 = arith.constant 0 : i32
      %add3A_484 = arith.addi %add3A_483, %mul3A_482 : i32
      %dma_start3A_485 = arith.constant 0 : i32
      %dma_start3A_486 = arith.constant 0 : i32
      %dma_start3A_487 = arith.constant 0 : i32
      %dma_start3A_488 = tpu.memref_slice %arg7[%dma_start3A_485, %dma_start3A_486, %dma_start3A_487] : memref<4x50x16xi32, #tpu.memory_space<vmem>> -> memref<1x50x16xi32, #tpu.memory_space<vmem>>
      %dma_start3A_489 = tpu.memref_squeeze %dma_start3A_488 : memref<1x50x16xi32, #tpu.memory_space<vmem>> -> memref<50x16xi32, #tpu.memory_space<vmem>>
      %dma_start3A_490 = tpu.memref_slice %arg3[%add3A_480, %add3A_484] : memref<10000x512xi32, #tpu.memory_space<hbm>> -> memref<50x16xi32, #tpu.memory_space<hbm>>
      %dma_start3A_491 = arith.constant 0 : i32
      %dma_start3A_492 = arith.constant 0 : i32
      %dma_start3A_493 = tpu.memref_slice %arg7[%dma_start3A_485, %dma_start3A_491, %dma_start3A_492] : memref<4x50x16xi32, #tpu.memory_space<vmem>> -> memref<1x50x16xi32, #tpu.memory_space<vmem>>
      %dma_start3A_494 = tpu.memref_squeeze %dma_start3A_493 : memref<1x50x16xi32, #tpu.memory_space<vmem>> -> memref<50x16xi32, #tpu.memory_space<vmem>>
      %dma_start3A_495 = tpu.memref_slice %arg3[%add3A_480, %add3A_484] : memref<10000x512xi32, #tpu.memory_space<hbm>> -> memref<50x16xi32, #tpu.memory_space<hbm>>
      tpu.enqueue_dma source(%dma_start3A_495 : memref<50x16xi32, #tpu.memory_space<hbm>>) target(%dma_start3A_494 : memref<50x16xi32, #tpu.memory_space<vmem>>) target_semaphore(%arg11 : memref<!tpu.dma_semaphore, #tpu.memory_space<semaphore_mem>>)
      %mul3A_496 = arith.constant 16 : i32
      %mul3A_497 = arith.muli %select_n3A_9, %mul3A_496 : i32
      %add3A_498 = arith.constant 128 : i32
      %add3A_499 = arith.addi %add3A_498, %mul3A_497 : i32
      %dma_start3A_500 = arith.constant 1 : i32
      %dma_start3A_501 = arith.constant 0 : i32
      %dma_start3A_502 = arith.constant 0 : i32
      %dma_start3A_503 = tpu.memref_slice %arg7[%dma_start3A_500, %dma_start3A_501, %dma_start3A_502] : memref<4x50x16xi32, #tpu.memory_space<vmem>> -> memref<1x50x16xi32, #tpu.memory_space<vmem>>
      %dma_start3A_504 = tpu.memref_squeeze %dma_start3A_503 : memref<1x50x16xi32, #tpu.memory_space<vmem>> -> memref<50x16xi32, #tpu.memory_space<vmem>>
      %dma_start3A_505 = tpu.memref_slice %arg3[%add3A_480, %add3A_499] : memref<10000x512xi32, #tpu.memory_space<hbm>> -> memref<50x16xi32, #tpu.memory_space<hbm>>
      %dma_start3A_506 = arith.constant 0 : i32
      %dma_start3A_507 = arith.constant 0 : i32
      %dma_start3A_508 = tpu.memref_slice %arg7[%dma_start3A_500, %dma_start3A_506, %dma_start3A_507] : memref<4x50x16xi32, #tpu.memory_space<vmem>> -> memref<1x50x16xi32, #tpu.memory_space<vmem>>
      %dma_start3A_509 = tpu.memref_squeeze %dma_start3A_508 : memref<1x50x16xi32, #tpu.memory_space<vmem>> -> memref<50x16xi32, #tpu.memory_space<vmem>>
      %dma_start3A_510 = tpu.memref_slice %arg3[%add3A_480, %add3A_499] : memref<10000x512xi32, #tpu.memory_space<hbm>> -> memref<50x16xi32, #tpu.memory_space<hbm>>
      tpu.enqueue_dma source(%dma_start3A_510 : memref<50x16xi32, #tpu.memory_space<hbm>>) target(%dma_start3A_509 : memref<50x16xi32, #tpu.memory_space<vmem>>) target_semaphore(%arg11 : memref<!tpu.dma_semaphore, #tpu.memory_space<semaphore_mem>>)
      %mul3A_511 = arith.constant 16 : i32
      %mul3A_512 = arith.muli %select_n3A_9, %mul3A_511 : i32
      %add3A_513 = arith.constant 256 : i32
      %add3A_514 = arith.addi %add3A_513, %mul3A_512 : i32
      %dma_start3A_515 = arith.constant 2 : i32
      %dma_start3A_516 = arith.constant 0 : i32
      %dma_start3A_517 = arith.constant 0 : i32
      %dma_start3A_518 = tpu.memref_slice %arg7[%dma_start3A_515, %dma_start3A_516, %dma_start3A_517] : memref<4x50x16xi32, #tpu.memory_space<vmem>> -> memref<1x50x16xi32, #tpu.memory_space<vmem>>
      %dma_start3A_519 = tpu.memref_squeeze %dma_start3A_518 : memref<1x50x16xi32, #tpu.memory_space<vmem>> -> memref<50x16xi32, #tpu.memory_space<vmem>>
      %dma_start3A_520 = tpu.memref_slice %arg3[%add3A_480, %add3A_514] : memref<10000x512xi32, #tpu.memory_space<hbm>> -> memref<50x16xi32, #tpu.memory_space<hbm>>
      %dma_start3A_521 = arith.constant 0 : i32
      %dma_start3A_522 = arith.constant 0 : i32
      %dma_start3A_523 = tpu.memref_slice %arg7[%dma_start3A_515, %dma_start3A_521, %dma_start3A_522] : memref<4x50x16xi32, #tpu.memory_space<vmem>> -> memref<1x50x16xi32, #tpu.memory_space<vmem>>
      %dma_start3A_524 = tpu.memref_squeeze %dma_start3A_523 : memref<1x50x16xi32, #tpu.memory_space<vmem>> -> memref<50x16xi32, #tpu.memory_space<vmem>>
      %dma_start3A_525 = tpu.memref_slice %arg3[%add3A_480, %add3A_514] : memref<10000x512xi32, #tpu.memory_space<hbm>> -> memref<50x16xi32, #tpu.memory_space<hbm>>
      tpu.enqueue_dma source(%dma_start3A_525 : memref<50x16xi32, #tpu.memory_space<hbm>>) target(%dma_start3A_524 : memref<50x16xi32, #tpu.memory_space<vmem>>) target_semaphore(%arg11 : memref<!tpu.dma_semaphore, #tpu.memory_space<semaphore_mem>>)
      %mul3A_526 = arith.constant 16 : i32
      %mul3A_527 = arith.muli %select_n3A_9, %mul3A_526 : i32
      %add3A_528 = arith.constant 384 : i32
      %add3A_529 = arith.addi %add3A_528, %mul3A_527 : i32
      %dma_start3A_530 = arith.constant 3 : i32
      %dma_start3A_531 = arith.constant 0 : i32
      %dma_start3A_532 = arith.constant 0 : i32
      %dma_start3A_533 = tpu.memref_slice %arg7[%dma_start3A_530, %dma_start3A_531, %dma_start3A_532] : memref<4x50x16xi32, #tpu.memory_space<vmem>> -> memref<1x50x16xi32, #tpu.memory_space<vmem>>
      %dma_start3A_534 = tpu.memref_squeeze %dma_start3A_533 : memref<1x50x16xi32, #tpu.memory_space<vmem>> -> memref<50x16xi32, #tpu.memory_space<vmem>>
      %dma_start3A_535 = tpu.memref_slice %arg3[%add3A_480, %add3A_529] : memref<10000x512xi32, #tpu.memory_space<hbm>> -> memref<50x16xi32, #tpu.memory_space<hbm>>
      %dma_start3A_536 = arith.constant 0 : i32
      %dma_start3A_537 = arith.constant 0 : i32
      %dma_start3A_538 = tpu.memref_slice %arg7[%dma_start3A_530, %dma_start3A_536, %dma_start3A_537] : memref<4x50x16xi32, #tpu.memory_space<vmem>> -> memref<1x50x16xi32, #tpu.memory_space<vmem>>
      %dma_start3A_539 = tpu.memref_squeeze %dma_start3A_538 : memref<1x50x16xi32, #tpu.memory_space<vmem>> -> memref<50x16xi32, #tpu.memory_space<vmem>>
      %dma_start3A_540 = tpu.memref_slice %arg3[%add3A_480, %add3A_529] : memref<10000x512xi32, #tpu.memory_space<hbm>> -> memref<50x16xi32, #tpu.memory_space<hbm>>
      tpu.enqueue_dma source(%dma_start3A_540 : memref<50x16xi32, #tpu.memory_space<hbm>>) target(%dma_start3A_539 : memref<50x16xi32, #tpu.memory_space<vmem>>) target_semaphore(%arg11 : memref<!tpu.dma_semaphore, #tpu.memory_space<semaphore_mem>>)
      %add3A_541 = arith.constant 2 : i32
      %add3A_542 = arith.addi %mul3A_312, %add3A_541 : i32
      %min3A_543 = arith.constant 49 : i32
      %min3A_544 = arith.minsi %add3A_542, %min3A_543 : i32
      %mul3A_545 = arith.constant 50 : i32
      %mul3A_546 = arith.muli %min3A_544, %mul3A_545 : i32
      %add3A_547 = arith.addi %mul3A_32, %mul3A_546 : i32
      %mul3A_548 = arith.constant 16 : i32
      %mul3A_549 = arith.muli %select_n3A_9, %mul3A_548 : i32
      %add3A_550 = arith.constant 0 : i32
      %add3A_551 = arith.addi %add3A_550, %mul3A_549 : i32
      %dma_wait3A_552 = arith.constant 0 : i32
      %dma_wait3A_553 = arith.constant 0 : i32
      %dma_wait3A_554 = arith.constant 0 : i32
      %dma_wait3A_555 = tpu.memref_slice %arg6[%dma_wait3A_552, %dma_wait3A_553, %dma_wait3A_554] : memref<4x50x16xi32, #tpu.memory_space<vmem>> -> memref<1x50x16xi32, #tpu.memory_space<vmem>>
      %dma_wait3A_556 = tpu.memref_squeeze %dma_wait3A_555 : memref<1x50x16xi32, #tpu.memory_space<vmem>> -> memref<50x16xi32, #tpu.memory_space<vmem>>
      %dma_wait3A_557 = tpu.memref_slice %arg3[%add3A_547, %add3A_551] : memref<10000x512xi32, #tpu.memory_space<hbm>> -> memref<50x16xi32, #tpu.memory_space<hbm>>
      %dma_wait3A_558 = arith.constant 0 : i32
      %dma_wait3A_559 = arith.constant 0 : i32
      %dma_wait3A_560 = tpu.memref_slice %arg6[%dma_wait3A_552, %dma_wait3A_558, %dma_wait3A_559] : memref<4x50x16xi32, #tpu.memory_space<vmem>> -> memref<1x50x16xi32, #tpu.memory_space<vmem>>
      %dma_wait3A_561 = tpu.memref_squeeze %dma_wait3A_560 : memref<1x50x16xi32, #tpu.memory_space<vmem>> -> memref<50x16xi32, #tpu.memory_space<vmem>>
      %dma_wait3A_562 = tpu.memref_slice %arg3[%add3A_547, %add3A_551] : memref<10000x512xi32, #tpu.memory_space<hbm>> -> memref<50x16xi32, #tpu.memory_space<hbm>>
      tpu.wait_dma2 semaphore(%arg10 : memref<!tpu.dma_semaphore, #tpu.memory_space<semaphore_mem>>) src(%dma_wait3A_562 : memref<50x16xi32, #tpu.memory_space<hbm>>) dst(%dma_wait3A_561 : memref<50x16xi32, #tpu.memory_space<vmem>>)
      %mul3A_563 = arith.constant 16 : i32
      %mul3A_564 = arith.muli %select_n3A_9, %mul3A_563 : i32
      %add3A_565 = arith.constant 128 : i32
      %add3A_566 = arith.addi %add3A_565, %mul3A_564 : i32
      %dma_wait3A_567 = arith.constant 1 : i32
      %dma_wait3A_568 = arith.constant 0 : i32
      %dma_wait3A_569 = arith.constant 0 : i32
      %dma_wait3A_570 = tpu.memref_slice %arg6[%dma_wait3A_567, %dma_wait3A_568, %dma_wait3A_569] : memref<4x50x16xi32, #tpu.memory_space<vmem>> -> memref<1x50x16xi32, #tpu.memory_space<vmem>>
      %dma_wait3A_571 = tpu.memref_squeeze %dma_wait3A_570 : memref<1x50x16xi32, #tpu.memory_space<vmem>> -> memref<50x16xi32, #tpu.memory_space<vmem>>
      %dma_wait3A_572 = tpu.memref_slice %arg3[%add3A_547, %add3A_566] : memref<10000x512xi32, #tpu.memory_space<hbm>> -> memref<50x16xi32, #tpu.memory_space<hbm>>
      %dma_wait3A_573 = arith.constant 0 : i32
      %dma_wait3A_574 = arith.constant 0 : i32
      %dma_wait3A_575 = tpu.memref_slice %arg6[%dma_wait3A_567, %dma_wait3A_573, %dma_wait3A_574] : memref<4x50x16xi32, #tpu.memory_space<vmem>> -> memref<1x50x16xi32, #tpu.memory_space<vmem>>
      %dma_wait3A_576 = tpu.memref_squeeze %dma_wait3A_575 : memref<1x50x16xi32, #tpu.memory_space<vmem>> -> memref<50x16xi32, #tpu.memory_space<vmem>>
      %dma_wait3A_577 = tpu.memref_slice %arg3[%add3A_547, %add3A_566] : memref<10000x512xi32, #tpu.memory_space<hbm>> -> memref<50x16xi32, #tpu.memory_space<hbm>>
      tpu.wait_dma2 semaphore(%arg10 : memref<!tpu.dma_semaphore, #tpu.memory_space<semaphore_mem>>) src(%dma_wait3A_577 : memref<50x16xi32, #tpu.memory_space<hbm>>) dst(%dma_wait3A_576 : memref<50x16xi32, #tpu.memory_space<vmem>>)
      %mul3A_578 = arith.constant 16 : i32
      %mul3A_579 = arith.muli %select_n3A_9, %mul3A_578 : i32
      %add3A_580 = arith.constant 256 : i32
      %add3A_581 = arith.addi %add3A_580, %mul3A_579 : i32
      %dma_wait3A_582 = arith.constant 2 : i32
      %dma_wait3A_583 = arith.constant 0 : i32
      %dma_wait3A_584 = arith.constant 0 : i32
      %dma_wait3A_585 = tpu.memref_slice %arg6[%dma_wait3A_582, %dma_wait3A_583, %dma_wait3A_584] : memref<4x50x16xi32, #tpu.memory_space<vmem>> -> memref<1x50x16xi32, #tpu.memory_space<vmem>>
      %dma_wait3A_586 = tpu.memref_squeeze %dma_wait3A_585 : memref<1x50x16xi32, #tpu.memory_space<vmem>> -> memref<50x16xi32, #tpu.memory_space<vmem>>
      %dma_wait3A_587 = tpu.memref_slice %arg3[%add3A_547, %add3A_581] : memref<10000x512xi32, #tpu.memory_space<hbm>> -> memref<50x16xi32, #tpu.memory_space<hbm>>
      %dma_wait3A_588 = arith.constant 0 : i32
      %dma_wait3A_589 = arith.constant 0 : i32
      %dma_wait3A_590 = tpu.memref_slice %arg6[%dma_wait3A_582, %dma_wait3A_588, %dma_wait3A_589] : memref<4x50x16xi32, #tpu.memory_space<vmem>> -> memref<1x50x16xi32, #tpu.memory_space<vmem>>
      %dma_wait3A_591 = tpu.memref_squeeze %dma_wait3A_590 : memref<1x50x16xi32, #tpu.memory_space<vmem>> -> memref<50x16xi32, #tpu.memory_space<vmem>>
      %dma_wait3A_592 = tpu.memref_slice %arg3[%add3A_547, %add3A_581] : memref<10000x512xi32, #tpu.memory_space<hbm>> -> memref<50x16xi32, #tpu.memory_space<hbm>>
      tpu.wait_dma2 semaphore(%arg10 : memref<!tpu.dma_semaphore, #tpu.memory_space<semaphore_mem>>) src(%dma_wait3A_592 : memref<50x16xi32, #tpu.memory_space<hbm>>) dst(%dma_wait3A_591 : memref<50x16xi32, #tpu.memory_space<vmem>>)
      %mul3A_593 = arith.constant 16 : i32
      %mul3A_594 = arith.muli %select_n3A_9, %mul3A_593 : i32
      %add3A_595 = arith.constant 384 : i32
      %add3A_596 = arith.addi %add3A_595, %mul3A_594 : i32
      %dma_wait3A_597 = arith.constant 3 : i32
      %dma_wait3A_598 = arith.constant 0 : i32
      %dma_wait3A_599 = arith.constant 0 : i32
      %dma_wait3A_600 = tpu.memref_slice %arg6[%dma_wait3A_597, %dma_wait3A_598, %dma_wait3A_599] : memref<4x50x16xi32, #tpu.memory_space<vmem>> -> memref<1x50x16xi32, #tpu.memory_space<vmem>>
      %dma_wait3A_601 = tpu.memref_squeeze %dma_wait3A_600 : memref<1x50x16xi32, #tpu.memory_space<vmem>> -> memref<50x16xi32, #tpu.memory_space<vmem>>
      %dma_wait3A_602 = tpu.memref_slice %arg3[%add3A_547, %add3A_596] : memref<10000x512xi32, #tpu.memory_space<hbm>> -> memref<50x16xi32, #tpu.memory_space<hbm>>
      %dma_wait3A_603 = arith.constant 0 : i32
      %dma_wait3A_604 = arith.constant 0 : i32
      %dma_wait3A_605 = tpu.memref_slice %arg6[%dma_wait3A_597, %dma_wait3A_603, %dma_wait3A_604] : memref<4x50x16xi32, #tpu.memory_space<vmem>> -> memref<1x50x16xi32, #tpu.memory_space<vmem>>
      %dma_wait3A_606 = tpu.memref_squeeze %dma_wait3A_605 : memref<1x50x16xi32, #tpu.memory_space<vmem>> -> memref<50x16xi32, #tpu.memory_space<vmem>>
      %dma_wait3A_607 = tpu.memref_slice %arg3[%add3A_547, %add3A_596] : memref<10000x512xi32, #tpu.memory_space<hbm>> -> memref<50x16xi32, #tpu.memory_space<hbm>>
      tpu.wait_dma2 semaphore(%arg10 : memref<!tpu.dma_semaphore, #tpu.memory_space<semaphore_mem>>) src(%dma_wait3A_607 : memref<50x16xi32, #tpu.memory_space<hbm>>) dst(%dma_wait3A_606 : memref<50x16xi32, #tpu.memory_space<vmem>>)
    }
    %scan3A_229 = arith.constant 25 : i32
    %mul3A_230 = arith.constant 48 : i32
    %mul3A_231 = arith.constant 50 : i32
    %mul3A_232 = arith.muli %mul3A_230, %mul3A_231 : i32
    %add3A_233 = arith.addi %mul3A_32, %mul3A_232 : i32
    %mul3A_234 = arith.constant 32 : i32
    %mul3A_235 = arith.muli %select_n3A_9, %mul3A_234 : i32
    %dma_wait3A_236 = tpu.memref_slice %arg4[%add3A_233, %mul3A_235] : memref<10000x256xf32, #tpu.memory_space<hbm>> -> memref<50x32xf32, #tpu.memory_space<hbm>>
    %dma_wait3A_237 = tpu.memref_slice %arg4[%add3A_233, %mul3A_235] : memref<10000x256xf32, #tpu.memory_space<hbm>> -> memref<50x32xf32, #tpu.memory_space<hbm>>
    tpu.wait_dma2 semaphore(%arg12 : memref<!tpu.dma_semaphore, #tpu.memory_space<semaphore_mem>>) src(%arg8 : memref<50x32xf32, #tpu.memory_space<vmem>>) dst(%dma_wait3A_237 : memref<50x32xf32, #tpu.memory_space<hbm>>)
    %mul3A_238 = arith.constant 49 : i32
    %mul3A_239 = arith.constant 50 : i32
    %mul3A_240 = arith.muli %mul3A_238, %mul3A_239 : i32
    %add3A_241 = arith.addi %mul3A_32, %mul3A_240 : i32
    %mul3A_242 = arith.constant 32 : i32
    %mul3A_243 = arith.muli %select_n3A_9, %mul3A_242 : i32
    %dma_wait3A_244 = tpu.memref_slice %arg4[%add3A_241, %mul3A_243] : memref<10000x256xf32, #tpu.memory_space<hbm>> -> memref<50x32xf32, #tpu.memory_space<hbm>>
    %dma_wait3A_245 = tpu.memref_slice %arg4[%add3A_241, %mul3A_243] : memref<10000x256xf32, #tpu.memory_space<hbm>> -> memref<50x32xf32, #tpu.memory_space<hbm>>
    tpu.wait_dma2 semaphore(%arg13 : memref<!tpu.dma_semaphore, #tpu.memory_space<semaphore_mem>>) src(%arg9 : memref<50x32xf32, #tpu.memory_space<vmem>>) dst(%dma_wait3A_245 : memref<50x32xf32, #tpu.memory_space<hbm>>)
    %mul3A_246 = arith.constant 49 : i32
    %mul3A_247 = arith.constant 50 : i32
    %mul3A_248 = arith.muli %mul3A_246, %mul3A_247 : i32
    %add3A_249 = arith.addi %mul3A_32, %mul3A_248 : i32
    %mul3A_250 = arith.constant 16 : i32
    %mul3A_251 = arith.muli %select_n3A_9, %mul3A_250 : i32
    %add3A_252 = arith.constant 0 : i32
    %add3A_253 = arith.addi %add3A_252, %mul3A_251 : i32
    %dma_wait3A_254 = arith.constant 0 : i32
    %dma_wait3A_255 = arith.constant 0 : i32
    %dma_wait3A_256 = arith.constant 0 : i32
    %dma_wait3A_257 = tpu.memref_slice %arg7[%dma_wait3A_254, %dma_wait3A_255, %dma_wait3A_256] : memref<4x50x16xi32, #tpu.memory_space<vmem>> -> memref<1x50x16xi32, #tpu.memory_space<vmem>>
    %dma_wait3A_258 = tpu.memref_squeeze %dma_wait3A_257 : memref<1x50x16xi32, #tpu.memory_space<vmem>> -> memref<50x16xi32, #tpu.memory_space<vmem>>
    %dma_wait3A_259 = tpu.memref_slice %arg3[%add3A_249, %add3A_253] : memref<10000x512xi32, #tpu.memory_space<hbm>> -> memref<50x16xi32, #tpu.memory_space<hbm>>
    %dma_wait3A_260 = arith.constant 0 : i32
    %dma_wait3A_261 = arith.constant 0 : i32
    %dma_wait3A_262 = tpu.memref_slice %arg7[%dma_wait3A_254, %dma_wait3A_260, %dma_wait3A_261] : memref<4x50x16xi32, #tpu.memory_space<vmem>> -> memref<1x50x16xi32, #tpu.memory_space<vmem>>
    %dma_wait3A_263 = tpu.memref_squeeze %dma_wait3A_262 : memref<1x50x16xi32, #tpu.memory_space<vmem>> -> memref<50x16xi32, #tpu.memory_space<vmem>>
    %dma_wait3A_264 = tpu.memref_slice %arg3[%add3A_249, %add3A_253] : memref<10000x512xi32, #tpu.memory_space<hbm>> -> memref<50x16xi32, #tpu.memory_space<hbm>>
    tpu.wait_dma2 semaphore(%arg11 : memref<!tpu.dma_semaphore, #tpu.memory_space<semaphore_mem>>) src(%dma_wait3A_264 : memref<50x16xi32, #tpu.memory_space<hbm>>) dst(%dma_wait3A_263 : memref<50x16xi32, #tpu.memory_space<vmem>>)
    %mul3A_265 = arith.constant 16 : i32
    %mul3A_266 = arith.muli %select_n3A_9, %mul3A_265 : i32
    %add3A_267 = arith.constant 128 : i32
    %add3A_268 = arith.addi %add3A_267, %mul3A_266 : i32
    %dma_wait3A_269 = arith.constant 1 : i32
    %dma_wait3A_270 = arith.constant 0 : i32
    %dma_wait3A_271 = arith.constant 0 : i32
    %dma_wait3A_272 = tpu.memref_slice %arg7[%dma_wait3A_269, %dma_wait3A_270, %dma_wait3A_271] : memref<4x50x16xi32, #tpu.memory_space<vmem>> -> memref<1x50x16xi32, #tpu.memory_space<vmem>>
    %dma_wait3A_273 = tpu.memref_squeeze %dma_wait3A_272 : memref<1x50x16xi32, #tpu.memory_space<vmem>> -> memref<50x16xi32, #tpu.memory_space<vmem>>
    %dma_wait3A_274 = tpu.memref_slice %arg3[%add3A_249, %add3A_268] : memref<10000x512xi32, #tpu.memory_space<hbm>> -> memref<50x16xi32, #tpu.memory_space<hbm>>
    %dma_wait3A_275 = arith.constant 0 : i32
    %dma_wait3A_276 = arith.constant 0 : i32
    %dma_wait3A_277 = tpu.memref_slice %arg7[%dma_wait3A_269, %dma_wait3A_275, %dma_wait3A_276] : memref<4x50x16xi32, #tpu.memory_space<vmem>> -> memref<1x50x16xi32, #tpu.memory_space<vmem>>
    %dma_wait3A_278 = tpu.memref_squeeze %dma_wait3A_277 : memref<1x50x16xi32, #tpu.memory_space<vmem>> -> memref<50x16xi32, #tpu.memory_space<vmem>>
    %dma_wait3A_279 = tpu.memref_slice %arg3[%add3A_249, %add3A_268] : memref<10000x512xi32, #tpu.memory_space<hbm>> -> memref<50x16xi32, #tpu.memory_space<hbm>>
    tpu.wait_dma2 semaphore(%arg11 : memref<!tpu.dma_semaphore, #tpu.memory_space<semaphore_mem>>) src(%dma_wait3A_279 : memref<50x16xi32, #tpu.memory_space<hbm>>) dst(%dma_wait3A_278 : memref<50x16xi32, #tpu.memory_space<vmem>>)
    %mul3A_280 = arith.constant 16 : i32
    %mul3A_281 = arith.muli %select_n3A_9, %mul3A_280 : i32
    %add3A_282 = arith.constant 256 : i32
    %add3A_283 = arith.addi %add3A_282, %mul3A_281 : i32
    %dma_wait3A_284 = arith.constant 2 : i32
    %dma_wait3A_285 = arith.constant 0 : i32
    %dma_wait3A_286 = arith.constant 0 : i32
    %dma_wait3A_287 = tpu.memref_slice %arg7[%dma_wait3A_284, %dma_wait3A_285, %dma_wait3A_286] : memref<4x50x16xi32, #tpu.memory_space<vmem>> -> memref<1x50x16xi32, #tpu.memory_space<vmem>>
    %dma_wait3A_288 = tpu.memref_squeeze %dma_wait3A_287 : memref<1x50x16xi32, #tpu.memory_space<vmem>> -> memref<50x16xi32, #tpu.memory_space<vmem>>
    %dma_wait3A_289 = tpu.memref_slice %arg3[%add3A_249, %add3A_283] : memref<10000x512xi32, #tpu.memory_space<hbm>> -> memref<50x16xi32, #tpu.memory_space<hbm>>
    %dma_wait3A_290 = arith.constant 0 : i32
    %dma_wait3A_291 = arith.constant 0 : i32
    %dma_wait3A_292 = tpu.memref_slice %arg7[%dma_wait3A_284, %dma_wait3A_290, %dma_wait3A_291] : memref<4x50x16xi32, #tpu.memory_space<vmem>> -> memref<1x50x16xi32, #tpu.memory_space<vmem>>
    %dma_wait3A_293 = tpu.memref_squeeze %dma_wait3A_292 : memref<1x50x16xi32, #tpu.memory_space<vmem>> -> memref<50x16xi32, #tpu.memory_space<vmem>>
    %dma_wait3A_294 = tpu.memref_slice %arg3[%add3A_249, %add3A_283] : memref<10000x512xi32, #tpu.memory_space<hbm>> -> memref<50x16xi32, #tpu.memory_space<hbm>>
    tpu.wait_dma2 semaphore(%arg11 : memref<!tpu.dma_semaphore, #tpu.memory_space<semaphore_mem>>) src(%dma_wait3A_294 : memref<50x16xi32, #tpu.memory_space<hbm>>) dst(%dma_wait3A_293 : memref<50x16xi32, #tpu.memory_space<vmem>>)
    %mul3A_295 = arith.constant 16 : i32
    %mul3A_296 = arith.muli %select_n3A_9, %mul3A_295 : i32
    %add3A_297 = arith.constant 384 : i32
    %add3A_298 = arith.addi %add3A_297, %mul3A_296 : i32
    %dma_wait3A_299 = arith.constant 3 : i32
    %dma_wait3A_300 = arith.constant 0 : i32
    %dma_wait3A_301 = arith.constant 0 : i32
    %dma_wait3A_302 = tpu.memref_slice %arg7[%dma_wait3A_299, %dma_wait3A_300, %dma_wait3A_301] : memref<4x50x16xi32, #tpu.memory_space<vmem>> -> memref<1x50x16xi32, #tpu.memory_space<vmem>>
    %dma_wait3A_303 = tpu.memref_squeeze %dma_wait3A_302 : memref<1x50x16xi32, #tpu.memory_space<vmem>> -> memref<50x16xi32, #tpu.memory_space<vmem>>
    %dma_wait3A_304 = tpu.memref_slice %arg3[%add3A_249, %add3A_298] : memref<10000x512xi32, #tpu.memory_space<hbm>> -> memref<50x16xi32, #tpu.memory_space<hbm>>
    %dma_wait3A_305 = arith.constant 0 : i32
    %dma_wait3A_306 = arith.constant 0 : i32
    %dma_wait3A_307 = tpu.memref_slice %arg7[%dma_wait3A_299, %dma_wait3A_305, %dma_wait3A_306] : memref<4x50x16xi32, #tpu.memory_space<vmem>> -> memref<1x50x16xi32, #tpu.memory_space<vmem>>
    %dma_wait3A_308 = tpu.memref_squeeze %dma_wait3A_307 : memref<1x50x16xi32, #tpu.memory_space<vmem>> -> memref<50x16xi32, #tpu.memory_space<vmem>>
    %dma_wait3A_309 = tpu.memref_slice %arg3[%add3A_249, %add3A_298] : memref<10000x512xi32, #tpu.memory_space<hbm>> -> memref<50x16xi32, #tpu.memory_space<hbm>>
    tpu.wait_dma2 semaphore(%arg11 : memref<!tpu.dma_semaphore, #tpu.memory_space<semaphore_mem>>) src(%dma_wait3A_309 : memref<50x16xi32, #tpu.memory_space<hbm>>) dst(%dma_wait3A_308 : memref<50x16xi32, #tpu.memory_space<vmem>>)
    return
  }
}

module attributes {stable_mosaic.version = 14 : i64} {
  func.func @_index_body(%arg0: i32, %arg1: memref<1000x256xf32, #tpu.memory_space<vmem>>, %arg2: memref<1000x256xf32, #tpu.memory_space<vmem>>, %arg3: memref<1000x8xf32, #tpu.memory_space<vmem>>, %arg4: memref<256x384xf32, #tpu.memory_space<vmem>>, %arg5: memref<384xf32, #tpu.memory_space<vmem>>, %arg6: memref<128xf32, #tpu.memory_space<vmem>>, %arg7: memref<128xf32, #tpu.memory_space<vmem>>, %arg8: memref<128xf32, #tpu.memory_space<vmem>>, %arg9: memref<128x128xf32, #tpu.memory_space<vmem>>, %arg10: memref<1000x512xi32, #tpu.memory_space<vmem>>) attributes {dimension_semantics = [#tpu.dimension_semantics<arbitrary>], iteration_bounds = array<i64: 10>, scalar_prefetch = 0 : i64, scratch_operands = 0 : i64, tpu.core_type = #tpu.core_type<tc>, window_params = [{transform_indices = @transform_0, window_bounds = array<i64: 1000, 256>}, {transform_indices = @transform_1, window_bounds = array<i64: 1000, 256>}, {transform_indices = @transform_2, window_bounds = array<i64: 1000, 8>}, {pipeline_mode = #tpu.pipeline_mode<synchronous>, transform_indices = @transform_3, window_bounds = array<i64: 256, 384>}, {pipeline_mode = #tpu.pipeline_mode<synchronous>, transform_indices = @transform_4, window_bounds = array<i64: 384>}, {pipeline_mode = #tpu.pipeline_mode<synchronous>, transform_indices = @transform_5, window_bounds = array<i64: 128>}, {pipeline_mode = #tpu.pipeline_mode<synchronous>, transform_indices = @transform_6, window_bounds = array<i64: 128>}, {pipeline_mode = #tpu.pipeline_mode<synchronous>, transform_indices = @transform_7, window_bounds = array<i64: 128>}, {pipeline_mode = #tpu.pipeline_mode<synchronous>, transform_indices = @transform_8, window_bounds = array<i64: 128, 128>}, {transform_indices = @transform_9, window_bounds = array<i64: 1000, 512>}]} {
    %get3A = arith.constant 0 : index
    %get3A_0 = arith.constant 0 : index
    %get3A_1 = vector.load %arg1[%get3A, %get3A_0] : memref<1000x256xf32, #tpu.memory_space<vmem>>, vector<1000x256xf32>
    %get3A_2 = arith.constant 0 : index
    %get3A_3 = arith.constant 0 : index
    %get3A_4 = vector.load %arg2[%get3A_2, %get3A_3] : memref<1000x256xf32, #tpu.memory_space<vmem>>, vector<1000x256xf32>
    %add3A = arith.addf %get3A_1, %get3A_4 : vector<1000x256xf32>
    %get3A_5 = arith.constant 0 : index
    %get3A_6 = arith.constant 0 : index
    %get3A_7 = vector.load %arg4[%get3A_5, %get3A_6] : memref<256x384xf32, #tpu.memory_space<vmem>>, vector<256x384xf32>
    %dot_general3A = arith.constant dense<0.000000e+00> : vector<1000x384xf32>
    %dot_general3A_8 = tpu.matmul %add3A, %get3A_7, %dot_general3A {dimension_numbers = #tpu.dot_dimension_numbers<[1], [0], [0], [1], [0, 0, 1, 1], [], []>, transpose_lhs_hint = false} : vector<1000x256xf32>, vector<256x384xf32>, vector<1000x384xf32> -> vector<1000x384xf32>
    %get3A_9 = arith.constant 0 : index
    %get3A_10 = vector.load %arg5[%get3A_9] : memref<384xf32, #tpu.memory_space<vmem>>, vector<384xf32>
    %broadcast_in_dim3A = vector.shape_cast %get3A_10 : vector<384xf32> to vector<1x384xf32>
    %add3A_11 = vector.broadcast %broadcast_in_dim3A : vector<1x384xf32> to vector<1000x384xf32>
    %add3A_12 = arith.addf %dot_general3A_8, %add3A_11 : vector<1000x384xf32>
    %get3A_13 = arith.constant 0 : index
    %get3A_14 = arith.constant 0 : index
    %get3A_15 = vector.load %arg3[%get3A_13, %get3A_14] : memref<1000x8xf32, #tpu.memory_space<vmem>>, vector<1000x8xf32>
    %slice3A = vector.extract_strided_slice %get3A_15 {offsets = [0, 0], sizes = [1000, 1], strides = [1, 1]} : vector<1000x8xf32> to vector<1000x1xf32>
    %broadcast_in_dim3A_16 = vector.shape_cast %slice3A : vector<1000x1xf32> to vector<1000x1xf32>
    %broadcast_in_dim3A_17 = vector.broadcast %broadcast_in_dim3A_16 : vector<1000x1xf32> to vector<1000x4xf32>
    %slice3A_18 = vector.extract_strided_slice %get3A_15 {offsets = [0, 2], sizes = [1000, 1], strides = [1, 1]} : vector<1000x8xf32> to vector<1000x1xf32>
    %broadcast_in_dim3A_19 = vector.shape_cast %slice3A_18 : vector<1000x1xf32> to vector<1000x1xf32>
    %broadcast_in_dim3A_20 = vector.broadcast %broadcast_in_dim3A_19 : vector<1000x1xf32> to vector<1000x4xf32>
    %slice3A_21 = vector.extract_strided_slice %get3A_15 {offsets = [0, 4], sizes = [1000, 1], strides = [1, 1]} : vector<1000x8xf32> to vector<1000x1xf32>
    %broadcast_in_dim3A_22 = vector.shape_cast %slice3A_21 : vector<1000x1xf32> to vector<1000x1xf32>
    %broadcast_in_dim3A_23 = vector.broadcast %broadcast_in_dim3A_22 : vector<1000x1xf32> to vector<1000x4xf32>
    %slice3A_24 = vector.extract_strided_slice %get3A_15 {offsets = [0, 6], sizes = [1000, 1], strides = [1, 1]} : vector<1000x8xf32> to vector<1000x1xf32>
    %broadcast_in_dim3A_25 = vector.shape_cast %slice3A_24 : vector<1000x1xf32> to vector<1000x1xf32>
    %broadcast_in_dim3A_26 = vector.broadcast %broadcast_in_dim3A_25 : vector<1000x1xf32> to vector<1000x4xf32>
    %concatenate3A = tpu.concatenate %broadcast_in_dim3A_17, %broadcast_in_dim3A_20, %broadcast_in_dim3A_23, %broadcast_in_dim3A_26 in 1 : vector<1000x4xf32>, vector<1000x4xf32>, vector<1000x4xf32>, vector<1000x4xf32> -> vector<1000x16xf32>
    %slice3A_27 = vector.extract_strided_slice %get3A_15 {offsets = [0, 1], sizes = [1000, 1], strides = [1, 1]} : vector<1000x8xf32> to vector<1000x1xf32>
    %broadcast_in_dim3A_28 = vector.shape_cast %slice3A_27 : vector<1000x1xf32> to vector<1000x1xf32>
    %broadcast_in_dim3A_29 = vector.broadcast %broadcast_in_dim3A_28 : vector<1000x1xf32> to vector<1000x4xf32>
    %slice3A_30 = vector.extract_strided_slice %get3A_15 {offsets = [0, 3], sizes = [1000, 1], strides = [1, 1]} : vector<1000x8xf32> to vector<1000x1xf32>
    %broadcast_in_dim3A_31 = vector.shape_cast %slice3A_30 : vector<1000x1xf32> to vector<1000x1xf32>
    %broadcast_in_dim3A_32 = vector.broadcast %broadcast_in_dim3A_31 : vector<1000x1xf32> to vector<1000x4xf32>
    %slice3A_33 = vector.extract_strided_slice %get3A_15 {offsets = [0, 5], sizes = [1000, 1], strides = [1, 1]} : vector<1000x8xf32> to vector<1000x1xf32>
    %broadcast_in_dim3A_34 = vector.shape_cast %slice3A_33 : vector<1000x1xf32> to vector<1000x1xf32>
    %broadcast_in_dim3A_35 = vector.broadcast %broadcast_in_dim3A_34 : vector<1000x1xf32> to vector<1000x4xf32>
    %slice3A_36 = vector.extract_strided_slice %get3A_15 {offsets = [0, 7], sizes = [1000, 1], strides = [1, 1]} : vector<1000x8xf32> to vector<1000x1xf32>
    %broadcast_in_dim3A_37 = vector.shape_cast %slice3A_36 : vector<1000x1xf32> to vector<1000x1xf32>
    %broadcast_in_dim3A_38 = vector.broadcast %broadcast_in_dim3A_37 : vector<1000x1xf32> to vector<1000x4xf32>
    %concatenate3A_39 = tpu.concatenate %broadcast_in_dim3A_29, %broadcast_in_dim3A_32, %broadcast_in_dim3A_35, %broadcast_in_dim3A_38 in 1 : vector<1000x4xf32>, vector<1000x4xf32>, vector<1000x4xf32>, vector<1000x4xf32> -> vector<1000x16xf32>
    %concatenate3A_40 = tpu.concatenate %concatenate3A, %concatenate3A, %concatenate3A, %concatenate3A, %concatenate3A, %concatenate3A, %concatenate3A, %concatenate3A in 1 : vector<1000x16xf32>, vector<1000x16xf32>, vector<1000x16xf32>, vector<1000x16xf32>, vector<1000x16xf32>, vector<1000x16xf32>, vector<1000x16xf32>, vector<1000x16xf32> -> vector<1000x128xf32>
    %concatenate3A_41 = tpu.concatenate %concatenate3A_39, %concatenate3A_39, %concatenate3A_39, %concatenate3A_39, %concatenate3A_39, %concatenate3A_39, %concatenate3A_39, %concatenate3A_39 in 1 : vector<1000x16xf32>, vector<1000x16xf32>, vector<1000x16xf32>, vector<1000x16xf32>, vector<1000x16xf32>, vector<1000x16xf32>, vector<1000x16xf32>, vector<1000x16xf32> -> vector<1000x128xf32>
    %slice3A_42 = vector.extract_strided_slice %add3A_12 {offsets = [0, 0], sizes = [1000, 128], strides = [1, 1]} : vector<1000x384xf32> to vector<1000x128xf32>
    %add3A_43 = arith.addf %slice3A_42, %concatenate3A_40 : vector<1000x128xf32>
    %slice3A_44 = vector.extract_strided_slice %add3A_12 {offsets = [0, 128], sizes = [1000, 128], strides = [1, 1]} : vector<1000x384xf32> to vector<1000x128xf32>
    %add3A_45 = arith.addf %slice3A_44, %concatenate3A_41 : vector<1000x128xf32>
    %slice3A_46 = vector.extract_strided_slice %add3A_12 {offsets = [0, 256], sizes = [1000, 128], strides = [1, 1]} : vector<1000x384xf32> to vector<1000x128xf32>
    %exp3A = math.exp %slice3A_46 : vector<1000x128xf32>
    %get3A_47 = arith.constant 0 : index
    %get3A_48 = arith.constant 0 : index
    %get3A_49 = vector.load %arg9[%get3A_47, %get3A_48] : memref<128x128xf32, #tpu.memory_space<vmem>>, vector<128x128xf32>
    %dot_general3A_50 = arith.constant dense<0.000000e+00> : vector<1000x128xf32>
    %dot_general3A_51 = tpu.matmul %exp3A, %get3A_49, %dot_general3A_50 {dimension_numbers = #tpu.dot_dimension_numbers<[1], [0], [0], [1], [0, 0, 1, 1], [], []>, transpose_lhs_hint = false} : vector<1000x128xf32>, vector<128x128xf32>, vector<1000x128xf32> -> vector<1000x128xf32>
    %div3A = arith.divf %exp3A, %dot_general3A_51 : vector<1000x128xf32>
    %get3A_52 = arith.constant 0 : index
    %get3A_53 = vector.load %arg6[%get3A_52] : memref<128xf32, #tpu.memory_space<vmem>>, vector<128xf32>
    %get3A_54 = arith.constant 0 : index
    %get3A_55 = vector.load %arg7[%get3A_54] : memref<128xf32, #tpu.memory_space<vmem>>, vector<128xf32>
    %get3A_56 = arith.constant 0 : index
    %get3A_57 = vector.load %arg8[%get3A_56] : memref<128xf32, #tpu.memory_space<vmem>>, vector<128xf32>
    %floor3A = math.floor %add3A_43 : vector<1000x128xf32>
    %floor3A_58 = math.floor %add3A_45 : vector<1000x128xf32>
    %sub3A = arith.subf %add3A_43, %floor3A : vector<1000x128xf32>
    %sub3A_59 = arith.subf %add3A_45, %floor3A_58 : vector<1000x128xf32>
    %add3A_60 = arith.constant 0.000000e+00 : f32
    %add3A_61 = vector.broadcast %add3A_60 : f32 to vector<1000x128xf32>
    %add3A_62 = arith.addf %floor3A_58, %add3A_61 : vector<1000x128xf32>
    %ge3A = arith.constant 0.000000e+00 : f32
    %ge3A_63 = vector.broadcast %ge3A : f32 to vector<1000x128xf32>
    %ge3A_64 = arith.cmpf oge, %add3A_62, %ge3A_63 : vector<1000x128xf32>
    %broadcast_in_dim3A_65 = vector.shape_cast %get3A_55 : vector<128xf32> to vector<1x128xf32>
    %lt3A = vector.broadcast %broadcast_in_dim3A_65 : vector<1x128xf32> to vector<1000x128xf32>
    %lt3A_66 = arith.cmpf olt, %add3A_62, %lt3A : vector<1000x128xf32>
    %and3A = arith.andi %ge3A_64, %lt3A_66 : vector<1000x128xi1>
    %sub3A_67 = arith.constant 1.000000e+00 : f32
    %sub3A_68 = vector.broadcast %sub3A_67 : f32 to vector<128xf32>
    %sub3A_69 = arith.subf %get3A_55, %sub3A_68 : vector<128xf32>
    %jit3A = arith.constant 0.000000e+00 : f32
    %max3A = vector.broadcast %jit3A : f32 to vector<1000x128xf32>
    %max3A_70 = arith.maximumf %max3A, %add3A_62 : vector<1000x128xf32>
    %broadcast_in_dim3A_71 = vector.shape_cast %sub3A_69 : vector<128xf32> to vector<1x128xf32>
    %min3A = vector.broadcast %broadcast_in_dim3A_71 : vector<1x128xf32> to vector<1000x128xf32>
    %min3A_72 = arith.minimumf %min3A, %max3A_70 : vector<1000x128xf32>
    %sub3A_73 = arith.constant 1.000000e+00 : f32
    %sub3A_74 = vector.broadcast %sub3A_73 : f32 to vector<1000x128xf32>
    %sub3A_75 = arith.subf %sub3A_74, %sub3A_59 : vector<1000x128xf32>
    %broadcast_in_dim3A_76 = vector.shape_cast %get3A_53 : vector<128xf32> to vector<1x128xf32>
    %mul3A = vector.broadcast %broadcast_in_dim3A_76 : vector<1x128xf32> to vector<1000x128xf32>
    %mul3A_77 = arith.mulf %min3A_72, %mul3A : vector<1000x128xf32>
    %broadcast_in_dim3A_78 = vector.shape_cast %get3A_57 : vector<128xf32> to vector<1x128xf32>
    %add3A_79 = vector.broadcast %broadcast_in_dim3A_78 : vector<1x128xf32> to vector<1000x128xf32>
    %add3A_80 = arith.addf %add3A_79, %mul3A_77 : vector<1000x128xf32>
    %add3A_81 = arith.constant 0.000000e+00 : f32
    %add3A_82 = vector.broadcast %add3A_81 : f32 to vector<1000x128xf32>
    %add3A_83 = arith.addf %floor3A, %add3A_82 : vector<1000x128xf32>
    %ge3A_84 = arith.constant 0.000000e+00 : f32
    %ge3A_85 = vector.broadcast %ge3A_84 : f32 to vector<1000x128xf32>
    %ge3A_86 = arith.cmpf oge, %add3A_83, %ge3A_85 : vector<1000x128xf32>
    %broadcast_in_dim3A_87 = vector.shape_cast %get3A_53 : vector<128xf32> to vector<1x128xf32>
    %lt3A_88 = vector.broadcast %broadcast_in_dim3A_87 : vector<1x128xf32> to vector<1000x128xf32>
    %lt3A_89 = arith.cmpf olt, %add3A_83, %lt3A_88 : vector<1000x128xf32>
    %and3A_90 = arith.andi %ge3A_86, %lt3A_89 : vector<1000x128xi1>
    %sub3A_91 = arith.constant 1.000000e+00 : f32
    %sub3A_92 = vector.broadcast %sub3A_91 : f32 to vector<128xf32>
    %sub3A_93 = arith.subf %get3A_53, %sub3A_92 : vector<128xf32>
    %jit3A_94 = arith.constant 0.000000e+00 : f32
    %max3A_95 = vector.broadcast %jit3A_94 : f32 to vector<1000x128xf32>
    %max3A_96 = arith.maximumf %max3A_95, %add3A_83 : vector<1000x128xf32>
    %broadcast_in_dim3A_97 = vector.shape_cast %sub3A_93 : vector<128xf32> to vector<1x128xf32>
    %min3A_98 = vector.broadcast %broadcast_in_dim3A_97 : vector<1x128xf32> to vector<1000x128xf32>
    %min3A_99 = arith.minimumf %min3A_98, %max3A_96 : vector<1000x128xf32>
    %sub3A_100 = arith.constant 1.000000e+00 : f32
    %sub3A_101 = vector.broadcast %sub3A_100 : f32 to vector<1000x128xf32>
    %sub3A_102 = arith.subf %sub3A_101, %sub3A : vector<1000x128xf32>
    %and3A_103 = arith.andi %and3A, %and3A_90 : vector<1000x128xi1>
    %mul3A_104 = arith.mulf %sub3A_75, %sub3A_102 : vector<1000x128xf32>
    %mul3A_105 = arith.mulf %mul3A_104, %div3A : vector<1000x128xf32>
    %jit3A_106 = arith.constant 0.000000e+00 : f32
    %broadcast_in_dim3A_107 = vector.broadcast %jit3A_106 : f32 to vector<1000x128xf32>
    %select_n3A = arith.select %and3A_103, %mul3A_105, %broadcast_in_dim3A_107 : vector<1000x128xi1>, vector<1000x128xf32>
    %add3A_108 = arith.addf %add3A_80, %min3A_99 : vector<1000x128xf32>
    %convert_element_type3A = arith.fptosi %add3A_108 : vector<1000x128xf32> to vector<1000x128xi32>
    %bitcast_convert_type3A = tpu.bitcast %select_n3A : vector<1000x128xf32> -> vector<1000x128xi32>
    %add3A_109 = arith.constant 32768 : i32
    %add3A_110 = vector.broadcast %add3A_109 : i32 to vector<1000x128xi32>
    %add3A_111 = arith.addi %bitcast_convert_type3A, %add3A_110 : vector<1000x128xi32>
    %and3A_112 = arith.constant -65536 : i32
    %and3A_113 = vector.broadcast %and3A_112 : i32 to vector<1000x128xi32>
    %and3A_114 = arith.andi %add3A_111, %and3A_113 : vector<1000x128xi32>
    %or3A = arith.ori %and3A_114, %convert_element_type3A : vector<1000x128xi32>
    %swap3A = arith.constant 0 : index
    %swap3A_115 = arith.constant 0 : index
    %swap3A_116 = vector.load %arg10[%swap3A, %swap3A_115] : memref<1000x512xi32, #tpu.memory_space<vmem>>, vector<1000x128xi32>
    tpu.vector_store %arg10[%swap3A, %swap3A_115], %or3A {strides = array<i32>} : memref<1000x512xi32, #tpu.memory_space<vmem>>, vector<1000x128xi32>,
    %add3A_117 = arith.constant 1.000000e+00 : f32
    %add3A_118 = vector.broadcast %add3A_117 : f32 to vector<1000x128xf32>
    %add3A_119 = arith.addf %floor3A, %add3A_118 : vector<1000x128xf32>
    %ge3A_120 = arith.constant 0.000000e+00 : f32
    %ge3A_121 = vector.broadcast %ge3A_120 : f32 to vector<1000x128xf32>
    %ge3A_122 = arith.cmpf oge, %add3A_119, %ge3A_121 : vector<1000x128xf32>
    %broadcast_in_dim3A_123 = vector.shape_cast %get3A_53 : vector<128xf32> to vector<1x128xf32>
    %lt3A_124 = vector.broadcast %broadcast_in_dim3A_123 : vector<1x128xf32> to vector<1000x128xf32>
    %lt3A_125 = arith.cmpf olt, %add3A_119, %lt3A_124 : vector<1000x128xf32>
    %and3A_126 = arith.andi %ge3A_122, %lt3A_125 : vector<1000x128xi1>
    %sub3A_127 = arith.constant 1.000000e+00 : f32
    %sub3A_128 = vector.broadcast %sub3A_127 : f32 to vector<128xf32>
    %sub3A_129 = arith.subf %get3A_53, %sub3A_128 : vector<128xf32>
    %jit3A_130 = arith.constant 0.000000e+00 : f32
    %max3A_131 = vector.broadcast %jit3A_130 : f32 to vector<1000x128xf32>
    %max3A_132 = arith.maximumf %max3A_131, %add3A_119 : vector<1000x128xf32>
    %broadcast_in_dim3A_133 = vector.shape_cast %sub3A_129 : vector<128xf32> to vector<1x128xf32>
    %min3A_134 = vector.broadcast %broadcast_in_dim3A_133 : vector<1x128xf32> to vector<1000x128xf32>
    %min3A_135 = arith.minimumf %min3A_134, %max3A_132 : vector<1000x128xf32>
    %and3A_136 = arith.andi %and3A, %and3A_126 : vector<1000x128xi1>
    %mul3A_137 = arith.mulf %sub3A_75, %sub3A : vector<1000x128xf32>
    %mul3A_138 = arith.mulf %mul3A_137, %div3A : vector<1000x128xf32>
    %jit3A_139 = arith.constant 0.000000e+00 : f32
    %broadcast_in_dim3A_140 = vector.broadcast %jit3A_139 : f32 to vector<1000x128xf32>
    %select_n3A_141 = arith.select %and3A_136, %mul3A_138, %broadcast_in_dim3A_140 : vector<1000x128xi1>, vector<1000x128xf32>
    %add3A_142 = arith.addf %add3A_80, %min3A_135 : vector<1000x128xf32>
    %convert_element_type3A_143 = arith.fptosi %add3A_142 : vector<1000x128xf32> to vector<1000x128xi32>
    %bitcast_convert_type3A_144 = tpu.bitcast %select_n3A_141 : vector<1000x128xf32> -> vector<1000x128xi32>
    %add3A_145 = arith.constant 32768 : i32
    %add3A_146 = vector.broadcast %add3A_145 : i32 to vector<1000x128xi32>
    %add3A_147 = arith.addi %bitcast_convert_type3A_144, %add3A_146 : vector<1000x128xi32>
    %and3A_148 = arith.constant -65536 : i32
    %and3A_149 = vector.broadcast %and3A_148 : i32 to vector<1000x128xi32>
    %and3A_150 = arith.andi %add3A_147, %and3A_149 : vector<1000x128xi32>
    %or3A_151 = arith.ori %and3A_150, %convert_element_type3A_143 : vector<1000x128xi32>
    %swap3A_152 = arith.constant 0 : index
    %swap3A_153 = arith.constant 128 : index
    %swap3A_154 = vector.load %arg10[%swap3A_152, %swap3A_153] : memref<1000x512xi32, #tpu.memory_space<vmem>>, vector<1000x128xi32>
    tpu.vector_store %arg10[%swap3A_152, %swap3A_153], %or3A_151 {strides = array<i32>} : memref<1000x512xi32, #tpu.memory_space<vmem>>, vector<1000x128xi32>,
    %add3A_155 = arith.constant 1.000000e+00 : f32
    %add3A_156 = vector.broadcast %add3A_155 : f32 to vector<1000x128xf32>
    %add3A_157 = arith.addf %floor3A_58, %add3A_156 : vector<1000x128xf32>
    %ge3A_158 = arith.constant 0.000000e+00 : f32
    %ge3A_159 = vector.broadcast %ge3A_158 : f32 to vector<1000x128xf32>
    %ge3A_160 = arith.cmpf oge, %add3A_157, %ge3A_159 : vector<1000x128xf32>
    %broadcast_in_dim3A_161 = vector.shape_cast %get3A_55 : vector<128xf32> to vector<1x128xf32>
    %lt3A_162 = vector.broadcast %broadcast_in_dim3A_161 : vector<1x128xf32> to vector<1000x128xf32>
    %lt3A_163 = arith.cmpf olt, %add3A_157, %lt3A_162 : vector<1000x128xf32>
    %and3A_164 = arith.andi %ge3A_160, %lt3A_163 : vector<1000x128xi1>
    %sub3A_165 = arith.constant 1.000000e+00 : f32
    %sub3A_166 = vector.broadcast %sub3A_165 : f32 to vector<128xf32>
    %sub3A_167 = arith.subf %get3A_55, %sub3A_166 : vector<128xf32>
    %jit3A_168 = arith.constant 0.000000e+00 : f32
    %max3A_169 = vector.broadcast %jit3A_168 : f32 to vector<1000x128xf32>
    %max3A_170 = arith.maximumf %max3A_169, %add3A_157 : vector<1000x128xf32>
    %broadcast_in_dim3A_171 = vector.shape_cast %sub3A_167 : vector<128xf32> to vector<1x128xf32>
    %min3A_172 = vector.broadcast %broadcast_in_dim3A_171 : vector<1x128xf32> to vector<1000x128xf32>
    %min3A_173 = arith.minimumf %min3A_172, %max3A_170 : vector<1000x128xf32>
    %broadcast_in_dim3A_174 = vector.shape_cast %get3A_53 : vector<128xf32> to vector<1x128xf32>
    %mul3A_175 = vector.broadcast %broadcast_in_dim3A_174 : vector<1x128xf32> to vector<1000x128xf32>
    %mul3A_176 = arith.mulf %min3A_173, %mul3A_175 : vector<1000x128xf32>
    %broadcast_in_dim3A_177 = vector.shape_cast %get3A_57 : vector<128xf32> to vector<1x128xf32>
    %add3A_178 = vector.broadcast %broadcast_in_dim3A_177 : vector<1x128xf32> to vector<1000x128xf32>
    %add3A_179 = arith.addf %add3A_178, %mul3A_176 : vector<1000x128xf32>
    %add3A_180 = arith.constant 0.000000e+00 : f32
    %add3A_181 = vector.broadcast %add3A_180 : f32 to vector<1000x128xf32>
    %add3A_182 = arith.addf %floor3A, %add3A_181 : vector<1000x128xf32>
    %ge3A_183 = arith.constant 0.000000e+00 : f32
    %ge3A_184 = vector.broadcast %ge3A_183 : f32 to vector<1000x128xf32>
    %ge3A_185 = arith.cmpf oge, %add3A_182, %ge3A_184 : vector<1000x128xf32>
    %broadcast_in_dim3A_186 = vector.shape_cast %get3A_53 : vector<128xf32> to vector<1x128xf32>
    %lt3A_187 = vector.broadcast %broadcast_in_dim3A_186 : vector<1x128xf32> to vector<1000x128xf32>
    %lt3A_188 = arith.cmpf olt, %add3A_182, %lt3A_187 : vector<1000x128xf32>
    %and3A_189 = arith.andi %ge3A_185, %lt3A_188 : vector<1000x128xi1>
    %sub3A_190 = arith.constant 1.000000e+00 : f32
    %sub3A_191 = vector.broadcast %sub3A_190 : f32 to vector<128xf32>
    %sub3A_192 = arith.subf %get3A_53, %sub3A_191 : vector<128xf32>
    %jit3A_193 = arith.constant 0.000000e+00 : f32
    %max3A_194 = vector.broadcast %jit3A_193 : f32 to vector<1000x128xf32>
    %max3A_195 = arith.maximumf %max3A_194, %add3A_182 : vector<1000x128xf32>
    %broadcast_in_dim3A_196 = vector.shape_cast %sub3A_192 : vector<128xf32> to vector<1x128xf32>
    %min3A_197 = vector.broadcast %broadcast_in_dim3A_196 : vector<1x128xf32> to vector<1000x128xf32>
    %min3A_198 = arith.minimumf %min3A_197, %max3A_195 : vector<1000x128xf32>
    %sub3A_199 = arith.constant 1.000000e+00 : f32
    %sub3A_200 = vector.broadcast %sub3A_199 : f32 to vector<1000x128xf32>
    %sub3A_201 = arith.subf %sub3A_200, %sub3A : vector<1000x128xf32>
    %and3A_202 = arith.andi %and3A_164, %and3A_189 : vector<1000x128xi1>
    %mul3A_203 = arith.mulf %sub3A_59, %sub3A_201 : vector<1000x128xf32>
    %mul3A_204 = arith.mulf %mul3A_203, %div3A : vector<1000x128xf32>
    %jit3A_205 = arith.constant 0.000000e+00 : f32
    %broadcast_in_dim3A_206 = vector.broadcast %jit3A_205 : f32 to vector<1000x128xf32>
    %select_n3A_207 = arith.select %and3A_202, %mul3A_204, %broadcast_in_dim3A_206 : vector<1000x128xi1>, vector<1000x128xf32>
    %add3A_208 = arith.addf %add3A_179, %min3A_198 : vector<1000x128xf32>
    %convert_element_type3A_209 = arith.fptosi %add3A_208 : vector<1000x128xf32> to vector<1000x128xi32>
    %bitcast_convert_type3A_210 = tpu.bitcast %select_n3A_207 : vector<1000x128xf32> -> vector<1000x128xi32>
    %add3A_211 = arith.constant 32768 : i32
    %add3A_212 = vector.broadcast %add3A_211 : i32 to vector<1000x128xi32>
    %add3A_213 = arith.addi %bitcast_convert_type3A_210, %add3A_212 : vector<1000x128xi32>
    %and3A_214 = arith.constant -65536 : i32
    %and3A_215 = vector.broadcast %and3A_214 : i32 to vector<1000x128xi32>
    %and3A_216 = arith.andi %add3A_213, %and3A_215 : vector<1000x128xi32>
    %or3A_217 = arith.ori %and3A_216, %convert_element_type3A_209 : vector<1000x128xi32>
    %swap3A_218 = arith.constant 0 : index
    %swap3A_219 = arith.constant 256 : index
    %swap3A_220 = vector.load %arg10[%swap3A_218, %swap3A_219] : memref<1000x512xi32, #tpu.memory_space<vmem>>, vector<1000x128xi32>
    tpu.vector_store %arg10[%swap3A_218, %swap3A_219], %or3A_217 {strides = array<i32>} : memref<1000x512xi32, #tpu.memory_space<vmem>>, vector<1000x128xi32>,
    %add3A_221 = arith.constant 1.000000e+00 : f32
    %add3A_222 = vector.broadcast %add3A_221 : f32 to vector<1000x128xf32>
    %add3A_223 = arith.addf %floor3A, %add3A_222 : vector<1000x128xf32>
    %ge3A_224 = arith.constant 0.000000e+00 : f32
    %ge3A_225 = vector.broadcast %ge3A_224 : f32 to vector<1000x128xf32>
    %ge3A_226 = arith.cmpf oge, %add3A_223, %ge3A_225 : vector<1000x128xf32>
    %broadcast_in_dim3A_227 = vector.shape_cast %get3A_53 : vector<128xf32> to vector<1x128xf32>
    %lt3A_228 = vector.broadcast %broadcast_in_dim3A_227 : vector<1x128xf32> to vector<1000x128xf32>
    %lt3A_229 = arith.cmpf olt, %add3A_223, %lt3A_228 : vector<1000x128xf32>
    %and3A_230 = arith.andi %ge3A_226, %lt3A_229 : vector<1000x128xi1>
    %sub3A_231 = arith.constant 1.000000e+00 : f32
    %sub3A_232 = vector.broadcast %sub3A_231 : f32 to vector<128xf32>
    %sub3A_233 = arith.subf %get3A_53, %sub3A_232 : vector<128xf32>
    %jit3A_234 = arith.constant 0.000000e+00 : f32
    %max3A_235 = vector.broadcast %jit3A_234 : f32 to vector<1000x128xf32>
    %max3A_236 = arith.maximumf %max3A_235, %add3A_223 : vector<1000x128xf32>
    %broadcast_in_dim3A_237 = vector.shape_cast %sub3A_233 : vector<128xf32> to vector<1x128xf32>
    %min3A_238 = vector.broadcast %broadcast_in_dim3A_237 : vector<1x128xf32> to vector<1000x128xf32>
    %min3A_239 = arith.minimumf %min3A_238, %max3A_236 : vector<1000x128xf32>
    %and3A_240 = arith.andi %and3A_164, %and3A_230 : vector<1000x128xi1>
    %mul3A_241 = arith.mulf %sub3A_59, %sub3A : vector<1000x128xf32>
    %mul3A_242 = arith.mulf %mul3A_241, %div3A : vector<1000x128xf32>
    %jit3A_243 = arith.constant 0.000000e+00 : f32
    %broadcast_in_dim3A_244 = vector.broadcast %jit3A_243 : f32 to vector<1000x128xf32>
    %select_n3A_245 = arith.select %and3A_240, %mul3A_242, %broadcast_in_dim3A_244 : vector<1000x128xi1>, vector<1000x128xf32>
    %add3A_246 = arith.addf %add3A_179, %min3A_239 : vector<1000x128xf32>
    %convert_element_type3A_247 = arith.fptosi %add3A_246 : vector<1000x128xf32> to vector<1000x128xi32>
    %bitcast_convert_type3A_248 = tpu.bitcast %select_n3A_245 : vector<1000x128xf32> -> vector<1000x128xi32>
    %add3A_249 = arith.constant 32768 : i32
    %add3A_250 = vector.broadcast %add3A_249 : i32 to vector<1000x128xi32>
    %add3A_251 = arith.addi %bitcast_convert_type3A_248, %add3A_250 : vector<1000x128xi32>
    %and3A_252 = arith.constant -65536 : i32
    %and3A_253 = vector.broadcast %and3A_252 : i32 to vector<1000x128xi32>
    %and3A_254 = arith.andi %add3A_251, %and3A_253 : vector<1000x128xi32>
    %or3A_255 = arith.ori %and3A_254, %convert_element_type3A_247 : vector<1000x128xi32>
    %swap3A_256 = arith.constant 0 : index
    %swap3A_257 = arith.constant 384 : index
    %swap3A_258 = vector.load %arg10[%swap3A_256, %swap3A_257] : memref<1000x512xi32, #tpu.memory_space<vmem>>, vector<1000x128xi32>
    tpu.vector_store %arg10[%swap3A_256, %swap3A_257], %or3A_255 {strides = array<i32>} : memref<1000x512xi32, #tpu.memory_space<vmem>>, vector<1000x128xi32>,
    return
  }
  func.func @transform_0(%arg0: i32) -> (i32, i32) {
    %c0_i32 = arith.constant 0 : i32
    %c0_i32_0 = arith.constant 0 : i32
    return %arg0, %c0_i32 : i32, i32
  }
  func.func @transform_1(%arg0: i32) -> (i32, i32) {
    %c0_i32 = arith.constant 0 : i32
    %c0_i32_0 = arith.constant 0 : i32
    return %arg0, %c0_i32 : i32, i32
  }
  func.func @transform_2(%arg0: i32) -> (i32, i32) {
    %c0_i32 = arith.constant 0 : i32
    %c0_i32_0 = arith.constant 0 : i32
    return %arg0, %c0_i32 : i32, i32
  }
  func.func @transform_3(%arg0: i32) -> (i32, i32) {
    %c0_i32 = arith.constant 0 : i32
    %c0_i32_0 = arith.constant 0 : i32
    %c0_i32_1 = arith.constant 0 : i32
    return %c0_i32, %c0_i32_0 : i32, i32
  }
  func.func @transform_4(%arg0: i32) -> i32 {
    %c0_i32 = arith.constant 0 : i32
    %c0_i32_0 = arith.constant 0 : i32
    return %c0_i32 : i32
  }
  func.func @transform_5(%arg0: i32) -> i32 {
    %c0_i32 = arith.constant 0 : i32
    %c0_i32_0 = arith.constant 0 : i32
    return %c0_i32 : i32
  }
  func.func @transform_6(%arg0: i32) -> i32 {
    %c0_i32 = arith.constant 0 : i32
    %c0_i32_0 = arith.constant 0 : i32
    return %c0_i32 : i32
  }
  func.func @transform_7(%arg0: i32) -> i32 {
    %c0_i32 = arith.constant 0 : i32
    %c0_i32_0 = arith.constant 0 : i32
    return %c0_i32 : i32
  }
  func.func @transform_8(%arg0: i32) -> (i32, i32) {
    %c0_i32 = arith.constant 0 : i32
    %c0_i32_0 = arith.constant 0 : i32
    %c0_i32_1 = arith.constant 0 : i32
    return %c0_i32, %c0_i32_0 : i32, i32
  }
  func.func @transform_9(%arg0: i32) -> (i32, i32) {
    %c0_i32 = arith.constant 0 : i32
    %c0_i32_0 = arith.constant 0 : i32
    return %arg0, %c0_i32 : i32, i32
  }
}

module attributes {stable_mosaic.version = 14 : i64} {
  func.func @_vproj_body(%arg0: i32, %arg1: memref<1360x256xf32, #tpu.memory_space<vmem>>, %arg2: memref<256x256xf32, #tpu.memory_space<vmem>>, %arg3: memref<256xf32, #tpu.memory_space<vmem>>, %arg4: memref<1360x256xbf16, #tpu.memory_space<vmem>>) attributes {dimension_semantics = [#tpu.dimension_semantics<arbitrary>], iteration_bounds = array<i64: 4>, scalar_prefetch = 0 : i64, scratch_operands = 0 : i64, tpu.core_type = #tpu.core_type<tc>, window_params = [{transform_indices = @transform_0, window_bounds = array<i64: 1360, 256>}, {pipeline_mode = #tpu.pipeline_mode<synchronous>, transform_indices = @transform_1, window_bounds = array<i64: 256, 256>}, {pipeline_mode = #tpu.pipeline_mode<synchronous>, transform_indices = @transform_2, window_bounds = array<i64: 256>}, {transform_indices = @transform_3, window_bounds = array<i64: 1360, 256>}]} {
    %get3A = arith.constant 0 : index
    %get3A_0 = arith.constant 0 : index
    %get3A_1 = vector.load %arg1[%get3A, %get3A_0] : memref<1360x256xf32, #tpu.memory_space<vmem>>, vector<1360x256xf32>
    %get3A_2 = arith.constant 0 : index
    %get3A_3 = arith.constant 0 : index
    %get3A_4 = vector.load %arg2[%get3A_2, %get3A_3] : memref<256x256xf32, #tpu.memory_space<vmem>>, vector<256x256xf32>
    %dot_general3A = arith.constant dense<0.000000e+00> : vector<1360x256xf32>
    %dot_general3A_5 = tpu.matmul %get3A_1, %get3A_4, %dot_general3A {dimension_numbers = #tpu.dot_dimension_numbers<[1], [0], [0], [1], [0, 0, 1, 1], [], []>, transpose_lhs_hint = false} : vector<1360x256xf32>, vector<256x256xf32>, vector<1360x256xf32> -> vector<1360x256xf32>
    %get3A_6 = arith.constant 0 : index
    %get3A_7 = vector.load %arg3[%get3A_6] : memref<256xf32, #tpu.memory_space<vmem>>, vector<256xf32>
    %broadcast_in_dim3A = vector.shape_cast %get3A_7 : vector<256xf32> to vector<1x256xf32>
    %add3A = vector.broadcast %broadcast_in_dim3A : vector<1x256xf32> to vector<1360x256xf32>
    %add3A_8 = arith.addf %dot_general3A_5, %add3A : vector<1360x256xf32>
    %convert_element_type3A = arith.truncf %add3A_8 : vector<1360x256xf32> to vector<1360x256xbf16>
    %swap3A = arith.constant 0 : index
    %swap3A_9 = arith.constant 0 : index
    %swap3A_10 = vector.load %arg4[%swap3A, %swap3A_9] : memref<1360x256xbf16, #tpu.memory_space<vmem>>, vector<1360x256xbf16>
    tpu.vector_store %arg4[%swap3A, %swap3A_9], %convert_element_type3A {strides = array<i32>} : memref<1360x256xbf16, #tpu.memory_space<vmem>>, vector<1360x256xbf16>,
    return
  }
  func.func @transform_0(%arg0: i32) -> (i32, i32) {
    %c0_i32 = arith.constant 0 : i32
    %c0_i32_0 = arith.constant 0 : i32
    return %arg0, %c0_i32 : i32, i32
  }
  func.func @transform_1(%arg0: i32) -> (i32, i32) {
    %c0_i32 = arith.constant 0 : i32
    %c0_i32_0 = arith.constant 0 : i32
    %c0_i32_1 = arith.constant 0 : i32
    return %c0_i32, %c0_i32_0 : i32, i32
  }
  func.func @transform_2(%arg0: i32) -> i32 {
    %c0_i32 = arith.constant 0 : i32
    %c0_i32_0 = arith.constant 0 : i32
    return %c0_i32 : i32
  }
  func.func @transform_3(%arg0: i32) -> (i32, i32) {
    %c0_i32 = arith.constant 0 : i32
    %c0_i32_0 = arith.constant 0 : i32
    return %arg0, %c0_i32 : i32, i32
  }
}

module attributes {stable_mosaic.version = 14 : i64} {
  func.func @_outproj_body(%arg0: i32, %arg1: memref<1000x256xf32, #tpu.memory_space<vmem>>, %arg2: memref<256x256xf32, #tpu.memory_space<vmem>>, %arg3: memref<256xf32, #tpu.memory_space<vmem>>, %arg4: memref<1000x256xf32, #tpu.memory_space<vmem>>, %arg5: memref<1000x256xf32, #tpu.memory_space<vmem>>) attributes {dimension_semantics = [#tpu.dimension_semantics<arbitrary>], iteration_bounds = array<i64: 10>, scalar_prefetch = 0 : i64, scratch_operands = 0 : i64, tpu.core_type = #tpu.core_type<tc>, window_params = [{transform_indices = @transform_0, window_bounds = array<i64: 1000, 256>}, {pipeline_mode = #tpu.pipeline_mode<synchronous>, transform_indices = @transform_1, window_bounds = array<i64: 256, 256>}, {pipeline_mode = #tpu.pipeline_mode<synchronous>, transform_indices = @transform_2, window_bounds = array<i64: 256>}, {transform_indices = @transform_3, window_bounds = array<i64: 1000, 256>}, {transform_indices = @transform_4, window_bounds = array<i64: 1000, 256>}]} {
    %get3A = arith.constant 0 : index
    %get3A_0 = arith.constant 0 : index
    %get3A_1 = vector.load %arg1[%get3A, %get3A_0] : memref<1000x256xf32, #tpu.memory_space<vmem>>, vector<1000x256xf32>
    %get3A_2 = arith.constant 0 : index
    %get3A_3 = arith.constant 0 : index
    %get3A_4 = vector.load %arg2[%get3A_2, %get3A_3] : memref<256x256xf32, #tpu.memory_space<vmem>>, vector<256x256xf32>
    %dot_general3A = arith.constant dense<0.000000e+00> : vector<1000x256xf32>
    %dot_general3A_5 = tpu.matmul %get3A_1, %get3A_4, %dot_general3A {dimension_numbers = #tpu.dot_dimension_numbers<[1], [0], [0], [1], [0, 0, 1, 1], [], []>, transpose_lhs_hint = false} : vector<1000x256xf32>, vector<256x256xf32>, vector<1000x256xf32> -> vector<1000x256xf32>
    %get3A_6 = arith.constant 0 : index
    %get3A_7 = vector.load %arg3[%get3A_6] : memref<256xf32, #tpu.memory_space<vmem>>, vector<256xf32>
    %broadcast_in_dim3A = vector.shape_cast %get3A_7 : vector<256xf32> to vector<1x256xf32>
    %add3A = vector.broadcast %broadcast_in_dim3A : vector<1x256xf32> to vector<1000x256xf32>
    %add3A_8 = arith.addf %dot_general3A_5, %add3A : vector<1000x256xf32>
    %get3A_9 = arith.constant 0 : index
    %get3A_10 = arith.constant 0 : index
    %get3A_11 = vector.load %arg4[%get3A_9, %get3A_10] : memref<1000x256xf32, #tpu.memory_space<vmem>>, vector<1000x256xf32>
    %add3A_12 = arith.addf %add3A_8, %get3A_11 : vector<1000x256xf32>
    %swap3A = arith.constant 0 : index
    %swap3A_13 = arith.constant 0 : index
    %swap3A_14 = vector.load %arg5[%swap3A, %swap3A_13] : memref<1000x256xf32, #tpu.memory_space<vmem>>, vector<1000x256xf32>
    tpu.vector_store %arg5[%swap3A, %swap3A_13], %add3A_12 {strides = array<i32>} : memref<1000x256xf32, #tpu.memory_space<vmem>>, vector<1000x256xf32>,
    return
  }
  func.func @transform_0(%arg0: i32) -> (i32, i32) {
    %c0_i32 = arith.constant 0 : i32
    %c0_i32_0 = arith.constant 0 : i32
    return %arg0, %c0_i32 : i32, i32
  }
  func.func @transform_1(%arg0: i32) -> (i32, i32) {
    %c0_i32 = arith.constant 0 : i32
    %c0_i32_0 = arith.constant 0 : i32
    %c0_i32_1 = arith.constant 0 : i32
    return %c0_i32, %c0_i32_0 : i32, i32
  }
  func.func @transform_2(%arg0: i32) -> i32 {
    %c0_i32 = arith.constant 0 : i32
    %c0_i32_0 = arith.constant 0 : i32
    return %c0_i32 : i32
  }
  func.func @transform_3(%arg0: i32) -> (i32, i32) {
    %c0_i32 = arith.constant 0 : i32
    %c0_i32_0 = arith.constant 0 : i32
    return %arg0, %c0_i32 : i32, i32
  }
  func.func @transform_4(%arg0: i32) -> (i32, i32) {
    %c0_i32 = arith.constant 0 : i32
    %c0_i32_0 = arith.constant 0 : i32
    return %arg0, %c0_i32 : i32, i32
  }
}

</mosaic_0001>

<sc_bundles>
// kernel: kernel.6.cloned.1.call-start
scs
__scs_entry_jumppad:
0x0: {  	(pc) =	sbr.rel $0x88, $3  }
0x1: {  	(tag) =	ssettag $0x0;
	lr =	simm.s32 $0x1  }
0x2: {  	[smem:$0x3F95] =	sst lr;
	_ =	strace $0xD0000000  }
0x3: {  	_ = 	snop  }
0x4: {  	_ = 	snop  }
0x5: {  	_ = 	snop  }
0x6: {  	_ = 	snop  }
0x7: {  	_ = 	snop  }
__scs_overlays_trampoline_lowered:
0x8: {  	[smem:$0x3FA4] =	sst s0  }
0x9: {  	[smem:$0x3FA5] =	sst s1  }
0xa: {  	[smem:$0x3FA6] =	sst s2  }
0xb: {  	[smem:$0x3FA7] =	sst s3  }
0xc: {  	[smem:$0x3FA8] =	sst s4  }
0xd: {  	[smem:$0x3FA9] =	sst s5  }
0xe: {  	[smem:$0x3FAA] =	sst s6  }
0xf: {  	[smem:$0x3FAB] =	sst s7  }
0x10: {  	[smem:$0x3FAC] =	sst s8  }
0x11: {  	[smem:$0x3FAD] =	sst s9;
	s0 =	simm.s32 @!p0 $0x0  }
0x12: {  	s1 =	sld [smem:$0x3F93];
	s0 =	simm.s32 @p0 $0x1  }
0x13: {  	[smem:$0x3FAE] =	sst s0;
	s0 =	simm.s32 @!p1 $0x0  }
0x14: {  	s2 =	sld [smem:$0x3F92];
	s0 =	simm.s32 @p1 $0x1  }
0x15: {  	[smem:$0x3FAF] =	sst s0;
	s0 =	simm.s32 @!p2 $0x0  }
0x16: {  	s3 =	sld [smem:$0x3FDB];
	s0 =	simm.s32 @p2 $0x1  }
0x17: {  	s4 =	simm.s32 $0x1BF5;
	[smem:$0x3FB1] =	sst s0  }
0x18: {  	s0 =	sld [smem:$0x3F94];
	_ =	swait.ge [sflag:s4], $0x0  }
0x19: {  	s7 =	sld [smem:$0x3F95]  }
0x1a: {  	s8 =	sadd.s32 $0xFFFFE003, lr  }
0x1b: {  	s9 =	sadd.s32 $0xFFFFFEF7, lr;
	s5 =	simm.s32 $0xFFFFFFFF;
	p2 =	slt.u32 s8, $0xFFFFF086  }
0x1c: {  	p1 =	slt.u32 s9, $0xF7A;
	s5 =	simm.s32 @!p2 $0x0  }
0x1d: {  	s5 =	simm.s32 @p1 $0x1;
	p0 =	seq.s32 s7, s2  }
0x1e: {  	s7 =	smul.u32 @!p0 $0xF7A, s2;
	p2 =	seq.s32 @!p0 s5, $0x0  }
0x1f: {  	s9 =	smul.u32 $0xF7A, s1;
	s8 =	simm.s32 @!p0 $0x1BF5;
	p2 =	por !p2, p0  }
0x20: {  	[sflag:s8] =	ssyncset.s32 @!p0 $0xFFFFF086;
	s6 =	sadd.s32 @!p0 s3, s7;
	s7 =	simm.s32 @!p0 $0x108  }
0x21: {  	s3 =	sadd.s32 s3, s9;
	s6 =	sadd.s32 @!p0 $0x88, s6;
	s7 =	simm.s32 @p2 $0x1082  }
0x22: {  	[simem:s7], [sflag:s8] =	dma.local @!p0 [hbm:s6], $0xF7A  }
0x23: {  	s9 =	sor.u32 $0xD0000000, s2;
	s6 =	simm.s32 $0x108;
	_ =	swait.ge @!p0 [sflag:s8], $0x0  }
0x24: {  	s3 =	sadd.s32 $0x88, s3;
	s6 =	simm.s32 @!p1 $0x1082;
	[sflag:s4] =	ssyncset.s32 $0xFFFFF086  }
0x25: {  	[simem:s6], [sflag:s4] =	dma.local [hbm:s3], $0xF7A  }
0x26: {  	[smem:$0x3F95] =	sst s1;
	(tag) =	ssettag s2;
	_ =	strace s9  }
0x27: {  	s1 =	sld [smem:$0x3FA5]  }
0x28: {  	s2 =	sld [smem:$0x3FA6]  }
0x29: {  	s4 =	sld [smem:$0x3FA8]  }
0x2a: {  	p0 =	seq.s32 s5, $0x0;
	s5 =	sld [smem:$0x3FA9]  }
0x2b: {  	s6 =	sld [smem:$0x3FAA]  }
0x2c: {  	s7 =	sld [smem:$0x3FAB]  }
0x2d: {  	s3 =	simm.s32 $0x108;
	s8 =	sld [smem:$0x3FAC]  }
0x2e: {  	s3 =	simm.s32 @!p0 $0x1082;
	s9 =	sld [smem:$0x3FAD]  }
0x2f: {  	lr =	sadd.s32 s0, s3;
	s0 =	sld [smem:$0x3FA4]  }
0x30: {  	s3 =	sld [smem:$0x3FA7]  }
0x31: {  	[smem:$0x3FB0] =	sst s10  }
0x32: {  	s10 =	sld [smem:$0x3FAE];
	_ =	sdelay $0x3  }
0x33: {  	p0 =	seq.s32 s10, $0x1;
	s10 =	sld [smem:$0x3FB0];
	_ =	sdelay $0x3  }
0x34: {  	[smem:$0x3FB0] =	sst s10  }
0x35: {  	s10 =	sld [smem:$0x3FAF];
	_ =	sdelay $0x3  }
0x36: {  	p1 =	seq.s32 s10, $0x1;
	s10 =	sld [smem:$0x3FB0];
	_ =	sdelay $0x3  }
0x37: {  	[smem:$0x3FB0] =	sst s10  }
0x38: {  	s10 =	sld [smem:$0x3FB1]  }
0x39: {  	_ = 	snop;
	(pc) =	sbr.ind lr, $3  }
0x3a: {  	_ = 	snop  }
0x3b: {  	_ = 	snop  }
0x3c: {  	p2 =	seq.s32 s10, $0x1;
	s10 =	sld [smem:$0x3FB0]  }
0x3d: {  	_ =	shalt  }
0x3e: {  	_ =	shalt  }
0x3f: {  	_ =	shalt  }
0x40: {  	_ =	shalt  }
0x41: {  	_ =	shalt  }
0x42: {  	_ =	shalt  }
0x43: {  	_ =	shalt  }
0x44: {  	_ =	shalt  }
0x45: {  	_ =	shalt  }
0x46: {  	_ =	shalt  }
0x47: {  	_ =	shalt  }
0x48: {  	_ =	shalt  }
0x49: {  	_ =	shalt  }
0x4a: {  	_ =	shalt  }
0x4b: {  	_ =	shalt  }
0x4c: {  	_ =	shalt  }
0x4d: {  	_ =	shalt  }
0x4e: {  	_ =	shalt  }
0x4f: {  	_ =	shalt  }
0x50: {  	_ =	shalt  }
0x51: {  	_ =	shalt  }
0x52: {  	_ =	shalt  }
0x53: {  	_ =	shalt  }
0x54: {  	_ =	shalt  }
0x55: {  	_ =	shalt  }
0x56: {  	_ =	shalt  }
0x57: {  	_ =	shalt  }
0x58: {  	_ =	shalt  }
0x59: {  	_ =	shalt  }
0x5a: {  	_ =	shalt  }
0x5b: {  	_ =	shalt  }
0x5c: {  	_ =	shalt  }
0x5d: {  	_ =	shalt  }
0x5e: {  	_ =	shalt  }
0x5f: {  	_ =	shalt  }
0x60: {  	_ =	shalt  }
0x61: {  	_ =	shalt  }
0x62: {  	_ =	shalt  }
0x63: {  	_ =	shalt  }
0x64: {  	_ =	shalt  }
0x65: {  	_ =	shalt  }
0x66: {  	_ =	shalt  }
0x67: {  	_ =	shalt  }
0x68: {  	_ =	shalt  }
0x69: {  	_ =	shalt  }
0x6a: {  	_ =	shalt  }
0x6b: {  	_ =	shalt  }
0x6c: {  	_ =	shalt  }
0x6d: {  	_ =	shalt  }
0x6e: {  	_ =	shalt  }
0x6f: {  	_ =	shalt  }
0x70: {  	_ =	shalt  }
0x71: {  	_ =	shalt  }
0x72: {  	_ =	shalt  }
0x73: {  	_ =	shalt  }
0x74: {  	_ =	shalt  }
0x75: {  	_ =	shalt  }
0x76: {  	_ =	shalt  }
0x77: {  	_ =	shalt  }
0x78: {  	_ =	shalt  }
0x79: {  	_ =	shalt  }
0x7a: {  	_ =	shalt  }
0x7b: {  	_ =	shalt  }
0x7c: {  	_ =	shalt  }
0x7d: {  	_ =	shalt  }
0x7e: {  	_ =	shalt  }
0x7f: {  	_ =	shalt  }
0x80: {  	_ =	shalt  }
0x81: {  	_ =	shalt  }
0x82: {  	_ =	shalt  }
0x83: {  	_ =	shalt  }
0x84: {  	_ =	shalt  }
0x85: {  	_ =	shalt  }
0x86: {  	_ =	shalt  }
0x87: {  	_ =	shalt  }
.Lfunc_end0:
.L_simem_size_0:
called_computation_lowered:
.L_overlay_start_0:
0x88: {  	s2 =	sld [smem:$0x3FD9]  }
0x89: {  	s3 =	sld [smem:$0x3FFE];
	_ =	sdelay $0x1  }
0x8a: {  	s1 =	srdreg.scid  }
0x8b: {  	s0 =	sand.u32 $0x1, s1  }
0x8c: {  	s17 =	sshll.u32 s0, $0xA;
	s2 =	sadd.s32 s3, s2  }
0x8d: {  	s2 =	sadd.s32 s2, s17  }
0x8e: {  	[smem:$0x3FBC] =	sst s2  }
0x8f: {  	_ = 	snop  }
0x90: {  	s2 =	sld [smem:$0x3FD0];
	(tm) =	ssettm $0x1  }
0x91: {  	s18 =	sld [smem:$0x3FFB];
	_ =	sdelay $0x3  }
0x92: {  	_ =	strace s18  }
0x93: {  	s3 =	sld [smem:$0x3FFC];
	_ =	sdelay $0x3  }
0x94: {  	_ =	strace s3  }
0x95: {  	s3 =	sld [smem:$0x3FFD];
	_ =	sdelay $0x3  }
0x96: {  	_ =	strace s3  }
0x97: {  	_ =	strace $0x8FFFFFFF  }
0x98: {  	s19 =	sld [smem:$0x3FDB];
	_ =	sdelay $0x1  }
0x99: {  	s4 =	simm.s32 $_scs_section_size  }
0x9a: {  	s5 =	simm.s32 $_size__tile_overlayer_lowered;
	s6 =	simm.s32 $_tile_overlayer_lowered  }
0x9b: {  	s22 =	simm.s32 $0x1BFF;
	s21 =	sshll.u32 s6, $0x1;
	s3 =	sadd.s32 s4, s19  }
0x9c: {  	s7 =	simm.s32 $0x0;
	s20 =	sshll.u32 s5, $0x1;
	s5 =	sadd.s32 s21, s3  }
0x9d: {  	[timem:s7], [sflag:s22] =	dma.local [hbm:s5], s20  }
0x9e: {  	_ =	swait.ge [sflag:s22], s20  }
0x9f: {  	s4 =	ssub.s32 $0x0, s20;
	[sflag:s22] =	ssyncset.done $0x0  }
0xa0: {  	[sflag:s22] =	ssyncadd.s32 s4;
	_ =	sdelay $0x1  }
0xa1: {  	s23 =	simm.s32 $0x1B8B  }
0xa2: {  	_ =	swait.ge [sflag:s23], $0x1  }
0xa3: {  	[sflag:s23] =	ssyncset.done $0x0  }
0xa4: {  	s25 =	simm.s32 $0x1B8E;
	s24 =	sld [smem:$0x3FFE];
	[sflag:s23] =	ssyncadd.s32 $0xFFFFFFFF  }
0xa5: {  	s26 =	simm.s32 $execute0_lowered;
	[smem:$0x3FD2] =	sst s25  }
0xa6: {  	s5 =	sshll.u32 s26, $0x1;
	_ =	strace $0x80000046;
	[dreg:$0x1] =	wrdreg $0xFFFFFFFF  }
0xa7: {  	s28 =	simm.s32 $_size_execute0_lowered;
	s3 =	sadd.s32 s3, s5;
	[dreg:$0x0] =	wrdreg $0x0  }
0xa8: {  	s5 =	sshll.u32 s28, $0x1;
	[dreg:$0x2] =	wrdreg s3  }
0xa9: {  	[dreg:$0x3] =	wrdreg s5  }
0xaa: {  	[dreg:$0x4] =	wrdreg $0xC0  }
0xab: {  	_ =	task [dreg:s7], $0x5FFFF  }
0xac: {  	[dreg:$0x1] =	wrdreg $0xFFFFFFFF  }
0xad: {  	[dreg:$0x0] =	wrdreg $0x60  }
0xae: {  	[dreg:$0x2] =	wrdreg s24  }
0xaf: {  	[dreg:$0x3] =	wrdreg s2  }
0xb0: {  	[dreg:$0x4] =	wrdreg $0x9  }
0xb1: {  	_ =	task.clear_ibuf [dreg:s7], $0x5FFFF;
	_ =	strace $0x90000046  }
0xb2: {  	s29 =	simm.s32 $0x9;
	_ =	strace $0x80000048  }
0xb3: {  	_ =	swait.ge [sflag:s29], $0x1  }
0xb4: {  	[sflag:s29] =	ssyncadd.s32 $0xFFFFFFFF  }
0xb5: {  	_ =	strace $0x90000048  }
0xb6: {  	_ =	sfence  }
0xb7: {  	s30 =	sld [smem:$0x0];
	_ =	sdelay $0x2  }
0xb8: {  	s31 =	sshll.u32 s1, $0xD;
	s1 =	sshrl.u32 s1, $0x2  }
0xb9: {  	s3 =	sand.u32 $0x4000, s31;
	s1 =	sadd.s32 s1, s30  }
0xba: {  	s0 =	sor.u32 s3, s0;
	s1 =	sshll.u32 s1, $0x11  }
0xbb: {  	s0 =	sor.u32 s1, s0  }
0xbc: {  	s0 =	sadd.s32 $0x8F2B, s0  }
0xbd: {  	[sflag:s0] =	ssyncadd.remote.s32 $0x1  }
0xbe: {  	_ =	sfence.sel $0xFFFF  }
0xbf: {  	[dreg:$0x0] =	wrdreg $0xFFFFFFFF;
	(pc) =	sbr.abs _section_cstart, $3  }
0xc0: {  	[dreg:$0x1] =	wrdreg $0xFFFFFFFF  }
0xc1: {  	_ =	task.clear_ibuf [dreg:s7], $0x2FFFF;
	_ =	strace $0x9FFFFFFF  }
0xc2: {  	(tm) =	ssettm $0x7FFFFFFF  }
0xc3: {  	_ =	shalt  }
tec
execute0_lowered:
.L_overlay_start_1:
0x0: {  	(tag) =	ssettag $0x1  }
0x1: {  	s0 =	rddreg [dreg:$0x0]  }
0x2: {  	s20 =	rddreg [dreg:$0x1]  }
0x3: {  	s2 =	stileid.u32;
	s1 =	srdreg.scid  }
0x4: {  	s4 =	simm.s32 $0x0;
	s28 =	simm.s32 $0x200;
	s3 =	sshll.u32 s2, $0x1  }
0x5: {  	s1 =	sand.u32 $0x1, s1;
	[smem:$0x7FF] =	sst s4;
	s7 =	sshrl.u32 s2, $0x2  }
0x6: {  	s4 =	sadd.s32 $0x9E000, s0;
	s3 =	sand.u32 $0x6, s3;
	_ =	strace $0x80000047  }
0x7: {  	s2 =	smul.u32 $0x9C4, s7;
	s3 =	sor.u32 s1, s3;
	s1 =	ssub.s32 $0x2, s1  }
0x8: {  	s9 =	smul.u32 $0x138800, s7;
	s12 =	sshll.u32 s3, $0x1;
	s13 =	sshrl.u32 s1, $0x1  }
0x9: {  	s5 =	sshll.u32 s3, $0x4;
	s29 =	sadd.s32 $0x64, s2;
	s30 =	sadd.s32 $0x32, s2  }
0xa: {  	s31 =	sadd.s32 $0x96, s2;
	s8 =	sadd.s32 s12, s0;
	s0 =	ssub.s32 s1, s13  }
0xb: {  	s14 =	sor.u32 s9, s5;
	s6 =	sor.u32 $0x80, s5;
	[dreg:$0xc] =	wrdreg s29  }
0xc: {  	s11 =	sor.u32 $0x100, s5;
	s12 =	sor.u32 $0x180, s5;
	[dreg:$0xd] =	wrdreg s30  }
0xd: {  	[dreg:$0xe] =	wrdreg s31;
	s13 =	simm.s32 $0x100;
	s1 =	sshrl.u32 s14, $0x3  }
0xe: {  	s10 =	sor.u32 s9, s6;
	s15 =	sadd.s32 $0x1C00, s8;
	s17 =	sor.u32 s9, s11  }
0xf: {  	s18 =	sor.u32 s9, s12;
	s9 =	sadd.s32 $0x6400, s9;
	s0 =	smax.u32 s0, $0x1  }
0x10: {  	[dreg:$0x3] =	wrdreg s15;
	s1 =	sadd.s32 s4, s1;
	s16 =	sshrl.u32 s10, $0x3  }
0x11: {  	s8 =	sshrl.u32 s18, $0x3;
	s19 =	sor.u32 s9, s5;
	s23 =	sor.u32 s9, s6  }
0x12: {  	s24 =	sor.u32 s9, s11;
	s9 =	sor.u32 s9, s12;
	[dreg:$0xf] =	wrdreg s0  }
0x13: {  	s10 =	simm.s32 $0x20;
	s15 =	simm.s32 $0x2;
	[dreg:$0x4] =	wrdreg s1  }
0x14: {  	s1 =	sadd.s32 s4, s16;
	s21 =	sadd.s32 s4, s8;
	s22 =	sshrl.u32 s19, $0x3  }
0x15: {  	s8 =	sshrl.u32 s24, $0x3;
	[dreg:$0x5] =	wrdreg s1;
	s1 =	sshrl.u32 s17, $0x3  }
0x16: {  	s26 =	sshrl.u32 s9, $0x3;
	[dreg:$0x7] =	wrdreg s21;
	s1 =	sadd.s32 s4, s1  }
0x17: {  	s19 =	sshll.u32 s3, $0x5;
	[dreg:$0x6] =	wrdreg s1;
	s1 =	sadd.s32 s4, s22  }
0x18: {  	s25 =	sadd.s32 s4, s8;
	[dreg:$0x8] =	wrdreg s1;
	s1 =	sshrl.u32 s23, $0x3  }
0x19: {  	s24 =	simm.s32 $0x10;
	[dreg:$0xa] =	wrdreg s25;
	s1 =	sadd.s32 s4, s1  }
0x1a: {  	s22 =	smov.u32 s2;
	[dreg:$0x9] =	wrdreg s1;
	s1 =	sadd.s32 s4, s26  }
0x1b: {  	s2 =	simm.s32 $0x0;
	[dreg:$0xb] =	wrdreg s1;
	s1 =	simm.s32 $0x1  }
.LBB2_1:
0x1c: {  	[dreg:$0x10] =	wrdreg s2;
	s0 =	simm.s32 $0x0  }
0x1d: {  	s30 =	rddreg [dreg:$0x3];
	s3 =	simm.s32 $0x80;
	s31 =	simm.s32 $0x5  }
0x1e: {  	[tilespmem:s0], [sflag:$0x5] =	stream.strided.gather [hbm4b:s30+s24], $0x15400, s3, s24, $0x38;
	[tilespmem:$0x17980] =	vst v63  }
0x1f: {  	_ =	swait.ge [sflag:s31], $0x15400  }
0x20: {  	[sflag:s31] =	ssyncset.done $0x0  }
0x21: {  	s3 =	simm.s32 $0x15400;
	s2 =	rddreg [dreg:$0x4];
	[sflag:s31] =	ssyncadd.s32 $0xFFFEAC00  }
0x22: {  	[tilespmem:s3], [sflag:$0x1] =	stream.strided.gather [hbm4b:s2+s24], $0x320, s28, s24, $0x38;
	[tilespmem:$0x17980] =	vst v63  }
0x23: {  	s8 =	simm.s32 $0x15720;
	s7 =	rddreg [dreg:$0x5]  }
0x24: {  	[tilespmem:s8], [sflag:$0x1] =	stream.strided.gather [hbm4b:s7+s24], $0x320, s28, s24, $0x38;
	[tilespmem:$0x17980] =	vst v63  }
0x25: {  	s14 =	simm.s32 $0x15A40;
	s9 =	rddreg [dreg:$0x6]  }
0x26: {  	[tilespmem:s14], [sflag:$0x1] =	stream.strided.gather [hbm4b:s9+s24], $0x320, s28, s24, $0x38;
	[tilespmem:$0x17980] =	vst v63  }
0x27: {  	s17 =	simm.s32 $0x15D60;
	s16 =	rddreg [dreg:$0x7]  }
0x28: {  	[tilespmem:s17], [sflag:$0x1] =	stream.strided.gather [hbm4b:s16+s24], $0x320, s28, s24, $0x38;
	[tilespmem:$0x17980] =	vst v63  }
0x29: {  	_ =	swait.ge [sflag:s1], $0x320  }
0x2a: {  	[sflag:s1] =	ssyncset.done $0x0  }
0x2b: {  	[sflag:s1] =	ssyncadd.s32 $0xFFFFFCE0  }
0x2c: {  	_ =	swait.ge [sflag:s1], $0x320  }
0x2d: {  	[sflag:s1] =	ssyncset.done $0x0  }
0x2e: {  	[sflag:s1] =	ssyncadd.s32 $0xFFFFFCE0  }
0x2f: {  	_ =	swait.ge [sflag:s1], $0x320  }
0x30: {  	[sflag:s1] =	ssyncset.done $0x0  }
0x31: {  	[sflag:s1] =	ssyncadd.s32 $0xFFFFFCE0  }
0x32: {  	_ =	swait.ge [sflag:s1], $0x320  }
0x33: {  	[sflag:s1] =	ssyncset.done $0x0  }
0x34: {  	s21 =	simm.s32 $0x16080;
	s18 =	rddreg [dreg:$0x8];
	[sflag:s1] =	ssyncadd.s32 $0xFFFFFCE0  }
0x35: {  	[tilespmem:s21], [sflag:$0x2] =	stream.strided.gather [hbm4b:s18+s24], $0x320, s28, s24, $0x38;
	[tilespmem:$0x17980] =	vst v63  }
0x36: {  	s25 =	simm.s32 $0x163A0;
	s23 =	rddreg [dreg:$0x9]  }
0x37: {  	[tilespmem:s25], [sflag:$0x2] =	stream.strided.gather [hbm4b:s23+s24], $0x320, s28, s24, $0x38;
	[tilespmem:$0x17980] =	vst v63  }
0x38: {  	s29 =	simm.s32 $0x166C0;
	s26 =	rddreg [dreg:$0xa]  }
0x39: {  	[tilespmem:s29], [sflag:$0x2] =	stream.strided.gather [hbm4b:s26+s24], $0x320, s28, s24, $0x38;
	[tilespmem:$0x17980] =	vst v63  }
0x3a: {  	s31 =	simm.s32 $0x169E0;
	s30 =	rddreg [dreg:$0xb];
	s26 =	simm.s32 $0x0  }
0x3b: {  	[tilespmem:s31], [sflag:$0x2] =	stream.strided.gather [hbm4b:s30+s24], $0x320, s28, s24, $0x38;
	[tilespmem:$0x17980] =	vst v63  }
.LBB2_2:
0x3c: {  	p0 =	seq.s32 s26, $0x0  }
0x3d: {  	s0 =	simm.s32 @!p0 $0x3  }
0x3e: {  	_ =	swait.ge @!p0 [sflag:s0], $0x640  }
0x3f: {  	s17 =	sshll.u32 s26, $0x1;
	s18 =	simm.s32 $0xFFFFFFFE;
	[sflag:s0] =	ssyncset.done @!p0 $0x0  }
0x40: {  	s23 =	simm.s32 $0x15A40;
	s14 =	simm.s32 $0x16D20;
	[sflag:s0] =	ssyncadd.s32 @!p0 $0xFFFFF9C0  }
.LBB2_3:
0x41: {  	v0 =	vld [tilespmem:s23+$0xFFFFF9C0];
	_ =	sdelay $0x4  }
0x42: {  	v1 =	vand.u32 $0xFFFF, v0  }
0x43: {  	v1 =	vshll.u32 v1, $0x4  }
0x44: {  	(v2sf) =	vpush v1, $0x1  }
0x45: {  	(v2sf) =	vpush v1, $0x0  }
0x46: {  	(v2sf) =	vpush v1, $0x3  }
0x47: {  	(v2sf) =	vpush v1, $0x2  }
0x48: {  	(v2sf) =	vpush v1, $0x5  }
0x49: {  	(v2sf) =	vpush v1, $0x4  }
0x4a: {  	(v2sf) =	vpush v1, $0x7;
	_ =	sdelay $0x1  }
0x4b: {  	(v2sf) =	vpush v1, $0x6;
	_ =	sdelay $0x1  }
0x4c: {  	(v2sf) =	vpush v1, $0x9  }
0x4d: {  	(v2sf) =	vpush v1, $0x8  }
0x4e: {  	v0 =	vand.u32 $0xFFFF0000, v0  }
0x4f: {  	v3 =	vbroadcast v0, $0x0;
	(v2sf) =	vpush v1, $0xB  }
0x50: {  	v13 =	vld [tilespmem:s23+$0xFFFFFCE0];
	v46 =	vbroadcast v0, $0x1;
	v8 =	vbroadcast v0, $0x2;
	(v2sf) =	vpush v1, $0xA  }
0x51: {  	v50 =	vbroadcast v0, $0x3;
	v53 =	vbroadcast v0, $0x4;
	s0 =	spop (v2sf)  }
0x52: {  	v58 =	vbroadcast v0, $0x5;
	v61 =	vbroadcast v0, $0x6;
	s3 =	spop (v2sf);
	v4 =	vld [tilespmem:s0+$0x0]  }
0x53: {  	v12 =	vbroadcast v0, $0x7;
	v19 =	vbroadcast v0, $0x8;
	(v2sf) =	vpush v1, $0xD;
	v2 =	vld [tilespmem:s3+$0x0];
	s16 =	spop (v2sf)  }
0x54: {  	v22 =	vbroadcast v0, $0x9;
	v26 =	vbroadcast v0, $0xA;
	s21 =	spop (v2sf)  }
0x55: {  	v20 =	vand.u32 $0xFFFF, v13;
	v29 =	vbroadcast v0, $0xB;
	v34 =	vbroadcast v0, $0xC;
	v9 =	vld [tilespmem:s16+$0x0];
	s25 =	spop (v2sf)  }
0x56: {  	v38 =	vbroadcast v0, $0xD;
	v43 =	vbroadcast v0, $0xE;
	(v2sf) =	vpush v1, $0xC;
	v6 =	vld [tilespmem:s21+$0x0];
	s29 =	spop (v2sf)  }
0x57: {  	v7 =	vshll.u32 v4, $0x10;
	v4 =	vand.u32 $0xFFFF0000, v4;
	s30 =	spop (v2sf);
	(v2sf) =	vpush v1, $0xF  }
0x58: {  	v5 =	vshll.u32 v2, $0x10;
	v2 =	vand.u32 $0xFFFF0000, v2;
	v7 =	vmul.f32 v7, v46  }
0x59: {  	v54 =	vld [tilespmem:s25+$0x0];
	v4 =	vmul.f32 v4, v46;
	s31 =	spop (v2sf);
	(v2sf) =	vpush v1, $0xE;
	v1 =	vshll.u32 v20, $0x4  }
0x5a: {  	v48 =	vld [tilespmem:s29+$0x0];
	v5 =	vmul.f32 v5, v3;
	v2 =	vmul.f32 v2, v3;
	v51 =	vshll.u32 v9, $0x10  }
0x5b: {  	v52 =	vand.u32 $0xFFFF0000, v9;
	s2 =	spop (v2sf);
	(v2sf) =	vpush v1, $0x1;
	v47 =	vshll.u32 v6, $0x10  }
0x5c: {  	v6 =	vand.u32 $0xFFFF0000, v6;
	s7 =	spop (v2sf);
	(v2sf) =	vpush v1, $0x0;
	v45 =	vadd.f32 $0.0e+00, v5  }
0x5d: {  	v62 =	vld [tilespmem:s30+$0x0];
	v2 =	vadd.f32 $0.0e+00, v2;
	v5 =	vmul.f32 v47, v8;
	v49 =	vmul.f32 v6, v8  }
0x5e: {  	v57 =	vld [tilespmem:s31+$0x0];
	v59 =	vshll.u32 v54, $0x10;
	v60 =	vand.u32 $0xFFFF0000, v54;
	s8 =	spop (v2sf);
	(v2sf) =	vpush v1, $0x3  }
0x5f: {  	v55 =	vshll.u32 v48, $0x10;
	v56 =	vand.u32 $0xFFFF0000, v48;
	s9 =	spop (v2sf);
	(v2sf) =	vpush v1, $0x2  }
0x60: {  	v48 =	vbroadcast v0, $0xF;
	v0 =	vand.u32 $0xFFFF0000, v13;
	v3 =	vadd.f32 v7, v45  }
0x61: {  	v18 =	vld [tilespmem:s2+$0x0];
	v2 =	vadd.f32 v4, v2;
	v4 =	vmul.f32 v51, v50;
	v6 =	vmul.f32 v55, v53  }
0x62: {  	v14 =	vshll.u32 v62, $0x10;
	v9 =	vand.u32 $0xFFFF0000, v62;
	s16 =	spop (v2sf);
	(v2sf) =	vpush v1, $0x5  }
0x63: {  	v15 =	vld [tilespmem:s7+$0x0];
	v55 =	vbroadcast v0, $0x0;
	v62 =	vbroadcast v0, $0x2;
	v63 =	vshll.u32 v57, $0x10  }
0x64: {  	v11 =	vand.u32 $0xFFFF0000, v57;
	v7 =	vmul.f32 v14, v12;
	v17 =	vmul.f32 v9, v12  }
0x65: {  	v25 =	vld [tilespmem:s8+$0x0];
	v3 =	vadd.f32 v5, v3;
	v2 =	vadd.f32 v49, v2;
	v5 =	vmul.f32 v52, v50  }
0x66: {  	s21 =	spop (v2sf);
	v32 =	vld [tilespmem:s16+$0x0];
	(v2sf) =	vpush v1, $0x4;
	v10 =	vmul.f32 v63, v61;
	v23 =	vshll.u32 v18, $0x10  }
0x67: {  	v3 =	vadd.f32 v4, v3;
	v2 =	vadd.f32 v5, v2;
	v4 =	vmul.f32 v56, v53  }
0x68: {  	v21 =	vshll.u32 v15, $0x10;
	v8 =	vand.u32 $0xFFFF0000, v15;
	v24 =	vmul.f32 v23, v22  }
0x69: {  	v3 =	vadd.f32 v6, v3;
	v2 =	vadd.f32 v4, v2;
	v4 =	vmul.f32 v59, v58  }
0x6a: {  	v5 =	vmul.f32 v60, v58;
	v31 =	vshll.u32 v25, $0x10;
	v33 =	vand.u32 $0xFFFF0000, v25  }
0x6b: {  	v25 =	vbroadcast v0, $0x5;
	v40 =	vshll.u32 v32, $0x10;
	v3 =	vadd.f32 v4, v3  }
0x6c: {  	v59 =	vbroadcast v0, $0x1;
	v2 =	vadd.f32 v5, v2;
	v5 =	vmul.f32 v11, v61;
	v11 =	vld [tilespmem:s21+$0x0]  }
0x6d: {  	v4 =	vand.u32 $0xFFFF0000, v18;
	s25 =	spop (v2sf);
	(v2sf) =	vpush v1, $0x7;
	v3 =	vadd.f32 v10, v3  }
0x6e: {  	v4 =	vmul.f32 v4, v22;
	v16 =	vadd.f32 v5, v2;
	s29 =	spop (v2sf);
	(v2sf) =	vpush v1, $0x6  }
0x6f: {  	v10 =	vld [tilespmem:s9+$0x0];
	v5 =	vmul.f32 v8, v19;
	(v2sf) =	vpush v1, $0x9;
	v3 =	vadd.f32 v7, v3  }
0x70: {  	v41 =	vld [tilespmem:s25+$0x0];
	s30 =	spop (v2sf);
	v2 =	vadd.f32 v17, v16;
	v7 =	vmul.f32 v21, v19;
	(v2sf) =	vpush v1, $0x8  }
0x71: {  	v16 =	vbroadcast v0, $0x3;
	v19 =	vbroadcast v0, $0x4;
	v35 =	vshll.u32 v11, $0x10  }
0x72: {  	s31 =	spop (v2sf);
	v36 =	vand.u32 $0xFFFF0000, v11;
	(v2sf) =	vpush v1, $0xB;
	v3 =	vadd.f32 v7, v3  }
0x73: {  	v37 =	vld [tilespmem:s29+$0x0];
	v2 =	vadd.f32 v5, v2;
	v5 =	vmul.f32 v31, v29;
	v8 =	vmul.f32 v35, v34  }
0x74: {  	s2 =	spop (v2sf);
	v39 =	vmul.f32 v36, v34;
	(v2sf) =	vpush v1, $0xA;
	v34 =	vbroadcast v0, $0x7  }
0x75: {  	v27 =	vshll.u32 v10, $0x10;
	v28 =	vand.u32 $0xFFFF0000, v10;
	v50 =	vshll.u32 v41, $0x10  }
0x76: {  	v53 =	vld [tilespmem:s30+$0x0];
	s7 =	spop (v2sf);
	v51 =	vand.u32 $0xFFFF0000, v41;
	(v2sf) =	vpush v1, $0xD;
	v3 =	vadd.f32 v24, v3  }
0x77: {  	v7 =	vmul.f32 v27, v26;
	v2 =	vadd.f32 v4, v2;
	v30 =	vmul.f32 v28, v26  }
0x78: {  	v46 =	vld [tilespmem:s31+$0x0];
	v4 =	vmul.f32 v33, v29;
	v44 =	vshll.u32 v37, $0x10;
	v52 =	vmul.f32 v50, v48  }
0x79: {  	v47 =	vand.u32 $0xFFFF0000, v37;
	v54 =	vmul.f32 v51, v48;
	v28 =	vbroadcast v0, $0x6  }
0x7a: {  	v63 =	vld [tilespmem:s2+$0x0];
	s8 =	spop (v2sf);
	(v2sf) =	vpush v1, $0xC;
	v45 =	vmul.f32 v44, v43;
	v49 =	vmul.f32 v47, v43  }
0x7b: {  	v36 =	vld [tilespmem:s23+$0x0];
	v61 =	vshll.u32 v53, $0x10;
	v6 =	vand.u32 $0xFFFF0000, v53;
	v44 =	vbroadcast v0, $0x9  }
0x7c: {  	v57 =	vld [tilespmem:s7+$0x0];
	v53 =	vbroadcast v0, $0xB;
	v3 =	vadd.f32 v7, v3;
	v2 =	vadd.f32 v30, v2  }
0x7d: {  	v7 =	vand.u32 $0xFFFF0000, v32;
	v56 =	vshll.u32 v46, $0x10;
	v11 =	vmul.f32 v6, v59  }
0x7e: {  	s9 =	spop (v2sf);
	(v2sf) =	vpush v1, $0xF;
	v42 =	vmul.f32 v7, v38;
	v58 =	vmul.f32 v56, v55  }
0x7f: {  	v17 =	vshll.u32 v63, $0x10;
	v18 =	vand.u32 $0xFFFF0000, v63;
	v2 =	vadd.f32 v4, v2  }
0x80: {  	v20 =	vld [tilespmem:s8+$0x0];
	v43 =	vand.u32 $0xFFFF, v36;
	v56 =	vbroadcast v0, $0xC;
	v3 =	vadd.f32 v5, v3  }
0x81: {  	v5 =	vmul.f32 v40, v38;
	v12 =	vshll.u32 v57, $0x10;
	v2 =	vadd.f32 v39, v2  }
0x82: {  	v14 =	vld [tilespmem:s9+$0x0];
	v15 =	vand.u32 $0xFFFF0000, v57;
	v7 =	vmul.f32 v17, v16;
	v3 =	vadd.f32 v8, v3  }
0x83: {  	v21 =	vmul.f32 v18, v16;
	v38 =	vbroadcast v0, $0x8;
	v2 =	vadd.f32 v42, v2  }
0x84: {  	v13 =	vmul.f32 v12, v62;
	v4 =	vmul.f32 v15, v62;
	v3 =	vadd.f32 v5, v3  }
0x85: {  	v26 =	vshll.u32 v20, $0x10;
	v27 =	vand.u32 $0xFFFF0000, v20;
	s16 =	spop (v2sf);
	v2 =	vadd.f32 v49, v2  }
0x86: {  	v62 =	vbroadcast v0, $0xD;
	v5 =	vand.u32 $0xFFFF0000, v46;
	s21 =	spop (v2sf);
	v29 =	vld [tilespmem:s16+$0x0];
	v3 =	vadd.f32 v45, v3  }
0x87: {  	v22 =	vshll.u32 v14, $0x10;
	v60 =	vmul.f32 v5, v55;
	v23 =	vld [tilespmem:s21+$0x0];
	s25 =	spop (v2sf);
	v2 =	vadd.f32 v54, v2  }
0x88: {  	v24 =	vand.u32 $0xFFFF0000, v14;
	v6 =	vmul.f32 v26, v25;
	s29 =	spop (v2sf);
	v40 =	vld [tilespmem:s25+$0x0];
	v3 =	vadd.f32 v52, v3  }
0x89: {  	v30 =	vmul.f32 v27, v25;
	(v2sf) =	vpush v1, $0xE;
	v32 =	vld [tilespmem:s29+$0x0];
	v2 =	vadd.f32 v60, v2  }
0x8a: {  	v46 =	vbroadcast v0, $0xA;
	v5 =	vmul.f32 v61, v59;
	s30 =	spop (v2sf);
	v3 =	vadd.f32 v58, v3  }
0x8b: {  	v47 =	vld [tilespmem:s30+$0x0];
	v35 =	vshll.u32 v29, $0x10;
	v37 =	vand.u32 $0xFFFF0000, v29;
	v2 =	vadd.f32 v11, v2  }
0x8c: {  	s31 =	spop (v2sf);
	v31 =	vshll.u32 v23, $0x10;
	v33 =	vand.u32 $0xFFFF0000, v23;
	v3 =	vadd.f32 v5, v3  }
0x8d: {  	v41 =	vld [tilespmem:s31+$0x0];
	v1 =	vmul.f32 v37, v34;
	v5 =	vmul.f32 v22, v19;
	v2 =	vadd.f32 v4, v2  }
0x8e: {  	v45 =	vshll.u32 v40, $0x10;
	v39 =	vshll.u32 v32, $0x10;
	v3 =	vadd.f32 v13, v3  }
0x8f: {  	v42 =	vand.u32 $0xFFFF0000, v32;
	v4 =	vmul.f32 v24, v19;
	v2 =	vadd.f32 v21, v2  }
0x90: {  	s2 =	spop (v2sf);
	v54 =	vshll.u32 v47, $0x10;
	v55 =	vand.u32 $0xFFFF0000, v47;
	v3 =	vadd.f32 v7, v3  }
0x91: {  	s7 =	spop (v2sf);
	v57 =	vld [tilespmem:s2+$0x0];
	v13 =	vbroadcast v0, $0xE;
	v0 =	vbroadcast v0, $0xF;
	v2 =	vadd.f32 v4, v2  }
0x92: {  	v50 =	vld [tilespmem:s7+$0x0];
	v48 =	vshll.u32 v41, $0x10;
	v51 =	vand.u32 $0xFFFF0000, v41;
	v3 =	vadd.f32 v5, v3  }
0x93: {  	v58 =	vmul.f32 v55, v53;
	v4 =	vmul.f32 v33, v28;
	v2 =	vadd.f32 v30, v2  }
0x94: {  	s8 =	spop (v2sf);
	v7 =	vmul.f32 v35, v34;
	v5 =	vmul.f32 v31, v28;
	v3 =	vadd.f32 v6, v3  }
0x95: {  	v14 =	vld [tilespmem:s8+$0x0];
	v49 =	vmul.f32 v48, v46;
	v52 =	vmul.f32 v51, v46;
	v2 =	vadd.f32 v4, v2  }
0x96: {  	v63 =	vshll.u32 v57, $0x10;
	v12 =	vand.u32 $0xFFFF0000, v57;
	v3 =	vadd.f32 v5, v3  }
0x97: {  	v59 =	vshll.u32 v50, $0x10;
	v2 =	vadd.f32 v1, v2;
	v1 =	vshll.u32 v43, $0x4  }
0x98: {  	v4 =	vmul.f32 v39, v38;
	v3 =	vadd.f32 v7, v3;
	(v2sf) =	vpush v1, $0x1  }
0x99: {  	v61 =	vand.u32 $0xFFFF0000, v50;
	v15 =	vmul.f32 v12, v62;
	(v2sf) =	vpush v1, $0x0  }
0x9a: {  	v19 =	vshll.u32 v14, $0x10;
	v3 =	vadd.f32 v4, v3;
	v4 =	vmul.f32 v45, v44  }
0x9b: {  	v20 =	vand.u32 $0xFFFF0000, v14;
	s9 =	spop (v2sf);
	v6 =	vmul.f32 v42, v38;
	(v2sf) =	vpush v1, $0x3  }
0x9c: {  	v60 =	vld [tilespmem:s9+$0x0];
	v5 =	vand.u32 $0xFFFF0000, v40;
	v3 =	vadd.f32 v4, v3;
	(v2sf) =	vpush v1, $0x2  }
0x9d: {  	v5 =	vmul.f32 v5, v44;
	v2 =	vadd.f32 v6, v2;
	(v2sf) =	vpush v1, $0x5  }
0x9e: {  	v7 =	vmul.f32 v54, v53;
	v3 =	vadd.f32 v49, v3;
	(v2sf) =	vpush v1, $0x4  }
0x9f: {  	v22 =	vmul.f32 v20, v0;
	v2 =	vadd.f32 v5, v2;
	(v2sf) =	vpush v1, $0x7  }
0xa0: {  	v5 =	vmul.f32 v59, v56;
	v3 =	vadd.f32 v7, v3;
	(v2sf) =	vpush v1, $0x6  }
0xa1: {  	v16 =	vshll.u32 v60, $0x10;
	v17 =	vand.u32 $0xFFFF0000, v60;
	v2 =	vadd.f32 v52, v2  }
0xa2: {  	v55 =	vld [tilespmem:s23+$0x320];
	v6 =	vmul.f32 v63, v62;
	v4 =	vmul.f32 v61, v56;
	v3 =	vadd.f32 v5, v3  }
0xa3: {  	v2 =	vadd.f32 v58, v2;
	(v2sf) =	vpush v1, $0x9;
	v5 =	vmul.f32 v16, v13  }
0xa4: {  	v3 =	vadd.f32 v6, v3;
	v6 =	vmul.f32 v19, v0;
	v0 =	vand.u32 $0xFFFF0000, v36  }
0xa5: {  	v2 =	vadd.f32 v4, v2;
	v4 =	vmul.f32 v17, v13;
	v23 =	vbroadcast v0, $0x0  }
0xa6: {  	v25 =	vbroadcast v0, $0x1;
	v30 =	vbroadcast v0, $0x2  }
0xa7: {  	v13 =	vand.u32 $0xFFFF, v55;
	v33 =	vbroadcast v0, $0x3;
	v38 =	vbroadcast v0, $0x4;
	s16 =	spop (v2sf)  }
0xa8: {  	v2 =	vadd.f32 v15, v2;
	v41 =	vbroadcast v0, $0x5;
	v46 =	vbroadcast v0, $0x6;
	s21 =	spop (v2sf);
	v21 =	vld [tilespmem:s16+$0x0]  }
0xa9: {  	v50 =	vbroadcast v0, $0x7;
	v57 =	vbroadcast v0, $0x8;
	(v2sf) =	vpush v1, $0x8;
	v18 =	vld [tilespmem:s21+$0x0]  }
0xaa: {  	v60 =	vbroadcast v0, $0x9;
	v3 =	vadd.f32 v5, v3;
	s25 =	spop (v2sf);
	(v2sf) =	vpush v1, $0xB  }
0xab: {  	v15 =	vbroadcast v0, $0xA;
	v2 =	vadd.f32 v4, v2;
	s29 =	spop (v2sf);
	v29 =	vld [tilespmem:s25+$0x0];
	(v2sf) =	vpush v1, $0xA  }
0xac: {  	v17 =	vbroadcast v0, $0xB;
	v3 =	vadd.f32 v6, v3;
	v26 =	vld [tilespmem:s29+$0x0];
	s30 =	spop (v2sf);
	(v2sf) =	vpush v1, $0xD  }
0xad: {  	v2 =	vadd.f32 v22, v2;
	s31 =	spop (v2sf);
	(v2sf) =	vpush v1, $0xC;
	v27 =	vshll.u32 v21, $0x10  }
0xae: {  	v37 =	vld [tilespmem:s30+$0x0];
	v28 =	vand.u32 $0xFFFF0000, v21;
	s2 =	spop (v2sf);
	(v2sf) =	vpush v1, $0xF;
	v24 =	vshll.u32 v18, $0x10  }
0xaf: {  	v34 =	vld [tilespmem:s31+$0x0];
	v5 =	vand.u32 $0xFFFF0000, v18;
	v6 =	vmul.f32 v27, v25;
	s7 =	spop (v2sf);
	(v2sf) =	vpush v1, $0xE  }
0xb0: {  	v4 =	vmul.f32 v24, v23;
	v5 =	vmul.f32 v5, v23;
	v35 =	vshll.u32 v29, $0x10  }
0xb1: {  	v45 =	vld [tilespmem:s2+$0x0];
	v36 =	vand.u32 $0xFFFF0000, v29;
	v23 =	vbroadcast v0, $0xC;
	v31 =	vshll.u32 v26, $0x10  }
0xb2: {  	v42 =	vld [tilespmem:s7+$0x0];
	v32 =	vand.u32 $0xFFFF0000, v26;
	v26 =	vbroadcast v0, $0xD;
	v3 =	vadd.f32 v4, v3  }
0xb3: {  	v2 =	vadd.f32 v5, v2;
	v4 =	vmul.f32 v28, v25;
	v5 =	vmul.f32 v32, v30  }
0xb4: {  	s8 =	spop (v2sf);
	v43 =	vshll.u32 v37, $0x10;
	v44 =	vand.u32 $0xFFFF0000, v37;
	v39 =	vshll.u32 v34, $0x10  }
0xb5: {  	v52 =	vld [tilespmem:s8+$0x0];
	v40 =	vand.u32 $0xFFFF0000, v34;
	v3 =	vadd.f32 v6, v3;
	v2 =	vadd.f32 v4, v2  }
0xb6: {  	v4 =	vmul.f32 v31, v30;
	v6 =	vmul.f32 v35, v33;
	v51 =	vshll.u32 v45, $0x10  }
0xb7: {  	v56 =	vand.u32 $0xFFFF0000, v45;
	v31 =	vbroadcast v0, $0xE;
	v47 =	vshll.u32 v42, $0x10  }
0xb8: {  	v48 =	vand.u32 $0xFFFF0000, v42;
	v54 =	vmul.f32 v51, v50;
	v58 =	vmul.f32 v56, v50  }
0xb9: {  	v3 =	vadd.f32 v4, v3;
	v2 =	vadd.f32 v5, v2;
	v4 =	vmul.f32 v36, v33  }
0xba: {  	v5 =	vmul.f32 v40, v38;
	v63 =	vshll.u32 v52, $0x10;
	v36 =	vbroadcast v0, $0xF  }
0xbb: {  	v35 =	vld [tilespmem:s23+$0xFFFFF9D0];
	s9 =	spop (v2sf);
	v3 =	vadd.f32 v6, v3;
	v2 =	vadd.f32 v4, v2;
	v4 =	vmul.f32 v39, v38  }
0xbc: {  	v0 =	vand.u32 $0xFFFF0000, v55;
	v11 =	vmul.f32 v63, v60;
	v6 =	vmul.f32 v43, v41;
	v49 =	vld [tilespmem:s9+$0x0]  }
0xbd: {  	v3 =	vadd.f32 v4, v3;
	v2 =	vadd.f32 v5, v2;
	v4 =	vmul.f32 v44, v41  }
0xbe: {  	v14 =	vand.u32 $0xFFFF0000, v52;
	v51 =	vbroadcast v0, $0x3;
	v43 =	vbroadcast v0, $0x1;
	s16 =	spop (v2sf)  }
0xbf: {  	v12 =	vld [tilespmem:s16+$0x0];
	v3 =	vadd.f32 v6, v3;
	v2 =	vadd.f32 v4, v2;
	v4 =	vmul.f32 v47, v46  }
0xc0: {  	v5 =	vmul.f32 v48, v46;
	s21 =	spop (v2sf);
	v41 =	vand.u32 $0xFFFF, v35;
	v48 =	vbroadcast v0, $0x2  }
0xc1: {  	v61 =	vld [tilespmem:s21+$0x0];
	v59 =	vshll.u32 v49, $0x10;
	v7 =	vand.u32 $0xFFFF0000, v49;
	v53 =	vadd.f32 v4, v3  }
0xc2: {  	s25 =	spop (v2sf);
	v2 =	vadd.f32 v5, v2;
	v5 =	vmul.f32 v59, v57;
	v62 =	vmul.f32 v7, v57  }
0xc3: {  	v21 =	vld [tilespmem:s25+$0x0];
	v7 =	vshll.u32 v13, $0x4;
	v3 =	vmul.f32 v14, v60;
	v4 =	vbroadcast v0, $0x0  }
0xc4: {  	s29 =	spop (v2sf);
	v57 =	vbroadcast v0, $0x4;
	(v2sf) =	vpush v7, $0x1;
	v20 =	vshll.u32 v12, $0x10  }
0xc5: {  	v18 =	vld [tilespmem:s29+$0x0];
	v6 =	vand.u32 $0xFFFF0000, v12;
	v1 =	vadd.f32 v54, v53;
	(v2sf) =	vpush v7, $0x0  }
0xc6: {  	s30 =	spop (v2sf);
	v2 =	vadd.f32 v58, v2;
	v16 =	vshll.u32 v61, $0x10;
	v9 =	vand.u32 $0xFFFF0000, v61  }
0xc7: {  	v33 =	vld [tilespmem:s30+$0x0];
	v22 =	vmul.f32 v6, v17;
	v8 =	vmul.f32 v16, v15;
	(v2sf) =	vpush v7, $0x3  }
0xc8: {  	s31 =	spop (v2sf);
	v19 =	vmul.f32 v9, v15;
	v28 =	vshll.u32 v21, $0x10;
	(v2sf) =	vpush v7, $0x2  }
0xc9: {  	v27 =	vld [tilespmem:s31+$0x0];
	v30 =	vand.u32 $0xFFFF0000, v21;
	v1 =	vadd.f32 v5, v1;
	v2 =	vadd.f32 v62, v2  }
0xca: {  	v5 =	vmul.f32 v20, v17;
	v24 =	vshll.u32 v18, $0x10;
	(v2sf) =	vpush v7, $0x5  }
0xcb: {  	v25 =	vand.u32 $0xFFFF0000, v18;
	v1 =	vadd.f32 v11, v1;
	(v2sf) =	vpush v7, $0x4  }
0xcc: {  	v29 =	vmul.f32 v28, v26;
	v38 =	vshll.u32 v33, $0x10;
	v2 =	vadd.f32 v3, v2  }
0xcd: {  	v3 =	vmul.f32 v24, v23;
	(v2sf) =	vpush v7, $0x7;
	v1 =	vadd.f32 v8, v1  }
0xce: {  	v32 =	vshll.u32 v27, $0x10;
	v2 =	vadd.f32 v19, v2;
	(v2sf) =	vpush v7, $0x6  }
0xcf: {  	v34 =	vand.u32 $0xFFFF0000, v27;
	(v2sf) =	vpush v7, $0x9;
	v1 =	vadd.f32 v5, v1  }
0xd0: {  	v2 =	vadd.f32 v22, v2;
	v5 =	vmul.f32 v25, v23;
	(v2sf) =	vpush v7, $0x8  }
0xd1: {  	v39 =	vmul.f32 v38, v36;
	(v2sf) =	vpush v7, $0xB;
	v1 =	vadd.f32 v3, v1  }
0xd2: {  	v2 =	vadd.f32 v5, v2;
	v5 =	vmul.f32 v30, v26;
	(v2sf) =	vpush v7, $0xA  }
0xd3: {  	v6 =	vmul.f32 v32, v31;
	(v2sf) =	vpush v7, $0xD;
	v1 =	vadd.f32 v29, v1;
	s2 =	spop (v2sf)  }
0xd4: {  	v3 =	vmul.f32 v34, v31;
	v2 =	vadd.f32 v5, v2;
	(v2sf) =	vpush v7, $0xC;
	s7 =	spop (v2sf);
	v40 =	vld [tilespmem:s2+$0x0]  }
0xd5: {  	v8 =	vand.u32 $0xFFFF0000, v33;
	v1 =	vadd.f32 v6, v1;
	(v2sf) =	vpush v7, $0xF;
	v37 =	vld [tilespmem:s7+$0x0]  }
0xd6: {  	v3 =	vadd.f32 v3, v2;
	v2 =	vshll.u32 v41, $0x4;
	(v2sf) =	vpush v7, $0xE;
	s8 =	spop (v2sf)  }
0xd7: {  	v60 =	vbroadcast v0, $0x5;
	v5 =	vmul.f32 v8, v36;
	(v2sf) =	vpush v2, $0x1;
	s16 =	spop (v2sf);
	v46 =	vld [tilespmem:s8+$0x0]  }
0xd8: {  	v15 =	vbroadcast v0, $0x6;
	v1 =	vadd.f32 v39, v1;
	(v2sf) =	vpush v2, $0x0;
	v44 =	vld [tilespmem:s16+$0x0]  }
0xd9: {  	v27 =	vbroadcast v0, $0x7;
	v3 =	vadd.f32 v5, v3;
	s9 =	spop (v2sf);
	(v2sf) =	vpush v2, $0x3  }
0xda: {  	s16 =	spop (v2sf);
	(v2sf) =	vpush v2, $0x2;
	v45 =	vshll.u32 v40, $0x10;
	v42 =	vshll.u32 v37, $0x10  }
0xdb: {  	v55 =	vld [tilespmem:s9+$0x0];
	v6 =	vand.u32 $0xFFFF0000, v37;
	v5 =	vmul.f32 v45, v43;
	v37 =	vbroadcast v0, $0x8  }
0xdc: {  	s2 =	spop (v2sf);
	v47 =	vand.u32 $0xFFFF0000, v40;
	v52 =	vld [tilespmem:s16+$0x0];
	v7 =	vmul.f32 v42, v4;
	v4 =	vmul.f32 v6, v4  }
0xdd: {  	s7 =	spop (v2sf);
	v54 =	vshll.u32 v46, $0x10;
	v56 =	vand.u32 $0xFFFF0000, v46;
	v49 =	vshll.u32 v44, $0x10  }
0xde: {  	s3 =	spop (v2sf);
	v50 =	vand.u32 $0xFFFF0000, v44;
	v3 =	vadd.f32 v4, v3;
	v4 =	vmul.f32 v47, v43  }
0xdf: {  	s8 =	spop (v2sf);
	v1 =	vadd.f32 v7, v1;
	v7 =	vmul.f32 v49, v48;
	v53 =	vmul.f32 v50, v48  }
0xe0: {  	v18 =	vld [tilespmem:s2+$0x0];
	s0 =	spop (v2sf);
	(v2sf) =	vpush v2, $0x5;
	v63 =	vshll.u32 v55, $0x10;
	v12 =	vand.u32 $0xFFFF0000, v55  }
0xe1: {  	v61 =	vld [tilespmem:s7+$0x0];
	s25 =	spop (v2sf);
	v58 =	vshll.u32 v52, $0x10;
	(v2sf) =	vpush v2, $0x4;
	v1 =	vadd.f32 v5, v1  }
0xe2: {  	v59 =	vand.u32 $0xFFFF0000, v52;
	v14 =	vmul.f32 v12, v60;
	v3 =	vadd.f32 v4, v3  }
0xe3: {  	v5 =	vmul.f32 v54, v51;
	v4 =	vmul.f32 v56, v51;
	v1 =	vadd.f32 v7, v1  }
0xe4: {  	v6 =	vmul.f32 v58, v57;
	v62 =	vmul.f32 v59, v57;
	v3 =	vadd.f32 v53, v3  }
0xe5: {  	s30 =	spop (v2sf);
	v26 =	vshll.u32 v18, $0x10;
	v8 =	vand.u32 $0xFFFF0000, v18;
	v1 =	vadd.f32 v5, v1  }
0xe6: {  	s31 =	spop (v2sf);
	v16 =	vshll.u32 v61, $0x10;
	v17 =	vand.u32 $0xFFFF0000, v61;
	v3 =	vadd.f32 v4, v3  }
0xe7: {  	v11 =	vmul.f32 v26, v27;
	s16 =	spop (v2sf);
	v5 =	vmul.f32 v63, v60;
	v1 =	vadd.f32 v6, v1  }
0xe8: {  	v19 =	vmul.f32 v16, v15;
	s29 =	spop (v2sf);
	v4 =	vmul.f32 v17, v15;
	v3 =	vadd.f32 v62, v3  }
0xe9: {  	s7 =	spop (v2sf);
	v6 =	vmul.f32 v8, v27;
	v5 =	vadd.f32 v5, v1;
	v1 =	vand.u32 $0xFFFF0000, v35  }
0xea: {  	s21 =	spop (v2sf);
	v21 =	vld [tilespmem:s7+$0x0];
	v20 =	vbroadcast v1, $0x0;
	v12 =	vbroadcast v1, $0x1  }
0xeb: {  	v13 =	vld [tilespmem:s21+$0x0];
	v3 =	vadd.f32 v14, v3;
	v14 =	vbroadcast v1, $0x2;
	v29 =	vbroadcast v1, $0x3  }
0xec: {  	v32 =	vbroadcast v1, $0x4;
	v39 =	vbroadcast v1, $0x5  }
0xed: {  	v56 =	vld [tilespmem:s3+$0x0];
	(v2sf) =	vpush v2, $0x7;
	s9 =	spop (v2sf);
	v46 =	vbroadcast v1, $0x6;
	v48 =	vbroadcast v1, $0x7  }
0xee: {  	(v2sf) =	vpush v2, $0x6;
	v15 =	vld [tilespmem:s9+$0x0];
	v58 =	vbroadcast v1, $0x8;
	v61 =	vbroadcast v1, $0x9  }
0xef: {  	v35 =	vld [tilespmem:s8+$0x0];
	v27 =	vbroadcast v1, $0xB;
	v5 =	vadd.f32 v19, v5;
	v3 =	vadd.f32 v4, v3  }
0xf0: {  	s21 =	spop (v2sf);
	v10 =	vand.u32 $0xFFFF0000, v21;
	v22 =	vshll.u32 v13, $0x10;
	v23 =	vand.u32 $0xFFFF0000, v13  }
0xf1: {  	v25 =	vld [tilespmem:s21+$0x0];
	v13 =	vshll.u32 v21, $0x10;
	v10 =	vmul.f32 v10, v12;
	v5 =	vadd.f32 v11, v5  }
0xf2: {  	v3 =	vadd.f32 v6, v3;
	v21 =	vshll.u32 v56, $0x10;
	v24 =	vmul.f32 v22, v20  }
0xf3: {  	v4 =	vmul.f32 v23, v20;
	v13 =	vmul.f32 v13, v12;
	s9 =	spop (v2sf);
	(v2sf) =	vpush v2, $0x9  }
0xf4: {  	v30 =	vshll.u32 v15, $0x10;
	v31 =	vand.u32 $0xFFFF0000, v15;
	v43 =	vshll.u32 v35, $0x10  }
0xf5: {  	v51 =	vand.u32 $0xFFFF0000, v35;
	v23 =	vbroadcast v1, $0xA;
	s21 =	spop (v2sf);
	(v2sf) =	vpush v2, $0x8  }
0xf6: {  	v28 =	vshll.u32 v25, $0x10;
	v9 =	vand.u32 $0xFFFF0000, v25;
	v33 =	vld [tilespmem:s9+$0x0];
	v7 =	vadd.f32 $0.0e+00, v24  }
0xf7: {  	v8 =	vmul.f32 v31, v29;
	v45 =	vmul.f32 v43, v37;
	v4 =	vadd.f32 $0.0e+00, v4;
	v16 =	vld [tilespmem:s21+$0x0]  }
0xf8: {  	v12 =	vmul.f32 v28, v14;
	(v2sf) =	vpush v2, $0xB;
	v7 =	vadd.f32 v13, v7  }
0xf9: {  	v9 =	vmul.f32 v9, v14;
	(v2sf) =	vpush v2, $0xA;
	v4 =	vadd.f32 v10, v4  }
0xfa: {  	v6 =	vmul.f32 v51, v37;
	v37 =	vbroadcast v1, $0xD;
	v7 =	vadd.f32 v12, v7  }
0xfb: {  	v4 =	vadd.f32 v9, v4;
	v9 =	vmul.f32 v30, v29;
	v13 =	vand.u32 $0xFFFF0000, v33  }
0xfc: {  	v34 =	vshll.u32 v16, $0x10;
	s8 =	spop (v2sf);
	(v2sf) =	vpush v2, $0xD;
	v44 =	vmul.f32 v13, v39;
	v13 =	vld [tilespmem:s23+$0xFFFFFCF0]  }
0xfd: {  	v38 =	vand.u32 $0xFFFF0000, v16;
	v7 =	vadd.f32 v9, v7;
	v36 =	vmul.f32 v34, v32;
	s9 =	spop (v2sf);
	v42 =	vld [tilespmem:s8+$0x0]  }
0xfe: {  	v4 =	vadd.f32 v8, v4;
	v8 =	vmul.f32 v38, v32;
	(v2sf) =	vpush v2, $0xC;
	v40 =	vld [tilespmem:s9+$0x0]  }
0xff: {  	v5 =	vadd.f32 v45, v5;
	v45 =	vbroadcast v0, $0x9;
	v41 =	vshll.u32 v33, $0x10  }
0x100: {  	v12 =	vmul.f32 v41, v39;
	v7 =	vadd.f32 v36, v7;
	v4 =	vadd.f32 v8, v4  }
0x101: {  	v3 =	vadd.f32 v6, v3;
	v41 =	vbroadcast v1, $0xE;
	v32 =	vbroadcast v1, $0xC  }
0x102: {  	v7 =	vadd.f32 v12, v7;
	v4 =	vadd.f32 v44, v4;
	v55 =	vand.u32 $0xFFFF, v13  }
0x103: {  	v12 =	vmul.f32 v21, v45;
	v50 =	vshll.u32 v42, $0x10;
	v47 =	vshll.u32 v40, $0x10;
	s21 =	spop (v2sf)  }
0x104: {  	v54 =	vand.u32 $0xFFFF0000, v42;
	v10 =	vand.u32 $0xFFFF0000, v40;
	v8 =	vmul.f32 v47, v46;
	s8 =	spop (v2sf);
	v53 =	vld [tilespmem:s21+$0x0]  }
0x105: {  	v52 =	vmul.f32 v50, v48;
	(v2sf) =	vpush v2, $0xF;
	v10 =	vmul.f32 v10, v46;
	v49 =	vld [tilespmem:s8+$0x0]  }
0x106: {  	(v2sf) =	vpush v2, $0xE;
	v2 =	vshll.u32 v55, $0x4;
	v7 =	vadd.f32 v8, v7  }
0x107: {  	v57 =	vmul.f32 v54, v48;
	v4 =	vadd.f32 v10, v4;
	s9 =	spop (v2sf);
	(v2sf) =	vpush v2, $0x1  }
0x108: {  	v5 =	vadd.f32 v12, v5;
	v10 =	vand.u32 $0xFFFF0000, v56;
	s21 =	spop (v2sf);
	(v2sf) =	vpush v2, $0x0  }
0x109: {  	v20 =	vld [tilespmem:s9+$0x0];
	v7 =	vadd.f32 v52, v7;
	v4 =	vadd.f32 v57, v4;
	v17 =	vshll.u32 v53, $0x10  }
0x10a: {  	v62 =	vld [tilespmem:s21+$0x0];
	v9 =	vand.u32 $0xFFFF0000, v53;
	v59 =	vshll.u32 v49, $0x10;
	v60 =	vand.u32 $0xFFFF0000, v49  }
0x10b: {  	v19 =	vmul.f32 v17, v61;
	s7 =	spop (v2sf);
	v22 =	vmul.f32 v9, v61;
	(v2sf) =	vpush v2, $0x3  }
0x10c: {  	v49 =	vbroadcast v1, $0xF;
	v1 =	vand.u32 $0xFFFF0000, v13;
	v8 =	vmul.f32 v59, v58  }
0x10d: {  	v63 =	vmul.f32 v60, v58;
	s8 =	spop (v2sf);
	(v2sf) =	vpush v2, $0x2;
	v52 =	vbroadcast v1, $0x0  }
0x10e: {  	v21 =	vld [tilespmem:s25+$0x0];
	v29 =	vshll.u32 v20, $0x10;
	v58 =	vmul.f32 v10, v45;
	v59 =	vbroadcast v1, $0x1  }
0x10f: {  	v30 =	vld [tilespmem:s7+$0x0];
	v24 =	vshll.u32 v62, $0x10;
	v25 =	vand.u32 $0xFFFF0000, v62;
	v9 =	vmul.f32 v29, v27  }
0x110: {  	v26 =	vld [tilespmem:s8+$0x0];
	v62 =	vbroadcast v1, $0x2;
	v18 =	vadd.f32 v8, v7;
	v4 =	vadd.f32 v63, v4  }
0x111: {  	v11 =	vmul.f32 v24, v23;
	v28 =	vmul.f32 v25, v23;
	v8 =	vand.u32 $0xFFFF0000, v20  }
0x112: {  	v3 =	vadd.f32 v58, v3;
	v25 =	vbroadcast v1, $0x4;
	v31 =	vmul.f32 v8, v27  }
0x113: {  	v6 =	vadd.f32 v19, v18;
	v4 =	vadd.f32 v22, v4;
	v22 =	vbroadcast v1, $0x3  }
0x114: {  	v39 =	vshll.u32 v30, $0x10;
	v40 =	vand.u32 $0xFFFF0000, v30;
	v30 =	vshll.u32 v21, $0x10  }
0x115: {  	v6 =	vadd.f32 v11, v6;
	v4 =	vadd.f32 v28, v4;
	v33 =	vshll.u32 v26, $0x10  }
0x116: {  	v36 =	vand.u32 $0xFFFF0000, v26;
	v8 =	vmul.f32 v39, v37;
	v43 =	vmul.f32 v40, v37;
	s9 =	spop (v2sf)  }
0x117: {  	v35 =	vmul.f32 v33, v32;
	(v2sf) =	vpush v2, $0x5;
	s21 =	spop (v2sf);
	v6 =	vadd.f32 v9, v6;
	v42 =	vld [tilespmem:s9+$0x0]  }
0x118: {  	v38 =	vmul.f32 v36, v32;
	v4 =	vadd.f32 v31, v4;
	(v2sf) =	vpush v2, $0x4;
	v34 =	vld [tilespmem:s21+$0x0]  }
0x119: {  	v31 =	vbroadcast v0, $0xA;
	s7 =	spop (v2sf);
	(v2sf) =	vpush v2, $0x7;
	v6 =	vadd.f32 v35, v6  }
0x11a: {  	v32 =	vbroadcast v1, $0x5;
	v4 =	vadd.f32 v38, v4;
	s8 =	spop (v2sf);
	(v2sf) =	vpush v2, $0x6  }
0x11b: {  	v53 =	vld [tilespmem:s7+$0x0];
	v35 =	vbroadcast v1, $0x6;
	v39 =	vmul.f32 v30, v31;
	v6 =	vadd.f32 v8, v6  }
0x11c: {  	v47 =	vld [tilespmem:s8+$0x0];
	v4 =	vadd.f32 v43, v4;
	v50 =	vshll.u32 v42, $0x10;
	v51 =	vand.u32 $0xFFFF0000, v42  }
0x11d: {  	v44 =	vshll.u32 v34, $0x10;
	v11 =	vmul.f32 v50, v49;
	v54 =	vmul.f32 v51, v49  }
0x11e: {  	v42 =	vld [tilespmem:s23+$0x10];
	v48 =	vand.u32 $0xFFFF0000, v34;
	v50 =	vbroadcast v0, $0xB;
	v51 =	vbroadcast v1, $0x8  }
0x11f: {  	v5 =	vadd.f32 v39, v5;
	s9 =	spop (v2sf);
	v46 =	vmul.f32 v44, v41;
	v7 =	vmul.f32 v48, v41  }
0x120: {  	v60 =	vshll.u32 v53, $0x10;
	v61 =	vand.u32 $0xFFFF0000, v53;
	v63 =	vld [tilespmem:s9+$0x0];
	v41 =	vbroadcast v1, $0x7  }
0x121: {  	s21 =	spop (v2sf);
	v55 =	vshll.u32 v47, $0x10;
	v9 =	vand.u32 $0xFFFF0000, v47;
	v6 =	vadd.f32 v46, v6  }
0x122: {  	v56 =	vld [tilespmem:s21+$0x0];
	v4 =	vadd.f32 v7, v4;
	v8 =	vmul.f32 v55, v52;
	v57 =	vmul.f32 v9, v52  }
0x123: {  	v49 =	vld [tilespmem:s0+$0x0];
	v7 =	vmul.f32 v60, v59;
	v60 =	vbroadcast v1, $0xA;
	v52 =	vand.u32 $0xFFFF, v42  }
0x124: {  	v6 =	vadd.f32 v11, v6;
	v4 =	vadd.f32 v54, v4;
	v54 =	vbroadcast v1, $0x9  }
0x125: {  	v23 =	vshll.u32 v63, $0x10;
	v24 =	vand.u32 $0xFFFF0000, v63;
	v63 =	vbroadcast v1, $0xB  }
0x126: {  	v6 =	vadd.f32 v8, v6;
	v4 =	vadd.f32 v57, v4;
	v8 =	vmul.f32 v61, v59  }
0x127: {  	v18 =	vshll.u32 v56, $0x10;
	v20 =	vand.u32 $0xFFFF0000, v56;
	s7 =	spop (v2sf);
	(v2sf) =	vpush v2, $0x9  }
0x128: {  	v9 =	vmul.f32 v24, v22;
	v57 =	vshll.u32 v49, $0x10;
	(v2sf) =	vpush v2, $0x8  }
0x129: {  	v10 =	vmul.f32 v18, v62;
	v16 =	vmul.f32 v57, v50;
	v6 =	vadd.f32 v7, v6  }
0x12a: {  	s8 =	spop (v2sf);
	v4 =	vadd.f32 v8, v4;
	v7 =	vmul.f32 v20, v62;
	(v2sf) =	vpush v2, $0xB  }
0x12b: {  	v26 =	vld [tilespmem:s7+$0x0];
	v8 =	vand.u32 $0xFFFF0000, v21;
	v5 =	vadd.f32 v16, v5;
	(v2sf) =	vpush v2, $0xA  }
0x12c: {  	v19 =	vld [tilespmem:s8+$0x0];
	s9 =	spop (v2sf);
	v8 =	vmul.f32 v8, v31;
	v6 =	vadd.f32 v10, v6;
	(v2sf) =	vpush v2, $0xD  }
0x12d: {  	v4 =	vadd.f32 v7, v4;
	v7 =	vmul.f32 v23, v22;
	s21 =	spop (v2sf);
	(v2sf) =	vpush v2, $0xC  }
0x12e: {  	v31 =	vbroadcast v1, $0xE;
	v36 =	vld [tilespmem:s9+$0x0];
	v22 =	vbroadcast v1, $0xC;
	v3 =	vadd.f32 v8, v3  }
0x12f: {  	v8 =	vand.u32 $0xFFFF0000, v49;
	v6 =	vadd.f32 v7, v6;
	v4 =	vadd.f32 v9, v4  }
0x130: {  	v29 =	vld [tilespmem:s21+$0x0];
	v8 =	vmul.f32 v8, v50;
	v33 =	vshll.u32 v26, $0x10;
	v34 =	vand.u32 $0xFFFF0000, v26  }
0x131: {  	v26 =	vbroadcast v1, $0xD;
	v27 =	vshll.u32 v19, $0x10;
	v28 =	vand.u32 $0xFFFF0000, v19  }
0x132: {  	v3 =	vadd.f32 v8, v3;
	v10 =	vmul.f32 v27, v25;
	v7 =	vmul.f32 v28, v25  }
0x133: {  	v44 =	vshll.u32 v36, $0x10;
	v45 =	vand.u32 $0xFFFF0000, v36;
	v36 =	vbroadcast v1, $0xF  }
0x134: {  	v6 =	vadd.f32 v10, v6;
	v4 =	vadd.f32 v7, v4;
	v10 =	vmul.f32 v34, v32  }
0x135: {  	v37 =	vshll.u32 v29, $0x10;
	v40 =	vand.u32 $0xFFFF0000, v29;
	v7 =	vmul.f32 v33, v32  }
0x136: {  	v47 =	vmul.f32 v45, v41;
	v9 =	vmul.f32 v40, v35;
	v4 =	vadd.f32 v10, v4;
	s25 =	spop (v2sf)  }
0x137: {  	v38 =	vmul.f32 v37, v35;
	v6 =	vadd.f32 v7, v6;
	(v2sf) =	vpush v2, $0xF;
	s7 =	spop (v2sf);
	v48 =	vld [tilespmem:s25+$0x0]  }
0x138: {  	v46 =	vadd.f32 v9, v4;
	(v2sf) =	vpush v2, $0xE;
	v2 =	vshll.u32 v52, $0x4;
	v43 =	vld [tilespmem:s7+$0x0]  }
0x139: {  	v12 =	vmul.f32 v44, v41;
	v6 =	vadd.f32 v38, v6;
	s8 =	spop (v2sf);
	(v2sf) =	vpush v2, $0x1  }
0x13a: {  	v1 =	vand.u32 $0xFFFF0000, v42;
	v4 =	vadd.f32 v47, v46;
	v46 =	vld [tilespmem:s31+$0x0];
	s9 =	spop (v2sf);
	(v2sf) =	vpush v2, $0x0  }
0x13b: {  	v49 =	vbroadcast v1, $0x1;
	v6 =	vadd.f32 v12, v6;
	v59 =	vld [tilespmem:s8+$0x0];
	s21 =	spop (v2sf);
	(v2sf) =	vpush v2, $0x3  }
0x13c: {  	v52 =	vbroadcast v1, $0x2;
	v55 =	vld [tilespmem:s9+$0x0];
	s25 =	spop (v2sf);
	(v2sf) =	vpush v2, $0x2;
	v56 =	vshll.u32 v48, $0x10  }
0x13d: {  	v7 =	vand.u32 $0xFFFF0000, v48;
	v53 =	vshll.u32 v43, $0x10;
	v58 =	vmul.f32 v56, v54  }
0x13e: {  	v20 =	vld [tilespmem:s21+$0x0];
	v13 =	vand.u32 $0xFFFF0000, v43;
	v7 =	vmul.f32 v7, v54;
	v43 =	vbroadcast v1, $0x0  }
0x13f: {  	v17 =	vld [tilespmem:s25+$0x0];
	v56 =	vshll.u32 v46, $0x10;
	v12 =	vmul.f32 v53, v51;
	v11 =	vmul.f32 v13, v51  }
0x140: {  	v19 =	vshll.u32 v59, $0x10;
	v21 =	vand.u32 $0xFFFF0000, v59;
	v59 =	vbroadcast v0, $0xC  }
0x141: {  	v61 =	vshll.u32 v55, $0x10;
	v62 =	vand.u32 $0xFFFF0000, v55;
	v6 =	vadd.f32 v12, v6  }
0x142: {  	v4 =	vadd.f32 v11, v4;
	v12 =	vmul.f32 v61, v60;
	v18 =	vmul.f32 v62, v60  }
0x143: {  	v11 =	vmul.f32 v19, v63;
	v28 =	vshll.u32 v20, $0x10;
	v6 =	vadd.f32 v58, v6  }
0x144: {  	v61 =	vbroadcast v1, $0x3;
	v23 =	vshll.u32 v17, $0x10;
	v4 =	vadd.f32 v7, v4  }
0x145: {  	v24 =	vand.u32 $0xFFFF0000, v17;
	v7 =	vmul.f32 v21, v63;
	v6 =	vadd.f32 v12, v6  }
0x146: {  	v13 =	vmul.f32 v23, v22;
	v27 =	vmul.f32 v24, v22;
	v4 =	vadd.f32 v18, v4;
	s3 =	spop (v2sf)  }
0x147: {  	v12 =	vand.u32 $0xFFFF0000, v20;
	(v2sf) =	vpush v2, $0x5;
	v6 =	vadd.f32 v11, v6;
	s7 =	spop (v2sf);
	v29 =	vld [tilespmem:s3+$0x0]  }
0x148: {  	v20 =	vbroadcast v1, $0x4;
	(v2sf) =	vpush v2, $0x4;
	v4 =	vadd.f32 v7, v4;
	v25 =	vld [tilespmem:s7+$0x0]  }
0x149: {  	v30 =	vmul.f32 v12, v26;
	s8 =	spop (v2sf);
	(v2sf) =	vpush v2, $0x7;
	v6 =	vadd.f32 v13, v6  }
0x14a: {  	v11 =	vmul.f32 v28, v26;
	v4 =	vadd.f32 v27, v4;
	s9 =	spop (v2sf);
	(v2sf) =	vpush v2, $0x6  }
0x14b: {  	v12 =	vand.u32 $0xFFFF0000, v46;
	v26 =	vbroadcast v1, $0x5;
	v41 =	vld [tilespmem:s8+$0x0];
	s21 =	spop (v2sf);
	(v2sf) =	vpush v2, $0x9  }
0x14c: {  	v34 =	vld [tilespmem:s9+$0x0];
	v6 =	vadd.f32 v11, v6;
	v4 =	vadd.f32 v30, v4;
	v38 =	vshll.u32 v29, $0x10  }
0x14d: {  	v39 =	vand.u32 $0xFFFF0000, v29;
	v29 =	vbroadcast v1, $0x6;
	v32 =	vshll.u32 v25, $0x10  }
0x14e: {  	v35 =	vand.u32 $0xFFFF0000, v25;
	v40 =	vmul.f32 v38, v36;
	v42 =	vmul.f32 v39, v36  }
0x14f: {  	s25 =	spop (v2sf);
	(v2sf) =	vpush v2, $0x8;
	v53 =	vld [tilespmem:s21+$0x0];
	v33 =	vmul.f32 v32, v31;
	v37 =	vmul.f32 v35, v31  }
0x150: {  	v51 =	vshll.u32 v41, $0x10;
	v10 =	vand.u32 $0xFFFF0000, v41;
	v41 =	vbroadcast v1, $0x8  }
0x151: {  	v44 =	vld [tilespmem:s25+$0x0];
	v45 =	vshll.u32 v34, $0x10;
	v8 =	vmul.f32 v51, v49;
	v54 =	vmul.f32 v10, v49  }
0x152: {  	v48 =	vand.u32 $0xFFFF0000, v34;
	v10 =	vmul.f32 v56, v59;
	v34 =	vmul.f32 v12, v59  }
0x153: {  	v59 =	vbroadcast v1, $0xB;
	v6 =	vadd.f32 v33, v6;
	v4 =	vadd.f32 v37, v4  }
0x154: {  	v36 =	vld [tilespmem:s30+$0x0];
	v47 =	vmul.f32 v45, v43;
	v50 =	vmul.f32 v48, v43;
	v62 =	vshll.u32 v53, $0x10  }
0x155: {  	v39 =	vld [tilespmem:s23+$0x330];
	v63 =	vand.u32 $0xFFFF0000, v53;
	v37 =	vbroadcast v1, $0x7;
	v48 =	vbroadcast v0, $0xD  }
0x156: {  	v55 =	vshll.u32 v44, $0x10;
	v60 =	vand.u32 $0xFFFF0000, v44;
	v11 =	vmul.f32 v62, v61  }
0x157: {  	v22 =	vmul.f32 v63, v61;
	v5 =	vadd.f32 v10, v5;
	v6 =	vadd.f32 v40, v6  }
0x158: {  	v3 =	vadd.f32 v34, v3;
	v62 =	vbroadcast v1, $0xC;
	v4 =	vadd.f32 v42, v4  }
0x159: {  	v57 =	vmul.f32 v55, v52;
	v7 =	vmul.f32 v60, v52;
	v6 =	vadd.f32 v47, v6  }
0x15a: {  	v45 =	vshll.u32 v36, $0x10;
	v49 =	vand.u32 $0xFFFF, v39;
	v4 =	vadd.f32 v50, v4;
	s31 =	spop (v2sf)  }
0x15b: {  	v52 =	vbroadcast v1, $0xA;
	(v2sf) =	vpush v2, $0xB;
	s3 =	spop (v2sf);
	v6 =	vadd.f32 v8, v6;
	v21 =	vld [tilespmem:s31+$0x0]  }
0x15c: {  	v10 =	vand.u32 $0xFFFF0000, v36;
	v4 =	vadd.f32 v54, v4;
	(v2sf) =	vpush v2, $0xA;
	v58 =	vld [tilespmem:s3+$0x0]  }
0x15d: {  	v13 =	vmul.f32 v45, v48;
	s7 =	spop (v2sf);
	(v2sf) =	vpush v2, $0xD;
	v6 =	vadd.f32 v57, v6  }
0x15e: {  	v10 =	vmul.f32 v10, v48;
	v4 =	vadd.f32 v7, v4;
	s8 =	spop (v2sf);
	(v2sf) =	vpush v2, $0xC  }
0x15f: {  	v50 =	vbroadcast v1, $0x9;
	v5 =	vadd.f32 v13, v5;
	v30 =	vld [tilespmem:s7+$0x0];
	s9 =	spop (v2sf);
	(v2sf) =	vpush v2, $0xF  }
0x160: {  	v24 =	vld [tilespmem:s8+$0x0];
	v6 =	vadd.f32 v11, v6;
	v4 =	vadd.f32 v22, v4;
	v27 =	vshll.u32 v21, $0x10  }
0x161: {  	v28 =	vand.u32 $0xFFFF0000, v21;
	v25 =	vand.u32 $0xFFFF0000, v58;
	v9 =	vmul.f32 v27, v26  }
0x162: {  	s21 =	spop (v2sf);
	v23 =	vshll.u32 v58, $0x10;
	v31 =	vmul.f32 v28, v26;
	v7 =	vmul.f32 v25, v20  }
0x163: {  	(v2sf) =	vpush v2, $0xE;
	v33 =	vld [tilespmem:s21+$0x0];
	v27 =	vbroadcast v1, $0xE;
	v8 =	vmul.f32 v23, v20  }
0x164: {  	v38 =	vshll.u32 v30, $0x10;
	v40 =	vand.u32 $0xFFFF0000, v30;
	v4 =	vadd.f32 v7, v4  }
0x165: {  	v23 =	vld [tilespmem:s29+$0x0];
	v32 =	vshll.u32 v24, $0x10;
	v35 =	vand.u32 $0xFFFF0000, v24;
	v11 =	vmul.f32 v38, v37  }
0x166: {  	v43 =	vld [tilespmem:s9+$0x0];
	v6 =	vadd.f32 v8, v6;
	v7 =	vmul.f32 v35, v29;
	v4 =	vadd.f32 v31, v4  }
0x167: {  	v3 =	vadd.f32 v10, v3;
	v2 =	vmul.f32 v40, v37;
	v8 =	vmul.f32 v32, v29  }
0x168: {  	v44 =	vand.u32 $0xFFFF0000, v33;
	v6 =	vadd.f32 v9, v6;
	v4 =	vadd.f32 v7, v4  }
0x169: {  	v32 =	vbroadcast v0, $0xE;
	v42 =	vshll.u32 v33, $0x10;
	v46 =	vmul.f32 v44, v41  }
0x16a: {  	v31 =	vshll.u32 v23, $0x10;
	v6 =	vadd.f32 v8, v6;
	v2 =	vadd.f32 v2, v4  }
0x16b: {  	v51 =	vshll.u32 v43, $0x10;
	v7 =	vmul.f32 v42, v41;
	v10 =	vmul.f32 v31, v32;
	s25 =	spop (v2sf)  }
0x16c: {  	v6 =	vadd.f32 v11, v6;
	v53 =	vld [tilespmem:s25+$0x0];
	v4 =	vadd.f32 v46, v2;
	v2 =	vshll.u32 v49, $0x4  }
0x16d: {  	v8 =	vand.u32 $0xFFFF0000, v43;
	s30 =	spop (v2sf);
	v5 =	vadd.f32 v10, v5;
	v10 =	vld [tilespmem:s16+$0x0];
	(v2sf) =	vpush v2, $0x1  }
0x16e: {  	v47 =	vld [tilespmem:s30+$0x0];
	v6 =	vadd.f32 v7, v6;
	v7 =	vmul.f32 v51, v50;
	(v2sf) =	vpush v2, $0x0  }
0x16f: {  	v24 =	vbroadcast v1, $0xD;
	v8 =	vmul.f32 v8, v50;
	s31 =	spop (v2sf)  }
0x170: {  	v1 =	vbroadcast v1, $0xF;
	v0 =	vbroadcast v0, $0xF;
	s3 =	spop (v2sf);
	v63 =	vld [tilespmem:s31+$0x0];
	v6 =	vadd.f32 v7, v6  }
0x171: {  	v43 =	vand.u32 $0xFFFF0000, v23;
	v56 =	vld [tilespmem:s3+$0x0];
	v4 =	vadd.f32 v8, v4;
	(v2sf) =	vpush v2, $0x3  }
0x172: {  	v60 =	vshll.u32 v53, $0x10;
	v61 =	vand.u32 $0xFFFF0000, v53;
	(v2sf) =	vpush v2, $0x2  }
0x173: {  	s7 =	spop (v2sf);
	v51 =	vshll.u32 v10, $0x10;
	v10 =	vand.u32 $0xFFFF0000, v10;
	v54 =	vshll.u32 v47, $0x10  }
0x174: {  	s8 =	spop (v2sf);
	v28 =	vld [tilespmem:s7+$0x0];
	v57 =	vand.u32 $0xFFFF0000, v47;
	v11 =	vmul.f32 v60, v59;
	v19 =	vmul.f32 v61, v59  }
0x175: {  	v21 =	vld [tilespmem:s8+$0x0];
	v55 =	vmul.f32 v54, v52;
	v58 =	vmul.f32 v57, v52;
	(v2sf) =	vpush v2, $0x5  }
0x176: {  	v25 =	vshll.u32 v63, $0x10;
	v26 =	vand.u32 $0xFFFF0000, v63;
	v20 =	vshll.u32 v56, $0x10  }
0x177: {  	v22 =	vand.u32 $0xFFFF0000, v56;
	(v2sf) =	vpush v2, $0x4;
	v29 =	vmul.f32 v26, v24  }
0x178: {  	v6 =	vadd.f32 v55, v6;
	v4 =	vadd.f32 v58, v4;
	v8 =	vmul.f32 v20, v62  }
0x179: {  	v7 =	vmul.f32 v22, v62;
	v35 =	vshll.u32 v28, $0x10;
	v36 =	vand.u32 $0xFFFF0000, v28  }
0x17a: {  	v30 =	vshll.u32 v21, $0x10;
	v33 =	vand.u32 $0xFFFF0000, v21;
	v13 =	vmul.f32 v35, v1  }
0x17b: {  	v38 =	vmul.f32 v36, v1;
	v1 =	vand.u32 $0xFFFF0000, v39;
	v6 =	vadd.f32 v11, v6  }
0x17c: {  	v4 =	vadd.f32 v19, v4;
	v11 =	vmul.f32 v25, v24;
	s9 =	spop (v2sf);
	(v2sf) =	vpush v2, $0x7  }
0x17d: {  	v12 =	vbroadcast v1, $0x0;
	v6 =	vadd.f32 v8, v6;
	s21 =	spop (v2sf);
	(v2sf) =	vpush v2, $0x6  }
0x17e: {  	v41 =	vbroadcast v1, $0x1;
	v46 =	vbroadcast v1, $0x2;
	v4 =	vadd.f32 v7, v4  }
0x17f: {  	v52 =	vbroadcast v1, $0x3;
	v8 =	vmul.f32 v30, v27;
	v6 =	vadd.f32 v11, v6  }
0x180: {  	v7 =	vmul.f32 v33, v27;
	v4 =	vadd.f32 v29, v4;
	v37 =	vld [tilespmem:s9+$0x0];
	s25 =	spop (v2sf);
	(v2sf) =	vpush v2, $0x9  }
0x181: {  	v55 =	vbroadcast v1, $0x4;
	v6 =	vadd.f32 v8, v6;
	v34 =	vld [tilespmem:s21+$0x0];
	s29 =	spop (v2sf);
	(v2sf) =	vpush v2, $0x8  }
0x182: {  	v59 =	vbroadcast v1, $0x5;
	v16 =	vbroadcast v1, $0x6;
	v4 =	vadd.f32 v7, v4  }
0x183: {  	v22 =	vbroadcast v1, $0x7;
	v28 =	vbroadcast v1, $0x8;
	v6 =	vadd.f32 v13, v6;
	v47 =	vld [tilespmem:s25+$0x0]  }
0x184: {  	v31 =	vbroadcast v1, $0x9;
	v4 =	vadd.f32 v38, v4;
	v40 =	vld [tilespmem:s29+$0x0];
	s30 =	spop (v2sf);
	(v2sf) =	vpush v2, $0xB  }
0x185: {  	v42 =	vshll.u32 v37, $0x10;
	v45 =	vand.u32 $0xFFFF0000, v37;
	v37 =	vbroadcast v1, $0xA  }
0x186: {  	v39 =	vshll.u32 v34, $0x10;
	v8 =	vand.u32 $0xFFFF0000, v34;
	v44 =	vmul.f32 v42, v41  }
0x187: {  	s31 =	spop (v2sf);
	(v2sf) =	vpush v2, $0xA;
	v54 =	vld [tilespmem:s30+$0x0];
	v7 =	vmul.f32 v39, v12;
	v8 =	vmul.f32 v8, v12  }
0x188: {  	v49 =	vld [tilespmem:s31+$0x0];
	v53 =	vshll.u32 v47, $0x10;
	v11 =	vand.u32 $0xFFFF0000, v47;
	v47 =	vbroadcast v1, $0xC  }
0x189: {  	v48 =	vshll.u32 v40, $0x10;
	v13 =	vand.u32 $0xFFFF0000, v40;
	v9 =	vmul.f32 v11, v52  }
0x18a: {  	v6 =	vadd.f32 v7, v6;
	v7 =	vmul.f32 v43, v32;
	v4 =	vadd.f32 v8, v4  }
0x18b: {  	v8 =	vmul.f32 v45, v41;
	v12 =	vmul.f32 v48, v46;
	s3 =	spop (v2sf);
	(v2sf) =	vpush v2, $0xD  }
0x18c: {  	v50 =	vmul.f32 v13, v46;
	v60 =	vshll.u32 v54, $0x10;
	s7 =	spop (v2sf);
	(v2sf) =	vpush v2, $0xC  }
0x18d: {  	v63 =	vand.u32 $0xFFFF0000, v54;
	v41 =	vbroadcast v1, $0xB;
	v56 =	vshll.u32 v49, $0x10  }
0x18e: {  	v57 =	vand.u32 $0xFFFF0000, v49;
	v6 =	vadd.f32 v44, v6;
	v3 =	vadd.f32 v7, v3  }
0x18f: {  	v62 =	vmul.f32 v60, v59;
	v4 =	vadd.f32 v8, v4;
	s8 =	spop (v2sf);
	(v2sf) =	vpush v2, $0xF  }
0x190: {  	v7 =	vmul.f32 v53, v52;
	v6 =	vadd.f32 v12, v6;
	v58 =	vld [tilespmem:s7+$0x0];
	s9 =	spop (v2sf);
	(v2sf) =	vpush v2, $0xE  }
0x191: {  	v18 =	vmul.f32 v63, v59;
	v11 =	vmul.f32 v56, v55;
	v4 =	vadd.f32 v50, v4  }
0x192: {  	v8 =	vmul.f32 v51, v0;
	v0 =	vmul.f32 v10, v0;
	v6 =	vadd.f32 v7, v6;
	v61 =	vld [tilespmem:s3+$0x0]  }
0x193: {  	v56 =	vbroadcast v1, $0xE;
	v4 =	vadd.f32 v9, v4;
	v7 =	vmul.f32 v57, v55  }
0x194: {  	v5 =	vadd.f32 v8, v5;
	v50 =	vbroadcast v1, $0xD;
	v6 =	vadd.f32 v11, v6;
	v20 =	vld [tilespmem:s9+$0x0]  }
0x195: {  	v1 =	vbroadcast v1, $0xF;
	v4 =	vadd.f32 v7, v4;
	v19 =	vshll.u32 v58, $0x10  }
0x196: {  	v25 =	vld [tilespmem:s8+$0x0];
	s16 =	spop (v2sf);
	v17 =	vadd.f32 v62, v6;
	v21 =	vand.u32 $0xFFFF0000, v58;
	v7 =	vmul.f32 v19, v16  }
0x197: {  	v4 =	vadd.f32 v18, v4;
	s21 =	spop (v2sf);
	v24 =	vshll.u32 v61, $0x10;
	v23 =	vmul.f32 v21, v16  }
0x198: {  	v27 =	vand.u32 $0xFFFF0000, v61;
	v30 =	vld [tilespmem:s21+$0x0];
	v26 =	vmul.f32 v24, v22;
	v2 =	vadd.f32 v7, v17  }
0x199: {  	v6 =	vmul.f32 v27, v22;
	v29 =	vshll.u32 v20, $0x10;
	v4 =	vadd.f32 v23, v4  }
0x19a: {  	v34 =	vld [tilespmem:s16+$0x0];
	v9 =	vand.u32 $0xFFFF0000, v20;
	v7 =	vmul.f32 v29, v28;
	v2 =	vadd.f32 v26, v2;
	s25 =	spop (v2sf)  }
0x19b: {  	v33 =	vshll.u32 v25, $0x10;
	v32 =	vmul.f32 v9, v28;
	v4 =	vadd.f32 v6, v4;
	s29 =	spop (v2sf)  }
0x19c: {  	v36 =	vand.u32 $0xFFFF0000, v25;
	v35 =	vmul.f32 v33, v31;
	v2 =	vadd.f32 v7, v2;
	v39 =	vld [tilespmem:s29+$0x0]  }
0x19d: {  	v38 =	vshll.u32 v30, $0x10;
	v6 =	vmul.f32 v36, v31;
	v4 =	vadd.f32 v32, v4  }
0x19e: {  	v40 =	vand.u32 $0xFFFF0000, v30;
	v7 =	vmul.f32 v38, v37;
	v2 =	vadd.f32 v35, v2;
	v44 =	vld [tilespmem:s25+$0x0];
	s30 =	spop (v2sf)  }
0x19f: {  	v43 =	vshll.u32 v34, $0x10;
	v42 =	vmul.f32 v40, v37;
	v4 =	vadd.f32 v6, v4;
	s31 =	spop (v2sf)  }
0x1a0: {  	v46 =	vand.u32 $0xFFFF0000, v34;
	v45 =	vmul.f32 v43, v41;
	v2 =	vadd.f32 v7, v2;
	v49 =	vld [tilespmem:s31+$0x0]  }
0x1a1: {  	v6 =	vmul.f32 v46, v41;
	v4 =	vadd.f32 v42, v4;
	v48 =	vshll.u32 v39, $0x10  }
0x1a2: {  	v53 =	vld [tilespmem:s30+$0x0];
	v2 =	vadd.f32 v45, v2;
	v9 =	vand.u32 $0xFFFF0000, v39;
	v7 =	vmul.f32 v48, v47  }
0x1a3: {  	v4 =	vadd.f32 v6, v4;
	v52 =	vshll.u32 v44, $0x10;
	v51 =	vmul.f32 v9, v47  }
0x1a4: {  	v55 =	vand.u32 $0xFFFF0000, v44;
	v54 =	vmul.f32 v52, v50;
	v2 =	vadd.f32 v7, v2  }
0x1a5: {  	v6 =	vmul.f32 v55, v50;
	v57 =	vshll.u32 v49, $0x10;
	v4 =	vadd.f32 v51, v4  }
0x1a6: {  	v58 =	vand.u32 $0xFFFF0000, v49;
	v7 =	vmul.f32 v57, v56;
	v2 =	vadd.f32 v54, v2  }
0x1a7: {  	s18 =	sadd.s32 $0x2, s18;
	v60 =	vshll.u32 v53, $0x10;
	v59 =	vmul.f32 v58, v56;
	v4 =	vadd.f32 v6, v4  }
0x1a8: {  	p1 =	slt.u32 s18, $0x30;
	v61 =	vand.u32 $0xFFFF0000, v53;
	v8 =	vmul.f32 v60, v1;
	v2 =	vadd.f32 v7, v2  }
.Ltmp0:
0x1a9: {  	v0 =	vadd.f32 v0, v3;
	v1 =	vmul.f32 v61, v1;
	v62 =	vadd.f32 v59, v4;
	(pc) =	sbr.rel @p1 .LBB2_3-.Ltmp0, $4  }
0x1aa: {  	[tilespmem:s14+$0xFFFFFFE0] =	vst v5;
	v2 =	vadd.f32 v8, v2  }
0x1ab: {  	[tilespmem:s14+$0xFFFFFFF0] =	vst v0;
	v63 =	vadd.f32 v1, v62  }
0x1ac: {  	[tilespmem:s14+$0x0] =	vst v2  }
0x1ad: {  	s23 =	sadd.s32 $0x20, s23;
	[tilespmem:s14+$0x10] =	vst v63;
	s14 =	sadd.s32 $0x40, s14  }
0x1ae: {  	s18 =	smul.u32 $0x64, s26;
	_ =	sdelay $0x1  }
0x1af: {  	s0 =	sadd.s32 s22, s18  }
0x1b0: {  	s0 =	sshll.u32 s0, $0x8  }
0x1b1: {  	s0 =	sor.u32 s19, s0  }
0x1b2: {  	s2 =	smin.u32 s17, $0x2F;
	s3 =	simm.s32 $0x16D00;
	s0 =	sshrl.u32 s0, $0x3  }
0x1b3: {  	s14 =	rddreg [dreg:$0xc];
	s2 =	smul.u32 $0x32, s2;
	s0 =	sadd.s32 s20, s0  }
0x1b4: {  	[hbm4b:s0+s10] =	stream.strided.scatter [tilespmem:s3], [sflag:$0x3], $0x640, s13, s10, $0x38;
	[tilespmem:$0x17980] =	vst v63  }
0x1b5: {  	s0 =	sadd.s32 s2, s14  }
0x1b6: {  	s0 =	sshll.u32 s0, $0x9  }
0x1b7: {  	s16 =	sor.u32 s5, s0  }
0x1b8: {  	s21 =	smov.u32 s20;
	s2 =	sshrl.u32 s16, $0x3  }
0x1b9: {  	s20 =	simm.s32 $0x15400;
	s23 =	sor.u32 s6, s0;
	s2 =	sadd.s32 s4, s2  }
0x1ba: {  	[tilespmem:s20], [sflag:$0x1] =	stream.strided.gather [hbm4b:s2+s24], $0x320, s28, s24, $0x38;
	[tilespmem:$0x17980] =	vst v63  }
0x1bb: {  	s2 =	sshrl.u32 s23, $0x3  }
0x1bc: {  	s25 =	simm.s32 $0x15720;
	s29 =	sor.u32 s11, s0;
	s2 =	sadd.s32 s4, s2  }
0x1bd: {  	[tilespmem:s25], [sflag:$0x1] =	stream.strided.gather [hbm4b:s2+s24], $0x320, s28, s24, $0x38;
	[tilespmem:$0x17980] =	vst v63  }
0x1be: {  	s0 =	sor.u32 s12, s0;
	s2 =	sshrl.u32 s29, $0x3  }
0x1bf: {  	s30 =	simm.s32 $0x15A40;
	s0 =	sshrl.u32 s0, $0x3;
	s2 =	sadd.s32 s4, s2  }
0x1c0: {  	[tilespmem:s30], [sflag:$0x1] =	stream.strided.gather [hbm4b:s2+s24], $0x320, s28, s24, $0x38;
	[tilespmem:$0x17980] =	vst v63  }
0x1c1: {  	s31 =	simm.s32 $0x15D60;
	s0 =	sadd.s32 s4, s0  }
0x1c2: {  	[tilespmem:s31], [sflag:$0x1] =	stream.strided.gather [hbm4b:s0+s24], $0x320, s28, s24, $0x38;
	[tilespmem:$0x17980] =	vst v63  }
0x1c3: {  	_ =	swait.ge [sflag:s15], $0x320  }
0x1c4: {  	[sflag:s15] =	ssyncset.done $0x0  }
0x1c5: {  	[sflag:s15] =	ssyncadd.s32 $0xFFFFFCE0  }
0x1c6: {  	_ =	swait.ge [sflag:s15], $0x320  }
0x1c7: {  	[sflag:s15] =	ssyncset.done $0x0  }
0x1c8: {  	[sflag:s15] =	ssyncadd.s32 $0xFFFFFCE0  }
0x1c9: {  	_ =	swait.ge [sflag:s15], $0x320  }
0x1ca: {  	[sflag:s15] =	ssyncset.done $0x0  }
0x1cb: {  	[sflag:s15] =	ssyncadd.s32 $0xFFFFFCE0  }
0x1cc: {  	_ =	swait.ge [sflag:s15], $0x320  }
0x1cd: {  	[sflag:s15] =	ssyncset.done $0x0  }
0x1ce: {  	s0 =	simm.s32 @!p0 $0x4;
	[sflag:s15] =	ssyncadd.s32 $0xFFFFFCE0  }
0x1cf: {  	_ =	swait.ge @!p0 [sflag:s0], $0x640  }
0x1d0: {  	s14 =	simm.s32 $0x166C0;
	[sflag:s0] =	ssyncset.done @!p0 $0x0  }
0x1d1: {  	s16 =	simm.s32 $0x17360;
	s23 =	simm.s32 $0xFFFFFFFE;
	[sflag:s0] =	ssyncadd.s32 @!p0 $0xFFFFF9C0  }
.LBB2_5:
0x1d2: {  	v0 =	vld [tilespmem:s14+$0xFFFFF9C0];
	_ =	sdelay $0x4  }
0x1d3: {  	v1 =	vand.u32 $0xFFFF, v0  }
0x1d4: {  	v1 =	vshll.u32 v1, $0x4  }
0x1d5: {  	(v2sf) =	vpush v1, $0x1  }
0x1d6: {  	(v2sf) =	vpush v1, $0x0  }
0x1d7: {  	(v2sf) =	vpush v1, $0x3  }
0x1d8: {  	(v2sf) =	vpush v1, $0x2  }
0x1d9: {  	(v2sf) =	vpush v1, $0x5  }
0x1da: {  	(v2sf) =	vpush v1, $0x4  }
0x1db: {  	(v2sf) =	vpush v1, $0x7;
	_ =	sdelay $0x1  }
0x1dc: {  	(v2sf) =	vpush v1, $0x6;
	_ =	sdelay $0x1  }
0x1dd: {  	(v2sf) =	vpush v1, $0x9  }
0x1de: {  	(v2sf) =	vpush v1, $0x8  }
0x1df: {  	v0 =	vand.u32 $0xFFFF0000, v0  }
0x1e0: {  	v3 =	vbroadcast v0, $0x0;
	(v2sf) =	vpush v1, $0xB  }
0x1e1: {  	v13 =	vld [tilespmem:s14+$0xFFFFFCE0];
	v46 =	vbroadcast v0, $0x1;
	v8 =	vbroadcast v0, $0x2;
	(v2sf) =	vpush v1, $0xA  }
0x1e2: {  	v50 =	vbroadcast v0, $0x3;
	v53 =	vbroadcast v0, $0x4;
	s0 =	spop (v2sf)  }
0x1e3: {  	v58 =	vbroadcast v0, $0x5;
	v61 =	vbroadcast v0, $0x6;
	s2 =	spop (v2sf);
	v4 =	vld [tilespmem:s0+$0x0]  }
0x1e4: {  	v12 =	vbroadcast v0, $0x7;
	v19 =	vbroadcast v0, $0x8;
	(v2sf) =	vpush v1, $0xD;
	v2 =	vld [tilespmem:s2+$0x0];
	s9 =	spop (v2sf)  }
0x1e5: {  	v22 =	vbroadcast v0, $0x9;
	v26 =	vbroadcast v0, $0xA;
	s20 =	spop (v2sf)  }
0x1e6: {  	v20 =	vand.u32 $0xFFFF, v13;
	v29 =	vbroadcast v0, $0xB;
	v34 =	vbroadcast v0, $0xC;
	v9 =	vld [tilespmem:s9+$0x0];
	s25 =	spop (v2sf)  }
0x1e7: {  	v38 =	vbroadcast v0, $0xD;
	v43 =	vbroadcast v0, $0xE;
	(v2sf) =	vpush v1, $0xC;
	v6 =	vld [tilespmem:s20+$0x0];
	s29 =	spop (v2sf)  }
0x1e8: {  	v7 =	vshll.u32 v4, $0x10;
	v4 =	vand.u32 $0xFFFF0000, v4;
	s30 =	spop (v2sf);
	(v2sf) =	vpush v1, $0xF  }
0x1e9: {  	v5 =	vshll.u32 v2, $0x10;
	v2 =	vand.u32 $0xFFFF0000, v2;
	v7 =	vmul.f32 v7, v46  }
0x1ea: {  	v54 =	vld [tilespmem:s25+$0x0];
	v4 =	vmul.f32 v4, v46;
	s31 =	spop (v2sf);
	(v2sf) =	vpush v1, $0xE;
	v1 =	vshll.u32 v20, $0x4  }
0x1eb: {  	v48 =	vld [tilespmem:s29+$0x0];
	v5 =	vmul.f32 v5, v3;
	v2 =	vmul.f32 v2, v3;
	v51 =	vshll.u32 v9, $0x10  }
0x1ec: {  	v52 =	vand.u32 $0xFFFF0000, v9;
	s3 =	spop (v2sf);
	(v2sf) =	vpush v1, $0x1;
	v47 =	vshll.u32 v6, $0x10  }
0x1ed: {  	v6 =	vand.u32 $0xFFFF0000, v6;
	s7 =	spop (v2sf);
	(v2sf) =	vpush v1, $0x0;
	v45 =	vadd.f32 $0.0e+00, v5  }
0x1ee: {  	v62 =	vld [tilespmem:s30+$0x0];
	v2 =	vadd.f32 $0.0e+00, v2;
	v5 =	vmul.f32 v47, v8;
	v49 =	vmul.f32 v6, v8  }
0x1ef: {  	v57 =	vld [tilespmem:s31+$0x0];
	v59 =	vshll.u32 v54, $0x10;
	v60 =	vand.u32 $0xFFFF0000, v54;
	s8 =	spop (v2sf);
	(v2sf) =	vpush v1, $0x3  }
0x1f0: {  	v55 =	vshll.u32 v48, $0x10;
	v56 =	vand.u32 $0xFFFF0000, v48;
	s9 =	spop (v2sf);
	(v2sf) =	vpush v1, $0x2  }
0x1f1: {  	v48 =	vbroadcast v0, $0xF;
	v0 =	vand.u32 $0xFFFF0000, v13;
	v3 =	vadd.f32 v7, v45  }
0x1f2: {  	v18 =	vld [tilespmem:s3+$0x0];
	v2 =	vadd.f32 v4, v2;
	v4 =	vmul.f32 v51, v50;
	v6 =	vmul.f32 v55, v53  }
0x1f3: {  	v14 =	vshll.u32 v62, $0x10;
	v9 =	vand.u32 $0xFFFF0000, v62;
	s20 =	spop (v2sf);
	(v2sf) =	vpush v1, $0x5  }
0x1f4: {  	v15 =	vld [tilespmem:s7+$0x0];
	v55 =	vbroadcast v0, $0x0;
	v62 =	vbroadcast v0, $0x2;
	v63 =	vshll.u32 v57, $0x10  }
0x1f5: {  	v11 =	vand.u32 $0xFFFF0000, v57;
	v7 =	vmul.f32 v14, v12;
	v17 =	vmul.f32 v9, v12  }
0x1f6: {  	v25 =	vld [tilespmem:s8+$0x0];
	v3 =	vadd.f32 v5, v3;
	v2 =	vadd.f32 v49, v2;
	v5 =	vmul.f32 v52, v50  }
0x1f7: {  	s25 =	spop (v2sf);
	v32 =	vld [tilespmem:s20+$0x0];
	(v2sf) =	vpush v1, $0x4;
	v10 =	vmul.f32 v63, v61;
	v23 =	vshll.u32 v18, $0x10  }
0x1f8: {  	v3 =	vadd.f32 v4, v3;
	v2 =	vadd.f32 v5, v2;
	v4 =	vmul.f32 v56, v53  }
0x1f9: {  	v21 =	vshll.u32 v15, $0x10;
	v8 =	vand.u32 $0xFFFF0000, v15;
	v24 =	vmul.f32 v23, v22  }
0x1fa: {  	v3 =	vadd.f32 v6, v3;
	v2 =	vadd.f32 v4, v2;
	v4 =	vmul.f32 v59, v58  }
0x1fb: {  	v5 =	vmul.f32 v60, v58;
	v31 =	vshll.u32 v25, $0x10;
	v33 =	vand.u32 $0xFFFF0000, v25  }
0x1fc: {  	v25 =	vbroadcast v0, $0x5;
	v40 =	vshll.u32 v32, $0x10;
	v3 =	vadd.f32 v4, v3  }
0x1fd: {  	v59 =	vbroadcast v0, $0x1;
	v2 =	vadd.f32 v5, v2;
	v5 =	vmul.f32 v11, v61;
	v11 =	vld [tilespmem:s25+$0x0]  }
0x1fe: {  	v4 =	vand.u32 $0xFFFF0000, v18;
	s29 =	spop (v2sf);
	(v2sf) =	vpush v1, $0x7;
	v3 =	vadd.f32 v10, v3  }
0x1ff: {  	v4 =	vmul.f32 v4, v22;
	v16 =	vadd.f32 v5, v2;
	s30 =	spop (v2sf);
	(v2sf) =	vpush v1, $0x6  }
0x200: {  	v10 =	vld [tilespmem:s9+$0x0];
	v5 =	vmul.f32 v8, v19;
	(v2sf) =	vpush v1, $0x9;
	v3 =	vadd.f32 v7, v3  }
0x201: {  	v41 =	vld [tilespmem:s29+$0x0];
	s31 =	spop (v2sf);
	v2 =	vadd.f32 v17, v16;
	v7 =	vmul.f32 v21, v19;
	(v2sf) =	vpush v1, $0x8  }
0x202: {  	v16 =	vbroadcast v0, $0x3;
	v19 =	vbroadcast v0, $0x4;
	v35 =	vshll.u32 v11, $0x10  }
0x203: {  	s3 =	spop (v2sf);
	v36 =	vand.u32 $0xFFFF0000, v11;
	(v2sf) =	vpush v1, $0xB;
	v3 =	vadd.f32 v7, v3  }
0x204: {  	v37 =	vld [tilespmem:s30+$0x0];
	v2 =	vadd.f32 v5, v2;
	v5 =	vmul.f32 v31, v29;
	v8 =	vmul.f32 v35, v34  }
0x205: {  	s7 =	spop (v2sf);
	v39 =	vmul.f32 v36, v34;
	(v2sf) =	vpush v1, $0xA;
	v34 =	vbroadcast v0, $0x7  }
0x206: {  	v27 =	vshll.u32 v10, $0x10;
	v28 =	vand.u32 $0xFFFF0000, v10;
	v50 =	vshll.u32 v41, $0x10  }
0x207: {  	v53 =	vld [tilespmem:s31+$0x0];
	s8 =	spop (v2sf);
	v51 =	vand.u32 $0xFFFF0000, v41;
	(v2sf) =	vpush v1, $0xD;
	v3 =	vadd.f32 v24, v3  }
0x208: {  	v7 =	vmul.f32 v27, v26;
	v2 =	vadd.f32 v4, v2;
	v30 =	vmul.f32 v28, v26  }
0x209: {  	v46 =	vld [tilespmem:s3+$0x0];
	v4 =	vmul.f32 v33, v29;
	v44 =	vshll.u32 v37, $0x10;
	v52 =	vmul.f32 v50, v48  }
0x20a: {  	v47 =	vand.u32 $0xFFFF0000, v37;
	v54 =	vmul.f32 v51, v48;
	v28 =	vbroadcast v0, $0x6  }
0x20b: {  	v63 =	vld [tilespmem:s7+$0x0];
	s9 =	spop (v2sf);
	(v2sf) =	vpush v1, $0xC;
	v45 =	vmul.f32 v44, v43;
	v49 =	vmul.f32 v47, v43  }
0x20c: {  	v36 =	vld [tilespmem:s14+$0x0];
	v61 =	vshll.u32 v53, $0x10;
	v6 =	vand.u32 $0xFFFF0000, v53;
	v44 =	vbroadcast v0, $0x9  }
0x20d: {  	v57 =	vld [tilespmem:s8+$0x0];
	v53 =	vbroadcast v0, $0xB;
	v3 =	vadd.f32 v7, v3;
	v2 =	vadd.f32 v30, v2  }
0x20e: {  	v7 =	vand.u32 $0xFFFF0000, v32;
	v56 =	vshll.u32 v46, $0x10;
	v11 =	vmul.f32 v6, v59  }
0x20f: {  	s20 =	spop (v2sf);
	(v2sf) =	vpush v1, $0xF;
	v42 =	vmul.f32 v7, v38;
	v58 =	vmul.f32 v56, v55  }
0x210: {  	v17 =	vshll.u32 v63, $0x10;
	v18 =	vand.u32 $0xFFFF0000, v63;
	v2 =	vadd.f32 v4, v2  }
0x211: {  	v20 =	vld [tilespmem:s9+$0x0];
	v43 =	vand.u32 $0xFFFF, v36;
	v56 =	vbroadcast v0, $0xC;
	v3 =	vadd.f32 v5, v3  }
0x212: {  	v5 =	vmul.f32 v40, v38;
	v12 =	vshll.u32 v57, $0x10;
	v2 =	vadd.f32 v39, v2  }
0x213: {  	v14 =	vld [tilespmem:s20+$0x0];
	v15 =	vand.u32 $0xFFFF0000, v57;
	v7 =	vmul.f32 v17, v16;
	v3 =	vadd.f32 v8, v3  }
0x214: {  	v21 =	vmul.f32 v18, v16;
	v38 =	vbroadcast v0, $0x8;
	v2 =	vadd.f32 v42, v2  }
0x215: {  	v13 =	vmul.f32 v12, v62;
	v4 =	vmul.f32 v15, v62;
	v3 =	vadd.f32 v5, v3  }
0x216: {  	v26 =	vshll.u32 v20, $0x10;
	v27 =	vand.u32 $0xFFFF0000, v20;
	s25 =	spop (v2sf);
	v2 =	vadd.f32 v49, v2  }
0x217: {  	v62 =	vbroadcast v0, $0xD;
	v5 =	vand.u32 $0xFFFF0000, v46;
	s29 =	spop (v2sf);
	v29 =	vld [tilespmem:s25+$0x0];
	v3 =	vadd.f32 v45, v3  }
0x218: {  	v22 =	vshll.u32 v14, $0x10;
	v60 =	vmul.f32 v5, v55;
	v23 =	vld [tilespmem:s29+$0x0];
	s30 =	spop (v2sf);
	v2 =	vadd.f32 v54, v2  }
0x219: {  	v24 =	vand.u32 $0xFFFF0000, v14;
	v6 =	vmul.f32 v26, v25;
	s31 =	spop (v2sf);
	v40 =	vld [tilespmem:s30+$0x0];
	v3 =	vadd.f32 v52, v3  }
0x21a: {  	v30 =	vmul.f32 v27, v25;
	(v2sf) =	vpush v1, $0xE;
	v32 =	vld [tilespmem:s31+$0x0];
	v2 =	vadd.f32 v60, v2  }
0x21b: {  	v46 =	vbroadcast v0, $0xA;
	v5 =	vmul.f32 v61, v59;
	s3 =	spop (v2sf);
	v3 =	vadd.f32 v58, v3  }
0x21c: {  	v47 =	vld [tilespmem:s3+$0x0];
	v35 =	vshll.u32 v29, $0x10;
	v37 =	vand.u32 $0xFFFF0000, v29;
	v2 =	vadd.f32 v11, v2  }
0x21d: {  	s7 =	spop (v2sf);
	v31 =	vshll.u32 v23, $0x10;
	v33 =	vand.u32 $0xFFFF0000, v23;
	v3 =	vadd.f32 v5, v3  }
0x21e: {  	v41 =	vld [tilespmem:s7+$0x0];
	v1 =	vmul.f32 v37, v34;
	v5 =	vmul.f32 v22, v19;
	v2 =	vadd.f32 v4, v2  }
0x21f: {  	v45 =	vshll.u32 v40, $0x10;
	v39 =	vshll.u32 v32, $0x10;
	v3 =	vadd.f32 v13, v3  }
0x220: {  	v42 =	vand.u32 $0xFFFF0000, v32;
	v4 =	vmul.f32 v24, v19;
	v2 =	vadd.f32 v21, v2  }
0x221: {  	s8 =	spop (v2sf);
	v54 =	vshll.u32 v47, $0x10;
	v55 =	vand.u32 $0xFFFF0000, v47;
	v3 =	vadd.f32 v7, v3  }
0x222: {  	s9 =	spop (v2sf);
	v57 =	vld [tilespmem:s8+$0x0];
	v13 =	vbroadcast v0, $0xE;
	v0 =	vbroadcast v0, $0xF;
	v2 =	vadd.f32 v4, v2  }
0x223: {  	v50 =	vld [tilespmem:s9+$0x0];
	v48 =	vshll.u32 v41, $0x10;
	v51 =	vand.u32 $0xFFFF0000, v41;
	v3 =	vadd.f32 v5, v3  }
0x224: {  	v58 =	vmul.f32 v55, v53;
	v4 =	vmul.f32 v33, v28;
	v2 =	vadd.f32 v30, v2  }
0x225: {  	s20 =	spop (v2sf);
	v7 =	vmul.f32 v35, v34;
	v5 =	vmul.f32 v31, v28;
	v3 =	vadd.f32 v6, v3  }
0x226: {  	v14 =	vld [tilespmem:s20+$0x0];
	v49 =	vmul.f32 v48, v46;
	v52 =	vmul.f32 v51, v46;
	v2 =	vadd.f32 v4, v2  }
0x227: {  	v63 =	vshll.u32 v57, $0x10;
	v12 =	vand.u32 $0xFFFF0000, v57;
	v3 =	vadd.f32 v5, v3  }
0x228: {  	v59 =	vshll.u32 v50, $0x10;
	v2 =	vadd.f32 v1, v2;
	v1 =	vshll.u32 v43, $0x4  }
0x229: {  	v4 =	vmul.f32 v39, v38;
	v3 =	vadd.f32 v7, v3;
	(v2sf) =	vpush v1, $0x1  }
0x22a: {  	v61 =	vand.u32 $0xFFFF0000, v50;
	v15 =	vmul.f32 v12, v62;
	(v2sf) =	vpush v1, $0x0  }
0x22b: {  	v19 =	vshll.u32 v14, $0x10;
	v3 =	vadd.f32 v4, v3;
	v4 =	vmul.f32 v45, v44  }
0x22c: {  	v20 =	vand.u32 $0xFFFF0000, v14;
	s25 =	spop (v2sf);
	v6 =	vmul.f32 v42, v38;
	(v2sf) =	vpush v1, $0x3  }
0x22d: {  	v60 =	vld [tilespmem:s25+$0x0];
	v5 =	vand.u32 $0xFFFF0000, v40;
	v3 =	vadd.f32 v4, v3;
	(v2sf) =	vpush v1, $0x2  }
0x22e: {  	v5 =	vmul.f32 v5, v44;
	v2 =	vadd.f32 v6, v2;
	(v2sf) =	vpush v1, $0x5  }
0x22f: {  	v7 =	vmul.f32 v54, v53;
	v3 =	vadd.f32 v49, v3;
	(v2sf) =	vpush v1, $0x4  }
0x230: {  	v22 =	vmul.f32 v20, v0;
	v2 =	vadd.f32 v5, v2;
	(v2sf) =	vpush v1, $0x7  }
0x231: {  	v5 =	vmul.f32 v59, v56;
	v3 =	vadd.f32 v7, v3;
	(v2sf) =	vpush v1, $0x6  }
0x232: {  	v16 =	vshll.u32 v60, $0x10;
	v17 =	vand.u32 $0xFFFF0000, v60;
	v2 =	vadd.f32 v52, v2  }
0x233: {  	v55 =	vld [tilespmem:s14+$0x320];
	v6 =	vmul.f32 v63, v62;
	v4 =	vmul.f32 v61, v56;
	v3 =	vadd.f32 v5, v3  }
0x234: {  	v2 =	vadd.f32 v58, v2;
	(v2sf) =	vpush v1, $0x9;
	v5 =	vmul.f32 v16, v13  }
0x235: {  	v3 =	vadd.f32 v6, v3;
	v6 =	vmul.f32 v19, v0;
	v0 =	vand.u32 $0xFFFF0000, v36  }
0x236: {  	v2 =	vadd.f32 v4, v2;
	v4 =	vmul.f32 v17, v13;
	v23 =	vbroadcast v0, $0x0  }
0x237: {  	v25 =	vbroadcast v0, $0x1;
	v30 =	vbroadcast v0, $0x2  }
0x238: {  	v13 =	vand.u32 $0xFFFF, v55;
	v33 =	vbroadcast v0, $0x3;
	v38 =	vbroadcast v0, $0x4;
	s29 =	spop (v2sf)  }
0x239: {  	v2 =	vadd.f32 v15, v2;
	v41 =	vbroadcast v0, $0x5;
	v46 =	vbroadcast v0, $0x6;
	s30 =	spop (v2sf);
	v21 =	vld [tilespmem:s29+$0x0]  }
0x23a: {  	v50 =	vbroadcast v0, $0x7;
	v57 =	vbroadcast v0, $0x8;
	(v2sf) =	vpush v1, $0x8;
	v18 =	vld [tilespmem:s30+$0x0]  }
0x23b: {  	v60 =	vbroadcast v0, $0x9;
	v3 =	vadd.f32 v5, v3;
	s31 =	spop (v2sf);
	(v2sf) =	vpush v1, $0xB  }
0x23c: {  	v15 =	vbroadcast v0, $0xA;
	v2 =	vadd.f32 v4, v2;
	s3 =	spop (v2sf);
	v29 =	vld [tilespmem:s31+$0x0];
	(v2sf) =	vpush v1, $0xA  }
0x23d: {  	v17 =	vbroadcast v0, $0xB;
	v3 =	vadd.f32 v6, v3;
	v26 =	vld [tilespmem:s3+$0x0];
	s7 =	spop (v2sf);
	(v2sf) =	vpush v1, $0xD  }
0x23e: {  	v2 =	vadd.f32 v22, v2;
	s8 =	spop (v2sf);
	(v2sf) =	vpush v1, $0xC;
	v27 =	vshll.u32 v21, $0x10  }
0x23f: {  	v37 =	vld [tilespmem:s7+$0x0];
	v28 =	vand.u32 $0xFFFF0000, v21;
	s9 =	spop (v2sf);
	(v2sf) =	vpush v1, $0xF;
	v24 =	vshll.u32 v18, $0x10  }
0x240: {  	v34 =	vld [tilespmem:s8+$0x0];
	v5 =	vand.u32 $0xFFFF0000, v18;
	v6 =	vmul.f32 v27, v25;
	s20 =	spop (v2sf);
	(v2sf) =	vpush v1, $0xE  }
0x241: {  	v4 =	vmul.f32 v24, v23;
	v5 =	vmul.f32 v5, v23;
	v35 =	vshll.u32 v29, $0x10  }
0x242: {  	v45 =	vld [tilespmem:s9+$0x0];
	v36 =	vand.u32 $0xFFFF0000, v29;
	v23 =	vbroadcast v0, $0xC;
	v31 =	vshll.u32 v26, $0x10  }
0x243: {  	v42 =	vld [tilespmem:s20+$0x0];
	v32 =	vand.u32 $0xFFFF0000, v26;
	v26 =	vbroadcast v0, $0xD;
	v3 =	vadd.f32 v4, v3  }
0x244: {  	v2 =	vadd.f32 v5, v2;
	v4 =	vmul.f32 v28, v25;
	v5 =	vmul.f32 v32, v30  }
0x245: {  	s25 =	spop (v2sf);
	v43 =	vshll.u32 v37, $0x10;
	v44 =	vand.u32 $0xFFFF0000, v37;
	v39 =	vshll.u32 v34, $0x10  }
0x246: {  	v52 =	vld [tilespmem:s25+$0x0];
	v40 =	vand.u32 $0xFFFF0000, v34;
	v3 =	vadd.f32 v6, v3;
	v2 =	vadd.f32 v4, v2  }
0x247: {  	v4 =	vmul.f32 v31, v30;
	v6 =	vmul.f32 v35, v33;
	v51 =	vshll.u32 v45, $0x10  }
0x248: {  	v56 =	vand.u32 $0xFFFF0000, v45;
	v31 =	vbroadcast v0, $0xE;
	v47 =	vshll.u32 v42, $0x10  }
0x249: {  	v48 =	vand.u32 $0xFFFF0000, v42;
	v54 =	vmul.f32 v51, v50;
	v58 =	vmul.f32 v56, v50  }
0x24a: {  	v3 =	vadd.f32 v4, v3;
	v2 =	vadd.f32 v5, v2;
	v4 =	vmul.f32 v36, v33  }
0x24b: {  	v5 =	vmul.f32 v40, v38;
	v63 =	vshll.u32 v52, $0x10;
	v36 =	vbroadcast v0, $0xF  }
0x24c: {  	v35 =	vld [tilespmem:s14+$0xFFFFF9D0];
	s29 =	spop (v2sf);
	v3 =	vadd.f32 v6, v3;
	v2 =	vadd.f32 v4, v2;
	v4 =	vmul.f32 v39, v38  }
0x24d: {  	v0 =	vand.u32 $0xFFFF0000, v55;
	v11 =	vmul.f32 v63, v60;
	v6 =	vmul.f32 v43, v41;
	v49 =	vld [tilespmem:s29+$0x0]  }
0x24e: {  	v3 =	vadd.f32 v4, v3;
	v2 =	vadd.f32 v5, v2;
	v4 =	vmul.f32 v44, v41  }
0x24f: {  	v14 =	vand.u32 $0xFFFF0000, v52;
	v51 =	vbroadcast v0, $0x3;
	v43 =	vbroadcast v0, $0x1;
	s30 =	spop (v2sf)  }
0x250: {  	v12 =	vld [tilespmem:s30+$0x0];
	v3 =	vadd.f32 v6, v3;
	v2 =	vadd.f32 v4, v2;
	v4 =	vmul.f32 v47, v46  }
0x251: {  	v5 =	vmul.f32 v48, v46;
	s31 =	spop (v2sf);
	v41 =	vand.u32 $0xFFFF, v35;
	v48 =	vbroadcast v0, $0x2  }
0x252: {  	v61 =	vld [tilespmem:s31+$0x0];
	v59 =	vshll.u32 v49, $0x10;
	v7 =	vand.u32 $0xFFFF0000, v49;
	v53 =	vadd.f32 v4, v3  }
0x253: {  	s3 =	spop (v2sf);
	v2 =	vadd.f32 v5, v2;
	v5 =	vmul.f32 v59, v57;
	v62 =	vmul.f32 v7, v57  }
0x254: {  	v21 =	vld [tilespmem:s3+$0x0];
	v7 =	vshll.u32 v13, $0x4;
	v3 =	vmul.f32 v14, v60;
	v4 =	vbroadcast v0, $0x0  }
0x255: {  	s7 =	spop (v2sf);
	v57 =	vbroadcast v0, $0x4;
	(v2sf) =	vpush v7, $0x1;
	v20 =	vshll.u32 v12, $0x10  }
0x256: {  	v18 =	vld [tilespmem:s7+$0x0];
	v6 =	vand.u32 $0xFFFF0000, v12;
	v1 =	vadd.f32 v54, v53;
	(v2sf) =	vpush v7, $0x0  }
0x257: {  	s8 =	spop (v2sf);
	v2 =	vadd.f32 v58, v2;
	v16 =	vshll.u32 v61, $0x10;
	v9 =	vand.u32 $0xFFFF0000, v61  }
0x258: {  	v33 =	vld [tilespmem:s8+$0x0];
	v22 =	vmul.f32 v6, v17;
	v8 =	vmul.f32 v16, v15;
	(v2sf) =	vpush v7, $0x3  }
0x259: {  	s9 =	spop (v2sf);
	v19 =	vmul.f32 v9, v15;
	v28 =	vshll.u32 v21, $0x10;
	(v2sf) =	vpush v7, $0x2  }
0x25a: {  	v27 =	vld [tilespmem:s9+$0x0];
	v30 =	vand.u32 $0xFFFF0000, v21;
	v1 =	vadd.f32 v5, v1;
	v2 =	vadd.f32 v62, v2  }
0x25b: {  	v5 =	vmul.f32 v20, v17;
	v24 =	vshll.u32 v18, $0x10;
	(v2sf) =	vpush v7, $0x5  }
0x25c: {  	v25 =	vand.u32 $0xFFFF0000, v18;
	v1 =	vadd.f32 v11, v1;
	(v2sf) =	vpush v7, $0x4  }
0x25d: {  	v29 =	vmul.f32 v28, v26;
	v38 =	vshll.u32 v33, $0x10;
	v2 =	vadd.f32 v3, v2  }
0x25e: {  	v3 =	vmul.f32 v24, v23;
	(v2sf) =	vpush v7, $0x7;
	v1 =	vadd.f32 v8, v1  }
0x25f: {  	v32 =	vshll.u32 v27, $0x10;
	v2 =	vadd.f32 v19, v2;
	(v2sf) =	vpush v7, $0x6  }
0x260: {  	v34 =	vand.u32 $0xFFFF0000, v27;
	(v2sf) =	vpush v7, $0x9;
	v1 =	vadd.f32 v5, v1  }
0x261: {  	v2 =	vadd.f32 v22, v2;
	v5 =	vmul.f32 v25, v23;
	(v2sf) =	vpush v7, $0x8  }
0x262: {  	v39 =	vmul.f32 v38, v36;
	(v2sf) =	vpush v7, $0xB;
	v1 =	vadd.f32 v3, v1  }
0x263: {  	v2 =	vadd.f32 v5, v2;
	v5 =	vmul.f32 v30, v26;
	(v2sf) =	vpush v7, $0xA  }
0x264: {  	v6 =	vmul.f32 v32, v31;
	(v2sf) =	vpush v7, $0xD;
	v1 =	vadd.f32 v29, v1;
	s20 =	spop (v2sf)  }
0x265: {  	v3 =	vmul.f32 v34, v31;
	v2 =	vadd.f32 v5, v2;
	(v2sf) =	vpush v7, $0xC;
	s25 =	spop (v2sf);
	v40 =	vld [tilespmem:s20+$0x0]  }
0x266: {  	v8 =	vand.u32 $0xFFFF0000, v33;
	v1 =	vadd.f32 v6, v1;
	(v2sf) =	vpush v7, $0xF;
	v37 =	vld [tilespmem:s25+$0x0]  }
0x267: {  	v3 =	vadd.f32 v3, v2;
	v2 =	vshll.u32 v41, $0x4;
	(v2sf) =	vpush v7, $0xE;
	s29 =	spop (v2sf)  }
0x268: {  	v60 =	vbroadcast v0, $0x5;
	v5 =	vmul.f32 v8, v36;
	(v2sf) =	vpush v2, $0x1;
	s30 =	spop (v2sf);
	v46 =	vld [tilespmem:s29+$0x0]  }
0x269: {  	v15 =	vbroadcast v0, $0x6;
	v1 =	vadd.f32 v39, v1;
	(v2sf) =	vpush v2, $0x0;
	v44 =	vld [tilespmem:s30+$0x0]  }
0x26a: {  	v27 =	vbroadcast v0, $0x7;
	v3 =	vadd.f32 v5, v3;
	s31 =	spop (v2sf);
	(v2sf) =	vpush v2, $0x3  }
0x26b: {  	s3 =	spop (v2sf);
	(v2sf) =	vpush v2, $0x2;
	v45 =	vshll.u32 v40, $0x10;
	v42 =	vshll.u32 v37, $0x10  }
0x26c: {  	v55 =	vld [tilespmem:s31+$0x0];
	v6 =	vand.u32 $0xFFFF0000, v37;
	v5 =	vmul.f32 v45, v43;
	v37 =	vbroadcast v0, $0x8  }
0x26d: {  	s7 =	spop (v2sf);
	v47 =	vand.u32 $0xFFFF0000, v40;
	v52 =	vld [tilespmem:s3+$0x0];
	v7 =	vmul.f32 v42, v4;
	v4 =	vmul.f32 v6, v4  }
0x26e: {  	s20 =	spop (v2sf);
	v54 =	vshll.u32 v46, $0x10;
	v56 =	vand.u32 $0xFFFF0000, v46;
	v49 =	vshll.u32 v44, $0x10  }
0x26f: {  	s8 =	spop (v2sf);
	v50 =	vand.u32 $0xFFFF0000, v44;
	v3 =	vadd.f32 v4, v3;
	v4 =	vmul.f32 v47, v43  }
0x270: {  	s9 =	spop (v2sf);
	v1 =	vadd.f32 v7, v1;
	v7 =	vmul.f32 v49, v48;
	v53 =	vmul.f32 v50, v48  }
0x271: {  	v18 =	vld [tilespmem:s7+$0x0];
	s25 =	spop (v2sf);
	(v2sf) =	vpush v2, $0x5;
	v63 =	vshll.u32 v55, $0x10;
	v12 =	vand.u32 $0xFFFF0000, v55  }
0x272: {  	v61 =	vld [tilespmem:s20+$0x0];
	s3 =	spop (v2sf);
	v58 =	vshll.u32 v52, $0x10;
	(v2sf) =	vpush v2, $0x4;
	v1 =	vadd.f32 v5, v1  }
0x273: {  	v59 =	vand.u32 $0xFFFF0000, v52;
	v14 =	vmul.f32 v12, v60;
	v3 =	vadd.f32 v4, v3  }
0x274: {  	v5 =	vmul.f32 v54, v51;
	v4 =	vmul.f32 v56, v51;
	v1 =	vadd.f32 v7, v1  }
0x275: {  	v6 =	vmul.f32 v58, v57;
	v62 =	vmul.f32 v59, v57;
	v3 =	vadd.f32 v53, v3  }
0x276: {  	s31 =	spop (v2sf);
	v26 =	vshll.u32 v18, $0x10;
	v8 =	vand.u32 $0xFFFF0000, v18;
	v1 =	vadd.f32 v5, v1  }
0x277: {  	s0 =	spop (v2sf);
	v16 =	vshll.u32 v61, $0x10;
	v17 =	vand.u32 $0xFFFF0000, v61;
	v3 =	vadd.f32 v4, v3  }
0x278: {  	v11 =	vmul.f32 v26, v27;
	s29 =	spop (v2sf);
	v5 =	vmul.f32 v63, v60;
	v1 =	vadd.f32 v6, v1  }
0x279: {  	v19 =	vmul.f32 v16, v15;
	s30 =	spop (v2sf);
	v4 =	vmul.f32 v17, v15;
	v3 =	vadd.f32 v62, v3  }
0x27a: {  	s2 =	spop (v2sf);
	v6 =	vmul.f32 v8, v27;
	v5 =	vadd.f32 v5, v1;
	v1 =	vand.u32 $0xFFFF0000, v35  }
0x27b: {  	s20 =	spop (v2sf);
	v21 =	vld [tilespmem:s2+$0x0];
	v20 =	vbroadcast v1, $0x0;
	v12 =	vbroadcast v1, $0x1  }
0x27c: {  	v13 =	vld [tilespmem:s20+$0x0];
	v3 =	vadd.f32 v14, v3;
	v14 =	vbroadcast v1, $0x2;
	v29 =	vbroadcast v1, $0x3  }
0x27d: {  	v32 =	vbroadcast v1, $0x4;
	v39 =	vbroadcast v1, $0x5  }
0x27e: {  	v56 =	vld [tilespmem:s8+$0x0];
	(v2sf) =	vpush v2, $0x7;
	s2 =	spop (v2sf);
	v46 =	vbroadcast v1, $0x6;
	v48 =	vbroadcast v1, $0x7  }
0x27f: {  	(v2sf) =	vpush v2, $0x6;
	v15 =	vld [tilespmem:s2+$0x0];
	v58 =	vbroadcast v1, $0x8;
	v61 =	vbroadcast v1, $0x9  }
0x280: {  	v35 =	vld [tilespmem:s9+$0x0];
	v27 =	vbroadcast v1, $0xB;
	v5 =	vadd.f32 v19, v5;
	v3 =	vadd.f32 v4, v3  }
0x281: {  	s20 =	spop (v2sf);
	v10 =	vand.u32 $0xFFFF0000, v21;
	v22 =	vshll.u32 v13, $0x10;
	v23 =	vand.u32 $0xFFFF0000, v13  }
0x282: {  	v25 =	vld [tilespmem:s20+$0x0];
	v13 =	vshll.u32 v21, $0x10;
	v10 =	vmul.f32 v10, v12;
	v5 =	vadd.f32 v11, v5  }
0x283: {  	v3 =	vadd.f32 v6, v3;
	v21 =	vshll.u32 v56, $0x10;
	v24 =	vmul.f32 v22, v20  }
0x284: {  	v4 =	vmul.f32 v23, v20;
	v13 =	vmul.f32 v13, v12;
	s2 =	spop (v2sf);
	(v2sf) =	vpush v2, $0x9  }
0x285: {  	v30 =	vshll.u32 v15, $0x10;
	v31 =	vand.u32 $0xFFFF0000, v15;
	v43 =	vshll.u32 v35, $0x10  }
0x286: {  	v51 =	vand.u32 $0xFFFF0000, v35;
	v23 =	vbroadcast v1, $0xA;
	s20 =	spop (v2sf);
	(v2sf) =	vpush v2, $0x8  }
0x287: {  	v28 =	vshll.u32 v25, $0x10;
	v9 =	vand.u32 $0xFFFF0000, v25;
	v33 =	vld [tilespmem:s2+$0x0];
	v7 =	vadd.f32 $0.0e+00, v24  }
0x288: {  	v8 =	vmul.f32 v31, v29;
	v45 =	vmul.f32 v43, v37;
	v4 =	vadd.f32 $0.0e+00, v4;
	v16 =	vld [tilespmem:s20+$0x0]  }
0x289: {  	v12 =	vmul.f32 v28, v14;
	(v2sf) =	vpush v2, $0xB;
	v7 =	vadd.f32 v13, v7  }
0x28a: {  	v9 =	vmul.f32 v9, v14;
	(v2sf) =	vpush v2, $0xA;
	v4 =	vadd.f32 v10, v4  }
0x28b: {  	v6 =	vmul.f32 v51, v37;
	v37 =	vbroadcast v1, $0xD;
	v7 =	vadd.f32 v12, v7  }
0x28c: {  	v4 =	vadd.f32 v9, v4;
	v9 =	vmul.f32 v30, v29;
	v13 =	vand.u32 $0xFFFF0000, v33  }
0x28d: {  	v34 =	vshll.u32 v16, $0x10;
	s9 =	spop (v2sf);
	(v2sf) =	vpush v2, $0xD;
	v44 =	vmul.f32 v13, v39;
	v13 =	vld [tilespmem:s14+$0xFFFFFCF0]  }
0x28e: {  	v38 =	vand.u32 $0xFFFF0000, v16;
	v7 =	vadd.f32 v9, v7;
	v36 =	vmul.f32 v34, v32;
	s20 =	spop (v2sf);
	v42 =	vld [tilespmem:s9+$0x0]  }
0x28f: {  	v4 =	vadd.f32 v8, v4;
	v8 =	vmul.f32 v38, v32;
	(v2sf) =	vpush v2, $0xC;
	v40 =	vld [tilespmem:s20+$0x0]  }
0x290: {  	v5 =	vadd.f32 v45, v5;
	v45 =	vbroadcast v0, $0x9;
	v41 =	vshll.u32 v33, $0x10  }
0x291: {  	v12 =	vmul.f32 v41, v39;
	v7 =	vadd.f32 v36, v7;
	v4 =	vadd.f32 v8, v4  }
0x292: {  	v3 =	vadd.f32 v6, v3;
	v41 =	vbroadcast v1, $0xE;
	v32 =	vbroadcast v1, $0xC  }
0x293: {  	v7 =	vadd.f32 v12, v7;
	v4 =	vadd.f32 v44, v4;
	v55 =	vand.u32 $0xFFFF, v13  }
0x294: {  	v12 =	vmul.f32 v21, v45;
	v50 =	vshll.u32 v42, $0x10;
	v47 =	vshll.u32 v40, $0x10;
	s9 =	spop (v2sf)  }
0x295: {  	v54 =	vand.u32 $0xFFFF0000, v42;
	v10 =	vand.u32 $0xFFFF0000, v40;
	v8 =	vmul.f32 v47, v46;
	s20 =	spop (v2sf);
	v53 =	vld [tilespmem:s9+$0x0]  }
0x296: {  	v52 =	vmul.f32 v50, v48;
	(v2sf) =	vpush v2, $0xF;
	v10 =	vmul.f32 v10, v46;
	v49 =	vld [tilespmem:s20+$0x0]  }
0x297: {  	(v2sf) =	vpush v2, $0xE;
	v2 =	vshll.u32 v55, $0x4;
	v7 =	vadd.f32 v8, v7  }
0x298: {  	v57 =	vmul.f32 v54, v48;
	v4 =	vadd.f32 v10, v4;
	s9 =	spop (v2sf);
	(v2sf) =	vpush v2, $0x1  }
0x299: {  	v5 =	vadd.f32 v12, v5;
	v10 =	vand.u32 $0xFFFF0000, v56;
	s20 =	spop (v2sf);
	(v2sf) =	vpush v2, $0x0  }
0x29a: {  	v20 =	vld [tilespmem:s9+$0x0];
	v7 =	vadd.f32 v52, v7;
	v4 =	vadd.f32 v57, v4;
	v17 =	vshll.u32 v53, $0x10  }
0x29b: {  	v62 =	vld [tilespmem:s20+$0x0];
	v9 =	vand.u32 $0xFFFF0000, v53;
	v59 =	vshll.u32 v49, $0x10;
	v60 =	vand.u32 $0xFFFF0000, v49  }
0x29c: {  	v19 =	vmul.f32 v17, v61;
	s8 =	spop (v2sf);
	v22 =	vmul.f32 v9, v61;
	(v2sf) =	vpush v2, $0x3  }
0x29d: {  	v49 =	vbroadcast v1, $0xF;
	v1 =	vand.u32 $0xFFFF0000, v13;
	v8 =	vmul.f32 v59, v58  }
0x29e: {  	v63 =	vmul.f32 v60, v58;
	s9 =	spop (v2sf);
	(v2sf) =	vpush v2, $0x2;
	v52 =	vbroadcast v1, $0x0  }
0x29f: {  	v21 =	vld [tilespmem:s3+$0x0];
	v29 =	vshll.u32 v20, $0x10;
	v58 =	vmul.f32 v10, v45;
	v59 =	vbroadcast v1, $0x1  }
0x2a0: {  	v30 =	vld [tilespmem:s8+$0x0];
	v24 =	vshll.u32 v62, $0x10;
	v25 =	vand.u32 $0xFFFF0000, v62;
	v9 =	vmul.f32 v29, v27  }
0x2a1: {  	v26 =	vld [tilespmem:s9+$0x0];
	v62 =	vbroadcast v1, $0x2;
	v18 =	vadd.f32 v8, v7;
	v4 =	vadd.f32 v63, v4  }
0x2a2: {  	v11 =	vmul.f32 v24, v23;
	v28 =	vmul.f32 v25, v23;
	v8 =	vand.u32 $0xFFFF0000, v20  }
0x2a3: {  	v3 =	vadd.f32 v58, v3;
	v25 =	vbroadcast v1, $0x4;
	v31 =	vmul.f32 v8, v27  }
0x2a4: {  	v6 =	vadd.f32 v19, v18;
	v4 =	vadd.f32 v22, v4;
	v22 =	vbroadcast v1, $0x3  }
0x2a5: {  	v39 =	vshll.u32 v30, $0x10;
	v40 =	vand.u32 $0xFFFF0000, v30;
	v30 =	vshll.u32 v21, $0x10  }
0x2a6: {  	v6 =	vadd.f32 v11, v6;
	v4 =	vadd.f32 v28, v4;
	v33 =	vshll.u32 v26, $0x10  }
0x2a7: {  	v36 =	vand.u32 $0xFFFF0000, v26;
	v8 =	vmul.f32 v39, v37;
	v43 =	vmul.f32 v40, v37;
	s20 =	spop (v2sf)  }
0x2a8: {  	v35 =	vmul.f32 v33, v32;
	(v2sf) =	vpush v2, $0x5;
	s8 =	spop (v2sf);
	v6 =	vadd.f32 v9, v6;
	v42 =	vld [tilespmem:s20+$0x0]  }
0x2a9: {  	v38 =	vmul.f32 v36, v32;
	v4 =	vadd.f32 v31, v4;
	(v2sf) =	vpush v2, $0x4;
	v34 =	vld [tilespmem:s8+$0x0]  }
0x2aa: {  	v31 =	vbroadcast v0, $0xA;
	s9 =	spop (v2sf);
	(v2sf) =	vpush v2, $0x7;
	v6 =	vadd.f32 v35, v6  }
0x2ab: {  	v32 =	vbroadcast v1, $0x5;
	v4 =	vadd.f32 v38, v4;
	s20 =	spop (v2sf);
	(v2sf) =	vpush v2, $0x6  }
0x2ac: {  	v53 =	vld [tilespmem:s9+$0x0];
	v35 =	vbroadcast v1, $0x6;
	v39 =	vmul.f32 v30, v31;
	v6 =	vadd.f32 v8, v6  }
0x2ad: {  	v47 =	vld [tilespmem:s20+$0x0];
	v4 =	vadd.f32 v43, v4;
	v50 =	vshll.u32 v42, $0x10;
	v51 =	vand.u32 $0xFFFF0000, v42  }
0x2ae: {  	v44 =	vshll.u32 v34, $0x10;
	v11 =	vmul.f32 v50, v49;
	v54 =	vmul.f32 v51, v49  }
0x2af: {  	v42 =	vld [tilespmem:s14+$0x10];
	v48 =	vand.u32 $0xFFFF0000, v34;
	v50 =	vbroadcast v0, $0xB;
	v51 =	vbroadcast v1, $0x8  }
0x2b0: {  	v5 =	vadd.f32 v39, v5;
	s8 =	spop (v2sf);
	v46 =	vmul.f32 v44, v41;
	v7 =	vmul.f32 v48, v41  }
0x2b1: {  	v60 =	vshll.u32 v53, $0x10;
	v61 =	vand.u32 $0xFFFF0000, v53;
	v63 =	vld [tilespmem:s8+$0x0];
	v41 =	vbroadcast v1, $0x7  }
0x2b2: {  	s9 =	spop (v2sf);
	v55 =	vshll.u32 v47, $0x10;
	v9 =	vand.u32 $0xFFFF0000, v47;
	v6 =	vadd.f32 v46, v6  }
0x2b3: {  	v56 =	vld [tilespmem:s9+$0x0];
	v4 =	vadd.f32 v7, v4;
	v8 =	vmul.f32 v55, v52;
	v57 =	vmul.f32 v9, v52  }
0x2b4: {  	v49 =	vld [tilespmem:s25+$0x0];
	v7 =	vmul.f32 v60, v59;
	v60 =	vbroadcast v1, $0xA;
	v52 =	vand.u32 $0xFFFF, v42  }
0x2b5: {  	v6 =	vadd.f32 v11, v6;
	v4 =	vadd.f32 v54, v4;
	v54 =	vbroadcast v1, $0x9  }
0x2b6: {  	v23 =	vshll.u32 v63, $0x10;
	v24 =	vand.u32 $0xFFFF0000, v63;
	v63 =	vbroadcast v1, $0xB  }
0x2b7: {  	v6 =	vadd.f32 v8, v6;
	v4 =	vadd.f32 v57, v4;
	v8 =	vmul.f32 v61, v59  }
0x2b8: {  	v18 =	vshll.u32 v56, $0x10;
	v20 =	vand.u32 $0xFFFF0000, v56;
	s20 =	spop (v2sf);
	(v2sf) =	vpush v2, $0x9  }
0x2b9: {  	v9 =	vmul.f32 v24, v22;
	v57 =	vshll.u32 v49, $0x10;
	(v2sf) =	vpush v2, $0x8  }
0x2ba: {  	v10 =	vmul.f32 v18, v62;
	v16 =	vmul.f32 v57, v50;
	v6 =	vadd.f32 v7, v6  }
0x2bb: {  	s8 =	spop (v2sf);
	v4 =	vadd.f32 v8, v4;
	v7 =	vmul.f32 v20, v62;
	(v2sf) =	vpush v2, $0xB  }
0x2bc: {  	v26 =	vld [tilespmem:s20+$0x0];
	v8 =	vand.u32 $0xFFFF0000, v21;
	v5 =	vadd.f32 v16, v5;
	(v2sf) =	vpush v2, $0xA  }
0x2bd: {  	v19 =	vld [tilespmem:s8+$0x0];
	s9 =	spop (v2sf);
	v8 =	vmul.f32 v8, v31;
	v6 =	vadd.f32 v10, v6;
	(v2sf) =	vpush v2, $0xD  }
0x2be: {  	v4 =	vadd.f32 v7, v4;
	v7 =	vmul.f32 v23, v22;
	s20 =	spop (v2sf);
	(v2sf) =	vpush v2, $0xC  }
0x2bf: {  	v31 =	vbroadcast v1, $0xE;
	v36 =	vld [tilespmem:s9+$0x0];
	v22 =	vbroadcast v1, $0xC;
	v3 =	vadd.f32 v8, v3  }
0x2c0: {  	v8 =	vand.u32 $0xFFFF0000, v49;
	v6 =	vadd.f32 v7, v6;
	v4 =	vadd.f32 v9, v4  }
0x2c1: {  	v29 =	vld [tilespmem:s20+$0x0];
	v8 =	vmul.f32 v8, v50;
	v33 =	vshll.u32 v26, $0x10;
	v34 =	vand.u32 $0xFFFF0000, v26  }
0x2c2: {  	v26 =	vbroadcast v1, $0xD;
	v27 =	vshll.u32 v19, $0x10;
	v28 =	vand.u32 $0xFFFF0000, v19  }
0x2c3: {  	v3 =	vadd.f32 v8, v3;
	v10 =	vmul.f32 v27, v25;
	v7 =	vmul.f32 v28, v25  }
0x2c4: {  	v44 =	vshll.u32 v36, $0x10;
	v45 =	vand.u32 $0xFFFF0000, v36;
	v36 =	vbroadcast v1, $0xF  }
0x2c5: {  	v6 =	vadd.f32 v10, v6;
	v4 =	vadd.f32 v7, v4;
	v10 =	vmul.f32 v34, v32  }
0x2c6: {  	v37 =	vshll.u32 v29, $0x10;
	v40 =	vand.u32 $0xFFFF0000, v29;
	v7 =	vmul.f32 v33, v32  }
0x2c7: {  	v47 =	vmul.f32 v45, v41;
	v9 =	vmul.f32 v40, v35;
	v4 =	vadd.f32 v10, v4;
	s7 =	spop (v2sf)  }
0x2c8: {  	v38 =	vmul.f32 v37, v35;
	v6 =	vadd.f32 v7, v6;
	(v2sf) =	vpush v2, $0xF;
	s8 =	spop (v2sf);
	v48 =	vld [tilespmem:s7+$0x0]  }
0x2c9: {  	v46 =	vadd.f32 v9, v4;
	(v2sf) =	vpush v2, $0xE;
	v2 =	vshll.u32 v52, $0x4;
	v43 =	vld [tilespmem:s8+$0x0]  }
0x2ca: {  	v12 =	vmul.f32 v44, v41;
	v6 =	vadd.f32 v38, v6;
	s9 =	spop (v2sf);
	(v2sf) =	vpush v2, $0x1  }
0x2cb: {  	v1 =	vand.u32 $0xFFFF0000, v42;
	v4 =	vadd.f32 v47, v46;
	v46 =	vld [tilespmem:s0+$0x0];
	s20 =	spop (v2sf);
	(v2sf) =	vpush v2, $0x0  }
0x2cc: {  	v49 =	vbroadcast v1, $0x1;
	v6 =	vadd.f32 v12, v6;
	v59 =	vld [tilespmem:s9+$0x0];
	s25 =	spop (v2sf);
	(v2sf) =	vpush v2, $0x3  }
0x2cd: {  	v52 =	vbroadcast v1, $0x2;
	v55 =	vld [tilespmem:s20+$0x0];
	s7 =	spop (v2sf);
	(v2sf) =	vpush v2, $0x2;
	v56 =	vshll.u32 v48, $0x10  }
0x2ce: {  	v7 =	vand.u32 $0xFFFF0000, v48;
	v53 =	vshll.u32 v43, $0x10;
	v58 =	vmul.f32 v56, v54  }
0x2cf: {  	v20 =	vld [tilespmem:s25+$0x0];
	v13 =	vand.u32 $0xFFFF0000, v43;
	v7 =	vmul.f32 v7, v54;
	v43 =	vbroadcast v1, $0x0  }
0x2d0: {  	v17 =	vld [tilespmem:s7+$0x0];
	v56 =	vshll.u32 v46, $0x10;
	v12 =	vmul.f32 v53, v51;
	v11 =	vmul.f32 v13, v51  }
0x2d1: {  	v19 =	vshll.u32 v59, $0x10;
	v21 =	vand.u32 $0xFFFF0000, v59;
	v59 =	vbroadcast v0, $0xC  }
0x2d2: {  	v61 =	vshll.u32 v55, $0x10;
	v62 =	vand.u32 $0xFFFF0000, v55;
	v6 =	vadd.f32 v12, v6  }
0x2d3: {  	v4 =	vadd.f32 v11, v4;
	v12 =	vmul.f32 v61, v60;
	v18 =	vmul.f32 v62, v60  }
0x2d4: {  	v11 =	vmul.f32 v19, v63;
	v28 =	vshll.u32 v20, $0x10;
	v6 =	vadd.f32 v58, v6  }
0x2d5: {  	v61 =	vbroadcast v1, $0x3;
	v23 =	vshll.u32 v17, $0x10;
	v4 =	vadd.f32 v7, v4  }
0x2d6: {  	v24 =	vand.u32 $0xFFFF0000, v17;
	v7 =	vmul.f32 v21, v63;
	v6 =	vadd.f32 v12, v6  }
0x2d7: {  	v13 =	vmul.f32 v23, v22;
	v27 =	vmul.f32 v24, v22;
	v4 =	vadd.f32 v18, v4;
	s8 =	spop (v2sf)  }
0x2d8: {  	v12 =	vand.u32 $0xFFFF0000, v20;
	(v2sf) =	vpush v2, $0x5;
	v6 =	vadd.f32 v11, v6;
	s9 =	spop (v2sf);
	v29 =	vld [tilespmem:s8+$0x0]  }
0x2d9: {  	v20 =	vbroadcast v1, $0x4;
	(v2sf) =	vpush v2, $0x4;
	v4 =	vadd.f32 v7, v4;
	v25 =	vld [tilespmem:s9+$0x0]  }
0x2da: {  	v30 =	vmul.f32 v12, v26;
	s20 =	spop (v2sf);
	(v2sf) =	vpush v2, $0x7;
	v6 =	vadd.f32 v13, v6  }
0x2db: {  	v11 =	vmul.f32 v28, v26;
	v4 =	vadd.f32 v27, v4;
	s25 =	spop (v2sf);
	(v2sf) =	vpush v2, $0x6  }
0x2dc: {  	v12 =	vand.u32 $0xFFFF0000, v46;
	v26 =	vbroadcast v1, $0x5;
	v41 =	vld [tilespmem:s20+$0x0];
	s7 =	spop (v2sf);
	(v2sf) =	vpush v2, $0x9  }
0x2dd: {  	v34 =	vld [tilespmem:s25+$0x0];
	v6 =	vadd.f32 v11, v6;
	v4 =	vadd.f32 v30, v4;
	v38 =	vshll.u32 v29, $0x10  }
0x2de: {  	v39 =	vand.u32 $0xFFFF0000, v29;
	v29 =	vbroadcast v1, $0x6;
	v32 =	vshll.u32 v25, $0x10  }
0x2df: {  	v35 =	vand.u32 $0xFFFF0000, v25;
	v40 =	vmul.f32 v38, v36;
	v42 =	vmul.f32 v39, v36  }
0x2e0: {  	s8 =	spop (v2sf);
	(v2sf) =	vpush v2, $0x8;
	v53 =	vld [tilespmem:s7+$0x0];
	v33 =	vmul.f32 v32, v31;
	v37 =	vmul.f32 v35, v31  }
0x2e1: {  	v51 =	vshll.u32 v41, $0x10;
	v10 =	vand.u32 $0xFFFF0000, v41;
	v41 =	vbroadcast v1, $0x8  }
0x2e2: {  	v44 =	vld [tilespmem:s8+$0x0];
	v45 =	vshll.u32 v34, $0x10;
	v8 =	vmul.f32 v51, v49;
	v54 =	vmul.f32 v10, v49  }
0x2e3: {  	v48 =	vand.u32 $0xFFFF0000, v34;
	v10 =	vmul.f32 v56, v59;
	v34 =	vmul.f32 v12, v59  }
0x2e4: {  	v59 =	vbroadcast v1, $0xB;
	v6 =	vadd.f32 v33, v6;
	v4 =	vadd.f32 v37, v4  }
0x2e5: {  	v36 =	vld [tilespmem:s31+$0x0];
	v47 =	vmul.f32 v45, v43;
	v50 =	vmul.f32 v48, v43;
	v62 =	vshll.u32 v53, $0x10  }
0x2e6: {  	v39 =	vld [tilespmem:s14+$0x330];
	v63 =	vand.u32 $0xFFFF0000, v53;
	v37 =	vbroadcast v1, $0x7;
	v48 =	vbroadcast v0, $0xD  }
0x2e7: {  	v55 =	vshll.u32 v44, $0x10;
	v60 =	vand.u32 $0xFFFF0000, v44;
	v11 =	vmul.f32 v62, v61  }
0x2e8: {  	v22 =	vmul.f32 v63, v61;
	v5 =	vadd.f32 v10, v5;
	v6 =	vadd.f32 v40, v6  }
0x2e9: {  	v3 =	vadd.f32 v34, v3;
	v62 =	vbroadcast v1, $0xC;
	v4 =	vadd.f32 v42, v4  }
0x2ea: {  	v57 =	vmul.f32 v55, v52;
	v7 =	vmul.f32 v60, v52;
	v6 =	vadd.f32 v47, v6  }
0x2eb: {  	v45 =	vshll.u32 v36, $0x10;
	v49 =	vand.u32 $0xFFFF, v39;
	v4 =	vadd.f32 v50, v4;
	s9 =	spop (v2sf)  }
0x2ec: {  	v52 =	vbroadcast v1, $0xA;
	(v2sf) =	vpush v2, $0xB;
	s20 =	spop (v2sf);
	v6 =	vadd.f32 v8, v6;
	v21 =	vld [tilespmem:s9+$0x0]  }
0x2ed: {  	v10 =	vand.u32 $0xFFFF0000, v36;
	v4 =	vadd.f32 v54, v4;
	(v2sf) =	vpush v2, $0xA;
	v58 =	vld [tilespmem:s20+$0x0]  }
0x2ee: {  	v13 =	vmul.f32 v45, v48;
	s25 =	spop (v2sf);
	(v2sf) =	vpush v2, $0xD;
	v6 =	vadd.f32 v57, v6  }
0x2ef: {  	v10 =	vmul.f32 v10, v48;
	v4 =	vadd.f32 v7, v4;
	s3 =	spop (v2sf);
	(v2sf) =	vpush v2, $0xC  }
0x2f0: {  	v50 =	vbroadcast v1, $0x9;
	v5 =	vadd.f32 v13, v5;
	v30 =	vld [tilespmem:s25+$0x0];
	s7 =	spop (v2sf);
	(v2sf) =	vpush v2, $0xF  }
0x2f1: {  	v24 =	vld [tilespmem:s3+$0x0];
	v6 =	vadd.f32 v11, v6;
	v4 =	vadd.f32 v22, v4;
	v27 =	vshll.u32 v21, $0x10  }
0x2f2: {  	v28 =	vand.u32 $0xFFFF0000, v21;
	v25 =	vand.u32 $0xFFFF0000, v58;
	v9 =	vmul.f32 v27, v26  }
0x2f3: {  	s8 =	spop (v2sf);
	v23 =	vshll.u32 v58, $0x10;
	v31 =	vmul.f32 v28, v26;
	v7 =	vmul.f32 v25, v20  }
0x2f4: {  	(v2sf) =	vpush v2, $0xE;
	v33 =	vld [tilespmem:s8+$0x0];
	v27 =	vbroadcast v1, $0xE;
	v8 =	vmul.f32 v23, v20  }
0x2f5: {  	v38 =	vshll.u32 v30, $0x10;
	v40 =	vand.u32 $0xFFFF0000, v30;
	v4 =	vadd.f32 v7, v4  }
0x2f6: {  	v23 =	vld [tilespmem:s30+$0x0];
	v32 =	vshll.u32 v24, $0x10;
	v35 =	vand.u32 $0xFFFF0000, v24;
	v11 =	vmul.f32 v38, v37  }
0x2f7: {  	v43 =	vld [tilespmem:s7+$0x0];
	v6 =	vadd.f32 v8, v6;
	v7 =	vmul.f32 v35, v29;
	v4 =	vadd.f32 v31, v4  }
0x2f8: {  	v3 =	vadd.f32 v10, v3;
	v2 =	vmul.f32 v40, v37;
	v8 =	vmul.f32 v32, v29  }
0x2f9: {  	v44 =	vand.u32 $0xFFFF0000, v33;
	v6 =	vadd.f32 v9, v6;
	v4 =	vadd.f32 v7, v4  }
0x2fa: {  	v32 =	vbroadcast v0, $0xE;
	v42 =	vshll.u32 v33, $0x10;
	v46 =	vmul.f32 v44, v41  }
0x2fb: {  	v31 =	vshll.u32 v23, $0x10;
	v6 =	vadd.f32 v8, v6;
	v2 =	vadd.f32 v2, v4  }
0x2fc: {  	v51 =	vshll.u32 v43, $0x10;
	v7 =	vmul.f32 v42, v41;
	v10 =	vmul.f32 v31, v32;
	s9 =	spop (v2sf)  }
0x2fd: {  	v6 =	vadd.f32 v11, v6;
	v53 =	vld [tilespmem:s9+$0x0];
	v4 =	vadd.f32 v46, v2;
	v2 =	vshll.u32 v49, $0x4  }
0x2fe: {  	v8 =	vand.u32 $0xFFFF0000, v43;
	s20 =	spop (v2sf);
	v5 =	vadd.f32 v10, v5;
	v10 =	vld [tilespmem:s29+$0x0];
	(v2sf) =	vpush v2, $0x1  }
0x2ff: {  	v47 =	vld [tilespmem:s20+$0x0];
	v6 =	vadd.f32 v7, v6;
	v7 =	vmul.f32 v51, v50;
	(v2sf) =	vpush v2, $0x0  }
0x300: {  	v24 =	vbroadcast v1, $0xD;
	v8 =	vmul.f32 v8, v50;
	s25 =	spop (v2sf)  }
0x301: {  	v1 =	vbroadcast v1, $0xF;
	v0 =	vbroadcast v0, $0xF;
	s31 =	spop (v2sf);
	v63 =	vld [tilespmem:s25+$0x0];
	v6 =	vadd.f32 v7, v6  }
0x302: {  	v43 =	vand.u32 $0xFFFF0000, v23;
	v56 =	vld [tilespmem:s31+$0x0];
	v4 =	vadd.f32 v8, v4;
	(v2sf) =	vpush v2, $0x3  }
0x303: {  	v60 =	vshll.u32 v53, $0x10;
	v61 =	vand.u32 $0xFFFF0000, v53;
	(v2sf) =	vpush v2, $0x2  }
0x304: {  	s3 =	spop (v2sf);
	v51 =	vshll.u32 v10, $0x10;
	v10 =	vand.u32 $0xFFFF0000, v10;
	v54 =	vshll.u32 v47, $0x10  }
0x305: {  	s7 =	spop (v2sf);
	v28 =	vld [tilespmem:s3+$0x0];
	v57 =	vand.u32 $0xFFFF0000, v47;
	v11 =	vmul.f32 v60, v59;
	v19 =	vmul.f32 v61, v59  }
0x306: {  	v21 =	vld [tilespmem:s7+$0x0];
	v55 =	vmul.f32 v54, v52;
	v58 =	vmul.f32 v57, v52;
	(v2sf) =	vpush v2, $0x5  }
0x307: {  	v25 =	vshll.u32 v63, $0x10;
	v26 =	vand.u32 $0xFFFF0000, v63;
	v20 =	vshll.u32 v56, $0x10  }
0x308: {  	v22 =	vand.u32 $0xFFFF0000, v56;
	(v2sf) =	vpush v2, $0x4;
	v29 =	vmul.f32 v26, v24  }
0x309: {  	v6 =	vadd.f32 v55, v6;
	v4 =	vadd.f32 v58, v4;
	v8 =	vmul.f32 v20, v62  }
0x30a: {  	v7 =	vmul.f32 v22, v62;
	v35 =	vshll.u32 v28, $0x10;
	v36 =	vand.u32 $0xFFFF0000, v28  }
0x30b: {  	v30 =	vshll.u32 v21, $0x10;
	v33 =	vand.u32 $0xFFFF0000, v21;
	v13 =	vmul.f32 v35, v1  }
0x30c: {  	v38 =	vmul.f32 v36, v1;
	v1 =	vand.u32 $0xFFFF0000, v39;
	v6 =	vadd.f32 v11, v6  }
0x30d: {  	v4 =	vadd.f32 v19, v4;
	v11 =	vmul.f32 v25, v24;
	s8 =	spop (v2sf);
	(v2sf) =	vpush v2, $0x7  }
0x30e: {  	v12 =	vbroadcast v1, $0x0;
	v6 =	vadd.f32 v8, v6;
	s9 =	spop (v2sf);
	(v2sf) =	vpush v2, $0x6  }
0x30f: {  	v41 =	vbroadcast v1, $0x1;
	v46 =	vbroadcast v1, $0x2;
	v4 =	vadd.f32 v7, v4  }
0x310: {  	v52 =	vbroadcast v1, $0x3;
	v8 =	vmul.f32 v30, v27;
	v6 =	vadd.f32 v11, v6  }
0x311: {  	v7 =	vmul.f32 v33, v27;
	v4 =	vadd.f32 v29, v4;
	v37 =	vld [tilespmem:s8+$0x0];
	s20 =	spop (v2sf);
	(v2sf) =	vpush v2, $0x9  }
0x312: {  	v55 =	vbroadcast v1, $0x4;
	v6 =	vadd.f32 v8, v6;
	v34 =	vld [tilespmem:s9+$0x0];
	s25 =	spop (v2sf);
	(v2sf) =	vpush v2, $0x8  }
0x313: {  	v59 =	vbroadcast v1, $0x5;
	v16 =	vbroadcast v1, $0x6;
	v4 =	vadd.f32 v7, v4  }
0x314: {  	v22 =	vbroadcast v1, $0x7;
	v28 =	vbroadcast v1, $0x8;
	v6 =	vadd.f32 v13, v6;
	v47 =	vld [tilespmem:s20+$0x0]  }
0x315: {  	v31 =	vbroadcast v1, $0x9;
	v4 =	vadd.f32 v38, v4;
	v40 =	vld [tilespmem:s25+$0x0];
	s29 =	spop (v2sf);
	(v2sf) =	vpush v2, $0xB  }
0x316: {  	v42 =	vshll.u32 v37, $0x10;
	v45 =	vand.u32 $0xFFFF0000, v37;
	v37 =	vbroadcast v1, $0xA  }
0x317: {  	v39 =	vshll.u32 v34, $0x10;
	v8 =	vand.u32 $0xFFFF0000, v34;
	v44 =	vmul.f32 v42, v41  }
0x318: {  	s30 =	spop (v2sf);
	(v2sf) =	vpush v2, $0xA;
	v54 =	vld [tilespmem:s29+$0x0];
	v7 =	vmul.f32 v39, v12;
	v8 =	vmul.f32 v8, v12  }
0x319: {  	v49 =	vld [tilespmem:s30+$0x0];
	v53 =	vshll.u32 v47, $0x10;
	v11 =	vand.u32 $0xFFFF0000, v47;
	v47 =	vbroadcast v1, $0xC  }
0x31a: {  	v48 =	vshll.u32 v40, $0x10;
	v13 =	vand.u32 $0xFFFF0000, v40;
	v9 =	vmul.f32 v11, v52  }
0x31b: {  	v6 =	vadd.f32 v7, v6;
	v7 =	vmul.f32 v43, v32;
	v4 =	vadd.f32 v8, v4  }
0x31c: {  	v8 =	vmul.f32 v45, v41;
	v12 =	vmul.f32 v48, v46;
	s31 =	spop (v2sf);
	(v2sf) =	vpush v2, $0xD  }
0x31d: {  	v50 =	vmul.f32 v13, v46;
	v60 =	vshll.u32 v54, $0x10;
	s3 =	spop (v2sf);
	(v2sf) =	vpush v2, $0xC  }
0x31e: {  	v63 =	vand.u32 $0xFFFF0000, v54;
	v41 =	vbroadcast v1, $0xB;
	v56 =	vshll.u32 v49, $0x10  }
0x31f: {  	v57 =	vand.u32 $0xFFFF0000, v49;
	v6 =	vadd.f32 v44, v6;
	v3 =	vadd.f32 v7, v3  }
0x320: {  	v62 =	vmul.f32 v60, v59;
	v4 =	vadd.f32 v8, v4;
	s7 =	spop (v2sf);
	(v2sf) =	vpush v2, $0xF  }
0x321: {  	v7 =	vmul.f32 v53, v52;
	v6 =	vadd.f32 v12, v6;
	v58 =	vld [tilespmem:s3+$0x0];
	s8 =	spop (v2sf);
	(v2sf) =	vpush v2, $0xE  }
0x322: {  	v18 =	vmul.f32 v63, v59;
	v11 =	vmul.f32 v56, v55;
	v4 =	vadd.f32 v50, v4  }
0x323: {  	v8 =	vmul.f32 v51, v0;
	v0 =	vmul.f32 v10, v0;
	v6 =	vadd.f32 v7, v6;
	v61 =	vld [tilespmem:s31+$0x0]  }
0x324: {  	v56 =	vbroadcast v1, $0xE;
	v4 =	vadd.f32 v9, v4;
	v7 =	vmul.f32 v57, v55  }
0x325: {  	v5 =	vadd.f32 v8, v5;
	v50 =	vbroadcast v1, $0xD;
	v6 =	vadd.f32 v11, v6;
	v20 =	vld [tilespmem:s8+$0x0]  }
0x326: {  	v1 =	vbroadcast v1, $0xF;
	v4 =	vadd.f32 v7, v4;
	v19 =	vshll.u32 v58, $0x10  }
0x327: {  	v25 =	vld [tilespmem:s7+$0x0];
	s9 =	spop (v2sf);
	v17 =	vadd.f32 v62, v6;
	v21 =	vand.u32 $0xFFFF0000, v58;
	v7 =	vmul.f32 v19, v16  }
0x328: {  	v4 =	vadd.f32 v18, v4;
	s20 =	spop (v2sf);
	v24 =	vshll.u32 v61, $0x10;
	v23 =	vmul.f32 v21, v16  }
0x329: {  	v27 =	vand.u32 $0xFFFF0000, v61;
	v30 =	vld [tilespmem:s20+$0x0];
	v26 =	vmul.f32 v24, v22;
	v2 =	vadd.f32 v7, v17  }
0x32a: {  	v6 =	vmul.f32 v27, v22;
	v29 =	vshll.u32 v20, $0x10;
	v4 =	vadd.f32 v23, v4  }
0x32b: {  	v34 =	vld [tilespmem:s9+$0x0];
	v9 =	vand.u32 $0xFFFF0000, v20;
	v7 =	vmul.f32 v29, v28;
	v2 =	vadd.f32 v26, v2;
	s25 =	spop (v2sf)  }
0x32c: {  	v33 =	vshll.u32 v25, $0x10;
	v32 =	vmul.f32 v9, v28;
	v4 =	vadd.f32 v6, v4;
	s29 =	spop (v2sf)  }
0x32d: {  	v36 =	vand.u32 $0xFFFF0000, v25;
	v35 =	vmul.f32 v33, v31;
	v2 =	vadd.f32 v7, v2;
	v39 =	vld [tilespmem:s29+$0x0]  }
0x32e: {  	v38 =	vshll.u32 v30, $0x10;
	v6 =	vmul.f32 v36, v31;
	v4 =	vadd.f32 v32, v4  }
0x32f: {  	v40 =	vand.u32 $0xFFFF0000, v30;
	v7 =	vmul.f32 v38, v37;
	v2 =	vadd.f32 v35, v2;
	v44 =	vld [tilespmem:s25+$0x0];
	s30 =	spop (v2sf)  }
0x330: {  	v43 =	vshll.u32 v34, $0x10;
	v42 =	vmul.f32 v40, v37;
	v4 =	vadd.f32 v6, v4;
	s31 =	spop (v2sf)  }
0x331: {  	v46 =	vand.u32 $0xFFFF0000, v34;
	v45 =	vmul.f32 v43, v41;
	v2 =	vadd.f32 v7, v2;
	v49 =	vld [tilespmem:s31+$0x0]  }
0x332: {  	v6 =	vmul.f32 v46, v41;
	v4 =	vadd.f32 v42, v4;
	v48 =	vshll.u32 v39, $0x10  }
0x333: {  	v53 =	vld [tilespmem:s30+$0x0];
	v2 =	vadd.f32 v45, v2;
	v9 =	vand.u32 $0xFFFF0000, v39;
	v7 =	vmul.f32 v48, v47  }
0x334: {  	v4 =	vadd.f32 v6, v4;
	v52 =	vshll.u32 v44, $0x10;
	v51 =	vmul.f32 v9, v47  }
0x335: {  	v55 =	vand.u32 $0xFFFF0000, v44;
	v54 =	vmul.f32 v52, v50;
	v2 =	vadd.f32 v7, v2  }
0x336: {  	v6 =	vmul.f32 v55, v50;
	v57 =	vshll.u32 v49, $0x10;
	v4 =	vadd.f32 v51, v4  }
0x337: {  	v58 =	vand.u32 $0xFFFF0000, v49;
	v7 =	vmul.f32 v57, v56;
	v2 =	vadd.f32 v54, v2  }
0x338: {  	s23 =	sadd.s32 $0x2, s23;
	v60 =	vshll.u32 v53, $0x10;
	v59 =	vmul.f32 v58, v56;
	v4 =	vadd.f32 v6, v4  }
0x339: {  	p0 =	slt.u32 s23, $0x30;
	v61 =	vand.u32 $0xFFFF0000, v53;
	v8 =	vmul.f32 v60, v1;
	v2 =	vadd.f32 v7, v2  }
.Ltmp1:
0x33a: {  	v0 =	vadd.f32 v0, v3;
	v1 =	vmul.f32 v61, v1;
	v62 =	vadd.f32 v59, v4;
	(pc) =	sbr.rel @p0 .LBB2_5-.Ltmp1, $4  }
0x33b: {  	[tilespmem:s16+$0xFFFFFFE0] =	vst v5;
	v2 =	vadd.f32 v8, v2  }
0x33c: {  	[tilespmem:s16+$0xFFFFFFF0] =	vst v0;
	v63 =	vadd.f32 v1, v62  }
0x33d: {  	[tilespmem:s16+$0x0] =	vst v2  }
0x33e: {  	s14 =	sadd.s32 $0x20, s14;
	[tilespmem:s16+$0x10] =	vst v63;
	s16 =	sadd.s32 $0x40, s16  }
0x33f: {  	s0 =	rddreg [dreg:$0xd]  }
0x340: {  	s0 =	sadd.s32 s18, s0  }
0x341: {  	s0 =	sshll.u32 s0, $0x8  }
0x342: {  	s0 =	sor.u32 s19, s0  }
0x343: {  	s2 =	smin.u32 s17, $0x2E;
	s3 =	simm.s32 $0x17340;
	s0 =	sshrl.u32 s0, $0x3  }
0x344: {  	s17 =	rddreg [dreg:$0xe];
	s2 =	smul.u32 $0x32, s2;
	s0 =	sadd.s32 s21, s0  }
0x345: {  	[hbm4b:s0+s10] =	stream.strided.scatter [tilespmem:s3], [sflag:$0x4], $0x640, s13, s10, $0x38;
	[tilespmem:$0x17980] =	vst v63  }
0x346: {  	s0 =	sadd.s32 s2, s17  }
0x347: {  	s0 =	sshll.u32 s0, $0x9  }
0x348: {  	s18 =	sor.u32 s5, s0  }
0x349: {  	s20 =	smov.u32 s21;
	s2 =	sshrl.u32 s18, $0x3  }
0x34a: {  	s21 =	simm.s32 $0x16080;
	s23 =	sor.u32 s6, s0;
	s2 =	sadd.s32 s4, s2  }
0x34b: {  	[tilespmem:s21], [sflag:$0x2] =	stream.strided.gather [hbm4b:s2+s24], $0x320, s28, s24, $0x38;
	[tilespmem:$0x17980] =	vst v63  }
0x34c: {  	s2 =	sshrl.u32 s23, $0x3  }
0x34d: {  	s25 =	simm.s32 $0x163A0;
	s29 =	sor.u32 s11, s0;
	s2 =	sadd.s32 s4, s2  }
0x34e: {  	[tilespmem:s25], [sflag:$0x2] =	stream.strided.gather [hbm4b:s2+s24], $0x320, s28, s24, $0x38;
	[tilespmem:$0x17980] =	vst v63  }
0x34f: {  	s0 =	sor.u32 s12, s0;
	s2 =	sshrl.u32 s29, $0x3  }
0x350: {  	s30 =	simm.s32 $0x166C0;
	s0 =	sshrl.u32 s0, $0x3;
	s2 =	sadd.s32 s4, s2  }
0x351: {  	[tilespmem:s30], [sflag:$0x2] =	stream.strided.gather [hbm4b:s2+s24], $0x320, s28, s24, $0x38;
	[tilespmem:$0x17980] =	vst v63  }
0x352: {  	s31 =	simm.s32 $0x169E0;
	s0 =	sadd.s32 s4, s0  }
0x353: {  	[tilespmem:s31], [sflag:$0x2] =	stream.strided.gather [hbm4b:s0+s24], $0x320, s28, s24, $0x38;
	[tilespmem:$0x17980] =	vst v63  }
0x354: {  	_ =	swait.ge [sflag:s1], $0x320  }
0x355: {  	[sflag:s1] =	ssyncset.done $0x0  }
0x356: {  	[sflag:s1] =	ssyncadd.s32 $0xFFFFFCE0  }
0x357: {  	_ =	swait.ge [sflag:s1], $0x320  }
0x358: {  	[sflag:s1] =	ssyncset.done $0x0  }
0x359: {  	s26 =	sadd.s32 $0x1, s26;
	[sflag:s1] =	ssyncadd.s32 $0xFFFFFCE0  }
0x35a: {  	p0 =	sne.s32 s26, $0x19;
	_ =	swait.ge [sflag:s1], $0x320  }
.Ltmp2:
0x35b: {  	[sflag:s1] =	ssyncset.done $0x0;
	(pc) =	sbr.rel @p0 .LBB2_2-.Ltmp2, $4  }
0x35c: {  	[sflag:s1] =	ssyncadd.s32 $0xFFFFFCE0  }
0x35d: {  	_ =	swait.ge [sflag:s1], $0x320  }
0x35e: {  	[sflag:s1] =	ssyncset.done $0x0  }
0x35f: {  	[sflag:s1] =	ssyncadd.s32 $0xFFFFFCE0  }
0x360: {  	s0 =	simm.s32 $0x3  }
0x361: {  	_ =	swait.ge [sflag:s0], $0x640  }
0x362: {  	[sflag:s0] =	ssyncset.done $0x0  }
0x363: {  	s30 =	simm.s32 $0x4;
	[sflag:s0] =	ssyncadd.s32 $0xFFFFF9C0  }
0x364: {  	_ =	swait.ge [sflag:s30], $0x640  }
0x365: {  	[sflag:s30] =	ssyncset.done $0x0  }
0x366: {  	[sflag:s30] =	ssyncadd.s32 $0xFFFFF9C0  }
0x367: {  	_ =	swait.ge [sflag:s15], $0x320  }
0x368: {  	[sflag:s15] =	ssyncset.done $0x0  }
0x369: {  	[sflag:s15] =	ssyncadd.s32 $0xFFFFFCE0  }
0x36a: {  	_ =	swait.ge [sflag:s15], $0x320  }
0x36b: {  	[sflag:s15] =	ssyncset.done $0x0  }
0x36c: {  	[sflag:s15] =	ssyncadd.s32 $0xFFFFFCE0  }
0x36d: {  	_ =	swait.ge [sflag:s15], $0x320  }
0x36e: {  	[sflag:s15] =	ssyncset.done $0x0  }
0x36f: {  	[sflag:s15] =	ssyncadd.s32 $0xFFFFFCE0  }
0x370: {  	_ =	swait.ge [sflag:s15], $0x320  }
0x371: {  	s2 =	rddreg [dreg:$0x10]  }
0x372: {  	s31 =	rddreg [dreg:$0xf];
	s2 =	sadd.s32 $0x1, s2  }
0x373: {  	p0 =	sne.s32 s2, s31  }
.Ltmp3:
0x374: {  	_ = 	snop;
	(pc) =	sbr.rel @p0 .LBB2_1-.Ltmp3, $3  }
0x375: {  	_ =	sdelay $0x1  }
0x376: {  	[sflag:s15] =	ssyncset.done $0x0  }
0x377: {  	[sflag:s15] =	ssyncadd.s32 $0xFFFFFCE0  }
0x378: {  	_ =	sfence.sel $0x180000  }
0x379: {  	[bflag:$0x0] =	sbarrier.arrive $0xFFFF  }
0x37a: {  	_ =	strace $0x90000047  }
0x37b: {  	s0 =	stileid.u32;
	[bflag:$0x2] =	sbarrier.arrive $0xFFFF  }
0x37c: {  	p0 =	sne.s32 s0, $0x0;
	s0 =	rddreg [dreg:$0x2]  }
0x37d: {  	s0 =	sadd.s32 @!p0 $0x100000, s0  }
0x37e: {  	[sflag:s0] =	ssyncadd.tile.s32 @!p0 $0x1;
	_ =	shalt  }
.Lfunc_end2:
_tile_overlayer_lowered:
.L_overlay_start_2:
0x37f: {  	(tag) =	ssettag $0x2  }
0x380: {  	s0 =	rddreg [dreg:$0x0];
	s2 =	stileid.u32  }
0x381: {  	s1 =	rddreg [dreg:$0x1];
	p0 =	sne.s32 s2, $0x0  }
0x382: {  	s3 =	rddreg [dreg:$0x2];
	[bflag:$0x3] =	sbarrier.arrive $0xFFFF;
	s2 =	simm.s32 @!p0 $0x1C05  }
0x383: {  	[timem:s3], [sflag:s2] =	dma.local @!p0 [hbm:s0], s1  }
0x384: {  	s0 =	simm.s32 @!p0 $0x5  }
0x385: {  	_ =	swait.ge @!p0 [sflag:s0], s1  }
0x386: {  	s1 =	ssub.s32 @!p0 $0x0, s1;
	[sflag:s0] =	ssyncset.done @!p0 $0x0  }
0x387: {  	[sflag:s0] =	ssyncadd.s32 @!p0 s1  }
0x388: {  	[bflag:$0x3] =	sbarrier.arrive $0xFFFF  }
0x389: {  	_ =	shalt  }

</sc_bundles>
